<compile_context>
chip_gen: v7x
topology: tpu7x:2x2x1
jax: 0.10.2.dev20260603
libtpu: 0.0.44.dev20260713+nightly
codegen_flags: <defaults>
</compile_context>

<pallas_src>
import functools

import jax
import jax.numpy as jnp
from jax import lax
from jax.experimental import pallas as pl
from jax.experimental.pallas import tpu as pltpu
from jax.experimental.pallas import tpu_sc as plsc

_NC = 2
_NS = 16
_CH = 128


def _make_deg_kernel(NP, CPT):
    DW = 16
    RPT = NP // _NS
    mesh = plsc.VectorSubcoreMesh(core_axis_name="c", subcore_axis_name="s")

    @functools.partial(
        pl.kernel,
        out_type=jax.ShapeDtypeStruct((_NC * NP, DW), jnp.float32),
        mesh=mesh,
        scratch_types=[
            pltpu.VMEM((CPT, _CH), jnp.int32),
            pltpu.VMEM((_CH, DW), jnp.float32),
            pltpu.VMEM((16, DW), jnp.float32),
            pltpu.VMEM_SHARED((NP, DW), jnp.float32),
        ],
    )
    def deg_kernel(dst_hbm, out_hbm, dst_v, ones_v, zbuf, acc):
        cid = lax.axis_index("c")
        sid = lax.axis_index("s")
        w = cid * _NS + sid
        for i in range(16):
            zbuf[i, :] = jnp.zeros((DW,), jnp.float32)
        for i in range(_CH):
            ones_v[i, :] = jnp.ones((DW,), jnp.float32)

        def zero_body(k, _):
            pltpu.sync_copy(zbuf, acc.at[pl.ds(sid * RPT + k * 16, 16)])
            return 0

        lax.fori_loop(0, RPT // 16, zero_body, 0)
        pltpu.sync_copy(dst_hbm.at[pl.ds(w * CPT, CPT)], dst_v)
        plsc.subcore_barrier()

        def body(j, _):
            pltpu.sync_copy(ones_v, acc.at[dst_v.at[j]], add=True)
            return 0

        lax.fori_loop(0, CPT, body, 0)
        plsc.subcore_barrier()
        pltpu.sync_copy(acc.at[pl.ds(sid * RPT, RPT)],
                        out_hbm.at[pl.ds(cid * NP + sid * RPT, RPT)])

    return deg_kernel


_SEG = 48


def _make_gs_kernel(NP, CPT0, CPT1, D):
    RPT = NP // _NS
    mesh = plsc.VectorSubcoreMesh(core_axis_name="c", subcore_axis_name="s")

    @functools.partial(
        pl.kernel,
        out_type=jax.ShapeDtypeStruct((_NC * NP, D), jnp.float32),
        mesh=mesh,
        scratch_types=[
            pltpu.VMEM((_SEG, _CH), jnp.int32),
            pltpu.VMEM((_SEG, _CH), jnp.int32),
            pltpu.VMEM((_CH, D), jnp.float32),
            pltpu.VMEM((_CH, D), jnp.float32),
            pltpu.VMEM((8, D), jnp.float32),
            pltpu.VMEM_SHARED((NP, D), jnp.float32),
            pltpu.SemaphoreType.DMA,
            pltpu.SemaphoreType.DMA,
        ],
    )
    def gs_kernel(y_hbm, src_hbm, dst_hbm, out_hbm,
                  src_v, dst_v, rows_a, rows_b, zbuf, acc, sem_a, sem_b):
        cid = lax.axis_index("c")
        sid = lax.axis_index("s")
        for i in range(8):
            for g in range(D // 16):
                zbuf[i, pl.ds(g * 16, 16)] = jnp.zeros((16,), jnp.float32)

        def zero_body(k, _):
            pltpu.sync_copy(zbuf, acc.at[pl.ds(sid * RPT + k * 8, 8)])
            return 0

        lax.fori_loop(0, RPT // 8, zero_body, 0)
        plsc.subcore_barrier()

        cpt = jnp.where(cid == 0, CPT0, CPT1)
        base = pl.multiple_of(
            jnp.where(cid == 0, sid * CPT0, _NS * CPT0 + sid * CPT1), 8)
        nseg = (cpt + _SEG - 1) // _SEG

        def seg_body(s, _):
            off = pl.multiple_of(base + s * _SEG, 8)
            pltpu.sync_copy(src_hbm.at[pl.ds(off, _SEG)], src_v)
            pltpu.sync_copy(dst_hbm.at[pl.ds(off, _SEG)], dst_v)
            cnt = jnp.minimum(cpt - s * _SEG, _SEG)
            pltpu.async_copy(y_hbm.at[src_v.at[0]], rows_a, sem_a)

            def pair(jj, _):
                j0 = 2 * jj
                j1 = j0 + 1
                pltpu.async_copy(y_hbm.at[src_v.at[j1]], rows_b, sem_b)
                pltpu.make_async_copy(y_hbm.at[src_v.at[j0]],
                                      rows_a, sem_a).wait()
                pltpu.sync_copy(rows_a, acc.at[dst_v.at[j0]], add=True)

                @pl.when(j0 + 2 < cnt)
                def _():
                    pltpu.async_copy(y_hbm.at[src_v.at[j0 + 2]],
                                     rows_a, sem_a)

                pltpu.make_async_copy(y_hbm.at[src_v.at[j1]],
                                      rows_b, sem_b).wait()
                pltpu.sync_copy(rows_b, acc.at[dst_v.at[j1]], add=True)
                return 0

            lax.fori_loop(0, cnt // 2, pair, 0)
            return 0

        lax.fori_loop(0, nseg, seg_body, 0)
        plsc.subcore_barrier()
        pltpu.sync_copy(acc.at[pl.ds(sid * RPT, RPT)],
                        out_hbm.at[pl.ds(cid * NP + sid * RPT, RPT)])

    return gs_kernel


def _dinv_from(deg_ref, NP):
    deg = deg_ref[0:NP, 0:1] + deg_ref[NP:2 * NP, 0:1] + 1.0
    return lax.rsqrt(deg)


def _k1_body(x_ref, w_ref, deg_ref, o_ref):
    NP = x_ref.shape[0]
    dinv = _dinv_from(deg_ref, NP)
    h = jnp.dot(x_ref[...], w_ref[...], preferred_element_type=jnp.float32)
    o_ref[...] = h * dinv


def _k2_body(s_ref, y_ref, deg_ref, b_ref, w_ref, o_ref):
    NP = y_ref.shape[0]
    dinv = _dinv_from(deg_ref, NP)
    s = s_ref[0:NP, :] + s_ref[NP:2 * NP, :] + y_ref[...]
    h = jnp.maximum(s * dinv + b_ref[...], 0.0)
    o_ref[...] = jnp.dot(h, w_ref[...], preferred_element_type=jnp.float32) * dinv


def _k3_body(s_ref, y_ref, deg_ref, b_ref, bt_ref, u_ref, wg_ref, bg_ref,
             wh1_ref, wh2_ref, bh_ref, o_ref):
    NP = y_ref.shape[0]
    G = u_ref.shape[0]
    dinv = _dinv_from(deg_ref, NP)
    s = s_ref[0:NP, :] + s_ref[NP:2 * NP, :] + y_ref[...]
    emb = jnp.maximum(s * dinv + b_ref[...], 0.0)
    gid = lax.broadcasted_iota(jnp.int32, (G, NP), 0)
    onehot = (gid == bt_ref[...]).astype(jnp.float32)
    sums = jnp.dot(onehot, emb, preferred_element_type=jnp.float32)
    counts = jnp.sum(onehot, axis=1, keepdims=True)
    gemb = sums / jnp.maximum(counts, 1.0)
    gl = jnp.maximum(
        jnp.dot(u_ref[...], wg_ref[...], preferred_element_type=jnp.float32)
        + bg_ref[...], 0.0)
    out = (jnp.sum(gemb * wh1_ref[...], axis=1, keepdims=True)
           + jnp.sum(gl * wh2_ref[...], axis=1, keepdims=True)
           + bh_ref[...])
    o_ref[...] = out


def kernel(x, edge_index, u, batch, batch_size, W1, b1, W2, b2, Wg, bg, Wh, bh):
    N, DIN = x.shape
    D = W1.shape[1]
    G = u.shape[0]
    E = edge_index.shape[1]
    NW = _NC * _NS
    NP = -(-(N + 1) // 256) * 256
    EC = -(-E // _CH)
    TOT = -(-EC // (NW * 8)) * (NW * 8)
    CPT = TOT // NW
    padE = TOT * _CH - E

    padE = padE + _SEG * _CH
    src = jnp.concatenate(
        [edge_index[0], jnp.zeros((padE,), edge_index.dtype)]
    ).reshape(TOT + _SEG, _CH)
    dst = jnp.concatenate(
        [edge_index[1],
         jnp.full((padE - _SEG * _CH,), N, edge_index.dtype),
         jnp.zeros((_SEG * _CH,), edge_index.dtype)]
    ).reshape(TOT + _SEG, _CH)
    x_pad = jnp.pad(x, ((0, NP - N), (0, 0)))
    batch_row = jnp.pad(batch, (0, NP - N), constant_values=G).reshape(1, NP)

    b1r = b1.reshape(1, D)
    b2r = b2.reshape(1, D)
    bgr = bg.reshape(1, D)
    wh1 = Wh[:D, 0].reshape(1, D)
    wh2 = Wh[D:, 0].reshape(1, D)
    bhr = bh.reshape(1, 1)

    CPW = TOT // _NS
    CPT1 = 8
    CPT0 = CPW - CPT1

    f32 = jnp.float32
    degp = _make_deg_kernel(NP, CPT)(dst)
    y1 = pl.pallas_call(
        _k1_body, out_shape=jax.ShapeDtypeStruct((NP, D), f32),
    )(x_pad, W1, degp)
    gs = _make_gs_kernel(NP, CPT0, CPT1, D)
    s1 = gs(y1, src, dst)
    y2 = pl.pallas_call(
        _k2_body, out_shape=jax.ShapeDtypeStruct((NP, D), f32),
    )(s1, y1, degp, b1r, W2)
    s2 = gs(y2, src, dst)
    out = pl.pallas_call(
        _k3_body, out_shape=jax.ShapeDtypeStruct((G, 1), f32),
    )(s2, y2, degp, b2r, batch_row, u, Wg, bgr, wh1, wh2, bhr)
    return out

# --- scband reference (transcript-rebuilt; emitter-appended) ---
"""Pipeline reference for scband-gcn-12704513262020 (READ-ONLY COPY).

The authoritative reference and input builder live on the scoring server;
editing this copy changes nothing except your own understanding.
"""

import jax, jax.numpy as jnp
import numpy as np

N = 10000
E = 320000
DIN = 128
DMID = 128
GDIN = 64
B = 64

def gcn_conv(x, src, dst, W, b, n_nodes):
    # GCNConv with added self-loops and symmetric normalization
    h = x @ W
    loop = jnp.arange(n_nodes, dtype=src.dtype)
    src_f = jnp.concatenate([src, loop])
    dst_f = jnp.concatenate([dst, loop])
    deg = jax.ops.segment_sum(jnp.ones_like(dst_f, dtype=x.dtype), dst_f, num_segments=n_nodes)
    dinv = 1.0 / jnp.sqrt(jnp.maximum(deg, 1.0))
    norm = dinv[src_f] * dinv[dst_f]
    msg = h[src_f] * norm[:, None]
    out = jax.ops.segment_sum(msg, dst_f, num_segments=n_nodes)
    return out + b

def setup_inputs(seed: int = 0):
    key = jax.random.key(seed)
    ks = jax.random.split(key, 8)
    x = jax.random.normal(ks[0], (N, DIN), jnp.float32)
    edge_index = jax.random.randint(ks[1], (2, E), 0, N, jnp.int32)
    u = jax.random.normal(ks[2], (B, GDIN), jnp.float32)
    batch = jnp.sort(jax.random.randint(ks[3], (N,), 0, B, jnp.int32))
    W1 = jax.random.normal(ks[4], (DIN, DMID), jnp.float32) / np.sqrt(DIN)
    b1 = jnp.zeros((DMID,), jnp.float32)
    W2 = jax.random.normal(ks[5], (DMID, DMID), jnp.float32) / np.sqrt(DMID)
    b2 = jnp.zeros((DMID,), jnp.float32)
    Wg = jax.random.normal(ks[6], (GDIN, DMID), jnp.float32) / np.sqrt(GDIN)
    bg = jnp.zeros((DMID,), jnp.float32)
    Wh = jax.random.normal(ks[7], (2 * DMID, 1), jnp.float32) / np.sqrt(2 * DMID)
    bh = jnp.zeros((1,), jnp.float32)
    return {"x": x, "edge_index": edge_index, "u": u, "batch": batch, "batch_size": B,
            "W1": W1, "b1": b1, "W2": W2, "b2": b2, "Wg": Wg, "bg": bg, "Wh": Wh, "bh": bh}

def reference(x, edge_index, u, batch, batch_size, W1, b1, W2, b2, Wg, bg, Wh, bh):
    src, dst = edge_index[0], edge_index[1]
    n_nodes = x.shape[0]
    # GCNBackbone: two GCNConv layers with ReLU
    h = jax.nn.relu(gcn_conv(x, src, dst, W1, b1, n_nodes))
    node_emb = jax.nn.relu(gcn_conv(h, src, dst, W2, b2, n_nodes))
    # MeanAggregation over batch assignment
    n_graphs = u.shape[0]
    seg_ids = jnp.minimum(batch, batch_size - 1)
    sums = jax.ops.segment_sum(node_emb, seg_ids, num_segments=n_graphs)
    counts = jax.ops.segment_sum(jnp.ones((node_emb.shape[0],), node_emb.dtype), seg_ids, num_segments=n_graphs)
    graph_emb = sums / jnp.maximum(counts, 1.0)[:, None]
    # global feature projection
    global_emb = jax.nn.relu(u @ Wg + bg)
    fused = jnp.concatenate([graph_emb, global_emb], axis=-1)
    # GraphClassificationHead: linear to dout
    return fused @ Wh + bh

if __name__ == "__main__":
    import jax
    _d = setup_inputs()
    print(jax.jit(kernel)(*tuple(_d.values())))

</pallas_src>

<mosaic_0001>
#map = affine_map<(d0, d1) -> (0, 0)>
module attributes {stable_mosaic.version = 14 : i64} {
  func.func @gs_kernel(%arg0: i32, %arg1: i32, %arg2: memref<10240x128xf32, #tpu.memory_space<hbm>>, %arg3: memref<2608x128xi32, #tpu.memory_space<hbm>>, %arg4: memref<2608x128xi32, #tpu.memory_space<hbm>>, %arg5: memref<20480x128xf32, #tpu.memory_space<hbm>>, %arg6: memref<48x128xi32, #tpu.memory_space<vmem>>, %arg7: memref<48x128xi32, #tpu.memory_space<vmem>>, %arg8: memref<128x128xf32, #tpu.memory_space<vmem>>, %arg9: memref<128x128xf32, #tpu.memory_space<vmem>>, %arg10: memref<8x128xf32, #tpu.memory_space<vmem>>, %arg11: memref<10240x128xf32, #tpu.memory_space<vmem_shared>>, %arg12: memref<!tpu.dma_semaphore, #tpu.memory_space<semaphore_mem>>, %arg13: memref<!tpu.dma_semaphore, #tpu.memory_space<semaphore_mem>>) attributes {dimension_semantics = [#tpu.dimension_semantics<core_parallel>, #tpu.dimension_semantics<subcore_parallel>], iteration_bounds = array<i64: 2, 16>, scalar_prefetch = 0 : i64, scratch_operands = 8 : i64, tpu.core_type = #tpu.core_type<sc_vector_subcore>, window_params = [{transform_indices = #map}, {transform_indices = #map}, {transform_indices = #map}, {transform_indices = #map}]} {
    %broadcast_in_dim3A = arith.constant 0.000000e+00 : f32
    %broadcast_in_dim3A_0 = vector.broadcast %broadcast_in_dim3A : f32 to vector<16xf32>
    %swap3A = arith.constant 0 : i32
    %swap3A_1 = arith.index_cast %swap3A : i32 to index
    %swap3A_2 = arith.constant 0 : index
    %swap3A_3 = tpu.vector_load %arg10[%swap3A_1, %swap3A_2] {strides = array<i32>} : memref<8x128xf32, #tpu.memory_space<vmem>>, vector<1x16xf32>,
    %swap3A_4 = vector.shape_cast %swap3A_3 : vector<1x16xf32> to vector<16xf32>
    %swap3A_5 = vector.shape_cast %broadcast_in_dim3A_0 : vector<16xf32> to vector<1x16xf32>
    tpu.vector_store %arg10[%swap3A_1, %swap3A_2], %swap3A_5 {strides = array<i32>} : memref<8x128xf32, #tpu.memory_space<vmem>>, vector<1x16xf32>,
    %broadcast_in_dim3A_6 = arith.constant 0.000000e+00 : f32
    %broadcast_in_dim3A_7 = vector.broadcast %broadcast_in_dim3A_6 : f32 to vector<16xf32>
    %swap3A_8 = arith.constant 0 : i32
    %swap3A_9 = arith.index_cast %swap3A_8 : i32 to index
    %swap3A_10 = arith.constant 16 : index
    %swap3A_11 = tpu.vector_load %arg10[%swap3A_9, %swap3A_10] {strides = array<i32>} : memref<8x128xf32, #tpu.memory_space<vmem>>, vector<1x16xf32>,
    %swap3A_12 = vector.shape_cast %swap3A_11 : vector<1x16xf32> to vector<16xf32>
    %swap3A_13 = vector.shape_cast %broadcast_in_dim3A_7 : vector<16xf32> to vector<1x16xf32>
    tpu.vector_store %arg10[%swap3A_9, %swap3A_10], %swap3A_13 {strides = array<i32>} : memref<8x128xf32, #tpu.memory_space<vmem>>, vector<1x16xf32>,
    %broadcast_in_dim3A_14 = arith.constant 0.000000e+00 : f32
    %broadcast_in_dim3A_15 = vector.broadcast %broadcast_in_dim3A_14 : f32 to vector<16xf32>
    %swap3A_16 = arith.constant 0 : i32
    %swap3A_17 = arith.index_cast %swap3A_16 : i32 to index
    %swap3A_18 = arith.constant 32 : index
    %swap3A_19 = tpu.vector_load %arg10[%swap3A_17, %swap3A_18] {strides = array<i32>} : memref<8x128xf32, #tpu.memory_space<vmem>>, vector<1x16xf32>,
    %swap3A_20 = vector.shape_cast %swap3A_19 : vector<1x16xf32> to vector<16xf32>
    %swap3A_21 = vector.shape_cast %broadcast_in_dim3A_15 : vector<16xf32> to vector<1x16xf32>
    tpu.vector_store %arg10[%swap3A_17, %swap3A_18], %swap3A_21 {strides = array<i32>} : memref<8x128xf32, #tpu.memory_space<vmem>>, vector<1x16xf32>,
    %broadcast_in_dim3A_22 = arith.constant 0.000000e+00 : f32
    %broadcast_in_dim3A_23 = vector.broadcast %broadcast_in_dim3A_22 : f32 to vector<16xf32>
    %swap3A_24 = arith.constant 0 : i32
    %swap3A_25 = arith.index_cast %swap3A_24 : i32 to index
    %swap3A_26 = arith.constant 48 : index
    %swap3A_27 = tpu.vector_load %arg10[%swap3A_25, %swap3A_26] {strides = array<i32>} : memref<8x128xf32, #tpu.memory_space<vmem>>, vector<1x16xf32>,
    %swap3A_28 = vector.shape_cast %swap3A_27 : vector<1x16xf32> to vector<16xf32>
    %swap3A_29 = vector.shape_cast %broadcast_in_dim3A_23 : vector<16xf32> to vector<1x16xf32>
    tpu.vector_store %arg10[%swap3A_25, %swap3A_26], %swap3A_29 {strides = array<i32>} : memref<8x128xf32, #tpu.memory_space<vmem>>, vector<1x16xf32>,
    %broadcast_in_dim3A_30 = arith.constant 0.000000e+00 : f32
    %broadcast_in_dim3A_31 = vector.broadcast %broadcast_in_dim3A_30 : f32 to vector<16xf32>
    %swap3A_32 = arith.constant 0 : i32
    %swap3A_33 = arith.index_cast %swap3A_32 : i32 to index
    %swap3A_34 = arith.constant 64 : index
    %swap3A_35 = tpu.vector_load %arg10[%swap3A_33, %swap3A_34] {strides = array<i32>} : memref<8x128xf32, #tpu.memory_space<vmem>>, vector<1x16xf32>,
    %swap3A_36 = vector.shape_cast %swap3A_35 : vector<1x16xf32> to vector<16xf32>
    %swap3A_37 = vector.shape_cast %broadcast_in_dim3A_31 : vector<16xf32> to vector<1x16xf32>
    tpu.vector_store %arg10[%swap3A_33, %swap3A_34], %swap3A_37 {strides = array<i32>} : memref<8x128xf32, #tpu.memory_space<vmem>>, vector<1x16xf32>,
    %broadcast_in_dim3A_38 = arith.constant 0.000000e+00 : f32
    %broadcast_in_dim3A_39 = vector.broadcast %broadcast_in_dim3A_38 : f32 to vector<16xf32>
    %swap3A_40 = arith.constant 0 : i32
    %swap3A_41 = arith.index_cast %swap3A_40 : i32 to index
    %swap3A_42 = arith.constant 80 : index
    %swap3A_43 = tpu.vector_load %arg10[%swap3A_41, %swap3A_42] {strides = array<i32>} : memref<8x128xf32, #tpu.memory_space<vmem>>, vector<1x16xf32>,
    %swap3A_44 = vector.shape_cast %swap3A_43 : vector<1x16xf32> to vector<16xf32>
    %swap3A_45 = vector.shape_cast %broadcast_in_dim3A_39 : vector<16xf32> to vector<1x16xf32>
    tpu.vector_store %arg10[%swap3A_41, %swap3A_42], %swap3A_45 {strides = array<i32>} : memref<8x128xf32, #tpu.memory_space<vmem>>, vector<1x16xf32>,
    %broadcast_in_dim3A_46 = arith.constant 0.000000e+00 : f32
    %broadcast_in_dim3A_47 = vector.broadcast %broadcast_in_dim3A_46 : f32 to vector<16xf32>
    %swap3A_48 = arith.constant 0 : i32
    %swap3A_49 = arith.index_cast %swap3A_48 : i32 to index
    %swap3A_50 = arith.constant 96 : index
    %swap3A_51 = tpu.vector_load %arg10[%swap3A_49, %swap3A_50] {strides = array<i32>} : memref<8x128xf32, #tpu.memory_space<vmem>>, vector<1x16xf32>,
    %swap3A_52 = vector.shape_cast %swap3A_51 : vector<1x16xf32> to vector<16xf32>
    %swap3A_53 = vector.shape_cast %broadcast_in_dim3A_47 : vector<16xf32> to vector<1x16xf32>
    tpu.vector_store %arg10[%swap3A_49, %swap3A_50], %swap3A_53 {strides = array<i32>} : memref<8x128xf32, #tpu.memory_space<vmem>>, vector<1x16xf32>,
    %broadcast_in_dim3A_54 = arith.constant 0.000000e+00 : f32
    %broadcast_in_dim3A_55 = vector.broadcast %broadcast_in_dim3A_54 : f32 to vector<16xf32>
    %swap3A_56 = arith.constant 0 : i32
    %swap3A_57 = arith.index_cast %swap3A_56 : i32 to index
    %swap3A_58 = arith.constant 112 : index
    %swap3A_59 = tpu.vector_load %arg10[%swap3A_57, %swap3A_58] {strides = array<i32>} : memref<8x128xf32, #tpu.memory_space<vmem>>, vector<1x16xf32>,
    %swap3A_60 = vector.shape_cast %swap3A_59 : vector<1x16xf32> to vector<16xf32>
    %swap3A_61 = vector.shape_cast %broadcast_in_dim3A_55 : vector<16xf32> to vector<1x16xf32>
    tpu.vector_store %arg10[%swap3A_57, %swap3A_58], %swap3A_61 {strides = array<i32>} : memref<8x128xf32, #tpu.memory_space<vmem>>, vector<1x16xf32>,
    %broadcast_in_dim3A_62 = arith.constant 0.000000e+00 : f32
    %broadcast_in_dim3A_63 = vector.broadcast %broadcast_in_dim3A_62 : f32 to vector<16xf32>
    %swap3A_64 = arith.constant 1 : i32
    %swap3A_65 = arith.index_cast %swap3A_64 : i32 to index
    %swap3A_66 = arith.constant 0 : index
    %swap3A_67 = tpu.vector_load %arg10[%swap3A_65, %swap3A_66] {strides = array<i32>} : memref<8x128xf32, #tpu.memory_space<vmem>>, vector<1x16xf32>,
    %swap3A_68 = vector.shape_cast %swap3A_67 : vector<1x16xf32> to vector<16xf32>
    %swap3A_69 = vector.shape_cast %broadcast_in_dim3A_63 : vector<16xf32> to vector<1x16xf32>
    tpu.vector_store %arg10[%swap3A_65, %swap3A_66], %swap3A_69 {strides = array<i32>} : memref<8x128xf32, #tpu.memory_space<vmem>>, vector<1x16xf32>,
    %broadcast_in_dim3A_70 = arith.constant 0.000000e+00 : f32
    %broadcast_in_dim3A_71 = vector.broadcast %broadcast_in_dim3A_70 : f32 to vector<16xf32>
    %swap3A_72 = arith.constant 1 : i32
    %swap3A_73 = arith.index_cast %swap3A_72 : i32 to index
    %swap3A_74 = arith.constant 16 : index
    %swap3A_75 = tpu.vector_load %arg10[%swap3A_73, %swap3A_74] {strides = array<i32>} : memref<8x128xf32, #tpu.memory_space<vmem>>, vector<1x16xf32>,
    %swap3A_76 = vector.shape_cast %swap3A_75 : vector<1x16xf32> to vector<16xf32>
    %swap3A_77 = vector.shape_cast %broadcast_in_dim3A_71 : vector<16xf32> to vector<1x16xf32>
    tpu.vector_store %arg10[%swap3A_73, %swap3A_74], %swap3A_77 {strides = array<i32>} : memref<8x128xf32, #tpu.memory_space<vmem>>, vector<1x16xf32>,
    %broadcast_in_dim3A_78 = arith.constant 0.000000e+00 : f32
    %broadcast_in_dim3A_79 = vector.broadcast %broadcast_in_dim3A_78 : f32 to vector<16xf32>
    %swap3A_80 = arith.constant 1 : i32
    %swap3A_81 = arith.index_cast %swap3A_80 : i32 to index
    %swap3A_82 = arith.constant 32 : index
    %swap3A_83 = tpu.vector_load %arg10[%swap3A_81, %swap3A_82] {strides = array<i32>} : memref<8x128xf32, #tpu.memory_space<vmem>>, vector<1x16xf32>,
    %swap3A_84 = vector.shape_cast %swap3A_83 : vector<1x16xf32> to vector<16xf32>
    %swap3A_85 = vector.shape_cast %broadcast_in_dim3A_79 : vector<16xf32> to vector<1x16xf32>
    tpu.vector_store %arg10[%swap3A_81, %swap3A_82], %swap3A_85 {strides = array<i32>} : memref<8x128xf32, #tpu.memory_space<vmem>>, vector<1x16xf32>,
    %broadcast_in_dim3A_86 = arith.constant 0.000000e+00 : f32
    %broadcast_in_dim3A_87 = vector.broadcast %broadcast_in_dim3A_86 : f32 to vector<16xf32>
    %swap3A_88 = arith.constant 1 : i32
    %swap3A_89 = arith.index_cast %swap3A_88 : i32 to index
    %swap3A_90 = arith.constant 48 : index
    %swap3A_91 = tpu.vector_load %arg10[%swap3A_89, %swap3A_90] {strides = array<i32>} : memref<8x128xf32, #tpu.memory_space<vmem>>, vector<1x16xf32>,
    %swap3A_92 = vector.shape_cast %swap3A_91 : vector<1x16xf32> to vector<16xf32>
    %swap3A_93 = vector.shape_cast %broadcast_in_dim3A_87 : vector<16xf32> to vector<1x16xf32>
    tpu.vector_store %arg10[%swap3A_89, %swap3A_90], %swap3A_93 {strides = array<i32>} : memref<8x128xf32, #tpu.memory_space<vmem>>, vector<1x16xf32>,
    %broadcast_in_dim3A_94 = arith.constant 0.000000e+00 : f32
    %broadcast_in_dim3A_95 = vector.broadcast %broadcast_in_dim3A_94 : f32 to vector<16xf32>
    %swap3A_96 = arith.constant 1 : i32
    %swap3A_97 = arith.index_cast %swap3A_96 : i32 to index
    %swap3A_98 = arith.constant 64 : index
    %swap3A_99 = tpu.vector_load %arg10[%swap3A_97, %swap3A_98] {strides = array<i32>} : memref<8x128xf32, #tpu.memory_space<vmem>>, vector<1x16xf32>,
    %swap3A_100 = vector.shape_cast %swap3A_99 : vector<1x16xf32> to vector<16xf32>
    %swap3A_101 = vector.shape_cast %broadcast_in_dim3A_95 : vector<16xf32> to vector<1x16xf32>
    tpu.vector_store %arg10[%swap3A_97, %swap3A_98], %swap3A_101 {strides = array<i32>} : memref<8x128xf32, #tpu.memory_space<vmem>>, vector<1x16xf32>,
    %broadcast_in_dim3A_102 = arith.constant 0.000000e+00 : f32
    %broadcast_in_dim3A_103 = vector.broadcast %broadcast_in_dim3A_102 : f32 to vector<16xf32>
    %swap3A_104 = arith.constant 1 : i32
    %swap3A_105 = arith.index_cast %swap3A_104 : i32 to index
    %swap3A_106 = arith.constant 80 : index
    %swap3A_107 = tpu.vector_load %arg10[%swap3A_105, %swap3A_106] {strides = array<i32>} : memref<8x128xf32, #tpu.memory_space<vmem>>, vector<1x16xf32>,
    %swap3A_108 = vector.shape_cast %swap3A_107 : vector<1x16xf32> to vector<16xf32>
    %swap3A_109 = vector.shape_cast %broadcast_in_dim3A_103 : vector<16xf32> to vector<1x16xf32>
    tpu.vector_store %arg10[%swap3A_105, %swap3A_106], %swap3A_109 {strides = array<i32>} : memref<8x128xf32, #tpu.memory_space<vmem>>, vector<1x16xf32>,
    %broadcast_in_dim3A_110 = arith.constant 0.000000e+00 : f32
    %broadcast_in_dim3A_111 = vector.broadcast %broadcast_in_dim3A_110 : f32 to vector<16xf32>
    %swap3A_112 = arith.constant 1 : i32
    %swap3A_113 = arith.index_cast %swap3A_112 : i32 to index
    %swap3A_114 = arith.constant 96 : index
    %swap3A_115 = tpu.vector_load %arg10[%swap3A_113, %swap3A_114] {strides = array<i32>} : memref<8x128xf32, #tpu.memory_space<vmem>>, vector<1x16xf32>,
    %swap3A_116 = vector.shape_cast %swap3A_115 : vector<1x16xf32> to vector<16xf32>
    %swap3A_117 = vector.shape_cast %broadcast_in_dim3A_111 : vector<16xf32> to vector<1x16xf32>
    tpu.vector_store %arg10[%swap3A_113, %swap3A_114], %swap3A_117 {strides = array<i32>} : memref<8x128xf32, #tpu.memory_space<vmem>>, vector<1x16xf32>,
    %broadcast_in_dim3A_118 = arith.constant 0.000000e+00 : f32
    %broadcast_in_dim3A_119 = vector.broadcast %broadcast_in_dim3A_118 : f32 to vector<16xf32>
    %swap3A_120 = arith.constant 1 : i32
    %swap3A_121 = arith.index_cast %swap3A_120 : i32 to index
    %swap3A_122 = arith.constant 112 : index
    %swap3A_123 = tpu.vector_load %arg10[%swap3A_121, %swap3A_122] {strides = array<i32>} : memref<8x128xf32, #tpu.memory_space<vmem>>, vector<1x16xf32>,
    %swap3A_124 = vector.shape_cast %swap3A_123 : vector<1x16xf32> to vector<16xf32>
    %swap3A_125 = vector.shape_cast %broadcast_in_dim3A_119 : vector<16xf32> to vector<1x16xf32>
    tpu.vector_store %arg10[%swap3A_121, %swap3A_122], %swap3A_125 {strides = array<i32>} : memref<8x128xf32, #tpu.memory_space<vmem>>, vector<1x16xf32>,
    %broadcast_in_dim3A_126 = arith.constant 0.000000e+00 : f32
    %broadcast_in_dim3A_127 = vector.broadcast %broadcast_in_dim3A_126 : f32 to vector<16xf32>
    %swap3A_128 = arith.constant 2 : i32
    %swap3A_129 = arith.index_cast %swap3A_128 : i32 to index
    %swap3A_130 = arith.constant 0 : index
    %swap3A_131 = tpu.vector_load %arg10[%swap3A_129, %swap3A_130] {strides = array<i32>} : memref<8x128xf32, #tpu.memory_space<vmem>>, vector<1x16xf32>,
    %swap3A_132 = vector.shape_cast %swap3A_131 : vector<1x16xf32> to vector<16xf32>
    %swap3A_133 = vector.shape_cast %broadcast_in_dim3A_127 : vector<16xf32> to vector<1x16xf32>
    tpu.vector_store %arg10[%swap3A_129, %swap3A_130], %swap3A_133 {strides = array<i32>} : memref<8x128xf32, #tpu.memory_space<vmem>>, vector<1x16xf32>,
    %broadcast_in_dim3A_134 = arith.constant 0.000000e+00 : f32
    %broadcast_in_dim3A_135 = vector.broadcast %broadcast_in_dim3A_134 : f32 to vector<16xf32>
    %swap3A_136 = arith.constant 2 : i32
    %swap3A_137 = arith.index_cast %swap3A_136 : i32 to index
    %swap3A_138 = arith.constant 16 : index
    %swap3A_139 = tpu.vector_load %arg10[%swap3A_137, %swap3A_138] {strides = array<i32>} : memref<8x128xf32, #tpu.memory_space<vmem>>, vector<1x16xf32>,
    %swap3A_140 = vector.shape_cast %swap3A_139 : vector<1x16xf32> to vector<16xf32>
    %swap3A_141 = vector.shape_cast %broadcast_in_dim3A_135 : vector<16xf32> to vector<1x16xf32>
    tpu.vector_store %arg10[%swap3A_137, %swap3A_138], %swap3A_141 {strides = array<i32>} : memref<8x128xf32, #tpu.memory_space<vmem>>, vector<1x16xf32>,
    %broadcast_in_dim3A_142 = arith.constant 0.000000e+00 : f32
    %broadcast_in_dim3A_143 = vector.broadcast %broadcast_in_dim3A_142 : f32 to vector<16xf32>
    %swap3A_144 = arith.constant 2 : i32
    %swap3A_145 = arith.index_cast %swap3A_144 : i32 to index
    %swap3A_146 = arith.constant 32 : index
    %swap3A_147 = tpu.vector_load %arg10[%swap3A_145, %swap3A_146] {strides = array<i32>} : memref<8x128xf32, #tpu.memory_space<vmem>>, vector<1x16xf32>,
    %swap3A_148 = vector.shape_cast %swap3A_147 : vector<1x16xf32> to vector<16xf32>
    %swap3A_149 = vector.shape_cast %broadcast_in_dim3A_143 : vector<16xf32> to vector<1x16xf32>
    tpu.vector_store %arg10[%swap3A_145, %swap3A_146], %swap3A_149 {strides = array<i32>} : memref<8x128xf32, #tpu.memory_space<vmem>>, vector<1x16xf32>,
    %broadcast_in_dim3A_150 = arith.constant 0.000000e+00 : f32
    %broadcast_in_dim3A_151 = vector.broadcast %broadcast_in_dim3A_150 : f32 to vector<16xf32>
    %swap3A_152 = arith.constant 2 : i32
    %swap3A_153 = arith.index_cast %swap3A_152 : i32 to index
    %swap3A_154 = arith.constant 48 : index
    %swap3A_155 = tpu.vector_load %arg10[%swap3A_153, %swap3A_154] {strides = array<i32>} : memref<8x128xf32, #tpu.memory_space<vmem>>, vector<1x16xf32>,
    %swap3A_156 = vector.shape_cast %swap3A_155 : vector<1x16xf32> to vector<16xf32>
    %swap3A_157 = vector.shape_cast %broadcast_in_dim3A_151 : vector<16xf32> to vector<1x16xf32>
    tpu.vector_store %arg10[%swap3A_153, %swap3A_154], %swap3A_157 {strides = array<i32>} : memref<8x128xf32, #tpu.memory_space<vmem>>, vector<1x16xf32>,
    %broadcast_in_dim3A_158 = arith.constant 0.000000e+00 : f32
    %broadcast_in_dim3A_159 = vector.broadcast %broadcast_in_dim3A_158 : f32 to vector<16xf32>
    %swap3A_160 = arith.constant 2 : i32
    %swap3A_161 = arith.index_cast %swap3A_160 : i32 to index
    %swap3A_162 = arith.constant 64 : index
    %swap3A_163 = tpu.vector_load %arg10[%swap3A_161, %swap3A_162] {strides = array<i32>} : memref<8x128xf32, #tpu.memory_space<vmem>>, vector<1x16xf32>,
    %swap3A_164 = vector.shape_cast %swap3A_163 : vector<1x16xf32> to vector<16xf32>
    %swap3A_165 = vector.shape_cast %broadcast_in_dim3A_159 : vector<16xf32> to vector<1x16xf32>
    tpu.vector_store %arg10[%swap3A_161, %swap3A_162], %swap3A_165 {strides = array<i32>} : memref<8x128xf32, #tpu.memory_space<vmem>>, vector<1x16xf32>,
    %broadcast_in_dim3A_166 = arith.constant 0.000000e+00 : f32
    %broadcast_in_dim3A_167 = vector.broadcast %broadcast_in_dim3A_166 : f32 to vector<16xf32>
    %swap3A_168 = arith.constant 2 : i32
    %swap3A_169 = arith.index_cast %swap3A_168 : i32 to index
    %swap3A_170 = arith.constant 80 : index
    %swap3A_171 = tpu.vector_load %arg10[%swap3A_169, %swap3A_170] {strides = array<i32>} : memref<8x128xf32, #tpu.memory_space<vmem>>, vector<1x16xf32>,
    %swap3A_172 = vector.shape_cast %swap3A_171 : vector<1x16xf32> to vector<16xf32>
    %swap3A_173 = vector.shape_cast %broadcast_in_dim3A_167 : vector<16xf32> to vector<1x16xf32>
    tpu.vector_store %arg10[%swap3A_169, %swap3A_170], %swap3A_173 {strides = array<i32>} : memref<8x128xf32, #tpu.memory_space<vmem>>, vector<1x16xf32>,
    %broadcast_in_dim3A_174 = arith.constant 0.000000e+00 : f32
    %broadcast_in_dim3A_175 = vector.broadcast %broadcast_in_dim3A_174 : f32 to vector<16xf32>
    %swap3A_176 = arith.constant 2 : i32
    %swap3A_177 = arith.index_cast %swap3A_176 : i32 to index
    %swap3A_178 = arith.constant 96 : index
    %swap3A_179 = tpu.vector_load %arg10[%swap3A_177, %swap3A_178] {strides = array<i32>} : memref<8x128xf32, #tpu.memory_space<vmem>>, vector<1x16xf32>,
    %swap3A_180 = vector.shape_cast %swap3A_179 : vector<1x16xf32> to vector<16xf32>
    %swap3A_181 = vector.shape_cast %broadcast_in_dim3A_175 : vector<16xf32> to vector<1x16xf32>
    tpu.vector_store %arg10[%swap3A_177, %swap3A_178], %swap3A_181 {strides = array<i32>} : memref<8x128xf32, #tpu.memory_space<vmem>>, vector<1x16xf32>,
    %broadcast_in_dim3A_182 = arith.constant 0.000000e+00 : f32
    %broadcast_in_dim3A_183 = vector.broadcast %broadcast_in_dim3A_182 : f32 to vector<16xf32>
    %swap3A_184 = arith.constant 2 : i32
    %swap3A_185 = arith.index_cast %swap3A_184 : i32 to index
    %swap3A_186 = arith.constant 112 : index
    %swap3A_187 = tpu.vector_load %arg10[%swap3A_185, %swap3A_186] {strides = array<i32>} : memref<8x128xf32, #tpu.memory_space<vmem>>, vector<1x16xf32>,
    %swap3A_188 = vector.shape_cast %swap3A_187 : vector<1x16xf32> to vector<16xf32>
    %swap3A_189 = vector.shape_cast %broadcast_in_dim3A_183 : vector<16xf32> to vector<1x16xf32>
    tpu.vector_store %arg10[%swap3A_185, %swap3A_186], %swap3A_189 {strides = array<i32>} : memref<8x128xf32, #tpu.memory_space<vmem>>, vector<1x16xf32>,
    %broadcast_in_dim3A_190 = arith.constant 0.000000e+00 : f32
    %broadcast_in_dim3A_191 = vector.broadcast %broadcast_in_dim3A_190 : f32 to vector<16xf32>
    %swap3A_192 = arith.constant 3 : i32
    %swap3A_193 = arith.index_cast %swap3A_192 : i32 to index
    %swap3A_194 = arith.constant 0 : index
    %swap3A_195 = tpu.vector_load %arg10[%swap3A_193, %swap3A_194] {strides = array<i32>} : memref<8x128xf32, #tpu.memory_space<vmem>>, vector<1x16xf32>,
    %swap3A_196 = vector.shape_cast %swap3A_195 : vector<1x16xf32> to vector<16xf32>
    %swap3A_197 = vector.shape_cast %broadcast_in_dim3A_191 : vector<16xf32> to vector<1x16xf32>
    tpu.vector_store %arg10[%swap3A_193, %swap3A_194], %swap3A_197 {strides = array<i32>} : memref<8x128xf32, #tpu.memory_space<vmem>>, vector<1x16xf32>,
    %broadcast_in_dim3A_198 = arith.constant 0.000000e+00 : f32
    %broadcast_in_dim3A_199 = vector.broadcast %broadcast_in_dim3A_198 : f32 to vector<16xf32>
    %swap3A_200 = arith.constant 3 : i32
    %swap3A_201 = arith.index_cast %swap3A_200 : i32 to index
    %swap3A_202 = arith.constant 16 : index
    %swap3A_203 = tpu.vector_load %arg10[%swap3A_201, %swap3A_202] {strides = array<i32>} : memref<8x128xf32, #tpu.memory_space<vmem>>, vector<1x16xf32>,
    %swap3A_204 = vector.shape_cast %swap3A_203 : vector<1x16xf32> to vector<16xf32>
    %swap3A_205 = vector.shape_cast %broadcast_in_dim3A_199 : vector<16xf32> to vector<1x16xf32>
    tpu.vector_store %arg10[%swap3A_201, %swap3A_202], %swap3A_205 {strides = array<i32>} : memref<8x128xf32, #tpu.memory_space<vmem>>, vector<1x16xf32>,
    %broadcast_in_dim3A_206 = arith.constant 0.000000e+00 : f32
    %broadcast_in_dim3A_207 = vector.broadcast %broadcast_in_dim3A_206 : f32 to vector<16xf32>
    %swap3A_208 = arith.constant 3 : i32
    %swap3A_209 = arith.index_cast %swap3A_208 : i32 to index
    %swap3A_210 = arith.constant 32 : index
    %swap3A_211 = tpu.vector_load %arg10[%swap3A_209, %swap3A_210] {strides = array<i32>} : memref<8x128xf32, #tpu.memory_space<vmem>>, vector<1x16xf32>,
    %swap3A_212 = vector.shape_cast %swap3A_211 : vector<1x16xf32> to vector<16xf32>
    %swap3A_213 = vector.shape_cast %broadcast_in_dim3A_207 : vector<16xf32> to vector<1x16xf32>
    tpu.vector_store %arg10[%swap3A_209, %swap3A_210], %swap3A_213 {strides = array<i32>} : memref<8x128xf32, #tpu.memory_space<vmem>>, vector<1x16xf32>,
    %broadcast_in_dim3A_214 = arith.constant 0.000000e+00 : f32
    %broadcast_in_dim3A_215 = vector.broadcast %broadcast_in_dim3A_214 : f32 to vector<16xf32>
    %swap3A_216 = arith.constant 3 : i32
    %swap3A_217 = arith.index_cast %swap3A_216 : i32 to index
    %swap3A_218 = arith.constant 48 : index
    %swap3A_219 = tpu.vector_load %arg10[%swap3A_217, %swap3A_218] {strides = array<i32>} : memref<8x128xf32, #tpu.memory_space<vmem>>, vector<1x16xf32>,
    %swap3A_220 = vector.shape_cast %swap3A_219 : vector<1x16xf32> to vector<16xf32>
    %swap3A_221 = vector.shape_cast %broadcast_in_dim3A_215 : vector<16xf32> to vector<1x16xf32>
    tpu.vector_store %arg10[%swap3A_217, %swap3A_218], %swap3A_221 {strides = array<i32>} : memref<8x128xf32, #tpu.memory_space<vmem>>, vector<1x16xf32>,
    %broadcast_in_dim3A_222 = arith.constant 0.000000e+00 : f32
    %broadcast_in_dim3A_223 = vector.broadcast %broadcast_in_dim3A_222 : f32 to vector<16xf32>
    %swap3A_224 = arith.constant 3 : i32
    %swap3A_225 = arith.index_cast %swap3A_224 : i32 to index
    %swap3A_226 = arith.constant 64 : index
    %swap3A_227 = tpu.vector_load %arg10[%swap3A_225, %swap3A_226] {strides = array<i32>} : memref<8x128xf32, #tpu.memory_space<vmem>>, vector<1x16xf32>,
    %swap3A_228 = vector.shape_cast %swap3A_227 : vector<1x16xf32> to vector<16xf32>
    %swap3A_229 = vector.shape_cast %broadcast_in_dim3A_223 : vector<16xf32> to vector<1x16xf32>
    tpu.vector_store %arg10[%swap3A_225, %swap3A_226], %swap3A_229 {strides = array<i32>} : memref<8x128xf32, #tpu.memory_space<vmem>>, vector<1x16xf32>,
    %broadcast_in_dim3A_230 = arith.constant 0.000000e+00 : f32
    %broadcast_in_dim3A_231 = vector.broadcast %broadcast_in_dim3A_230 : f32 to vector<16xf32>
    %swap3A_232 = arith.constant 3 : i32
    %swap3A_233 = arith.index_cast %swap3A_232 : i32 to index
    %swap3A_234 = arith.constant 80 : index
    %swap3A_235 = tpu.vector_load %arg10[%swap3A_233, %swap3A_234] {strides = array<i32>} : memref<8x128xf32, #tpu.memory_space<vmem>>, vector<1x16xf32>,
    %swap3A_236 = vector.shape_cast %swap3A_235 : vector<1x16xf32> to vector<16xf32>
    %swap3A_237 = vector.shape_cast %broadcast_in_dim3A_231 : vector<16xf32> to vector<1x16xf32>
    tpu.vector_store %arg10[%swap3A_233, %swap3A_234], %swap3A_237 {strides = array<i32>} : memref<8x128xf32, #tpu.memory_space<vmem>>, vector<1x16xf32>,
    %broadcast_in_dim3A_238 = arith.constant 0.000000e+00 : f32
    %broadcast_in_dim3A_239 = vector.broadcast %broadcast_in_dim3A_238 : f32 to vector<16xf32>
    %swap3A_240 = arith.constant 3 : i32
    %swap3A_241 = arith.index_cast %swap3A_240 : i32 to index
    %swap3A_242 = arith.constant 96 : index
    %swap3A_243 = tpu.vector_load %arg10[%swap3A_241, %swap3A_242] {strides = array<i32>} : memref<8x128xf32, #tpu.memory_space<vmem>>, vector<1x16xf32>,
    %swap3A_244 = vector.shape_cast %swap3A_243 : vector<1x16xf32> to vector<16xf32>
    %swap3A_245 = vector.shape_cast %broadcast_in_dim3A_239 : vector<16xf32> to vector<1x16xf32>
    tpu.vector_store %arg10[%swap3A_241, %swap3A_242], %swap3A_245 {strides = array<i32>} : memref<8x128xf32, #tpu.memory_space<vmem>>, vector<1x16xf32>,
    %broadcast_in_dim3A_246 = arith.constant 0.000000e+00 : f32
    %broadcast_in_dim3A_247 = vector.broadcast %broadcast_in_dim3A_246 : f32 to vector<16xf32>
    %swap3A_248 = arith.constant 3 : i32
    %swap3A_249 = arith.index_cast %swap3A_248 : i32 to index
    %swap3A_250 = arith.constant 112 : index
    %swap3A_251 = tpu.vector_load %arg10[%swap3A_249, %swap3A_250] {strides = array<i32>} : memref<8x128xf32, #tpu.memory_space<vmem>>, vector<1x16xf32>,
    %swap3A_252 = vector.shape_cast %swap3A_251 : vector<1x16xf32> to vector<16xf32>
    %swap3A_253 = vector.shape_cast %broadcast_in_dim3A_247 : vector<16xf32> to vector<1x16xf32>
    tpu.vector_store %arg10[%swap3A_249, %swap3A_250], %swap3A_253 {strides = array<i32>} : memref<8x128xf32, #tpu.memory_space<vmem>>, vector<1x16xf32>,
    %broadcast_in_dim3A_254 = arith.constant 0.000000e+00 : f32
    %broadcast_in_dim3A_255 = vector.broadcast %broadcast_in_dim3A_254 : f32 to vector<16xf32>
    %swap3A_256 = arith.constant 4 : i32
    %swap3A_257 = arith.index_cast %swap3A_256 : i32 to index
    %swap3A_258 = arith.constant 0 : index
    %swap3A_259 = tpu.vector_load %arg10[%swap3A_257, %swap3A_258] {strides = array<i32>} : memref<8x128xf32, #tpu.memory_space<vmem>>, vector<1x16xf32>,
    %swap3A_260 = vector.shape_cast %swap3A_259 : vector<1x16xf32> to vector<16xf32>
    %swap3A_261 = vector.shape_cast %broadcast_in_dim3A_255 : vector<16xf32> to vector<1x16xf32>
    tpu.vector_store %arg10[%swap3A_257, %swap3A_258], %swap3A_261 {strides = array<i32>} : memref<8x128xf32, #tpu.memory_space<vmem>>, vector<1x16xf32>,
    %broadcast_in_dim3A_262 = arith.constant 0.000000e+00 : f32
    %broadcast_in_dim3A_263 = vector.broadcast %broadcast_in_dim3A_262 : f32 to vector<16xf32>
    %swap3A_264 = arith.constant 4 : i32
    %swap3A_265 = arith.index_cast %swap3A_264 : i32 to index
    %swap3A_266 = arith.constant 16 : index
    %swap3A_267 = tpu.vector_load %arg10[%swap3A_265, %swap3A_266] {strides = array<i32>} : memref<8x128xf32, #tpu.memory_space<vmem>>, vector<1x16xf32>,
    %swap3A_268 = vector.shape_cast %swap3A_267 : vector<1x16xf32> to vector<16xf32>
    %swap3A_269 = vector.shape_cast %broadcast_in_dim3A_263 : vector<16xf32> to vector<1x16xf32>
    tpu.vector_store %arg10[%swap3A_265, %swap3A_266], %swap3A_269 {strides = array<i32>} : memref<8x128xf32, #tpu.memory_space<vmem>>, vector<1x16xf32>,
    %broadcast_in_dim3A_270 = arith.constant 0.000000e+00 : f32
    %broadcast_in_dim3A_271 = vector.broadcast %broadcast_in_dim3A_270 : f32 to vector<16xf32>
    %swap3A_272 = arith.constant 4 : i32
    %swap3A_273 = arith.index_cast %swap3A_272 : i32 to index
    %swap3A_274 = arith.constant 32 : index
    %swap3A_275 = tpu.vector_load %arg10[%swap3A_273, %swap3A_274] {strides = array<i32>} : memref<8x128xf32, #tpu.memory_space<vmem>>, vector<1x16xf32>,
    %swap3A_276 = vector.shape_cast %swap3A_275 : vector<1x16xf32> to vector<16xf32>
    %swap3A_277 = vector.shape_cast %broadcast_in_dim3A_271 : vector<16xf32> to vector<1x16xf32>
    tpu.vector_store %arg10[%swap3A_273, %swap3A_274], %swap3A_277 {strides = array<i32>} : memref<8x128xf32, #tpu.memory_space<vmem>>, vector<1x16xf32>,
    %broadcast_in_dim3A_278 = arith.constant 0.000000e+00 : f32
    %broadcast_in_dim3A_279 = vector.broadcast %broadcast_in_dim3A_278 : f32 to vector<16xf32>
    %swap3A_280 = arith.constant 4 : i32
    %swap3A_281 = arith.index_cast %swap3A_280 : i32 to index
    %swap3A_282 = arith.constant 48 : index
    %swap3A_283 = tpu.vector_load %arg10[%swap3A_281, %swap3A_282] {strides = array<i32>} : memref<8x128xf32, #tpu.memory_space<vmem>>, vector<1x16xf32>,
    %swap3A_284 = vector.shape_cast %swap3A_283 : vector<1x16xf32> to vector<16xf32>
    %swap3A_285 = vector.shape_cast %broadcast_in_dim3A_279 : vector<16xf32> to vector<1x16xf32>
    tpu.vector_store %arg10[%swap3A_281, %swap3A_282], %swap3A_285 {strides = array<i32>} : memref<8x128xf32, #tpu.memory_space<vmem>>, vector<1x16xf32>,
    %broadcast_in_dim3A_286 = arith.constant 0.000000e+00 : f32
    %broadcast_in_dim3A_287 = vector.broadcast %broadcast_in_dim3A_286 : f32 to vector<16xf32>
    %swap3A_288 = arith.constant 4 : i32
    %swap3A_289 = arith.index_cast %swap3A_288 : i32 to index
    %swap3A_290 = arith.constant 64 : index
    %swap3A_291 = tpu.vector_load %arg10[%swap3A_289, %swap3A_290] {strides = array<i32>} : memref<8x128xf32, #tpu.memory_space<vmem>>, vector<1x16xf32>,
    %swap3A_292 = vector.shape_cast %swap3A_291 : vector<1x16xf32> to vector<16xf32>
    %swap3A_293 = vector.shape_cast %broadcast_in_dim3A_287 : vector<16xf32> to vector<1x16xf32>
    tpu.vector_store %arg10[%swap3A_289, %swap3A_290], %swap3A_293 {strides = array<i32>} : memref<8x128xf32, #tpu.memory_space<vmem>>, vector<1x16xf32>,
    %broadcast_in_dim3A_294 = arith.constant 0.000000e+00 : f32
    %broadcast_in_dim3A_295 = vector.broadcast %broadcast_in_dim3A_294 : f32 to vector<16xf32>
    %swap3A_296 = arith.constant 4 : i32
    %swap3A_297 = arith.index_cast %swap3A_296 : i32 to index
    %swap3A_298 = arith.constant 80 : index
    %swap3A_299 = tpu.vector_load %arg10[%swap3A_297, %swap3A_298] {strides = array<i32>} : memref<8x128xf32, #tpu.memory_space<vmem>>, vector<1x16xf32>,
    %swap3A_300 = vector.shape_cast %swap3A_299 : vector<1x16xf32> to vector<16xf32>
    %swap3A_301 = vector.shape_cast %broadcast_in_dim3A_295 : vector<16xf32> to vector<1x16xf32>
    tpu.vector_store %arg10[%swap3A_297, %swap3A_298], %swap3A_301 {strides = array<i32>} : memref<8x128xf32, #tpu.memory_space<vmem>>, vector<1x16xf32>,
    %broadcast_in_dim3A_302 = arith.constant 0.000000e+00 : f32
    %broadcast_in_dim3A_303 = vector.broadcast %broadcast_in_dim3A_302 : f32 to vector<16xf32>
    %swap3A_304 = arith.constant 4 : i32
    %swap3A_305 = arith.index_cast %swap3A_304 : i32 to index
    %swap3A_306 = arith.constant 96 : index
    %swap3A_307 = tpu.vector_load %arg10[%swap3A_305, %swap3A_306] {strides = array<i32>} : memref<8x128xf32, #tpu.memory_space<vmem>>, vector<1x16xf32>,
    %swap3A_308 = vector.shape_cast %swap3A_307 : vector<1x16xf32> to vector<16xf32>
    %swap3A_309 = vector.shape_cast %broadcast_in_dim3A_303 : vector<16xf32> to vector<1x16xf32>
    tpu.vector_store %arg10[%swap3A_305, %swap3A_306], %swap3A_309 {strides = array<i32>} : memref<8x128xf32, #tpu.memory_space<vmem>>, vector<1x16xf32>,
    %broadcast_in_dim3A_310 = arith.constant 0.000000e+00 : f32
    %broadcast_in_dim3A_311 = vector.broadcast %broadcast_in_dim3A_310 : f32 to vector<16xf32>
    %swap3A_312 = arith.constant 4 : i32
    %swap3A_313 = arith.index_cast %swap3A_312 : i32 to index
    %swap3A_314 = arith.constant 112 : index
    %swap3A_315 = tpu.vector_load %arg10[%swap3A_313, %swap3A_314] {strides = array<i32>} : memref<8x128xf32, #tpu.memory_space<vmem>>, vector<1x16xf32>,
    %swap3A_316 = vector.shape_cast %swap3A_315 : vector<1x16xf32> to vector<16xf32>
    %swap3A_317 = vector.shape_cast %broadcast_in_dim3A_311 : vector<16xf32> to vector<1x16xf32>
    tpu.vector_store %arg10[%swap3A_313, %swap3A_314], %swap3A_317 {strides = array<i32>} : memref<8x128xf32, #tpu.memory_space<vmem>>, vector<1x16xf32>,
    %broadcast_in_dim3A_318 = arith.constant 0.000000e+00 : f32
    %broadcast_in_dim3A_319 = vector.broadcast %broadcast_in_dim3A_318 : f32 to vector<16xf32>
    %swap3A_320 = arith.constant 5 : i32
    %swap3A_321 = arith.index_cast %swap3A_320 : i32 to index
    %swap3A_322 = arith.constant 0 : index
    %swap3A_323 = tpu.vector_load %arg10[%swap3A_321, %swap3A_322] {strides = array<i32>} : memref<8x128xf32, #tpu.memory_space<vmem>>, vector<1x16xf32>,
    %swap3A_324 = vector.shape_cast %swap3A_323 : vector<1x16xf32> to vector<16xf32>
    %swap3A_325 = vector.shape_cast %broadcast_in_dim3A_319 : vector<16xf32> to vector<1x16xf32>
    tpu.vector_store %arg10[%swap3A_321, %swap3A_322], %swap3A_325 {strides = array<i32>} : memref<8x128xf32, #tpu.memory_space<vmem>>, vector<1x16xf32>,
    %broadcast_in_dim3A_326 = arith.constant 0.000000e+00 : f32
    %broadcast_in_dim3A_327 = vector.broadcast %broadcast_in_dim3A_326 : f32 to vector<16xf32>
    %swap3A_328 = arith.constant 5 : i32
    %swap3A_329 = arith.index_cast %swap3A_328 : i32 to index
    %swap3A_330 = arith.constant 16 : index
    %swap3A_331 = tpu.vector_load %arg10[%swap3A_329, %swap3A_330] {strides = array<i32>} : memref<8x128xf32, #tpu.memory_space<vmem>>, vector<1x16xf32>,
    %swap3A_332 = vector.shape_cast %swap3A_331 : vector<1x16xf32> to vector<16xf32>
    %swap3A_333 = vector.shape_cast %broadcast_in_dim3A_327 : vector<16xf32> to vector<1x16xf32>
    tpu.vector_store %arg10[%swap3A_329, %swap3A_330], %swap3A_333 {strides = array<i32>} : memref<8x128xf32, #tpu.memory_space<vmem>>, vector<1x16xf32>,
    %broadcast_in_dim3A_334 = arith.constant 0.000000e+00 : f32
    %broadcast_in_dim3A_335 = vector.broadcast %broadcast_in_dim3A_334 : f32 to vector<16xf32>
    %swap3A_336 = arith.constant 5 : i32
    %swap3A_337 = arith.index_cast %swap3A_336 : i32 to index
    %swap3A_338 = arith.constant 32 : index
    %swap3A_339 = tpu.vector_load %arg10[%swap3A_337, %swap3A_338] {strides = array<i32>} : memref<8x128xf32, #tpu.memory_space<vmem>>, vector<1x16xf32>,
    %swap3A_340 = vector.shape_cast %swap3A_339 : vector<1x16xf32> to vector<16xf32>
    %swap3A_341 = vector.shape_cast %broadcast_in_dim3A_335 : vector<16xf32> to vector<1x16xf32>
    tpu.vector_store %arg10[%swap3A_337, %swap3A_338], %swap3A_341 {strides = array<i32>} : memref<8x128xf32, #tpu.memory_space<vmem>>, vector<1x16xf32>,
    %broadcast_in_dim3A_342 = arith.constant 0.000000e+00 : f32
    %broadcast_in_dim3A_343 = vector.broadcast %broadcast_in_dim3A_342 : f32 to vector<16xf32>
    %swap3A_344 = arith.constant 5 : i32
    %swap3A_345 = arith.index_cast %swap3A_344 : i32 to index
    %swap3A_346 = arith.constant 48 : index
    %swap3A_347 = tpu.vector_load %arg10[%swap3A_345, %swap3A_346] {strides = array<i32>} : memref<8x128xf32, #tpu.memory_space<vmem>>, vector<1x16xf32>,
    %swap3A_348 = vector.shape_cast %swap3A_347 : vector<1x16xf32> to vector<16xf32>
    %swap3A_349 = vector.shape_cast %broadcast_in_dim3A_343 : vector<16xf32> to vector<1x16xf32>
    tpu.vector_store %arg10[%swap3A_345, %swap3A_346], %swap3A_349 {strides = array<i32>} : memref<8x128xf32, #tpu.memory_space<vmem>>, vector<1x16xf32>,
    %broadcast_in_dim3A_350 = arith.constant 0.000000e+00 : f32
    %broadcast_in_dim3A_351 = vector.broadcast %broadcast_in_dim3A_350 : f32 to vector<16xf32>
    %swap3A_352 = arith.constant 5 : i32
    %swap3A_353 = arith.index_cast %swap3A_352 : i32 to index
    %swap3A_354 = arith.constant 64 : index
    %swap3A_355 = tpu.vector_load %arg10[%swap3A_353, %swap3A_354] {strides = array<i32>} : memref<8x128xf32, #tpu.memory_space<vmem>>, vector<1x16xf32>,
    %swap3A_356 = vector.shape_cast %swap3A_355 : vector<1x16xf32> to vector<16xf32>
    %swap3A_357 = vector.shape_cast %broadcast_in_dim3A_351 : vector<16xf32> to vector<1x16xf32>
    tpu.vector_store %arg10[%swap3A_353, %swap3A_354], %swap3A_357 {strides = array<i32>} : memref<8x128xf32, #tpu.memory_space<vmem>>, vector<1x16xf32>,
    %broadcast_in_dim3A_358 = arith.constant 0.000000e+00 : f32
    %broadcast_in_dim3A_359 = vector.broadcast %broadcast_in_dim3A_358 : f32 to vector<16xf32>
    %swap3A_360 = arith.constant 5 : i32
    %swap3A_361 = arith.index_cast %swap3A_360 : i32 to index
    %swap3A_362 = arith.constant 80 : index
    %swap3A_363 = tpu.vector_load %arg10[%swap3A_361, %swap3A_362] {strides = array<i32>} : memref<8x128xf32, #tpu.memory_space<vmem>>, vector<1x16xf32>,
    %swap3A_364 = vector.shape_cast %swap3A_363 : vector<1x16xf32> to vector<16xf32>
    %swap3A_365 = vector.shape_cast %broadcast_in_dim3A_359 : vector<16xf32> to vector<1x16xf32>
    tpu.vector_store %arg10[%swap3A_361, %swap3A_362], %swap3A_365 {strides = array<i32>} : memref<8x128xf32, #tpu.memory_space<vmem>>, vector<1x16xf32>,
    %broadcast_in_dim3A_366 = arith.constant 0.000000e+00 : f32
    %broadcast_in_dim3A_367 = vector.broadcast %broadcast_in_dim3A_366 : f32 to vector<16xf32>
    %swap3A_368 = arith.constant 5 : i32
    %swap3A_369 = arith.index_cast %swap3A_368 : i32 to index
    %swap3A_370 = arith.constant 96 : index
    %swap3A_371 = tpu.vector_load %arg10[%swap3A_369, %swap3A_370] {strides = array<i32>} : memref<8x128xf32, #tpu.memory_space<vmem>>, vector<1x16xf32>,
    %swap3A_372 = vector.shape_cast %swap3A_371 : vector<1x16xf32> to vector<16xf32>
    %swap3A_373 = vector.shape_cast %broadcast_in_dim3A_367 : vector<16xf32> to vector<1x16xf32>
    tpu.vector_store %arg10[%swap3A_369, %swap3A_370], %swap3A_373 {strides = array<i32>} : memref<8x128xf32, #tpu.memory_space<vmem>>, vector<1x16xf32>,
    %broadcast_in_dim3A_374 = arith.constant 0.000000e+00 : f32
    %broadcast_in_dim3A_375 = vector.broadcast %broadcast_in_dim3A_374 : f32 to vector<16xf32>
    %swap3A_376 = arith.constant 5 : i32
    %swap3A_377 = arith.index_cast %swap3A_376 : i32 to index
    %swap3A_378 = arith.constant 112 : index
    %swap3A_379 = tpu.vector_load %arg10[%swap3A_377, %swap3A_378] {strides = array<i32>} : memref<8x128xf32, #tpu.memory_space<vmem>>, vector<1x16xf32>,
    %swap3A_380 = vector.shape_cast %swap3A_379 : vector<1x16xf32> to vector<16xf32>
    %swap3A_381 = vector.shape_cast %broadcast_in_dim3A_375 : vector<16xf32> to vector<1x16xf32>
    tpu.vector_store %arg10[%swap3A_377, %swap3A_378], %swap3A_381 {strides = array<i32>} : memref<8x128xf32, #tpu.memory_space<vmem>>, vector<1x16xf32>,
    %broadcast_in_dim3A_382 = arith.constant 0.000000e+00 : f32
    %broadcast_in_dim3A_383 = vector.broadcast %broadcast_in_dim3A_382 : f32 to vector<16xf32>
    %swap3A_384 = arith.constant 6 : i32
    %swap3A_385 = arith.index_cast %swap3A_384 : i32 to index
    %swap3A_386 = arith.constant 0 : index
    %swap3A_387 = tpu.vector_load %arg10[%swap3A_385, %swap3A_386] {strides = array<i32>} : memref<8x128xf32, #tpu.memory_space<vmem>>, vector<1x16xf32>,
    %swap3A_388 = vector.shape_cast %swap3A_387 : vector<1x16xf32> to vector<16xf32>
    %swap3A_389 = vector.shape_cast %broadcast_in_dim3A_383 : vector<16xf32> to vector<1x16xf32>
    tpu.vector_store %arg10[%swap3A_385, %swap3A_386], %swap3A_389 {strides = array<i32>} : memref<8x128xf32, #tpu.memory_space<vmem>>, vector<1x16xf32>,
    %broadcast_in_dim3A_390 = arith.constant 0.000000e+00 : f32
    %broadcast_in_dim3A_391 = vector.broadcast %broadcast_in_dim3A_390 : f32 to vector<16xf32>
    %swap3A_392 = arith.constant 6 : i32
    %swap3A_393 = arith.index_cast %swap3A_392 : i32 to index
    %swap3A_394 = arith.constant 16 : index
    %swap3A_395 = tpu.vector_load %arg10[%swap3A_393, %swap3A_394] {strides = array<i32>} : memref<8x128xf32, #tpu.memory_space<vmem>>, vector<1x16xf32>,
    %swap3A_396 = vector.shape_cast %swap3A_395 : vector<1x16xf32> to vector<16xf32>
    %swap3A_397 = vector.shape_cast %broadcast_in_dim3A_391 : vector<16xf32> to vector<1x16xf32>
    tpu.vector_store %arg10[%swap3A_393, %swap3A_394], %swap3A_397 {strides = array<i32>} : memref<8x128xf32, #tpu.memory_space<vmem>>, vector<1x16xf32>,
    %broadcast_in_dim3A_398 = arith.constant 0.000000e+00 : f32
    %broadcast_in_dim3A_399 = vector.broadcast %broadcast_in_dim3A_398 : f32 to vector<16xf32>
    %swap3A_400 = arith.constant 6 : i32
    %swap3A_401 = arith.index_cast %swap3A_400 : i32 to index
    %swap3A_402 = arith.constant 32 : index
    %swap3A_403 = tpu.vector_load %arg10[%swap3A_401, %swap3A_402] {strides = array<i32>} : memref<8x128xf32, #tpu.memory_space<vmem>>, vector<1x16xf32>,
    %swap3A_404 = vector.shape_cast %swap3A_403 : vector<1x16xf32> to vector<16xf32>
    %swap3A_405 = vector.shape_cast %broadcast_in_dim3A_399 : vector<16xf32> to vector<1x16xf32>
    tpu.vector_store %arg10[%swap3A_401, %swap3A_402], %swap3A_405 {strides = array<i32>} : memref<8x128xf32, #tpu.memory_space<vmem>>, vector<1x16xf32>,
    %broadcast_in_dim3A_406 = arith.constant 0.000000e+00 : f32
    %broadcast_in_dim3A_407 = vector.broadcast %broadcast_in_dim3A_406 : f32 to vector<16xf32>
    %swap3A_408 = arith.constant 6 : i32
    %swap3A_409 = arith.index_cast %swap3A_408 : i32 to index
    %swap3A_410 = arith.constant 48 : index
    %swap3A_411 = tpu.vector_load %arg10[%swap3A_409, %swap3A_410] {strides = array<i32>} : memref<8x128xf32, #tpu.memory_space<vmem>>, vector<1x16xf32>,
    %swap3A_412 = vector.shape_cast %swap3A_411 : vector<1x16xf32> to vector<16xf32>
    %swap3A_413 = vector.shape_cast %broadcast_in_dim3A_407 : vector<16xf32> to vector<1x16xf32>
    tpu.vector_store %arg10[%swap3A_409, %swap3A_410], %swap3A_413 {strides = array<i32>} : memref<8x128xf32, #tpu.memory_space<vmem>>, vector<1x16xf32>,
    %broadcast_in_dim3A_414 = arith.constant 0.000000e+00 : f32
    %broadcast_in_dim3A_415 = vector.broadcast %broadcast_in_dim3A_414 : f32 to vector<16xf32>
    %swap3A_416 = arith.constant 6 : i32
    %swap3A_417 = arith.index_cast %swap3A_416 : i32 to index
    %swap3A_418 = arith.constant 64 : index
    %swap3A_419 = tpu.vector_load %arg10[%swap3A_417, %swap3A_418] {strides = array<i32>} : memref<8x128xf32, #tpu.memory_space<vmem>>, vector<1x16xf32>,
    %swap3A_420 = vector.shape_cast %swap3A_419 : vector<1x16xf32> to vector<16xf32>
    %swap3A_421 = vector.shape_cast %broadcast_in_dim3A_415 : vector<16xf32> to vector<1x16xf32>
    tpu.vector_store %arg10[%swap3A_417, %swap3A_418], %swap3A_421 {strides = array<i32>} : memref<8x128xf32, #tpu.memory_space<vmem>>, vector<1x16xf32>,
    %broadcast_in_dim3A_422 = arith.constant 0.000000e+00 : f32
    %broadcast_in_dim3A_423 = vector.broadcast %broadcast_in_dim3A_422 : f32 to vector<16xf32>
    %swap3A_424 = arith.constant 6 : i32
    %swap3A_425 = arith.index_cast %swap3A_424 : i32 to index
    %swap3A_426 = arith.constant 80 : index
    %swap3A_427 = tpu.vector_load %arg10[%swap3A_425, %swap3A_426] {strides = array<i32>} : memref<8x128xf32, #tpu.memory_space<vmem>>, vector<1x16xf32>,
    %swap3A_428 = vector.shape_cast %swap3A_427 : vector<1x16xf32> to vector<16xf32>
    %swap3A_429 = vector.shape_cast %broadcast_in_dim3A_423 : vector<16xf32> to vector<1x16xf32>
    tpu.vector_store %arg10[%swap3A_425, %swap3A_426], %swap3A_429 {strides = array<i32>} : memref<8x128xf32, #tpu.memory_space<vmem>>, vector<1x16xf32>,
    %broadcast_in_dim3A_430 = arith.constant 0.000000e+00 : f32
    %broadcast_in_dim3A_431 = vector.broadcast %broadcast_in_dim3A_430 : f32 to vector<16xf32>
    %swap3A_432 = arith.constant 6 : i32
    %swap3A_433 = arith.index_cast %swap3A_432 : i32 to index
    %swap3A_434 = arith.constant 96 : index
    %swap3A_435 = tpu.vector_load %arg10[%swap3A_433, %swap3A_434] {strides = array<i32>} : memref<8x128xf32, #tpu.memory_space<vmem>>, vector<1x16xf32>,
    %swap3A_436 = vector.shape_cast %swap3A_435 : vector<1x16xf32> to vector<16xf32>
    %swap3A_437 = vector.shape_cast %broadcast_in_dim3A_431 : vector<16xf32> to vector<1x16xf32>
    tpu.vector_store %arg10[%swap3A_433, %swap3A_434], %swap3A_437 {strides = array<i32>} : memref<8x128xf32, #tpu.memory_space<vmem>>, vector<1x16xf32>,
    %broadcast_in_dim3A_438 = arith.constant 0.000000e+00 : f32
    %broadcast_in_dim3A_439 = vector.broadcast %broadcast_in_dim3A_438 : f32 to vector<16xf32>
    %swap3A_440 = arith.constant 6 : i32
    %swap3A_441 = arith.index_cast %swap3A_440 : i32 to index
    %swap3A_442 = arith.constant 112 : index
    %swap3A_443 = tpu.vector_load %arg10[%swap3A_441, %swap3A_442] {strides = array<i32>} : memref<8x128xf32, #tpu.memory_space<vmem>>, vector<1x16xf32>,
    %swap3A_444 = vector.shape_cast %swap3A_443 : vector<1x16xf32> to vector<16xf32>
    %swap3A_445 = vector.shape_cast %broadcast_in_dim3A_439 : vector<16xf32> to vector<1x16xf32>
    tpu.vector_store %arg10[%swap3A_441, %swap3A_442], %swap3A_445 {strides = array<i32>} : memref<8x128xf32, #tpu.memory_space<vmem>>, vector<1x16xf32>,
    %broadcast_in_dim3A_446 = arith.constant 0.000000e+00 : f32
    %broadcast_in_dim3A_447 = vector.broadcast %broadcast_in_dim3A_446 : f32 to vector<16xf32>
    %swap3A_448 = arith.constant 7 : i32
    %swap3A_449 = arith.index_cast %swap3A_448 : i32 to index
    %swap3A_450 = arith.constant 0 : index
    %swap3A_451 = tpu.vector_load %arg10[%swap3A_449, %swap3A_450] {strides = array<i32>} : memref<8x128xf32, #tpu.memory_space<vmem>>, vector<1x16xf32>,
    %swap3A_452 = vector.shape_cast %swap3A_451 : vector<1x16xf32> to vector<16xf32>
    %swap3A_453 = vector.shape_cast %broadcast_in_dim3A_447 : vector<16xf32> to vector<1x16xf32>
    tpu.vector_store %arg10[%swap3A_449, %swap3A_450], %swap3A_453 {strides = array<i32>} : memref<8x128xf32, #tpu.memory_space<vmem>>, vector<1x16xf32>,
    %broadcast_in_dim3A_454 = arith.constant 0.000000e+00 : f32
    %broadcast_in_dim3A_455 = vector.broadcast %broadcast_in_dim3A_454 : f32 to vector<16xf32>
    %swap3A_456 = arith.constant 7 : i32
    %swap3A_457 = arith.index_cast %swap3A_456 : i32 to index
    %swap3A_458 = arith.constant 16 : index
    %swap3A_459 = tpu.vector_load %arg10[%swap3A_457, %swap3A_458] {strides = array<i32>} : memref<8x128xf32, #tpu.memory_space<vmem>>, vector<1x16xf32>,
    %swap3A_460 = vector.shape_cast %swap3A_459 : vector<1x16xf32> to vector<16xf32>
    %swap3A_461 = vector.shape_cast %broadcast_in_dim3A_455 : vector<16xf32> to vector<1x16xf32>
    tpu.vector_store %arg10[%swap3A_457, %swap3A_458], %swap3A_461 {strides = array<i32>} : memref<8x128xf32, #tpu.memory_space<vmem>>, vector<1x16xf32>,
    %broadcast_in_dim3A_462 = arith.constant 0.000000e+00 : f32
    %broadcast_in_dim3A_463 = vector.broadcast %broadcast_in_dim3A_462 : f32 to vector<16xf32>
    %swap3A_464 = arith.constant 7 : i32
    %swap3A_465 = arith.index_cast %swap3A_464 : i32 to index
    %swap3A_466 = arith.constant 32 : index
    %swap3A_467 = tpu.vector_load %arg10[%swap3A_465, %swap3A_466] {strides = array<i32>} : memref<8x128xf32, #tpu.memory_space<vmem>>, vector<1x16xf32>,
    %swap3A_468 = vector.shape_cast %swap3A_467 : vector<1x16xf32> to vector<16xf32>
    %swap3A_469 = vector.shape_cast %broadcast_in_dim3A_463 : vector<16xf32> to vector<1x16xf32>
    tpu.vector_store %arg10[%swap3A_465, %swap3A_466], %swap3A_469 {strides = array<i32>} : memref<8x128xf32, #tpu.memory_space<vmem>>, vector<1x16xf32>,
    %broadcast_in_dim3A_470 = arith.constant 0.000000e+00 : f32
    %broadcast_in_dim3A_471 = vector.broadcast %broadcast_in_dim3A_470 : f32 to vector<16xf32>
    %swap3A_472 = arith.constant 7 : i32
    %swap3A_473 = arith.index_cast %swap3A_472 : i32 to index
    %swap3A_474 = arith.constant 48 : index
    %swap3A_475 = tpu.vector_load %arg10[%swap3A_473, %swap3A_474] {strides = array<i32>} : memref<8x128xf32, #tpu.memory_space<vmem>>, vector<1x16xf32>,
    %swap3A_476 = vector.shape_cast %swap3A_475 : vector<1x16xf32> to vector<16xf32>
    %swap3A_477 = vector.shape_cast %broadcast_in_dim3A_471 : vector<16xf32> to vector<1x16xf32>
    tpu.vector_store %arg10[%swap3A_473, %swap3A_474], %swap3A_477 {strides = array<i32>} : memref<8x128xf32, #tpu.memory_space<vmem>>, vector<1x16xf32>,
    %broadcast_in_dim3A_478 = arith.constant 0.000000e+00 : f32
    %broadcast_in_dim3A_479 = vector.broadcast %broadcast_in_dim3A_478 : f32 to vector<16xf32>
    %swap3A_480 = arith.constant 7 : i32
    %swap3A_481 = arith.index_cast %swap3A_480 : i32 to index
    %swap3A_482 = arith.constant 64 : index
    %swap3A_483 = tpu.vector_load %arg10[%swap3A_481, %swap3A_482] {strides = array<i32>} : memref<8x128xf32, #tpu.memory_space<vmem>>, vector<1x16xf32>,
    %swap3A_484 = vector.shape_cast %swap3A_483 : vector<1x16xf32> to vector<16xf32>
    %swap3A_485 = vector.shape_cast %broadcast_in_dim3A_479 : vector<16xf32> to vector<1x16xf32>
    tpu.vector_store %arg10[%swap3A_481, %swap3A_482], %swap3A_485 {strides = array<i32>} : memref<8x128xf32, #tpu.memory_space<vmem>>, vector<1x16xf32>,
    %broadcast_in_dim3A_486 = arith.constant 0.000000e+00 : f32
    %broadcast_in_dim3A_487 = vector.broadcast %broadcast_in_dim3A_486 : f32 to vector<16xf32>
    %swap3A_488 = arith.constant 7 : i32
    %swap3A_489 = arith.index_cast %swap3A_488 : i32 to index
    %swap3A_490 = arith.constant 80 : index
    %swap3A_491 = tpu.vector_load %arg10[%swap3A_489, %swap3A_490] {strides = array<i32>} : memref<8x128xf32, #tpu.memory_space<vmem>>, vector<1x16xf32>,
    %swap3A_492 = vector.shape_cast %swap3A_491 : vector<1x16xf32> to vector<16xf32>
    %swap3A_493 = vector.shape_cast %broadcast_in_dim3A_487 : vector<16xf32> to vector<1x16xf32>
    tpu.vector_store %arg10[%swap3A_489, %swap3A_490], %swap3A_493 {strides = array<i32>} : memref<8x128xf32, #tpu.memory_space<vmem>>, vector<1x16xf32>,
    %broadcast_in_dim3A_494 = arith.constant 0.000000e+00 : f32
    %broadcast_in_dim3A_495 = vector.broadcast %broadcast_in_dim3A_494 : f32 to vector<16xf32>
    %swap3A_496 = arith.constant 7 : i32
    %swap3A_497 = arith.index_cast %swap3A_496 : i32 to index
    %swap3A_498 = arith.constant 96 : index
    %swap3A_499 = tpu.vector_load %arg10[%swap3A_497, %swap3A_498] {strides = array<i32>} : memref<8x128xf32, #tpu.memory_space<vmem>>, vector<1x16xf32>,
    %swap3A_500 = vector.shape_cast %swap3A_499 : vector<1x16xf32> to vector<16xf32>
    %swap3A_501 = vector.shape_cast %broadcast_in_dim3A_495 : vector<16xf32> to vector<1x16xf32>
    tpu.vector_store %arg10[%swap3A_497, %swap3A_498], %swap3A_501 {strides = array<i32>} : memref<8x128xf32, #tpu.memory_space<vmem>>, vector<1x16xf32>,
    %broadcast_in_dim3A_502 = arith.constant 0.000000e+00 : f32
    %broadcast_in_dim3A_503 = vector.broadcast %broadcast_in_dim3A_502 : f32 to vector<16xf32>
    %swap3A_504 = arith.constant 7 : i32
    %swap3A_505 = arith.index_cast %swap3A_504 : i32 to index
    %swap3A_506 = arith.constant 112 : index
    %swap3A_507 = tpu.vector_load %arg10[%swap3A_505, %swap3A_506] {strides = array<i32>} : memref<8x128xf32, #tpu.memory_space<vmem>>, vector<1x16xf32>,
    %swap3A_508 = vector.shape_cast %swap3A_507 : vector<1x16xf32> to vector<16xf32>
    %swap3A_509 = vector.shape_cast %broadcast_in_dim3A_503 : vector<16xf32> to vector<1x16xf32>
    tpu.vector_store %arg10[%swap3A_505, %swap3A_506], %swap3A_509 {strides = array<i32>} : memref<8x128xf32, #tpu.memory_space<vmem>>, vector<1x16xf32>,
    %scan3A = arith.constant 0 : i32
    %scan3A_510 = arith.constant 0 : i32
    %scan3A_511 = arith.constant 80 : i32
    %scan3A_512 = arith.addi %scan3A_510, %scan3A_511 : i32
    %scan3A_513 = arith.constant 1 : i32
    %scan3A_514 = scf.for %scan3A_566 = %scan3A_510 to %scan3A_512 step %scan3A_513 iter_args(%scan3A_567 = %scan3A) -> (i32)  : i32 {
      %mul3A_568 = arith.constant 640 : i32
      %mul3A_569 = arith.muli %arg1, %mul3A_568 : i32
      %mul3A_570 = arith.constant 8 : i32
      %mul3A_571 = arith.muli %scan3A_566, %mul3A_570 : i32
      %add3A_572 = arith.addi %mul3A_569, %mul3A_571 : i32
      "tpu.region"() ({
        %run_scoped3A = tpu.sem_alloc : memref<!tpu.dma_semaphore, #tpu.memory_space<semaphore_mem>>
        %dma_start3A = arith.constant 0 : i32
        %dma_start3A_574 = tpu.memref_slice %arg11[%add3A_572, %dma_start3A] : memref<10240x128xf32, #tpu.memory_space<vmem_shared>> -> memref<8x128xf32, #tpu.memory_space<vmem_shared>>
        %dma_start3A_575 = arith.constant 0 : i32
        %dma_start3A_576 = tpu.memref_slice %arg11[%add3A_572, %dma_start3A_575] : memref<10240x128xf32, #tpu.memory_space<vmem_shared>> -> memref<8x128xf32, #tpu.memory_space<vmem_shared>>
        tpu.enqueue_dma source(%arg10 : memref<8x128xf32, #tpu.memory_space<vmem>>) target(%dma_start3A_576 : memref<8x128xf32, #tpu.memory_space<vmem_shared>>) target_semaphore(%run_scoped3A : memref<!tpu.dma_semaphore, #tpu.memory_space<semaphore_mem>>)
        %dma_wait3A = arith.constant 0 : i32
        %dma_wait3A_577 = tpu.memref_slice %arg11[%add3A_572, %dma_wait3A] : memref<10240x128xf32, #tpu.memory_space<vmem_shared>> -> memref<8x128xf32, #tpu.memory_space<vmem_shared>>
        %dma_wait3A_578 = arith.constant 0 : i32
        %dma_wait3A_579 = tpu.memref_slice %arg11[%add3A_572, %dma_wait3A_578] : memref<10240x128xf32, #tpu.memory_space<vmem_shared>> -> memref<8x128xf32, #tpu.memory_space<vmem_shared>>
        tpu.wait_dma2 semaphore(%run_scoped3A : memref<!tpu.dma_semaphore, #tpu.memory_space<semaphore_mem>>) src(%arg10 : memref<8x128xf32, #tpu.memory_space<vmem>>) dst(%dma_wait3A_579 : memref<8x128xf32, #tpu.memory_space<vmem_shared>>)
        tpu.yield
      }) : () -> ()
      %scan3A_573 = arith.constant 0 : i32
      scf.yield %scan3A_573 : i32
    }
    %scan3A_515 = arith.constant 80 : i32
    %barrier3A = arith.constant 0 : index
    tpu.barrier barrier_id(%barrier3A)
    %eq3A = arith.constant 0 : i32
    %eq3A_516 = arith.cmpi eq, %arg0, %eq3A : i32
    %jit3A = arith.constant 152 : i32
    %jit3A_517 = arith.constant 8 : i32
    %select_n3A = arith.select %eq3A_516, %jit3A, %jit3A_517 : i32
    %eq3A_518 = arith.constant 0 : i32
    %eq3A_519 = arith.cmpi eq, %arg0, %eq3A_518 : i32
    %mul3A = arith.constant 152 : i32
    %mul3A_520 = arith.muli %arg1, %mul3A : i32
    %mul3A_521 = arith.constant 8 : i32
    %mul3A_522 = arith.muli %arg1, %mul3A_521 : i32
    %add3A = arith.constant 2432 : i32
    %add3A_523 = arith.addi %add3A, %mul3A_522 : i32
    %select_n3A_524 = arith.select %eq3A_519, %mul3A_520, %add3A_523 : i32
    %multiple_of3A = tpu.assume_multiple %select_n3A_524, 8 : i32
    %add3A_525 = arith.constant 48 : i32
    %add3A_526 = arith.addi %select_n3A, %add3A_525 : i32
    %sub3A = arith.constant 1 : i32
    %sub3A_527 = arith.subi %add3A_526, %sub3A : i32
    %jit3A_528 = arith.constant 48 : i32
    %div3A = arith.divsi %sub3A_527, %jit3A_528 : i32
    %sign3A = arith.constant 0 : i32
    %sign3A_529 = arith.cmpi sgt, %sub3A_527, %sign3A : i32
    %sign3A_530 = arith.extui %sign3A_529 : i1 to i32
    %sign3A_531 = arith.constant 0 : i32
    %sign3A_532 = arith.cmpi slt, %sub3A_527, %sign3A_531 : i32
    %sign3A_533 = arith.extui %sign3A_532 : i1 to i32
    %sign3A_534 = arith.subi %sign3A_530, %sign3A_533 : i32
    %sign3A_535 = arith.constant 0 : i32
    %sign3A_536 = arith.cmpi sgt, %jit3A_528, %sign3A_535 : i32
    %sign3A_537 = arith.extui %sign3A_536 : i1 to i32
    %sign3A_538 = arith.constant 0 : i32
    %sign3A_539 = arith.cmpi slt, %jit3A_528, %sign3A_538 : i32
    %sign3A_540 = arith.extui %sign3A_539 : i1 to i32
    %sign3A_541 = arith.subi %sign3A_537, %sign3A_540 : i32
    %ne3A = arith.cmpi ne, %sign3A_534, %sign3A_541 : i32
    %rem3A = arith.remsi %sub3A_527, %jit3A_528 : i32
    %ne3A_542 = arith.constant 0 : i32
    %ne3A_543 = arith.cmpi ne, %rem3A, %ne3A_542 : i32
    %and3A = arith.andi %ne3A, %ne3A_543 : i1
    %sub3A_544 = arith.constant 1 : i32
    %sub3A_545 = arith.subi %div3A, %sub3A_544 : i32
    %select_n3A_546 = arith.select %and3A, %sub3A_545, %div3A : i32
    %while3A = arith.constant 0 : i32
    %while3A_547 = arith.constant 0 : i32
    %while3A_548 = arith.subi %select_n3A_546, %while3A : i32
    %while3A_549 = arith.addi %while3A, %while3A_548 : i32
    %while3A_550 = arith.constant 1 : i32
    %while3A_551 = arith.divsi %while3A_548, %while3A_550 : i32
    %while3A_552 = arith.muli %while3A_551, %while3A_550 : i32
    %while3A_553 = arith.addi %while3A, %while3A_552 : i32
    %while3A_554 = arith.constant 1 : i32
    %while3A_555 = scf.for %while3A_566 = %while3A to %while3A_553 step %while3A_554 iter_args(%while3A_567 = %while3A_547) -> (i32)  : i32 {
      %mul3A_568 = arith.constant 48 : i32
      %mul3A_569 = arith.muli %while3A_566, %mul3A_568 : i32
      %add3A_570 = arith.addi %multiple_of3A, %mul3A_569 : i32
      %multiple_of3A_571 = tpu.assume_multiple %add3A_570, 8 : i32
      "tpu.region"() ({
        %run_scoped3A = tpu.sem_alloc : memref<!tpu.dma_semaphore, #tpu.memory_space<semaphore_mem>>
        %dma_start3A_619 = arith.constant 0 : i32
        %dma_start3A_620 = tpu.memref_slice %arg3[%multiple_of3A_571, %dma_start3A_619] : memref<2608x128xi32, #tpu.memory_space<hbm>> -> memref<48x128xi32, #tpu.memory_space<hbm>>
        %dma_start3A_621 = arith.constant 0 : i32
        %dma_start3A_622 = tpu.memref_slice %arg3[%multiple_of3A_571, %dma_start3A_621] : memref<2608x128xi32, #tpu.memory_space<hbm>> -> memref<48x128xi32, #tpu.memory_space<hbm>>
        tpu.enqueue_dma source(%dma_start3A_622 : memref<48x128xi32, #tpu.memory_space<hbm>>) target(%arg6 : memref<48x128xi32, #tpu.memory_space<vmem>>) target_semaphore(%run_scoped3A : memref<!tpu.dma_semaphore, #tpu.memory_space<semaphore_mem>>)
        %dma_wait3A = arith.constant 0 : i32
        %dma_wait3A_623 = tpu.memref_slice %arg3[%multiple_of3A_571, %dma_wait3A] : memref<2608x128xi32, #tpu.memory_space<hbm>> -> memref<48x128xi32, #tpu.memory_space<hbm>>
        %dma_wait3A_624 = arith.constant 0 : i32
        %dma_wait3A_625 = tpu.memref_slice %arg3[%multiple_of3A_571, %dma_wait3A_624] : memref<2608x128xi32, #tpu.memory_space<hbm>> -> memref<48x128xi32, #tpu.memory_space<hbm>>
        tpu.wait_dma2 semaphore(%run_scoped3A : memref<!tpu.dma_semaphore, #tpu.memory_space<semaphore_mem>>) src(%dma_wait3A_625 : memref<48x128xi32, #tpu.memory_space<hbm>>) dst(%arg6 : memref<48x128xi32, #tpu.memory_space<vmem>>)
        tpu.yield
      }) : () -> ()
      "tpu.region"() ({
        %run_scoped3A = tpu.sem_alloc : memref<!tpu.dma_semaphore, #tpu.memory_space<semaphore_mem>>
        %dma_start3A_619 = arith.constant 0 : i32
        %dma_start3A_620 = tpu.memref_slice %arg4[%multiple_of3A_571, %dma_start3A_619] : memref<2608x128xi32, #tpu.memory_space<hbm>> -> memref<48x128xi32, #tpu.memory_space<hbm>>
        %dma_start3A_621 = arith.constant 0 : i32
        %dma_start3A_622 = tpu.memref_slice %arg4[%multiple_of3A_571, %dma_start3A_621] : memref<2608x128xi32, #tpu.memory_space<hbm>> -> memref<48x128xi32, #tpu.memory_space<hbm>>
        tpu.enqueue_dma source(%dma_start3A_622 : memref<48x128xi32, #tpu.memory_space<hbm>>) target(%arg7 : memref<48x128xi32, #tpu.memory_space<vmem>>) target_semaphore(%run_scoped3A : memref<!tpu.dma_semaphore, #tpu.memory_space<semaphore_mem>>)
        %dma_wait3A = arith.constant 0 : i32
        %dma_wait3A_623 = tpu.memref_slice %arg4[%multiple_of3A_571, %dma_wait3A] : memref<2608x128xi32, #tpu.memory_space<hbm>> -> memref<48x128xi32, #tpu.memory_space<hbm>>
        %dma_wait3A_624 = arith.constant 0 : i32
        %dma_wait3A_625 = tpu.memref_slice %arg4[%multiple_of3A_571, %dma_wait3A_624] : memref<2608x128xi32, #tpu.memory_space<hbm>> -> memref<48x128xi32, #tpu.memory_space<hbm>>
        tpu.wait_dma2 semaphore(%run_scoped3A : memref<!tpu.dma_semaphore, #tpu.memory_space<semaphore_mem>>) src(%dma_wait3A_625 : memref<48x128xi32, #tpu.memory_space<hbm>>) dst(%arg7 : memref<48x128xi32, #tpu.memory_space<vmem>>)
        tpu.yield
      }) : () -> ()
      %mul3A_572 = arith.constant 48 : i32
      %mul3A_573 = arith.muli %while3A_566, %mul3A_572 : i32
      %sub3A_574 = arith.subi %select_n3A, %mul3A_573 : i32
      %min3A = arith.constant 48 : i32
      %min3A_575 = arith.minsi %sub3A_574, %min3A : i32
      %dma_start3A = arith.constant 0 : i32
      %dma_start3A_576 = arith.constant 0 : i32
      %dma_start3A_577 = tpu.memref_slice %arg6[%dma_start3A, %dma_start3A_576] : memref<48x128xi32, #tpu.memory_space<vmem>> -> memref<1x128xi32, #tpu.memory_space<vmem>>
      %dma_start3A_578 = tpu.memref_squeeze %dma_start3A_577 : memref<1x128xi32, #tpu.memory_space<vmem>> -> memref<128xi32, #tpu.memory_space<vmem>>
      %dma_start3A_579 = arith.constant 0 : i32
      %dma_start3A_580 = arith.constant 0 : i32
      %dma_start3A_581 = tpu.memref_slice %arg2[%dma_start3A_579, %dma_start3A_580] : memref<10240x128xf32, #tpu.memory_space<hbm>> -> memref<10240x128xf32, #tpu.memory_space<hbm>>
      tpu.enqueue_indirect_dma source(%dma_start3A_581 : memref<10240x128xf32, #tpu.memory_space<hbm>>) target(%arg8 : memref<128x128xf32, #tpu.memory_space<vmem>>) offsets(%dma_start3A_578 : memref<128xi32, #tpu.memory_space<vmem>>) semaphore(%arg12 : memref<!tpu.dma_semaphore, #tpu.memory_space<semaphore_mem>>)
      %jit3A_582 = arith.constant 2 : i32
      %div3A_583 = arith.divsi %min3A_575, %jit3A_582 : i32
      %sign3A_584 = arith.constant 0 : i32
      %sign3A_585 = arith.cmpi sgt, %min3A_575, %sign3A_584 : i32
      %sign3A_586 = arith.extui %sign3A_585 : i1 to i32
      %sign3A_587 = arith.constant 0 : i32
      %sign3A_588 = arith.cmpi slt, %min3A_575, %sign3A_587 : i32
      %sign3A_589 = arith.extui %sign3A_588 : i1 to i32
      %sign3A_590 = arith.subi %sign3A_586, %sign3A_589 : i32
      %sign3A_591 = arith.constant 0 : i32
      %sign3A_592 = arith.cmpi sgt, %jit3A_582, %sign3A_591 : i32
      %sign3A_593 = arith.extui %sign3A_592 : i1 to i32
      %sign3A_594 = arith.constant 0 : i32
      %sign3A_595 = arith.cmpi slt, %jit3A_582, %sign3A_594 : i32
      %sign3A_596 = arith.extui %sign3A_595 : i1 to i32
      %sign3A_597 = arith.subi %sign3A_593, %sign3A_596 : i32
      %ne3A_598 = arith.cmpi ne, %sign3A_590, %sign3A_597 : i32
      %rem3A_599 = arith.remsi %min3A_575, %jit3A_582 : i32
      %ne3A_600 = arith.constant 0 : i32
      %ne3A_601 = arith.cmpi ne, %rem3A_599, %ne3A_600 : i32
      %and3A_602 = arith.andi %ne3A_598, %ne3A_601 : i1
      %sub3A_603 = arith.constant 1 : i32
      %sub3A_604 = arith.subi %div3A_583, %sub3A_603 : i32
      %select_n3A_605 = arith.select %and3A_602, %sub3A_604, %div3A_583 : i32
      %while3A_606 = arith.constant 0 : i32
      %while3A_607 = arith.constant 0 : i32
      %while3A_608 = arith.subi %select_n3A_605, %while3A_606 : i32
      %while3A_609 = arith.addi %while3A_606, %while3A_608 : i32
      %while3A_610 = arith.constant 1 : i32
      %while3A_611 = arith.divsi %while3A_608, %while3A_610 : i32
      %while3A_612 = arith.muli %while3A_611, %while3A_610 : i32
      %while3A_613 = arith.addi %while3A_606, %while3A_612 : i32
      %while3A_614 = arith.constant 1 : i32
      %while3A_615 = scf.for %while3A_619 = %while3A_606 to %while3A_613 step %while3A_614 iter_args(%while3A_620 = %while3A_607) -> (i32)  : i32 {
        %mul3A_621 = arith.constant 2 : i32
        %mul3A_622 = arith.muli %mul3A_621, %while3A_619 : i32
        %add3A_623 = arith.constant 1 : i32
        %add3A_624 = arith.addi %mul3A_622, %add3A_623 : i32
        %dma_start3A_625 = arith.constant 0 : i32
        %dma_start3A_626 = tpu.memref_slice %arg6[%add3A_624, %dma_start3A_625] : memref<48x128xi32, #tpu.memory_space<vmem>> -> memref<1x128xi32, #tpu.memory_space<vmem>>
        %dma_start3A_627 = tpu.memref_squeeze %dma_start3A_626 : memref<1x128xi32, #tpu.memory_space<vmem>> -> memref<128xi32, #tpu.memory_space<vmem>>
        %dma_start3A_628 = arith.constant 0 : i32
        %dma_start3A_629 = arith.constant 0 : i32
        %dma_start3A_630 = tpu.memref_slice %arg2[%dma_start3A_628, %dma_start3A_629] : memref<10240x128xf32, #tpu.memory_space<hbm>> -> memref<10240x128xf32, #tpu.memory_space<hbm>>
        tpu.enqueue_indirect_dma source(%dma_start3A_630 : memref<10240x128xf32, #tpu.memory_space<hbm>>) target(%arg9 : memref<128x128xf32, #tpu.memory_space<vmem>>) offsets(%dma_start3A_627 : memref<128xi32, #tpu.memory_space<vmem>>) semaphore(%arg13 : memref<!tpu.dma_semaphore, #tpu.memory_space<semaphore_mem>>)
        %dma_wait3A = arith.constant 0 : i32
        %dma_wait3A_631 = tpu.memref_slice %arg6[%mul3A_622, %dma_wait3A] : memref<48x128xi32, #tpu.memory_space<vmem>> -> memref<1x128xi32, #tpu.memory_space<vmem>>
        %dma_wait3A_632 = tpu.memref_squeeze %dma_wait3A_631 : memref<1x128xi32, #tpu.memory_space<vmem>> -> memref<128xi32, #tpu.memory_space<vmem>>
        %dma_wait3A_633 = arith.constant 0 : i32
        %dma_wait3A_634 = arith.constant 0 : i32
        %dma_wait3A_635 = tpu.memref_slice %arg2[%dma_wait3A_633, %dma_wait3A_634] : memref<10240x128xf32, #tpu.memory_space<hbm>> -> memref<10240x128xf32, #tpu.memory_space<hbm>>
        tpu.wait_indirect_dma semaphore(%arg12 : memref<!tpu.dma_semaphore, #tpu.memory_space<semaphore_mem>>) src(%dma_wait3A_635 : memref<10240x128xf32, #tpu.memory_space<hbm>>) dst(%arg8 : memref<128x128xf32, #tpu.memory_space<vmem>>)
        "tpu.region"() ({
          %run_scoped3A = tpu.sem_alloc : memref<!tpu.dma_semaphore, #tpu.memory_space<semaphore_mem>>
          %dma_start3A_646 = arith.constant 0 : i32
          %dma_start3A_647 = tpu.memref_slice %arg7[%mul3A_622, %dma_start3A_646] : memref<48x128xi32, #tpu.memory_space<vmem>> -> memref<1x128xi32, #tpu.memory_space<vmem>>
          %dma_start3A_648 = tpu.memref_squeeze %dma_start3A_647 : memref<1x128xi32, #tpu.memory_space<vmem>> -> memref<128xi32, #tpu.memory_space<vmem>>
          %dma_start3A_649 = arith.constant 0 : i32
          %dma_start3A_650 = arith.constant 0 : i32
          %dma_start3A_651 = tpu.memref_slice %arg11[%dma_start3A_649, %dma_start3A_650] : memref<10240x128xf32, #tpu.memory_space<vmem_shared>> -> memref<10240x128xf32, #tpu.memory_space<vmem_shared>>
          tpu.enqueue_indirect_dma source(%arg8 : memref<128x128xf32, #tpu.memory_space<vmem>>) target(%dma_start3A_651 : memref<10240x128xf32, #tpu.memory_space<vmem_shared>>) offsets(%dma_start3A_648 : memref<128xi32, #tpu.memory_space<vmem>>) semaphore(%run_scoped3A : memref<!tpu.dma_semaphore, #tpu.memory_space<semaphore_mem>>) {add = true}
          %dma_wait3A_652 = arith.constant 0 : i32
          %dma_wait3A_653 = tpu.memref_slice %arg7[%mul3A_622, %dma_wait3A_652] : memref<48x128xi32, #tpu.memory_space<vmem>> -> memref<1x128xi32, #tpu.memory_space<vmem>>
          %dma_wait3A_654 = tpu.memref_squeeze %dma_wait3A_653 : memref<1x128xi32, #tpu.memory_space<vmem>> -> memref<128xi32, #tpu.memory_space<vmem>>
          %dma_wait3A_655 = arith.constant 0 : i32
          %dma_wait3A_656 = arith.constant 0 : i32
          %dma_wait3A_657 = tpu.memref_slice %arg11[%dma_wait3A_655, %dma_wait3A_656] : memref<10240x128xf32, #tpu.memory_space<vmem_shared>> -> memref<10240x128xf32, #tpu.memory_space<vmem_shared>>
          tpu.wait_indirect_dma semaphore(%run_scoped3A : memref<!tpu.dma_semaphore, #tpu.memory_space<semaphore_mem>>) src(%arg8 : memref<128x128xf32, #tpu.memory_space<vmem>>) dst(%dma_wait3A_657 : memref<10240x128xf32, #tpu.memory_space<vmem_shared>>)
          tpu.yield
        }) : () -> ()
        %add3A_636 = arith.constant 2 : i32
        %add3A_637 = arith.addi %mul3A_622, %add3A_636 : i32
        %lt3A = arith.cmpi slt, %add3A_637, %min3A_575 : i32
        %convert_element_type3A = arith.extui %lt3A : i1 to i32
        %cond3A = arith.constant 0 : i32
        %cond3A_638 = arith.cmpi ne, %convert_element_type3A, %cond3A : i32
        scf.if %cond3A_638 {
          %add3A_646 = arith.constant 2 : i32
          %add3A_647 = arith.addi %mul3A_622, %add3A_646 : i32
          %dma_start3A_648 = arith.constant 0 : i32
          %dma_start3A_649 = tpu.memref_slice %arg6[%add3A_647, %dma_start3A_648] : memref<48x128xi32, #tpu.memory_space<vmem>> -> memref<1x128xi32, #tpu.memory_space<vmem>>
          %dma_start3A_650 = tpu.memref_squeeze %dma_start3A_649 : memref<1x128xi32, #tpu.memory_space<vmem>> -> memref<128xi32, #tpu.memory_space<vmem>>
          %dma_start3A_651 = arith.constant 0 : i32
          %dma_start3A_652 = arith.constant 0 : i32
          %dma_start3A_653 = tpu.memref_slice %arg2[%dma_start3A_651, %dma_start3A_652] : memref<10240x128xf32, #tpu.memory_space<hbm>> -> memref<10240x128xf32, #tpu.memory_space<hbm>>
          tpu.enqueue_indirect_dma source(%dma_start3A_653 : memref<10240x128xf32, #tpu.memory_space<hbm>>) target(%arg8 : memref<128x128xf32, #tpu.memory_space<vmem>>) offsets(%dma_start3A_650 : memref<128xi32, #tpu.memory_space<vmem>>) semaphore(%arg12 : memref<!tpu.dma_semaphore, #tpu.memory_space<semaphore_mem>>)
        } else {
        }
        %dma_wait3A_639 = arith.constant 0 : i32
        %dma_wait3A_640 = tpu.memref_slice %arg6[%add3A_624, %dma_wait3A_639] : memref<48x128xi32, #tpu.memory_space<vmem>> -> memref<1x128xi32, #tpu.memory_space<vmem>>
        %dma_wait3A_641 = tpu.memref_squeeze %dma_wait3A_640 : memref<1x128xi32, #tpu.memory_space<vmem>> -> memref<128xi32, #tpu.memory_space<vmem>>
        %dma_wait3A_642 = arith.constant 0 : i32
        %dma_wait3A_643 = arith.constant 0 : i32
        %dma_wait3A_644 = tpu.memref_slice %arg2[%dma_wait3A_642, %dma_wait3A_643] : memref<10240x128xf32, #tpu.memory_space<hbm>> -> memref<10240x128xf32, #tpu.memory_space<hbm>>
        tpu.wait_indirect_dma semaphore(%arg13 : memref<!tpu.dma_semaphore, #tpu.memory_space<semaphore_mem>>) src(%dma_wait3A_644 : memref<10240x128xf32, #tpu.memory_space<hbm>>) dst(%arg9 : memref<128x128xf32, #tpu.memory_space<vmem>>)
        "tpu.region"() ({
          %run_scoped3A = tpu.sem_alloc : memref<!tpu.dma_semaphore, #tpu.memory_space<semaphore_mem>>
          %dma_start3A_646 = arith.constant 0 : i32
          %dma_start3A_647 = tpu.memref_slice %arg7[%add3A_624, %dma_start3A_646] : memref<48x128xi32, #tpu.memory_space<vmem>> -> memref<1x128xi32, #tpu.memory_space<vmem>>
          %dma_start3A_648 = tpu.memref_squeeze %dma_start3A_647 : memref<1x128xi32, #tpu.memory_space<vmem>> -> memref<128xi32, #tpu.memory_space<vmem>>
          %dma_start3A_649 = arith.constant 0 : i32
          %dma_start3A_650 = arith.constant 0 : i32
          %dma_start3A_651 = tpu.memref_slice %arg11[%dma_start3A_649, %dma_start3A_650] : memref<10240x128xf32, #tpu.memory_space<vmem_shared>> -> memref<10240x128xf32, #tpu.memory_space<vmem_shared>>
          tpu.enqueue_indirect_dma source(%arg9 : memref<128x128xf32, #tpu.memory_space<vmem>>) target(%dma_start3A_651 : memref<10240x128xf32, #tpu.memory_space<vmem_shared>>) offsets(%dma_start3A_648 : memref<128xi32, #tpu.memory_space<vmem>>) semaphore(%run_scoped3A : memref<!tpu.dma_semaphore, #tpu.memory_space<semaphore_mem>>) {add = true}
          %dma_wait3A_652 = arith.constant 0 : i32
          %dma_wait3A_653 = tpu.memref_slice %arg7[%add3A_624, %dma_wait3A_652] : memref<48x128xi32, #tpu.memory_space<vmem>> -> memref<1x128xi32, #tpu.memory_space<vmem>>
          %dma_wait3A_654 = tpu.memref_squeeze %dma_wait3A_653 : memref<1x128xi32, #tpu.memory_space<vmem>> -> memref<128xi32, #tpu.memory_space<vmem>>
          %dma_wait3A_655 = arith.constant 0 : i32
          %dma_wait3A_656 = arith.constant 0 : i32
          %dma_wait3A_657 = tpu.memref_slice %arg11[%dma_wait3A_655, %dma_wait3A_656] : memref<10240x128xf32, #tpu.memory_space<vmem_shared>> -> memref<10240x128xf32, #tpu.memory_space<vmem_shared>>
          tpu.wait_indirect_dma semaphore(%run_scoped3A : memref<!tpu.dma_semaphore, #tpu.memory_space<semaphore_mem>>) src(%arg9 : memref<128x128xf32, #tpu.memory_space<vmem>>) dst(%dma_wait3A_657 : memref<10240x128xf32, #tpu.memory_space<vmem_shared>>)
          tpu.yield
        }) : () -> ()
        %while3A_645 = arith.constant 0 : i32
        scf.yield %while3A_645 : i32
      }
      %while3A_616 = arith.constant 1 : i32
      %while3A_617 = scf.for %while3A_619 = %while3A_613 to %while3A_609 step %while3A_616 iter_args(%while3A_620 = %while3A_615) -> (i32)  : i32 {
        %mul3A_621 = arith.constant 2 : i32
        %mul3A_622 = arith.muli %mul3A_621, %while3A_619 : i32
        %add3A_623 = arith.constant 1 : i32
        %add3A_624 = arith.addi %mul3A_622, %add3A_623 : i32
        %dma_start3A_625 = arith.constant 0 : i32
        %dma_start3A_626 = tpu.memref_slice %arg6[%add3A_624, %dma_start3A_625] : memref<48x128xi32, #tpu.memory_space<vmem>> -> memref<1x128xi32, #tpu.memory_space<vmem>>
        %dma_start3A_627 = tpu.memref_squeeze %dma_start3A_626 : memref<1x128xi32, #tpu.memory_space<vmem>> -> memref<128xi32, #tpu.memory_space<vmem>>
        %dma_start3A_628 = arith.constant 0 : i32
        %dma_start3A_629 = arith.constant 0 : i32
        %dma_start3A_630 = tpu.memref_slice %arg2[%dma_start3A_628, %dma_start3A_629] : memref<10240x128xf32, #tpu.memory_space<hbm>> -> memref<10240x128xf32, #tpu.memory_space<hbm>>
        tpu.enqueue_indirect_dma source(%dma_start3A_630 : memref<10240x128xf32, #tpu.memory_space<hbm>>) target(%arg9 : memref<128x128xf32, #tpu.memory_space<vmem>>) offsets(%dma_start3A_627 : memref<128xi32, #tpu.memory_space<vmem>>) semaphore(%arg13 : memref<!tpu.dma_semaphore, #tpu.memory_space<semaphore_mem>>)
        %dma_wait3A = arith.constant 0 : i32
        %dma_wait3A_631 = tpu.memref_slice %arg6[%mul3A_622, %dma_wait3A] : memref<48x128xi32, #tpu.memory_space<vmem>> -> memref<1x128xi32, #tpu.memory_space<vmem>>
        %dma_wait3A_632 = tpu.memref_squeeze %dma_wait3A_631 : memref<1x128xi32, #tpu.memory_space<vmem>> -> memref<128xi32, #tpu.memory_space<vmem>>
        %dma_wait3A_633 = arith.constant 0 : i32
        %dma_wait3A_634 = arith.constant 0 : i32
        %dma_wait3A_635 = tpu.memref_slice %arg2[%dma_wait3A_633, %dma_wait3A_634] : memref<10240x128xf32, #tpu.memory_space<hbm>> -> memref<10240x128xf32, #tpu.memory_space<hbm>>
        tpu.wait_indirect_dma semaphore(%arg12 : memref<!tpu.dma_semaphore, #tpu.memory_space<semaphore_mem>>) src(%dma_wait3A_635 : memref<10240x128xf32, #tpu.memory_space<hbm>>) dst(%arg8 : memref<128x128xf32, #tpu.memory_space<vmem>>)
        "tpu.region"() ({
          %run_scoped3A = tpu.sem_alloc : memref<!tpu.dma_semaphore, #tpu.memory_space<semaphore_mem>>
          %dma_start3A_646 = arith.constant 0 : i32
          %dma_start3A_647 = tpu.memref_slice %arg7[%mul3A_622, %dma_start3A_646] : memref<48x128xi32, #tpu.memory_space<vmem>> -> memref<1x128xi32, #tpu.memory_space<vmem>>
          %dma_start3A_648 = tpu.memref_squeeze %dma_start3A_647 : memref<1x128xi32, #tpu.memory_space<vmem>> -> memref<128xi32, #tpu.memory_space<vmem>>
          %dma_start3A_649 = arith.constant 0 : i32
          %dma_start3A_650 = arith.constant 0 : i32
          %dma_start3A_651 = tpu.memref_slice %arg11[%dma_start3A_649, %dma_start3A_650] : memref<10240x128xf32, #tpu.memory_space<vmem_shared>> -> memref<10240x128xf32, #tpu.memory_space<vmem_shared>>
          tpu.enqueue_indirect_dma source(%arg8 : memref<128x128xf32, #tpu.memory_space<vmem>>) target(%dma_start3A_651 : memref<10240x128xf32, #tpu.memory_space<vmem_shared>>) offsets(%dma_start3A_648 : memref<128xi32, #tpu.memory_space<vmem>>) semaphore(%run_scoped3A : memref<!tpu.dma_semaphore, #tpu.memory_space<semaphore_mem>>) {add = true}
          %dma_wait3A_652 = arith.constant 0 : i32
          %dma_wait3A_653 = tpu.memref_slice %arg7[%mul3A_622, %dma_wait3A_652] : memref<48x128xi32, #tpu.memory_space<vmem>> -> memref<1x128xi32, #tpu.memory_space<vmem>>
          %dma_wait3A_654 = tpu.memref_squeeze %dma_wait3A_653 : memref<1x128xi32, #tpu.memory_space<vmem>> -> memref<128xi32, #tpu.memory_space<vmem>>
          %dma_wait3A_655 = arith.constant 0 : i32
          %dma_wait3A_656 = arith.constant 0 : i32
          %dma_wait3A_657 = tpu.memref_slice %arg11[%dma_wait3A_655, %dma_wait3A_656] : memref<10240x128xf32, #tpu.memory_space<vmem_shared>> -> memref<10240x128xf32, #tpu.memory_space<vmem_shared>>
          tpu.wait_indirect_dma semaphore(%run_scoped3A : memref<!tpu.dma_semaphore, #tpu.memory_space<semaphore_mem>>) src(%arg8 : memref<128x128xf32, #tpu.memory_space<vmem>>) dst(%dma_wait3A_657 : memref<10240x128xf32, #tpu.memory_space<vmem_shared>>)
          tpu.yield
        }) : () -> ()
        %add3A_636 = arith.constant 2 : i32
        %add3A_637 = arith.addi %mul3A_622, %add3A_636 : i32
        %lt3A = arith.cmpi slt, %add3A_637, %min3A_575 : i32
        %convert_element_type3A = arith.extui %lt3A : i1 to i32
        %cond3A = arith.constant 0 : i32
        %cond3A_638 = arith.cmpi ne, %convert_element_type3A, %cond3A : i32
        scf.if %cond3A_638 {
          %add3A_646 = arith.constant 2 : i32
          %add3A_647 = arith.addi %mul3A_622, %add3A_646 : i32
          %dma_start3A_648 = arith.constant 0 : i32
          %dma_start3A_649 = tpu.memref_slice %arg6[%add3A_647, %dma_start3A_648] : memref<48x128xi32, #tpu.memory_space<vmem>> -> memref<1x128xi32, #tpu.memory_space<vmem>>
          %dma_start3A_650 = tpu.memref_squeeze %dma_start3A_649 : memref<1x128xi32, #tpu.memory_space<vmem>> -> memref<128xi32, #tpu.memory_space<vmem>>
          %dma_start3A_651 = arith.constant 0 : i32
          %dma_start3A_652 = arith.constant 0 : i32
          %dma_start3A_653 = tpu.memref_slice %arg2[%dma_start3A_651, %dma_start3A_652] : memref<10240x128xf32, #tpu.memory_space<hbm>> -> memref<10240x128xf32, #tpu.memory_space<hbm>>
          tpu.enqueue_indirect_dma source(%dma_start3A_653 : memref<10240x128xf32, #tpu.memory_space<hbm>>) target(%arg8 : memref<128x128xf32, #tpu.memory_space<vmem>>) offsets(%dma_start3A_650 : memref<128xi32, #tpu.memory_space<vmem>>) semaphore(%arg12 : memref<!tpu.dma_semaphore, #tpu.memory_space<semaphore_mem>>)
        } else {
        }
        %dma_wait3A_639 = arith.constant 0 : i32
        %dma_wait3A_640 = tpu.memref_slice %arg6[%add3A_624, %dma_wait3A_639] : memref<48x128xi32, #tpu.memory_space<vmem>> -> memref<1x128xi32, #tpu.memory_space<vmem>>
        %dma_wait3A_641 = tpu.memref_squeeze %dma_wait3A_640 : memref<1x128xi32, #tpu.memory_space<vmem>> -> memref<128xi32, #tpu.memory_space<vmem>>
        %dma_wait3A_642 = arith.constant 0 : i32
        %dma_wait3A_643 = arith.constant 0 : i32
        %dma_wait3A_644 = tpu.memref_slice %arg2[%dma_wait3A_642, %dma_wait3A_643] : memref<10240x128xf32, #tpu.memory_space<hbm>> -> memref<10240x128xf32, #tpu.memory_space<hbm>>
        tpu.wait_indirect_dma semaphore(%arg13 : memref<!tpu.dma_semaphore, #tpu.memory_space<semaphore_mem>>) src(%dma_wait3A_644 : memref<10240x128xf32, #tpu.memory_space<hbm>>) dst(%arg9 : memref<128x128xf32, #tpu.memory_space<vmem>>)
        "tpu.region"() ({
          %run_scoped3A = tpu.sem_alloc : memref<!tpu.dma_semaphore, #tpu.memory_space<semaphore_mem>>
          %dma_start3A_646 = arith.constant 0 : i32
          %dma_start3A_647 = tpu.memref_slice %arg7[%add3A_624, %dma_start3A_646] : memref<48x128xi32, #tpu.memory_space<vmem>> -> memref<1x128xi32, #tpu.memory_space<vmem>>
          %dma_start3A_648 = tpu.memref_squeeze %dma_start3A_647 : memref<1x128xi32, #tpu.memory_space<vmem>> -> memref<128xi32, #tpu.memory_space<vmem>>
          %dma_start3A_649 = arith.constant 0 : i32
          %dma_start3A_650 = arith.constant 0 : i32
          %dma_start3A_651 = tpu.memref_slice %arg11[%dma_start3A_649, %dma_start3A_650] : memref<10240x128xf32, #tpu.memory_space<vmem_shared>> -> memref<10240x128xf32, #tpu.memory_space<vmem_shared>>
          tpu.enqueue_indirect_dma source(%arg9 : memref<128x128xf32, #tpu.memory_space<vmem>>) target(%dma_start3A_651 : memref<10240x128xf32, #tpu.memory_space<vmem_shared>>) offsets(%dma_start3A_648 : memref<128xi32, #tpu.memory_space<vmem>>) semaphore(%run_scoped3A : memref<!tpu.dma_semaphore, #tpu.memory_space<semaphore_mem>>) {add = true}
          %dma_wait3A_652 = arith.constant 0 : i32
          %dma_wait3A_653 = tpu.memref_slice %arg7[%add3A_624, %dma_wait3A_652] : memref<48x128xi32, #tpu.memory_space<vmem>> -> memref<1x128xi32, #tpu.memory_space<vmem>>
          %dma_wait3A_654 = tpu.memref_squeeze %dma_wait3A_653 : memref<1x128xi32, #tpu.memory_space<vmem>> -> memref<128xi32, #tpu.memory_space<vmem>>
          %dma_wait3A_655 = arith.constant 0 : i32
          %dma_wait3A_656 = arith.constant 0 : i32
          %dma_wait3A_657 = tpu.memref_slice %arg11[%dma_wait3A_655, %dma_wait3A_656] : memref<10240x128xf32, #tpu.memory_space<vmem_shared>> -> memref<10240x128xf32, #tpu.memory_space<vmem_shared>>
          tpu.wait_indirect_dma semaphore(%run_scoped3A : memref<!tpu.dma_semaphore, #tpu.memory_space<semaphore_mem>>) src(%arg9 : memref<128x128xf32, #tpu.memory_space<vmem>>) dst(%dma_wait3A_657 : memref<10240x128xf32, #tpu.memory_space<vmem_shared>>)
          tpu.yield
        }) : () -> ()
        %while3A_645 = arith.constant 0 : i32
        scf.yield %while3A_645 : i32
      }
      %while3A_618 = arith.constant 0 : i32
      scf.yield %while3A_618 : i32
    }
    %while3A_556 = arith.constant 1 : i32
    %while3A_557 = scf.for %while3A_566 = %while3A_553 to %while3A_549 step %while3A_556 iter_args(%while3A_567 = %while3A_555) -> (i32)  : i32 {
      %mul3A_568 = arith.constant 48 : i32
      %mul3A_569 = arith.muli %while3A_566, %mul3A_568 : i32
      %add3A_570 = arith.addi %multiple_of3A, %mul3A_569 : i32
      %multiple_of3A_571 = tpu.assume_multiple %add3A_570, 8 : i32
      "tpu.region"() ({
        %run_scoped3A = tpu.sem_alloc : memref<!tpu.dma_semaphore, #tpu.memory_space<semaphore_mem>>
        %dma_start3A_619 = arith.constant 0 : i32
        %dma_start3A_620 = tpu.memref_slice %arg3[%multiple_of3A_571, %dma_start3A_619] : memref<2608x128xi32, #tpu.memory_space<hbm>> -> memref<48x128xi32, #tpu.memory_space<hbm>>
        %dma_start3A_621 = arith.constant 0 : i32
        %dma_start3A_622 = tpu.memref_slice %arg3[%multiple_of3A_571, %dma_start3A_621] : memref<2608x128xi32, #tpu.memory_space<hbm>> -> memref<48x128xi32, #tpu.memory_space<hbm>>
        tpu.enqueue_dma source(%dma_start3A_622 : memref<48x128xi32, #tpu.memory_space<hbm>>) target(%arg6 : memref<48x128xi32, #tpu.memory_space<vmem>>) target_semaphore(%run_scoped3A : memref<!tpu.dma_semaphore, #tpu.memory_space<semaphore_mem>>)
        %dma_wait3A = arith.constant 0 : i32
        %dma_wait3A_623 = tpu.memref_slice %arg3[%multiple_of3A_571, %dma_wait3A] : memref<2608x128xi32, #tpu.memory_space<hbm>> -> memref<48x128xi32, #tpu.memory_space<hbm>>
        %dma_wait3A_624 = arith.constant 0 : i32
        %dma_wait3A_625 = tpu.memref_slice %arg3[%multiple_of3A_571, %dma_wait3A_624] : memref<2608x128xi32, #tpu.memory_space<hbm>> -> memref<48x128xi32, #tpu.memory_space<hbm>>
        tpu.wait_dma2 semaphore(%run_scoped3A : memref<!tpu.dma_semaphore, #tpu.memory_space<semaphore_mem>>) src(%dma_wait3A_625 : memref<48x128xi32, #tpu.memory_space<hbm>>) dst(%arg6 : memref<48x128xi32, #tpu.memory_space<vmem>>)
        tpu.yield
      }) : () -> ()
      "tpu.region"() ({
        %run_scoped3A = tpu.sem_alloc : memref<!tpu.dma_semaphore, #tpu.memory_space<semaphore_mem>>
        %dma_start3A_619 = arith.constant 0 : i32
        %dma_start3A_620 = tpu.memref_slice %arg4[%multiple_of3A_571, %dma_start3A_619] : memref<2608x128xi32, #tpu.memory_space<hbm>> -> memref<48x128xi32, #tpu.memory_space<hbm>>
        %dma_start3A_621 = arith.constant 0 : i32
        %dma_start3A_622 = tpu.memref_slice %arg4[%multiple_of3A_571, %dma_start3A_621] : memref<2608x128xi32, #tpu.memory_space<hbm>> -> memref<48x128xi32, #tpu.memory_space<hbm>>
        tpu.enqueue_dma source(%dma_start3A_622 : memref<48x128xi32, #tpu.memory_space<hbm>>) target(%arg7 : memref<48x128xi32, #tpu.memory_space<vmem>>) target_semaphore(%run_scoped3A : memref<!tpu.dma_semaphore, #tpu.memory_space<semaphore_mem>>)
        %dma_wait3A = arith.constant 0 : i32
        %dma_wait3A_623 = tpu.memref_slice %arg4[%multiple_of3A_571, %dma_wait3A] : memref<2608x128xi32, #tpu.memory_space<hbm>> -> memref<48x128xi32, #tpu.memory_space<hbm>>
        %dma_wait3A_624 = arith.constant 0 : i32
        %dma_wait3A_625 = tpu.memref_slice %arg4[%multiple_of3A_571, %dma_wait3A_624] : memref<2608x128xi32, #tpu.memory_space<hbm>> -> memref<48x128xi32, #tpu.memory_space<hbm>>
        tpu.wait_dma2 semaphore(%run_scoped3A : memref<!tpu.dma_semaphore, #tpu.memory_space<semaphore_mem>>) src(%dma_wait3A_625 : memref<48x128xi32, #tpu.memory_space<hbm>>) dst(%arg7 : memref<48x128xi32, #tpu.memory_space<vmem>>)
        tpu.yield
      }) : () -> ()
      %mul3A_572 = arith.constant 48 : i32
      %mul3A_573 = arith.muli %while3A_566, %mul3A_572 : i32
      %sub3A_574 = arith.subi %select_n3A, %mul3A_573 : i32
      %min3A = arith.constant 48 : i32
      %min3A_575 = arith.minsi %sub3A_574, %min3A : i32
      %dma_start3A = arith.constant 0 : i32
      %dma_start3A_576 = arith.constant 0 : i32
      %dma_start3A_577 = tpu.memref_slice %arg6[%dma_start3A, %dma_start3A_576] : memref<48x128xi32, #tpu.memory_space<vmem>> -> memref<1x128xi32, #tpu.memory_space<vmem>>
      %dma_start3A_578 = tpu.memref_squeeze %dma_start3A_577 : memref<1x128xi32, #tpu.memory_space<vmem>> -> memref<128xi32, #tpu.memory_space<vmem>>
      %dma_start3A_579 = arith.constant 0 : i32
      %dma_start3A_580 = arith.constant 0 : i32
      %dma_start3A_581 = tpu.memref_slice %arg2[%dma_start3A_579, %dma_start3A_580] : memref<10240x128xf32, #tpu.memory_space<hbm>> -> memref<10240x128xf32, #tpu.memory_space<hbm>>
      tpu.enqueue_indirect_dma source(%dma_start3A_581 : memref<10240x128xf32, #tpu.memory_space<hbm>>) target(%arg8 : memref<128x128xf32, #tpu.memory_space<vmem>>) offsets(%dma_start3A_578 : memref<128xi32, #tpu.memory_space<vmem>>) semaphore(%arg12 : memref<!tpu.dma_semaphore, #tpu.memory_space<semaphore_mem>>)
      %jit3A_582 = arith.constant 2 : i32
      %div3A_583 = arith.divsi %min3A_575, %jit3A_582 : i32
      %sign3A_584 = arith.constant 0 : i32
      %sign3A_585 = arith.cmpi sgt, %min3A_575, %sign3A_584 : i32
      %sign3A_586 = arith.extui %sign3A_585 : i1 to i32
      %sign3A_587 = arith.constant 0 : i32
      %sign3A_588 = arith.cmpi slt, %min3A_575, %sign3A_587 : i32
      %sign3A_589 = arith.extui %sign3A_588 : i1 to i32
      %sign3A_590 = arith.subi %sign3A_586, %sign3A_589 : i32
      %sign3A_591 = arith.constant 0 : i32
      %sign3A_592 = arith.cmpi sgt, %jit3A_582, %sign3A_591 : i32
      %sign3A_593 = arith.extui %sign3A_592 : i1 to i32
      %sign3A_594 = arith.constant 0 : i32
      %sign3A_595 = arith.cmpi slt, %jit3A_582, %sign3A_594 : i32
      %sign3A_596 = arith.extui %sign3A_595 : i1 to i32
      %sign3A_597 = arith.subi %sign3A_593, %sign3A_596 : i32
      %ne3A_598 = arith.cmpi ne, %sign3A_590, %sign3A_597 : i32
      %rem3A_599 = arith.remsi %min3A_575, %jit3A_582 : i32
      %ne3A_600 = arith.constant 0 : i32
      %ne3A_601 = arith.cmpi ne, %rem3A_599, %ne3A_600 : i32
      %and3A_602 = arith.andi %ne3A_598, %ne3A_601 : i1
      %sub3A_603 = arith.constant 1 : i32
      %sub3A_604 = arith.subi %div3A_583, %sub3A_603 : i32
      %select_n3A_605 = arith.select %and3A_602, %sub3A_604, %div3A_583 : i32
      %while3A_606 = arith.constant 0 : i32
      %while3A_607 = arith.constant 0 : i32
      %while3A_608 = arith.subi %select_n3A_605, %while3A_606 : i32
      %while3A_609 = arith.addi %while3A_606, %while3A_608 : i32
      %while3A_610 = arith.constant 1 : i32
      %while3A_611 = arith.divsi %while3A_608, %while3A_610 : i32
      %while3A_612 = arith.muli %while3A_611, %while3A_610 : i32
      %while3A_613 = arith.addi %while3A_606, %while3A_612 : i32
      %while3A_614 = arith.constant 1 : i32
      %while3A_615 = scf.for %while3A_619 = %while3A_606 to %while3A_613 step %while3A_614 iter_args(%while3A_620 = %while3A_607) -> (i32)  : i32 {
        %mul3A_621 = arith.constant 2 : i32
        %mul3A_622 = arith.muli %mul3A_621, %while3A_619 : i32
        %add3A_623 = arith.constant 1 : i32
        %add3A_624 = arith.addi %mul3A_622, %add3A_623 : i32
        %dma_start3A_625 = arith.constant 0 : i32
        %dma_start3A_626 = tpu.memref_slice %arg6[%add3A_624, %dma_start3A_625] : memref<48x128xi32, #tpu.memory_space<vmem>> -> memref<1x128xi32, #tpu.memory_space<vmem>>
        %dma_start3A_627 = tpu.memref_squeeze %dma_start3A_626 : memref<1x128xi32, #tpu.memory_space<vmem>> -> memref<128xi32, #tpu.memory_space<vmem>>
        %dma_start3A_628 = arith.constant 0 : i32
        %dma_start3A_629 = arith.constant 0 : i32
        %dma_start3A_630 = tpu.memref_slice %arg2[%dma_start3A_628, %dma_start3A_629] : memref<10240x128xf32, #tpu.memory_space<hbm>> -> memref<10240x128xf32, #tpu.memory_space<hbm>>
        tpu.enqueue_indirect_dma source(%dma_start3A_630 : memref<10240x128xf32, #tpu.memory_space<hbm>>) target(%arg9 : memref<128x128xf32, #tpu.memory_space<vmem>>) offsets(%dma_start3A_627 : memref<128xi32, #tpu.memory_space<vmem>>) semaphore(%arg13 : memref<!tpu.dma_semaphore, #tpu.memory_space<semaphore_mem>>)
        %dma_wait3A = arith.constant 0 : i32
        %dma_wait3A_631 = tpu.memref_slice %arg6[%mul3A_622, %dma_wait3A] : memref<48x128xi32, #tpu.memory_space<vmem>> -> memref<1x128xi32, #tpu.memory_space<vmem>>
        %dma_wait3A_632 = tpu.memref_squeeze %dma_wait3A_631 : memref<1x128xi32, #tpu.memory_space<vmem>> -> memref<128xi32, #tpu.memory_space<vmem>>
        %dma_wait3A_633 = arith.constant 0 : i32
        %dma_wait3A_634 = arith.constant 0 : i32
        %dma_wait3A_635 = tpu.memref_slice %arg2[%dma_wait3A_633, %dma_wait3A_634] : memref<10240x128xf32, #tpu.memory_space<hbm>> -> memref<10240x128xf32, #tpu.memory_space<hbm>>
        tpu.wait_indirect_dma semaphore(%arg12 : memref<!tpu.dma_semaphore, #tpu.memory_space<semaphore_mem>>) src(%dma_wait3A_635 : memref<10240x128xf32, #tpu.memory_space<hbm>>) dst(%arg8 : memref<128x128xf32, #tpu.memory_space<vmem>>)
        "tpu.region"() ({
          %run_scoped3A = tpu.sem_alloc : memref<!tpu.dma_semaphore, #tpu.memory_space<semaphore_mem>>
          %dma_start3A_646 = arith.constant 0 : i32
          %dma_start3A_647 = tpu.memref_slice %arg7[%mul3A_622, %dma_start3A_646] : memref<48x128xi32, #tpu.memory_space<vmem>> -> memref<1x128xi32, #tpu.memory_space<vmem>>
          %dma_start3A_648 = tpu.memref_squeeze %dma_start3A_647 : memref<1x128xi32, #tpu.memory_space<vmem>> -> memref<128xi32, #tpu.memory_space<vmem>>
          %dma_start3A_649 = arith.constant 0 : i32
          %dma_start3A_650 = arith.constant 0 : i32
          %dma_start3A_651 = tpu.memref_slice %arg11[%dma_start3A_649, %dma_start3A_650] : memref<10240x128xf32, #tpu.memory_space<vmem_shared>> -> memref<10240x128xf32, #tpu.memory_space<vmem_shared>>
          tpu.enqueue_indirect_dma source(%arg8 : memref<128x128xf32, #tpu.memory_space<vmem>>) target(%dma_start3A_651 : memref<10240x128xf32, #tpu.memory_space<vmem_shared>>) offsets(%dma_start3A_648 : memref<128xi32, #tpu.memory_space<vmem>>) semaphore(%run_scoped3A : memref<!tpu.dma_semaphore, #tpu.memory_space<semaphore_mem>>) {add = true}
          %dma_wait3A_652 = arith.constant 0 : i32
          %dma_wait3A_653 = tpu.memref_slice %arg7[%mul3A_622, %dma_wait3A_652] : memref<48x128xi32, #tpu.memory_space<vmem>> -> memref<1x128xi32, #tpu.memory_space<vmem>>
          %dma_wait3A_654 = tpu.memref_squeeze %dma_wait3A_653 : memref<1x128xi32, #tpu.memory_space<vmem>> -> memref<128xi32, #tpu.memory_space<vmem>>
          %dma_wait3A_655 = arith.constant 0 : i32
          %dma_wait3A_656 = arith.constant 0 : i32
          %dma_wait3A_657 = tpu.memref_slice %arg11[%dma_wait3A_655, %dma_wait3A_656] : memref<10240x128xf32, #tpu.memory_space<vmem_shared>> -> memref<10240x128xf32, #tpu.memory_space<vmem_shared>>
          tpu.wait_indirect_dma semaphore(%run_scoped3A : memref<!tpu.dma_semaphore, #tpu.memory_space<semaphore_mem>>) src(%arg8 : memref<128x128xf32, #tpu.memory_space<vmem>>) dst(%dma_wait3A_657 : memref<10240x128xf32, #tpu.memory_space<vmem_shared>>)
          tpu.yield
        }) : () -> ()
        %add3A_636 = arith.constant 2 : i32
        %add3A_637 = arith.addi %mul3A_622, %add3A_636 : i32
        %lt3A = arith.cmpi slt, %add3A_637, %min3A_575 : i32
        %convert_element_type3A = arith.extui %lt3A : i1 to i32
        %cond3A = arith.constant 0 : i32
        %cond3A_638 = arith.cmpi ne, %convert_element_type3A, %cond3A : i32
        scf.if %cond3A_638 {
          %add3A_646 = arith.constant 2 : i32
          %add3A_647 = arith.addi %mul3A_622, %add3A_646 : i32
          %dma_start3A_648 = arith.constant 0 : i32
          %dma_start3A_649 = tpu.memref_slice %arg6[%add3A_647, %dma_start3A_648] : memref<48x128xi32, #tpu.memory_space<vmem>> -> memref<1x128xi32, #tpu.memory_space<vmem>>
          %dma_start3A_650 = tpu.memref_squeeze %dma_start3A_649 : memref<1x128xi32, #tpu.memory_space<vmem>> -> memref<128xi32, #tpu.memory_space<vmem>>
          %dma_start3A_651 = arith.constant 0 : i32
          %dma_start3A_652 = arith.constant 0 : i32
          %dma_start3A_653 = tpu.memref_slice %arg2[%dma_start3A_651, %dma_start3A_652] : memref<10240x128xf32, #tpu.memory_space<hbm>> -> memref<10240x128xf32, #tpu.memory_space<hbm>>
          tpu.enqueue_indirect_dma source(%dma_start3A_653 : memref<10240x128xf32, #tpu.memory_space<hbm>>) target(%arg8 : memref<128x128xf32, #tpu.memory_space<vmem>>) offsets(%dma_start3A_650 : memref<128xi32, #tpu.memory_space<vmem>>) semaphore(%arg12 : memref<!tpu.dma_semaphore, #tpu.memory_space<semaphore_mem>>)
        } else {
        }
        %dma_wait3A_639 = arith.constant 0 : i32
        %dma_wait3A_640 = tpu.memref_slice %arg6[%add3A_624, %dma_wait3A_639] : memref<48x128xi32, #tpu.memory_space<vmem>> -> memref<1x128xi32, #tpu.memory_space<vmem>>
        %dma_wait3A_641 = tpu.memref_squeeze %dma_wait3A_640 : memref<1x128xi32, #tpu.memory_space<vmem>> -> memref<128xi32, #tpu.memory_space<vmem>>
        %dma_wait3A_642 = arith.constant 0 : i32
        %dma_wait3A_643 = arith.constant 0 : i32
        %dma_wait3A_644 = tpu.memref_slice %arg2[%dma_wait3A_642, %dma_wait3A_643] : memref<10240x128xf32, #tpu.memory_space<hbm>> -> memref<10240x128xf32, #tpu.memory_space<hbm>>
        tpu.wait_indirect_dma semaphore(%arg13 : memref<!tpu.dma_semaphore, #tpu.memory_space<semaphore_mem>>) src(%dma_wait3A_644 : memref<10240x128xf32, #tpu.memory_space<hbm>>) dst(%arg9 : memref<128x128xf32, #tpu.memory_space<vmem>>)
        "tpu.region"() ({
          %run_scoped3A = tpu.sem_alloc : memref<!tpu.dma_semaphore, #tpu.memory_space<semaphore_mem>>
          %dma_start3A_646 = arith.constant 0 : i32
          %dma_start3A_647 = tpu.memref_slice %arg7[%add3A_624, %dma_start3A_646] : memref<48x128xi32, #tpu.memory_space<vmem>> -> memref<1x128xi32, #tpu.memory_space<vmem>>
          %dma_start3A_648 = tpu.memref_squeeze %dma_start3A_647 : memref<1x128xi32, #tpu.memory_space<vmem>> -> memref<128xi32, #tpu.memory_space<vmem>>
          %dma_start3A_649 = arith.constant 0 : i32
          %dma_start3A_650 = arith.constant 0 : i32
          %dma_start3A_651 = tpu.memref_slice %arg11[%dma_start3A_649, %dma_start3A_650] : memref<10240x128xf32, #tpu.memory_space<vmem_shared>> -> memref<10240x128xf32, #tpu.memory_space<vmem_shared>>
          tpu.enqueue_indirect_dma source(%arg9 : memref<128x128xf32, #tpu.memory_space<vmem>>) target(%dma_start3A_651 : memref<10240x128xf32, #tpu.memory_space<vmem_shared>>) offsets(%dma_start3A_648 : memref<128xi32, #tpu.memory_space<vmem>>) semaphore(%run_scoped3A : memref<!tpu.dma_semaphore, #tpu.memory_space<semaphore_mem>>) {add = true}
          %dma_wait3A_652 = arith.constant 0 : i32
          %dma_wait3A_653 = tpu.memref_slice %arg7[%add3A_624, %dma_wait3A_652] : memref<48x128xi32, #tpu.memory_space<vmem>> -> memref<1x128xi32, #tpu.memory_space<vmem>>
          %dma_wait3A_654 = tpu.memref_squeeze %dma_wait3A_653 : memref<1x128xi32, #tpu.memory_space<vmem>> -> memref<128xi32, #tpu.memory_space<vmem>>
          %dma_wait3A_655 = arith.constant 0 : i32
          %dma_wait3A_656 = arith.constant 0 : i32
          %dma_wait3A_657 = tpu.memref_slice %arg11[%dma_wait3A_655, %dma_wait3A_656] : memref<10240x128xf32, #tpu.memory_space<vmem_shared>> -> memref<10240x128xf32, #tpu.memory_space<vmem_shared>>
          tpu.wait_indirect_dma semaphore(%run_scoped3A : memref<!tpu.dma_semaphore, #tpu.memory_space<semaphore_mem>>) src(%arg9 : memref<128x128xf32, #tpu.memory_space<vmem>>) dst(%dma_wait3A_657 : memref<10240x128xf32, #tpu.memory_space<vmem_shared>>)
          tpu.yield
        }) : () -> ()
        %while3A_645 = arith.constant 0 : i32
        scf.yield %while3A_645 : i32
      }
      %while3A_616 = arith.constant 1 : i32
      %while3A_617 = scf.for %while3A_619 = %while3A_613 to %while3A_609 step %while3A_616 iter_args(%while3A_620 = %while3A_615) -> (i32)  : i32 {
        %mul3A_621 = arith.constant 2 : i32
        %mul3A_622 = arith.muli %mul3A_621, %while3A_619 : i32
        %add3A_623 = arith.constant 1 : i32
        %add3A_624 = arith.addi %mul3A_622, %add3A_623 : i32
        %dma_start3A_625 = arith.constant 0 : i32
        %dma_start3A_626 = tpu.memref_slice %arg6[%add3A_624, %dma_start3A_625] : memref<48x128xi32, #tpu.memory_space<vmem>> -> memref<1x128xi32, #tpu.memory_space<vmem>>
        %dma_start3A_627 = tpu.memref_squeeze %dma_start3A_626 : memref<1x128xi32, #tpu.memory_space<vmem>> -> memref<128xi32, #tpu.memory_space<vmem>>
        %dma_start3A_628 = arith.constant 0 : i32
        %dma_start3A_629 = arith.constant 0 : i32
        %dma_start3A_630 = tpu.memref_slice %arg2[%dma_start3A_628, %dma_start3A_629] : memref<10240x128xf32, #tpu.memory_space<hbm>> -> memref<10240x128xf32, #tpu.memory_space<hbm>>
        tpu.enqueue_indirect_dma source(%dma_start3A_630 : memref<10240x128xf32, #tpu.memory_space<hbm>>) target(%arg9 : memref<128x128xf32, #tpu.memory_space<vmem>>) offsets(%dma_start3A_627 : memref<128xi32, #tpu.memory_space<vmem>>) semaphore(%arg13 : memref<!tpu.dma_semaphore, #tpu.memory_space<semaphore_mem>>)
        %dma_wait3A = arith.constant 0 : i32
        %dma_wait3A_631 = tpu.memref_slice %arg6[%mul3A_622, %dma_wait3A] : memref<48x128xi32, #tpu.memory_space<vmem>> -> memref<1x128xi32, #tpu.memory_space<vmem>>
        %dma_wait3A_632 = tpu.memref_squeeze %dma_wait3A_631 : memref<1x128xi32, #tpu.memory_space<vmem>> -> memref<128xi32, #tpu.memory_space<vmem>>
        %dma_wait3A_633 = arith.constant 0 : i32
        %dma_wait3A_634 = arith.constant 0 : i32
        %dma_wait3A_635 = tpu.memref_slice %arg2[%dma_wait3A_633, %dma_wait3A_634] : memref<10240x128xf32, #tpu.memory_space<hbm>> -> memref<10240x128xf32, #tpu.memory_space<hbm>>
        tpu.wait_indirect_dma semaphore(%arg12 : memref<!tpu.dma_semaphore, #tpu.memory_space<semaphore_mem>>) src(%dma_wait3A_635 : memref<10240x128xf32, #tpu.memory_space<hbm>>) dst(%arg8 : memref<128x128xf32, #tpu.memory_space<vmem>>)
        "tpu.region"() ({
          %run_scoped3A = tpu.sem_alloc : memref<!tpu.dma_semaphore, #tpu.memory_space<semaphore_mem>>
          %dma_start3A_646 = arith.constant 0 : i32
          %dma_start3A_647 = tpu.memref_slice %arg7[%mul3A_622, %dma_start3A_646] : memref<48x128xi32, #tpu.memory_space<vmem>> -> memref<1x128xi32, #tpu.memory_space<vmem>>
          %dma_start3A_648 = tpu.memref_squeeze %dma_start3A_647 : memref<1x128xi32, #tpu.memory_space<vmem>> -> memref<128xi32, #tpu.memory_space<vmem>>
          %dma_start3A_649 = arith.constant 0 : i32
          %dma_start3A_650 = arith.constant 0 : i32
          %dma_start3A_651 = tpu.memref_slice %arg11[%dma_start3A_649, %dma_start3A_650] : memref<10240x128xf32, #tpu.memory_space<vmem_shared>> -> memref<10240x128xf32, #tpu.memory_space<vmem_shared>>
          tpu.enqueue_indirect_dma source(%arg8 : memref<128x128xf32, #tpu.memory_space<vmem>>) target(%dma_start3A_651 : memref<10240x128xf32, #tpu.memory_space<vmem_shared>>) offsets(%dma_start3A_648 : memref<128xi32, #tpu.memory_space<vmem>>) semaphore(%run_scoped3A : memref<!tpu.dma_semaphore, #tpu.memory_space<semaphore_mem>>) {add = true}
          %dma_wait3A_652 = arith.constant 0 : i32
          %dma_wait3A_653 = tpu.memref_slice %arg7[%mul3A_622, %dma_wait3A_652] : memref<48x128xi32, #tpu.memory_space<vmem>> -> memref<1x128xi32, #tpu.memory_space<vmem>>
          %dma_wait3A_654 = tpu.memref_squeeze %dma_wait3A_653 : memref<1x128xi32, #tpu.memory_space<vmem>> -> memref<128xi32, #tpu.memory_space<vmem>>
          %dma_wait3A_655 = arith.constant 0 : i32
          %dma_wait3A_656 = arith.constant 0 : i32
          %dma_wait3A_657 = tpu.memref_slice %arg11[%dma_wait3A_655, %dma_wait3A_656] : memref<10240x128xf32, #tpu.memory_space<vmem_shared>> -> memref<10240x128xf32, #tpu.memory_space<vmem_shared>>
          tpu.wait_indirect_dma semaphore(%run_scoped3A : memref<!tpu.dma_semaphore, #tpu.memory_space<semaphore_mem>>) src(%arg8 : memref<128x128xf32, #tpu.memory_space<vmem>>) dst(%dma_wait3A_657 : memref<10240x128xf32, #tpu.memory_space<vmem_shared>>)
          tpu.yield
        }) : () -> ()
        %add3A_636 = arith.constant 2 : i32
        %add3A_637 = arith.addi %mul3A_622, %add3A_636 : i32
        %lt3A = arith.cmpi slt, %add3A_637, %min3A_575 : i32
        %convert_element_type3A = arith.extui %lt3A : i1 to i32
        %cond3A = arith.constant 0 : i32
        %cond3A_638 = arith.cmpi ne, %convert_element_type3A, %cond3A : i32
        scf.if %cond3A_638 {
          %add3A_646 = arith.constant 2 : i32
          %add3A_647 = arith.addi %mul3A_622, %add3A_646 : i32
          %dma_start3A_648 = arith.constant 0 : i32
          %dma_start3A_649 = tpu.memref_slice %arg6[%add3A_647, %dma_start3A_648] : memref<48x128xi32, #tpu.memory_space<vmem>> -> memref<1x128xi32, #tpu.memory_space<vmem>>
          %dma_start3A_650 = tpu.memref_squeeze %dma_start3A_649 : memref<1x128xi32, #tpu.memory_space<vmem>> -> memref<128xi32, #tpu.memory_space<vmem>>
          %dma_start3A_651 = arith.constant 0 : i32
          %dma_start3A_652 = arith.constant 0 : i32
          %dma_start3A_653 = tpu.memref_slice %arg2[%dma_start3A_651, %dma_start3A_652] : memref<10240x128xf32, #tpu.memory_space<hbm>> -> memref<10240x128xf32, #tpu.memory_space<hbm>>
          tpu.enqueue_indirect_dma source(%dma_start3A_653 : memref<10240x128xf32, #tpu.memory_space<hbm>>) target(%arg8 : memref<128x128xf32, #tpu.memory_space<vmem>>) offsets(%dma_start3A_650 : memref<128xi32, #tpu.memory_space<vmem>>) semaphore(%arg12 : memref<!tpu.dma_semaphore, #tpu.memory_space<semaphore_mem>>)
        } else {
        }
        %dma_wait3A_639 = arith.constant 0 : i32
        %dma_wait3A_640 = tpu.memref_slice %arg6[%add3A_624, %dma_wait3A_639] : memref<48x128xi32, #tpu.memory_space<vmem>> -> memref<1x128xi32, #tpu.memory_space<vmem>>
        %dma_wait3A_641 = tpu.memref_squeeze %dma_wait3A_640 : memref<1x128xi32, #tpu.memory_space<vmem>> -> memref<128xi32, #tpu.memory_space<vmem>>
        %dma_wait3A_642 = arith.constant 0 : i32
        %dma_wait3A_643 = arith.constant 0 : i32
        %dma_wait3A_644 = tpu.memref_slice %arg2[%dma_wait3A_642, %dma_wait3A_643] : memref<10240x128xf32, #tpu.memory_space<hbm>> -> memref<10240x128xf32, #tpu.memory_space<hbm>>
        tpu.wait_indirect_dma semaphore(%arg13 : memref<!tpu.dma_semaphore, #tpu.memory_space<semaphore_mem>>) src(%dma_wait3A_644 : memref<10240x128xf32, #tpu.memory_space<hbm>>) dst(%arg9 : memref<128x128xf32, #tpu.memory_space<vmem>>)
        "tpu.region"() ({
          %run_scoped3A = tpu.sem_alloc : memref<!tpu.dma_semaphore, #tpu.memory_space<semaphore_mem>>
          %dma_start3A_646 = arith.constant 0 : i32
          %dma_start3A_647 = tpu.memref_slice %arg7[%add3A_624, %dma_start3A_646] : memref<48x128xi32, #tpu.memory_space<vmem>> -> memref<1x128xi32, #tpu.memory_space<vmem>>
          %dma_start3A_648 = tpu.memref_squeeze %dma_start3A_647 : memref<1x128xi32, #tpu.memory_space<vmem>> -> memref<128xi32, #tpu.memory_space<vmem>>
          %dma_start3A_649 = arith.constant 0 : i32
          %dma_start3A_650 = arith.constant 0 : i32
          %dma_start3A_651 = tpu.memref_slice %arg11[%dma_start3A_649, %dma_start3A_650] : memref<10240x128xf32, #tpu.memory_space<vmem_shared>> -> memref<10240x128xf32, #tpu.memory_space<vmem_shared>>
          tpu.enqueue_indirect_dma source(%arg9 : memref<128x128xf32, #tpu.memory_space<vmem>>) target(%dma_start3A_651 : memref<10240x128xf32, #tpu.memory_space<vmem_shared>>) offsets(%dma_start3A_648 : memref<128xi32, #tpu.memory_space<vmem>>) semaphore(%run_scoped3A : memref<!tpu.dma_semaphore, #tpu.memory_space<semaphore_mem>>) {add = true}
          %dma_wait3A_652 = arith.constant 0 : i32
          %dma_wait3A_653 = tpu.memref_slice %arg7[%add3A_624, %dma_wait3A_652] : memref<48x128xi32, #tpu.memory_space<vmem>> -> memref<1x128xi32, #tpu.memory_space<vmem>>
          %dma_wait3A_654 = tpu.memref_squeeze %dma_wait3A_653 : memref<1x128xi32, #tpu.memory_space<vmem>> -> memref<128xi32, #tpu.memory_space<vmem>>
          %dma_wait3A_655 = arith.constant 0 : i32
          %dma_wait3A_656 = arith.constant 0 : i32
          %dma_wait3A_657 = tpu.memref_slice %arg11[%dma_wait3A_655, %dma_wait3A_656] : memref<10240x128xf32, #tpu.memory_space<vmem_shared>> -> memref<10240x128xf32, #tpu.memory_space<vmem_shared>>
          tpu.wait_indirect_dma semaphore(%run_scoped3A : memref<!tpu.dma_semaphore, #tpu.memory_space<semaphore_mem>>) src(%arg9 : memref<128x128xf32, #tpu.memory_space<vmem>>) dst(%dma_wait3A_657 : memref<10240x128xf32, #tpu.memory_space<vmem_shared>>)
          tpu.yield
        }) : () -> ()
        %while3A_645 = arith.constant 0 : i32
        scf.yield %while3A_645 : i32
      }
      %while3A_618 = arith.constant 0 : i32
      scf.yield %while3A_618 : i32
    }
    %barrier3A_558 = arith.constant 0 : index
    tpu.barrier barrier_id(%barrier3A_558)
    %mul3A_559 = arith.constant 640 : i32
    %mul3A_560 = arith.muli %arg1, %mul3A_559 : i32
    %mul3A_561 = arith.constant 10240 : i32
    %mul3A_562 = arith.muli %arg0, %mul3A_561 : i32
    %mul3A_563 = arith.constant 640 : i32
    %mul3A_564 = arith.muli %arg1, %mul3A_563 : i32
    %add3A_565 = arith.addi %mul3A_562, %mul3A_564 : i32
    "tpu.region"() ({
      %run_scoped3A = tpu.sem_alloc : memref<!tpu.dma_semaphore, #tpu.memory_space<semaphore_mem>>
      %dma_start3A = arith.constant 0 : i32
      %dma_start3A_566 = tpu.memref_slice %arg5[%add3A_565, %dma_start3A] : memref<20480x128xf32, #tpu.memory_space<hbm>> -> memref<640x128xf32, #tpu.memory_space<hbm>>
      %dma_start3A_567 = arith.constant 0 : i32
      %dma_start3A_568 = tpu.memref_slice %arg11[%mul3A_560, %dma_start3A_567] : memref<10240x128xf32, #tpu.memory_space<vmem_shared>> -> memref<640x128xf32, #tpu.memory_space<vmem_shared>>
      tpu.enqueue_dma source(%dma_start3A_568 : memref<640x128xf32, #tpu.memory_space<vmem_shared>>) target(%dma_start3A_566 : memref<640x128xf32, #tpu.memory_space<hbm>>) target_semaphore(%run_scoped3A : memref<!tpu.dma_semaphore, #tpu.memory_space<semaphore_mem>>)
      %dma_wait3A = arith.constant 0 : i32
      %dma_wait3A_569 = tpu.memref_slice %arg5[%add3A_565, %dma_wait3A] : memref<20480x128xf32, #tpu.memory_space<hbm>> -> memref<640x128xf32, #tpu.memory_space<hbm>>
      %dma_wait3A_570 = arith.constant 0 : i32
      %dma_wait3A_571 = tpu.memref_slice %arg11[%mul3A_560, %dma_wait3A_570] : memref<10240x128xf32, #tpu.memory_space<vmem_shared>> -> memref<640x128xf32, #tpu.memory_space<vmem_shared>>
      tpu.wait_dma2 semaphore(%run_scoped3A : memref<!tpu.dma_semaphore, #tpu.memory_space<semaphore_mem>>) src(%dma_wait3A_571 : memref<640x128xf32, #tpu.memory_space<vmem_shared>>) dst(%dma_wait3A_569 : memref<640x128xf32, #tpu.memory_space<hbm>>)
      tpu.yield
    }) : () -> ()
    return
  }
}

#map = affine_map<(d0, d1) -> (0, 0)>
module attributes {stable_mosaic.version = 14 : i64} {
  func.func @deg_kernel(%arg0: i32, %arg1: i32, %arg2: memref<2608x128xi32, #tpu.memory_space<hbm>>, %arg3: memref<20480x16xf32, #tpu.memory_space<hbm>>, %arg4: memref<80x128xi32, #tpu.memory_space<vmem>>, %arg5: memref<128x16xf32, #tpu.memory_space<vmem>>, %arg6: memref<16x16xf32, #tpu.memory_space<vmem>>, %arg7: memref<10240x16xf32, #tpu.memory_space<vmem_shared>>) attributes {dimension_semantics = [#tpu.dimension_semantics<core_parallel>, #tpu.dimension_semantics<subcore_parallel>], iteration_bounds = array<i64: 2, 16>, scalar_prefetch = 0 : i64, scratch_operands = 4 : i64, tpu.core_type = #tpu.core_type<sc_vector_subcore>, window_params = [{transform_indices = #map}, {transform_indices = #map}]} {
    %mul3A = arith.constant 16 : i32
    %mul3A_0 = arith.muli %arg0, %mul3A : i32
    %add3A = arith.addi %mul3A_0, %arg1 : i32
    %broadcast_in_dim3A = arith.constant 0.000000e+00 : f32
    %broadcast_in_dim3A_1 = vector.broadcast %broadcast_in_dim3A : f32 to vector<16xf32>
    %swap3A = arith.constant 0 : i32
    %swap3A_2 = arith.index_cast %swap3A : i32 to index
    %swap3A_3 = arith.constant 0 : index
    %swap3A_4 = tpu.vector_load %arg6[%swap3A_2, %swap3A_3] {strides = array<i32>} : memref<16x16xf32, #tpu.memory_space<vmem>>, vector<1x16xf32>,
    %swap3A_5 = vector.shape_cast %swap3A_4 : vector<1x16xf32> to vector<16xf32>
    %swap3A_6 = vector.shape_cast %broadcast_in_dim3A_1 : vector<16xf32> to vector<1x16xf32>
    tpu.vector_store %arg6[%swap3A_2, %swap3A_3], %swap3A_6 {strides = array<i32>} : memref<16x16xf32, #tpu.memory_space<vmem>>, vector<1x16xf32>,
    %broadcast_in_dim3A_7 = arith.constant 0.000000e+00 : f32
    %broadcast_in_dim3A_8 = vector.broadcast %broadcast_in_dim3A_7 : f32 to vector<16xf32>
    %swap3A_9 = arith.constant 1 : i32
    %swap3A_10 = arith.index_cast %swap3A_9 : i32 to index
    %swap3A_11 = arith.constant 0 : index
    %swap3A_12 = tpu.vector_load %arg6[%swap3A_10, %swap3A_11] {strides = array<i32>} : memref<16x16xf32, #tpu.memory_space<vmem>>, vector<1x16xf32>,
    %swap3A_13 = vector.shape_cast %swap3A_12 : vector<1x16xf32> to vector<16xf32>
    %swap3A_14 = vector.shape_cast %broadcast_in_dim3A_8 : vector<16xf32> to vector<1x16xf32>
    tpu.vector_store %arg6[%swap3A_10, %swap3A_11], %swap3A_14 {strides = array<i32>} : memref<16x16xf32, #tpu.memory_space<vmem>>, vector<1x16xf32>,
    %broadcast_in_dim3A_15 = arith.constant 0.000000e+00 : f32
    %broadcast_in_dim3A_16 = vector.broadcast %broadcast_in_dim3A_15 : f32 to vector<16xf32>
    %swap3A_17 = arith.constant 2 : i32
    %swap3A_18 = arith.index_cast %swap3A_17 : i32 to index
    %swap3A_19 = arith.constant 0 : index
    %swap3A_20 = tpu.vector_load %arg6[%swap3A_18, %swap3A_19] {strides = array<i32>} : memref<16x16xf32, #tpu.memory_space<vmem>>, vector<1x16xf32>,
    %swap3A_21 = vector.shape_cast %swap3A_20 : vector<1x16xf32> to vector<16xf32>
    %swap3A_22 = vector.shape_cast %broadcast_in_dim3A_16 : vector<16xf32> to vector<1x16xf32>
    tpu.vector_store %arg6[%swap3A_18, %swap3A_19], %swap3A_22 {strides = array<i32>} : memref<16x16xf32, #tpu.memory_space<vmem>>, vector<1x16xf32>,
    %broadcast_in_dim3A_23 = arith.constant 0.000000e+00 : f32
    %broadcast_in_dim3A_24 = vector.broadcast %broadcast_in_dim3A_23 : f32 to vector<16xf32>
    %swap3A_25 = arith.constant 3 : i32
    %swap3A_26 = arith.index_cast %swap3A_25 : i32 to index
    %swap3A_27 = arith.constant 0 : index
    %swap3A_28 = tpu.vector_load %arg6[%swap3A_26, %swap3A_27] {strides = array<i32>} : memref<16x16xf32, #tpu.memory_space<vmem>>, vector<1x16xf32>,
    %swap3A_29 = vector.shape_cast %swap3A_28 : vector<1x16xf32> to vector<16xf32>
    %swap3A_30 = vector.shape_cast %broadcast_in_dim3A_24 : vector<16xf32> to vector<1x16xf32>
    tpu.vector_store %arg6[%swap3A_26, %swap3A_27], %swap3A_30 {strides = array<i32>} : memref<16x16xf32, #tpu.memory_space<vmem>>, vector<1x16xf32>,
    %broadcast_in_dim3A_31 = arith.constant 0.000000e+00 : f32
    %broadcast_in_dim3A_32 = vector.broadcast %broadcast_in_dim3A_31 : f32 to vector<16xf32>
    %swap3A_33 = arith.constant 4 : i32
    %swap3A_34 = arith.index_cast %swap3A_33 : i32 to index
    %swap3A_35 = arith.constant 0 : index
    %swap3A_36 = tpu.vector_load %arg6[%swap3A_34, %swap3A_35] {strides = array<i32>} : memref<16x16xf32, #tpu.memory_space<vmem>>, vector<1x16xf32>,
    %swap3A_37 = vector.shape_cast %swap3A_36 : vector<1x16xf32> to vector<16xf32>
    %swap3A_38 = vector.shape_cast %broadcast_in_dim3A_32 : vector<16xf32> to vector<1x16xf32>
    tpu.vector_store %arg6[%swap3A_34, %swap3A_35], %swap3A_38 {strides = array<i32>} : memref<16x16xf32, #tpu.memory_space<vmem>>, vector<1x16xf32>,
    %broadcast_in_dim3A_39 = arith.constant 0.000000e+00 : f32
    %broadcast_in_dim3A_40 = vector.broadcast %broadcast_in_dim3A_39 : f32 to vector<16xf32>
    %swap3A_41 = arith.constant 5 : i32
    %swap3A_42 = arith.index_cast %swap3A_41 : i32 to index
    %swap3A_43 = arith.constant 0 : index
    %swap3A_44 = tpu.vector_load %arg6[%swap3A_42, %swap3A_43] {strides = array<i32>} : memref<16x16xf32, #tpu.memory_space<vmem>>, vector<1x16xf32>,
    %swap3A_45 = vector.shape_cast %swap3A_44 : vector<1x16xf32> to vector<16xf32>
    %swap3A_46 = vector.shape_cast %broadcast_in_dim3A_40 : vector<16xf32> to vector<1x16xf32>
    tpu.vector_store %arg6[%swap3A_42, %swap3A_43], %swap3A_46 {strides = array<i32>} : memref<16x16xf32, #tpu.memory_space<vmem>>, vector<1x16xf32>,
    %broadcast_in_dim3A_47 = arith.constant 0.000000e+00 : f32
    %broadcast_in_dim3A_48 = vector.broadcast %broadcast_in_dim3A_47 : f32 to vector<16xf32>
    %swap3A_49 = arith.constant 6 : i32
    %swap3A_50 = arith.index_cast %swap3A_49 : i32 to index
    %swap3A_51 = arith.constant 0 : index
    %swap3A_52 = tpu.vector_load %arg6[%swap3A_50, %swap3A_51] {strides = array<i32>} : memref<16x16xf32, #tpu.memory_space<vmem>>, vector<1x16xf32>,
    %swap3A_53 = vector.shape_cast %swap3A_52 : vector<1x16xf32> to vector<16xf32>
    %swap3A_54 = vector.shape_cast %broadcast_in_dim3A_48 : vector<16xf32> to vector<1x16xf32>
    tpu.vector_store %arg6[%swap3A_50, %swap3A_51], %swap3A_54 {strides = array<i32>} : memref<16x16xf32, #tpu.memory_space<vmem>>, vector<1x16xf32>,
    %broadcast_in_dim3A_55 = arith.constant 0.000000e+00 : f32
    %broadcast_in_dim3A_56 = vector.broadcast %broadcast_in_dim3A_55 : f32 to vector<16xf32>
    %swap3A_57 = arith.constant 7 : i32
    %swap3A_58 = arith.index_cast %swap3A_57 : i32 to index
    %swap3A_59 = arith.constant 0 : index
    %swap3A_60 = tpu.vector_load %arg6[%swap3A_58, %swap3A_59] {strides = array<i32>} : memref<16x16xf32, #tpu.memory_space<vmem>>, vector<1x16xf32>,
    %swap3A_61 = vector.shape_cast %swap3A_60 : vector<1x16xf32> to vector<16xf32>
    %swap3A_62 = vector.shape_cast %broadcast_in_dim3A_56 : vector<16xf32> to vector<1x16xf32>
    tpu.vector_store %arg6[%swap3A_58, %swap3A_59], %swap3A_62 {strides = array<i32>} : memref<16x16xf32, #tpu.memory_space<vmem>>, vector<1x16xf32>,
    %broadcast_in_dim3A_63 = arith.constant 0.000000e+00 : f32
    %broadcast_in_dim3A_64 = vector.broadcast %broadcast_in_dim3A_63 : f32 to vector<16xf32>
    %swap3A_65 = arith.constant 8 : i32
    %swap3A_66 = arith.index_cast %swap3A_65 : i32 to index
    %swap3A_67 = arith.constant 0 : index
    %swap3A_68 = tpu.vector_load %arg6[%swap3A_66, %swap3A_67] {strides = array<i32>} : memref<16x16xf32, #tpu.memory_space<vmem>>, vector<1x16xf32>,
    %swap3A_69 = vector.shape_cast %swap3A_68 : vector<1x16xf32> to vector<16xf32>
    %swap3A_70 = vector.shape_cast %broadcast_in_dim3A_64 : vector<16xf32> to vector<1x16xf32>
    tpu.vector_store %arg6[%swap3A_66, %swap3A_67], %swap3A_70 {strides = array<i32>} : memref<16x16xf32, #tpu.memory_space<vmem>>, vector<1x16xf32>,
    %broadcast_in_dim3A_71 = arith.constant 0.000000e+00 : f32
    %broadcast_in_dim3A_72 = vector.broadcast %broadcast_in_dim3A_71 : f32 to vector<16xf32>
    %swap3A_73 = arith.constant 9 : i32
    %swap3A_74 = arith.index_cast %swap3A_73 : i32 to index
    %swap3A_75 = arith.constant 0 : index
    %swap3A_76 = tpu.vector_load %arg6[%swap3A_74, %swap3A_75] {strides = array<i32>} : memref<16x16xf32, #tpu.memory_space<vmem>>, vector<1x16xf32>,
    %swap3A_77 = vector.shape_cast %swap3A_76 : vector<1x16xf32> to vector<16xf32>
    %swap3A_78 = vector.shape_cast %broadcast_in_dim3A_72 : vector<16xf32> to vector<1x16xf32>
    tpu.vector_store %arg6[%swap3A_74, %swap3A_75], %swap3A_78 {strides = array<i32>} : memref<16x16xf32, #tpu.memory_space<vmem>>, vector<1x16xf32>,
    %broadcast_in_dim3A_79 = arith.constant 0.000000e+00 : f32
    %broadcast_in_dim3A_80 = vector.broadcast %broadcast_in_dim3A_79 : f32 to vector<16xf32>
    %swap3A_81 = arith.constant 10 : i32
    %swap3A_82 = arith.index_cast %swap3A_81 : i32 to index
    %swap3A_83 = arith.constant 0 : index
    %swap3A_84 = tpu.vector_load %arg6[%swap3A_82, %swap3A_83] {strides = array<i32>} : memref<16x16xf32, #tpu.memory_space<vmem>>, vector<1x16xf32>,
    %swap3A_85 = vector.shape_cast %swap3A_84 : vector<1x16xf32> to vector<16xf32>
    %swap3A_86 = vector.shape_cast %broadcast_in_dim3A_80 : vector<16xf32> to vector<1x16xf32>
    tpu.vector_store %arg6[%swap3A_82, %swap3A_83], %swap3A_86 {strides = array<i32>} : memref<16x16xf32, #tpu.memory_space<vmem>>, vector<1x16xf32>,
    %broadcast_in_dim3A_87 = arith.constant 0.000000e+00 : f32
    %broadcast_in_dim3A_88 = vector.broadcast %broadcast_in_dim3A_87 : f32 to vector<16xf32>
    %swap3A_89 = arith.constant 11 : i32
    %swap3A_90 = arith.index_cast %swap3A_89 : i32 to index
    %swap3A_91 = arith.constant 0 : index
    %swap3A_92 = tpu.vector_load %arg6[%swap3A_90, %swap3A_91] {strides = array<i32>} : memref<16x16xf32, #tpu.memory_space<vmem>>, vector<1x16xf32>,
    %swap3A_93 = vector.shape_cast %swap3A_92 : vector<1x16xf32> to vector<16xf32>
    %swap3A_94 = vector.shape_cast %broadcast_in_dim3A_88 : vector<16xf32> to vector<1x16xf32>
    tpu.vector_store %arg6[%swap3A_90, %swap3A_91], %swap3A_94 {strides = array<i32>} : memref<16x16xf32, #tpu.memory_space<vmem>>, vector<1x16xf32>,
    %broadcast_in_dim3A_95 = arith.constant 0.000000e+00 : f32
    %broadcast_in_dim3A_96 = vector.broadcast %broadcast_in_dim3A_95 : f32 to vector<16xf32>
    %swap3A_97 = arith.constant 12 : i32
    %swap3A_98 = arith.index_cast %swap3A_97 : i32 to index
    %swap3A_99 = arith.constant 0 : index
    %swap3A_100 = tpu.vector_load %arg6[%swap3A_98, %swap3A_99] {strides = array<i32>} : memref<16x16xf32, #tpu.memory_space<vmem>>, vector<1x16xf32>,
    %swap3A_101 = vector.shape_cast %swap3A_100 : vector<1x16xf32> to vector<16xf32>
    %swap3A_102 = vector.shape_cast %broadcast_in_dim3A_96 : vector<16xf32> to vector<1x16xf32>
    tpu.vector_store %arg6[%swap3A_98, %swap3A_99], %swap3A_102 {strides = array<i32>} : memref<16x16xf32, #tpu.memory_space<vmem>>, vector<1x16xf32>,
    %broadcast_in_dim3A_103 = arith.constant 0.000000e+00 : f32
    %broadcast_in_dim3A_104 = vector.broadcast %broadcast_in_dim3A_103 : f32 to vector<16xf32>
    %swap3A_105 = arith.constant 13 : i32
    %swap3A_106 = arith.index_cast %swap3A_105 : i32 to index
    %swap3A_107 = arith.constant 0 : index
    %swap3A_108 = tpu.vector_load %arg6[%swap3A_106, %swap3A_107] {strides = array<i32>} : memref<16x16xf32, #tpu.memory_space<vmem>>, vector<1x16xf32>,
    %swap3A_109 = vector.shape_cast %swap3A_108 : vector<1x16xf32> to vector<16xf32>
    %swap3A_110 = vector.shape_cast %broadcast_in_dim3A_104 : vector<16xf32> to vector<1x16xf32>
    tpu.vector_store %arg6[%swap3A_106, %swap3A_107], %swap3A_110 {strides = array<i32>} : memref<16x16xf32, #tpu.memory_space<vmem>>, vector<1x16xf32>,
    %broadcast_in_dim3A_111 = arith.constant 0.000000e+00 : f32
    %broadcast_in_dim3A_112 = vector.broadcast %broadcast_in_dim3A_111 : f32 to vector<16xf32>
    %swap3A_113 = arith.constant 14 : i32
    %swap3A_114 = arith.index_cast %swap3A_113 : i32 to index
    %swap3A_115 = arith.constant 0 : index
    %swap3A_116 = tpu.vector_load %arg6[%swap3A_114, %swap3A_115] {strides = array<i32>} : memref<16x16xf32, #tpu.memory_space<vmem>>, vector<1x16xf32>,
    %swap3A_117 = vector.shape_cast %swap3A_116 : vector<1x16xf32> to vector<16xf32>
    %swap3A_118 = vector.shape_cast %broadcast_in_dim3A_112 : vector<16xf32> to vector<1x16xf32>
    tpu.vector_store %arg6[%swap3A_114, %swap3A_115], %swap3A_118 {strides = array<i32>} : memref<16x16xf32, #tpu.memory_space<vmem>>, vector<1x16xf32>,
    %broadcast_in_dim3A_119 = arith.constant 0.000000e+00 : f32
    %broadcast_in_dim3A_120 = vector.broadcast %broadcast_in_dim3A_119 : f32 to vector<16xf32>
    %swap3A_121 = arith.constant 15 : i32
    %swap3A_122 = arith.index_cast %swap3A_121 : i32 to index
    %swap3A_123 = arith.constant 0 : index
    %swap3A_124 = tpu.vector_load %arg6[%swap3A_122, %swap3A_123] {strides = array<i32>} : memref<16x16xf32, #tpu.memory_space<vmem>>, vector<1x16xf32>,
    %swap3A_125 = vector.shape_cast %swap3A_124 : vector<1x16xf32> to vector<16xf32>
    %swap3A_126 = vector.shape_cast %broadcast_in_dim3A_120 : vector<16xf32> to vector<1x16xf32>
    tpu.vector_store %arg6[%swap3A_122, %swap3A_123], %swap3A_126 {strides = array<i32>} : memref<16x16xf32, #tpu.memory_space<vmem>>, vector<1x16xf32>,
    %broadcast_in_dim3A_127 = arith.constant 1.000000e+00 : f32
    %broadcast_in_dim3A_128 = vector.broadcast %broadcast_in_dim3A_127 : f32 to vector<16xf32>
    %swap3A_129 = arith.constant 0 : i32
    %swap3A_130 = arith.index_cast %swap3A_129 : i32 to index
    %swap3A_131 = arith.constant 0 : index
    %swap3A_132 = tpu.vector_load %arg5[%swap3A_130, %swap3A_131] {strides = array<i32>} : memref<128x16xf32, #tpu.memory_space<vmem>>, vector<1x16xf32>,
    %swap3A_133 = vector.shape_cast %swap3A_132 : vector<1x16xf32> to vector<16xf32>
    %swap3A_134 = vector.shape_cast %broadcast_in_dim3A_128 : vector<16xf32> to vector<1x16xf32>
    tpu.vector_store %arg5[%swap3A_130, %swap3A_131], %swap3A_134 {strides = array<i32>} : memref<128x16xf32, #tpu.memory_space<vmem>>, vector<1x16xf32>,
    %broadcast_in_dim3A_135 = arith.constant 1.000000e+00 : f32
    %broadcast_in_dim3A_136 = vector.broadcast %broadcast_in_dim3A_135 : f32 to vector<16xf32>
    %swap3A_137 = arith.constant 1 : i32
    %swap3A_138 = arith.index_cast %swap3A_137 : i32 to index
    %swap3A_139 = arith.constant 0 : index
    %swap3A_140 = tpu.vector_load %arg5[%swap3A_138, %swap3A_139] {strides = array<i32>} : memref<128x16xf32, #tpu.memory_space<vmem>>, vector<1x16xf32>,
    %swap3A_141 = vector.shape_cast %swap3A_140 : vector<1x16xf32> to vector<16xf32>
    %swap3A_142 = vector.shape_cast %broadcast_in_dim3A_136 : vector<16xf32> to vector<1x16xf32>
    tpu.vector_store %arg5[%swap3A_138, %swap3A_139], %swap3A_142 {strides = array<i32>} : memref<128x16xf32, #tpu.memory_space<vmem>>, vector<1x16xf32>,
    %broadcast_in_dim3A_143 = arith.constant 1.000000e+00 : f32
    %broadcast_in_dim3A_144 = vector.broadcast %broadcast_in_dim3A_143 : f32 to vector<16xf32>
    %swap3A_145 = arith.constant 2 : i32
    %swap3A_146 = arith.index_cast %swap3A_145 : i32 to index
    %swap3A_147 = arith.constant 0 : index
    %swap3A_148 = tpu.vector_load %arg5[%swap3A_146, %swap3A_147] {strides = array<i32>} : memref<128x16xf32, #tpu.memory_space<vmem>>, vector<1x16xf32>,
    %swap3A_149 = vector.shape_cast %swap3A_148 : vector<1x16xf32> to vector<16xf32>
    %swap3A_150 = vector.shape_cast %broadcast_in_dim3A_144 : vector<16xf32> to vector<1x16xf32>
    tpu.vector_store %arg5[%swap3A_146, %swap3A_147], %swap3A_150 {strides = array<i32>} : memref<128x16xf32, #tpu.memory_space<vmem>>, vector<1x16xf32>,
    %broadcast_in_dim3A_151 = arith.constant 1.000000e+00 : f32
    %broadcast_in_dim3A_152 = vector.broadcast %broadcast_in_dim3A_151 : f32 to vector<16xf32>
    %swap3A_153 = arith.constant 3 : i32
    %swap3A_154 = arith.index_cast %swap3A_153 : i32 to index
    %swap3A_155 = arith.constant 0 : index
    %swap3A_156 = tpu.vector_load %arg5[%swap3A_154, %swap3A_155] {strides = array<i32>} : memref<128x16xf32, #tpu.memory_space<vmem>>, vector<1x16xf32>,
    %swap3A_157 = vector.shape_cast %swap3A_156 : vector<1x16xf32> to vector<16xf32>
    %swap3A_158 = vector.shape_cast %broadcast_in_dim3A_152 : vector<16xf32> to vector<1x16xf32>
    tpu.vector_store %arg5[%swap3A_154, %swap3A_155], %swap3A_158 {strides = array<i32>} : memref<128x16xf32, #tpu.memory_space<vmem>>, vector<1x16xf32>,
    %broadcast_in_dim3A_159 = arith.constant 1.000000e+00 : f32
    %broadcast_in_dim3A_160 = vector.broadcast %broadcast_in_dim3A_159 : f32 to vector<16xf32>
    %swap3A_161 = arith.constant 4 : i32
    %swap3A_162 = arith.index_cast %swap3A_161 : i32 to index
    %swap3A_163 = arith.constant 0 : index
    %swap3A_164 = tpu.vector_load %arg5[%swap3A_162, %swap3A_163] {strides = array<i32>} : memref<128x16xf32, #tpu.memory_space<vmem>>, vector<1x16xf32>,
    %swap3A_165 = vector.shape_cast %swap3A_164 : vector<1x16xf32> to vector<16xf32>
    %swap3A_166 = vector.shape_cast %broadcast_in_dim3A_160 : vector<16xf32> to vector<1x16xf32>
    tpu.vector_store %arg5[%swap3A_162, %swap3A_163], %swap3A_166 {strides = array<i32>} : memref<128x16xf32, #tpu.memory_space<vmem>>, vector<1x16xf32>,
    %broadcast_in_dim3A_167 = arith.constant 1.000000e+00 : f32
    %broadcast_in_dim3A_168 = vector.broadcast %broadcast_in_dim3A_167 : f32 to vector<16xf32>
    %swap3A_169 = arith.constant 5 : i32
    %swap3A_170 = arith.index_cast %swap3A_169 : i32 to index
    %swap3A_171 = arith.constant 0 : index
    %swap3A_172 = tpu.vector_load %arg5[%swap3A_170, %swap3A_171] {strides = array<i32>} : memref<128x16xf32, #tpu.memory_space<vmem>>, vector<1x16xf32>,
    %swap3A_173 = vector.shape_cast %swap3A_172 : vector<1x16xf32> to vector<16xf32>
    %swap3A_174 = vector.shape_cast %broadcast_in_dim3A_168 : vector<16xf32> to vector<1x16xf32>
    tpu.vector_store %arg5[%swap3A_170, %swap3A_171], %swap3A_174 {strides = array<i32>} : memref<128x16xf32, #tpu.memory_space<vmem>>, vector<1x16xf32>,
    %broadcast_in_dim3A_175 = arith.constant 1.000000e+00 : f32
    %broadcast_in_dim3A_176 = vector.broadcast %broadcast_in_dim3A_175 : f32 to vector<16xf32>
    %swap3A_177 = arith.constant 6 : i32
    %swap3A_178 = arith.index_cast %swap3A_177 : i32 to index
    %swap3A_179 = arith.constant 0 : index
    %swap3A_180 = tpu.vector_load %arg5[%swap3A_178, %swap3A_179] {strides = array<i32>} : memref<128x16xf32, #tpu.memory_space<vmem>>, vector<1x16xf32>,
    %swap3A_181 = vector.shape_cast %swap3A_180 : vector<1x16xf32> to vector<16xf32>
    %swap3A_182 = vector.shape_cast %broadcast_in_dim3A_176 : vector<16xf32> to vector<1x16xf32>
    tpu.vector_store %arg5[%swap3A_178, %swap3A_179], %swap3A_182 {strides = array<i32>} : memref<128x16xf32, #tpu.memory_space<vmem>>, vector<1x16xf32>,
    %broadcast_in_dim3A_183 = arith.constant 1.000000e+00 : f32
    %broadcast_in_dim3A_184 = vector.broadcast %broadcast_in_dim3A_183 : f32 to vector<16xf32>
    %swap3A_185 = arith.constant 7 : i32
    %swap3A_186 = arith.index_cast %swap3A_185 : i32 to index
    %swap3A_187 = arith.constant 0 : index
    %swap3A_188 = tpu.vector_load %arg5[%swap3A_186, %swap3A_187] {strides = array<i32>} : memref<128x16xf32, #tpu.memory_space<vmem>>, vector<1x16xf32>,
    %swap3A_189 = vector.shape_cast %swap3A_188 : vector<1x16xf32> to vector<16xf32>
    %swap3A_190 = vector.shape_cast %broadcast_in_dim3A_184 : vector<16xf32> to vector<1x16xf32>
    tpu.vector_store %arg5[%swap3A_186, %swap3A_187], %swap3A_190 {strides = array<i32>} : memref<128x16xf32, #tpu.memory_space<vmem>>, vector<1x16xf32>,
    %broadcast_in_dim3A_191 = arith.constant 1.000000e+00 : f32
    %broadcast_in_dim3A_192 = vector.broadcast %broadcast_in_dim3A_191 : f32 to vector<16xf32>
    %swap3A_193 = arith.constant 8 : i32
    %swap3A_194 = arith.index_cast %swap3A_193 : i32 to index
    %swap3A_195 = arith.constant 0 : index
    %swap3A_196 = tpu.vector_load %arg5[%swap3A_194, %swap3A_195] {strides = array<i32>} : memref<128x16xf32, #tpu.memory_space<vmem>>, vector<1x16xf32>,
    %swap3A_197 = vector.shape_cast %swap3A_196 : vector<1x16xf32> to vector<16xf32>
    %swap3A_198 = vector.shape_cast %broadcast_in_dim3A_192 : vector<16xf32> to vector<1x16xf32>
    tpu.vector_store %arg5[%swap3A_194, %swap3A_195], %swap3A_198 {strides = array<i32>} : memref<128x16xf32, #tpu.memory_space<vmem>>, vector<1x16xf32>,
    %broadcast_in_dim3A_199 = arith.constant 1.000000e+00 : f32
    %broadcast_in_dim3A_200 = vector.broadcast %broadcast_in_dim3A_199 : f32 to vector<16xf32>
    %swap3A_201 = arith.constant 9 : i32
    %swap3A_202 = arith.index_cast %swap3A_201 : i32 to index
    %swap3A_203 = arith.constant 0 : index
    %swap3A_204 = tpu.vector_load %arg5[%swap3A_202, %swap3A_203] {strides = array<i32>} : memref<128x16xf32, #tpu.memory_space<vmem>>, vector<1x16xf32>,
    %swap3A_205 = vector.shape_cast %swap3A_204 : vector<1x16xf32> to vector<16xf32>
    %swap3A_206 = vector.shape_cast %broadcast_in_dim3A_200 : vector<16xf32> to vector<1x16xf32>
    tpu.vector_store %arg5[%swap3A_202, %swap3A_203], %swap3A_206 {strides = array<i32>} : memref<128x16xf32, #tpu.memory_space<vmem>>, vector<1x16xf32>,
    %broadcast_in_dim3A_207 = arith.constant 1.000000e+00 : f32
    %broadcast_in_dim3A_208 = vector.broadcast %broadcast_in_dim3A_207 : f32 to vector<16xf32>
    %swap3A_209 = arith.constant 10 : i32
    %swap3A_210 = arith.index_cast %swap3A_209 : i32 to index
    %swap3A_211 = arith.constant 0 : index
    %swap3A_212 = tpu.vector_load %arg5[%swap3A_210, %swap3A_211] {strides = array<i32>} : memref<128x16xf32, #tpu.memory_space<vmem>>, vector<1x16xf32>,
    %swap3A_213 = vector.shape_cast %swap3A_212 : vector<1x16xf32> to vector<16xf32>
    %swap3A_214 = vector.shape_cast %broadcast_in_dim3A_208 : vector<16xf32> to vector<1x16xf32>
    tpu.vector_store %arg5[%swap3A_210, %swap3A_211], %swap3A_214 {strides = array<i32>} : memref<128x16xf32, #tpu.memory_space<vmem>>, vector<1x16xf32>,
    %broadcast_in_dim3A_215 = arith.constant 1.000000e+00 : f32
    %broadcast_in_dim3A_216 = vector.broadcast %broadcast_in_dim3A_215 : f32 to vector<16xf32>
    %swap3A_217 = arith.constant 11 : i32
    %swap3A_218 = arith.index_cast %swap3A_217 : i32 to index
    %swap3A_219 = arith.constant 0 : index
    %swap3A_220 = tpu.vector_load %arg5[%swap3A_218, %swap3A_219] {strides = array<i32>} : memref<128x16xf32, #tpu.memory_space<vmem>>, vector<1x16xf32>,
    %swap3A_221 = vector.shape_cast %swap3A_220 : vector<1x16xf32> to vector<16xf32>
    %swap3A_222 = vector.shape_cast %broadcast_in_dim3A_216 : vector<16xf32> to vector<1x16xf32>
    tpu.vector_store %arg5[%swap3A_218, %swap3A_219], %swap3A_222 {strides = array<i32>} : memref<128x16xf32, #tpu.memory_space<vmem>>, vector<1x16xf32>,
    %broadcast_in_dim3A_223 = arith.constant 1.000000e+00 : f32
    %broadcast_in_dim3A_224 = vector.broadcast %broadcast_in_dim3A_223 : f32 to vector<16xf32>
    %swap3A_225 = arith.constant 12 : i32
    %swap3A_226 = arith.index_cast %swap3A_225 : i32 to index
    %swap3A_227 = arith.constant 0 : index
    %swap3A_228 = tpu.vector_load %arg5[%swap3A_226, %swap3A_227] {strides = array<i32>} : memref<128x16xf32, #tpu.memory_space<vmem>>, vector<1x16xf32>,
    %swap3A_229 = vector.shape_cast %swap3A_228 : vector<1x16xf32> to vector<16xf32>
    %swap3A_230 = vector.shape_cast %broadcast_in_dim3A_224 : vector<16xf32> to vector<1x16xf32>
    tpu.vector_store %arg5[%swap3A_226, %swap3A_227], %swap3A_230 {strides = array<i32>} : memref<128x16xf32, #tpu.memory_space<vmem>>, vector<1x16xf32>,
    %broadcast_in_dim3A_231 = arith.constant 1.000000e+00 : f32
    %broadcast_in_dim3A_232 = vector.broadcast %broadcast_in_dim3A_231 : f32 to vector<16xf32>
    %swap3A_233 = arith.constant 13 : i32
    %swap3A_234 = arith.index_cast %swap3A_233 : i32 to index
    %swap3A_235 = arith.constant 0 : index
    %swap3A_236 = tpu.vector_load %arg5[%swap3A_234, %swap3A_235] {strides = array<i32>} : memref<128x16xf32, #tpu.memory_space<vmem>>, vector<1x16xf32>,
    %swap3A_237 = vector.shape_cast %swap3A_236 : vector<1x16xf32> to vector<16xf32>
    %swap3A_238 = vector.shape_cast %broadcast_in_dim3A_232 : vector<16xf32> to vector<1x16xf32>
    tpu.vector_store %arg5[%swap3A_234, %swap3A_235], %swap3A_238 {strides = array<i32>} : memref<128x16xf32, #tpu.memory_space<vmem>>, vector<1x16xf32>,
    %broadcast_in_dim3A_239 = arith.constant 1.000000e+00 : f32
    %broadcast_in_dim3A_240 = vector.broadcast %broadcast_in_dim3A_239 : f32 to vector<16xf32>
    %swap3A_241 = arith.constant 14 : i32
    %swap3A_242 = arith.index_cast %swap3A_241 : i32 to index
    %swap3A_243 = arith.constant 0 : index
    %swap3A_244 = tpu.vector_load %arg5[%swap3A_242, %swap3A_243] {strides = array<i32>} : memref<128x16xf32, #tpu.memory_space<vmem>>, vector<1x16xf32>,
    %swap3A_245 = vector.shape_cast %swap3A_244 : vector<1x16xf32> to vector<16xf32>
    %swap3A_246 = vector.shape_cast %broadcast_in_dim3A_240 : vector<16xf32> to vector<1x16xf32>
    tpu.vector_store %arg5[%swap3A_242, %swap3A_243], %swap3A_246 {strides = array<i32>} : memref<128x16xf32, #tpu.memory_space<vmem>>, vector<1x16xf32>,
    %broadcast_in_dim3A_247 = arith.constant 1.000000e+00 : f32
    %broadcast_in_dim3A_248 = vector.broadcast %broadcast_in_dim3A_247 : f32 to vector<16xf32>
    %swap3A_249 = arith.constant 15 : i32
    %swap3A_250 = arith.index_cast %swap3A_249 : i32 to index
    %swap3A_251 = arith.constant 0 : index
    %swap3A_252 = tpu.vector_load %arg5[%swap3A_250, %swap3A_251] {strides = array<i32>} : memref<128x16xf32, #tpu.memory_space<vmem>>, vector<1x16xf32>,
    %swap3A_253 = vector.shape_cast %swap3A_252 : vector<1x16xf32> to vector<16xf32>
    %swap3A_254 = vector.shape_cast %broadcast_in_dim3A_248 : vector<16xf32> to vector<1x16xf32>
    tpu.vector_store %arg5[%swap3A_250, %swap3A_251], %swap3A_254 {strides = array<i32>} : memref<128x16xf32, #tpu.memory_space<vmem>>, vector<1x16xf32>,
    %broadcast_in_dim3A_255 = arith.constant 1.000000e+00 : f32
    %broadcast_in_dim3A_256 = vector.broadcast %broadcast_in_dim3A_255 : f32 to vector<16xf32>
    %swap3A_257 = arith.constant 16 : i32
    %swap3A_258 = arith.index_cast %swap3A_257 : i32 to index
    %swap3A_259 = arith.constant 0 : index
    %swap3A_260 = tpu.vector_load %arg5[%swap3A_258, %swap3A_259] {strides = array<i32>} : memref<128x16xf32, #tpu.memory_space<vmem>>, vector<1x16xf32>,
    %swap3A_261 = vector.shape_cast %swap3A_260 : vector<1x16xf32> to vector<16xf32>
    %swap3A_262 = vector.shape_cast %broadcast_in_dim3A_256 : vector<16xf32> to vector<1x16xf32>
    tpu.vector_store %arg5[%swap3A_258, %swap3A_259], %swap3A_262 {strides = array<i32>} : memref<128x16xf32, #tpu.memory_space<vmem>>, vector<1x16xf32>,
    %broadcast_in_dim3A_263 = arith.constant 1.000000e+00 : f32
    %broadcast_in_dim3A_264 = vector.broadcast %broadcast_in_dim3A_263 : f32 to vector<16xf32>
    %swap3A_265 = arith.constant 17 : i32
    %swap3A_266 = arith.index_cast %swap3A_265 : i32 to index
    %swap3A_267 = arith.constant 0 : index
    %swap3A_268 = tpu.vector_load %arg5[%swap3A_266, %swap3A_267] {strides = array<i32>} : memref<128x16xf32, #tpu.memory_space<vmem>>, vector<1x16xf32>,
    %swap3A_269 = vector.shape_cast %swap3A_268 : vector<1x16xf32> to vector<16xf32>
    %swap3A_270 = vector.shape_cast %broadcast_in_dim3A_264 : vector<16xf32> to vector<1x16xf32>
    tpu.vector_store %arg5[%swap3A_266, %swap3A_267], %swap3A_270 {strides = array<i32>} : memref<128x16xf32, #tpu.memory_space<vmem>>, vector<1x16xf32>,
    %broadcast_in_dim3A_271 = arith.constant 1.000000e+00 : f32
    %broadcast_in_dim3A_272 = vector.broadcast %broadcast_in_dim3A_271 : f32 to vector<16xf32>
    %swap3A_273 = arith.constant 18 : i32
    %swap3A_274 = arith.index_cast %swap3A_273 : i32 to index
    %swap3A_275 = arith.constant 0 : index
    %swap3A_276 = tpu.vector_load %arg5[%swap3A_274, %swap3A_275] {strides = array<i32>} : memref<128x16xf32, #tpu.memory_space<vmem>>, vector<1x16xf32>,
    %swap3A_277 = vector.shape_cast %swap3A_276 : vector<1x16xf32> to vector<16xf32>
    %swap3A_278 = vector.shape_cast %broadcast_in_dim3A_272 : vector<16xf32> to vector<1x16xf32>
    tpu.vector_store %arg5[%swap3A_274, %swap3A_275], %swap3A_278 {strides = array<i32>} : memref<128x16xf32, #tpu.memory_space<vmem>>, vector<1x16xf32>,
    %broadcast_in_dim3A_279 = arith.constant 1.000000e+00 : f32
    %broadcast_in_dim3A_280 = vector.broadcast %broadcast_in_dim3A_279 : f32 to vector<16xf32>
    %swap3A_281 = arith.constant 19 : i32
    %swap3A_282 = arith.index_cast %swap3A_281 : i32 to index
    %swap3A_283 = arith.constant 0 : index
    %swap3A_284 = tpu.vector_load %arg5[%swap3A_282, %swap3A_283] {strides = array<i32>} : memref<128x16xf32, #tpu.memory_space<vmem>>, vector<1x16xf32>,
    %swap3A_285 = vector.shape_cast %swap3A_284 : vector<1x16xf32> to vector<16xf32>
    %swap3A_286 = vector.shape_cast %broadcast_in_dim3A_280 : vector<16xf32> to vector<1x16xf32>
    tpu.vector_store %arg5[%swap3A_282, %swap3A_283], %swap3A_286 {strides = array<i32>} : memref<128x16xf32, #tpu.memory_space<vmem>>, vector<1x16xf32>,
    %broadcast_in_dim3A_287 = arith.constant 1.000000e+00 : f32
    %broadcast_in_dim3A_288 = vector.broadcast %broadcast_in_dim3A_287 : f32 to vector<16xf32>
    %swap3A_289 = arith.constant 20 : i32
    %swap3A_290 = arith.index_cast %swap3A_289 : i32 to index
    %swap3A_291 = arith.constant 0 : index
    %swap3A_292 = tpu.vector_load %arg5[%swap3A_290, %swap3A_291] {strides = array<i32>} : memref<128x16xf32, #tpu.memory_space<vmem>>, vector<1x16xf32>,
    %swap3A_293 = vector.shape_cast %swap3A_292 : vector<1x16xf32> to vector<16xf32>
    %swap3A_294 = vector.shape_cast %broadcast_in_dim3A_288 : vector<16xf32> to vector<1x16xf32>
    tpu.vector_store %arg5[%swap3A_290, %swap3A_291], %swap3A_294 {strides = array<i32>} : memref<128x16xf32, #tpu.memory_space<vmem>>, vector<1x16xf32>,
    %broadcast_in_dim3A_295 = arith.constant 1.000000e+00 : f32
    %broadcast_in_dim3A_296 = vector.broadcast %broadcast_in_dim3A_295 : f32 to vector<16xf32>
    %swap3A_297 = arith.constant 21 : i32
    %swap3A_298 = arith.index_cast %swap3A_297 : i32 to index
    %swap3A_299 = arith.constant 0 : index
    %swap3A_300 = tpu.vector_load %arg5[%swap3A_298, %swap3A_299] {strides = array<i32>} : memref<128x16xf32, #tpu.memory_space<vmem>>, vector<1x16xf32>,
    %swap3A_301 = vector.shape_cast %swap3A_300 : vector<1x16xf32> to vector<16xf32>
    %swap3A_302 = vector.shape_cast %broadcast_in_dim3A_296 : vector<16xf32> to vector<1x16xf32>
    tpu.vector_store %arg5[%swap3A_298, %swap3A_299], %swap3A_302 {strides = array<i32>} : memref<128x16xf32, #tpu.memory_space<vmem>>, vector<1x16xf32>,
    %broadcast_in_dim3A_303 = arith.constant 1.000000e+00 : f32
    %broadcast_in_dim3A_304 = vector.broadcast %broadcast_in_dim3A_303 : f32 to vector<16xf32>
    %swap3A_305 = arith.constant 22 : i32
    %swap3A_306 = arith.index_cast %swap3A_305 : i32 to index
    %swap3A_307 = arith.constant 0 : index
    %swap3A_308 = tpu.vector_load %arg5[%swap3A_306, %swap3A_307] {strides = array<i32>} : memref<128x16xf32, #tpu.memory_space<vmem>>, vector<1x16xf32>,
    %swap3A_309 = vector.shape_cast %swap3A_308 : vector<1x16xf32> to vector<16xf32>
    %swap3A_310 = vector.shape_cast %broadcast_in_dim3A_304 : vector<16xf32> to vector<1x16xf32>
    tpu.vector_store %arg5[%swap3A_306, %swap3A_307], %swap3A_310 {strides = array<i32>} : memref<128x16xf32, #tpu.memory_space<vmem>>, vector<1x16xf32>,
    %broadcast_in_dim3A_311 = arith.constant 1.000000e+00 : f32
    %broadcast_in_dim3A_312 = vector.broadcast %broadcast_in_dim3A_311 : f32 to vector<16xf32>
    %swap3A_313 = arith.constant 23 : i32
    %swap3A_314 = arith.index_cast %swap3A_313 : i32 to index
    %swap3A_315 = arith.constant 0 : index
    %swap3A_316 = tpu.vector_load %arg5[%swap3A_314, %swap3A_315] {strides = array<i32>} : memref<128x16xf32, #tpu.memory_space<vmem>>, vector<1x16xf32>,
    %swap3A_317 = vector.shape_cast %swap3A_316 : vector<1x16xf32> to vector<16xf32>
    %swap3A_318 = vector.shape_cast %broadcast_in_dim3A_312 : vector<16xf32> to vector<1x16xf32>
    tpu.vector_store %arg5[%swap3A_314, %swap3A_315], %swap3A_318 {strides = array<i32>} : memref<128x16xf32, #tpu.memory_space<vmem>>, vector<1x16xf32>,
    %broadcast_in_dim3A_319 = arith.constant 1.000000e+00 : f32
    %broadcast_in_dim3A_320 = vector.broadcast %broadcast_in_dim3A_319 : f32 to vector<16xf32>
    %swap3A_321 = arith.constant 24 : i32
    %swap3A_322 = arith.index_cast %swap3A_321 : i32 to index
    %swap3A_323 = arith.constant 0 : index
    %swap3A_324 = tpu.vector_load %arg5[%swap3A_322, %swap3A_323] {strides = array<i32>} : memref<128x16xf32, #tpu.memory_space<vmem>>, vector<1x16xf32>,
    %swap3A_325 = vector.shape_cast %swap3A_324 : vector<1x16xf32> to vector<16xf32>
    %swap3A_326 = vector.shape_cast %broadcast_in_dim3A_320 : vector<16xf32> to vector<1x16xf32>
    tpu.vector_store %arg5[%swap3A_322, %swap3A_323], %swap3A_326 {strides = array<i32>} : memref<128x16xf32, #tpu.memory_space<vmem>>, vector<1x16xf32>,
    %broadcast_in_dim3A_327 = arith.constant 1.000000e+00 : f32
    %broadcast_in_dim3A_328 = vector.broadcast %broadcast_in_dim3A_327 : f32 to vector<16xf32>
    %swap3A_329 = arith.constant 25 : i32
    %swap3A_330 = arith.index_cast %swap3A_329 : i32 to index
    %swap3A_331 = arith.constant 0 : index
    %swap3A_332 = tpu.vector_load %arg5[%swap3A_330, %swap3A_331] {strides = array<i32>} : memref<128x16xf32, #tpu.memory_space<vmem>>, vector<1x16xf32>,
    %swap3A_333 = vector.shape_cast %swap3A_332 : vector<1x16xf32> to vector<16xf32>
    %swap3A_334 = vector.shape_cast %broadcast_in_dim3A_328 : vector<16xf32> to vector<1x16xf32>
    tpu.vector_store %arg5[%swap3A_330, %swap3A_331], %swap3A_334 {strides = array<i32>} : memref<128x16xf32, #tpu.memory_space<vmem>>, vector<1x16xf32>,
    %broadcast_in_dim3A_335 = arith.constant 1.000000e+00 : f32
    %broadcast_in_dim3A_336 = vector.broadcast %broadcast_in_dim3A_335 : f32 to vector<16xf32>
    %swap3A_337 = arith.constant 26 : i32
    %swap3A_338 = arith.index_cast %swap3A_337 : i32 to index
    %swap3A_339 = arith.constant 0 : index
    %swap3A_340 = tpu.vector_load %arg5[%swap3A_338, %swap3A_339] {strides = array<i32>} : memref<128x16xf32, #tpu.memory_space<vmem>>, vector<1x16xf32>,
    %swap3A_341 = vector.shape_cast %swap3A_340 : vector<1x16xf32> to vector<16xf32>
    %swap3A_342 = vector.shape_cast %broadcast_in_dim3A_336 : vector<16xf32> to vector<1x16xf32>
    tpu.vector_store %arg5[%swap3A_338, %swap3A_339], %swap3A_342 {strides = array<i32>} : memref<128x16xf32, #tpu.memory_space<vmem>>, vector<1x16xf32>,
    %broadcast_in_dim3A_343 = arith.constant 1.000000e+00 : f32
    %broadcast_in_dim3A_344 = vector.broadcast %broadcast_in_dim3A_343 : f32 to vector<16xf32>
    %swap3A_345 = arith.constant 27 : i32
    %swap3A_346 = arith.index_cast %swap3A_345 : i32 to index
    %swap3A_347 = arith.constant 0 : index
    %swap3A_348 = tpu.vector_load %arg5[%swap3A_346, %swap3A_347] {strides = array<i32>} : memref<128x16xf32, #tpu.memory_space<vmem>>, vector<1x16xf32>,
    %swap3A_349 = vector.shape_cast %swap3A_348 : vector<1x16xf32> to vector<16xf32>
    %swap3A_350 = vector.shape_cast %broadcast_in_dim3A_344 : vector<16xf32> to vector<1x16xf32>
    tpu.vector_store %arg5[%swap3A_346, %swap3A_347], %swap3A_350 {strides = array<i32>} : memref<128x16xf32, #tpu.memory_space<vmem>>, vector<1x16xf32>,
    %broadcast_in_dim3A_351 = arith.constant 1.000000e+00 : f32
    %broadcast_in_dim3A_352 = vector.broadcast %broadcast_in_dim3A_351 : f32 to vector<16xf32>
    %swap3A_353 = arith.constant 28 : i32
    %swap3A_354 = arith.index_cast %swap3A_353 : i32 to index
    %swap3A_355 = arith.constant 0 : index
    %swap3A_356 = tpu.vector_load %arg5[%swap3A_354, %swap3A_355] {strides = array<i32>} : memref<128x16xf32, #tpu.memory_space<vmem>>, vector<1x16xf32>,
    %swap3A_357 = vector.shape_cast %swap3A_356 : vector<1x16xf32> to vector<16xf32>
    %swap3A_358 = vector.shape_cast %broadcast_in_dim3A_352 : vector<16xf32> to vector<1x16xf32>
    tpu.vector_store %arg5[%swap3A_354, %swap3A_355], %swap3A_358 {strides = array<i32>} : memref<128x16xf32, #tpu.memory_space<vmem>>, vector<1x16xf32>,
    %broadcast_in_dim3A_359 = arith.constant 1.000000e+00 : f32
    %broadcast_in_dim3A_360 = vector.broadcast %broadcast_in_dim3A_359 : f32 to vector<16xf32>
    %swap3A_361 = arith.constant 29 : i32
    %swap3A_362 = arith.index_cast %swap3A_361 : i32 to index
    %swap3A_363 = arith.constant 0 : index
    %swap3A_364 = tpu.vector_load %arg5[%swap3A_362, %swap3A_363] {strides = array<i32>} : memref<128x16xf32, #tpu.memory_space<vmem>>, vector<1x16xf32>,
    %swap3A_365 = vector.shape_cast %swap3A_364 : vector<1x16xf32> to vector<16xf32>
    %swap3A_366 = vector.shape_cast %broadcast_in_dim3A_360 : vector<16xf32> to vector<1x16xf32>
    tpu.vector_store %arg5[%swap3A_362, %swap3A_363], %swap3A_366 {strides = array<i32>} : memref<128x16xf32, #tpu.memory_space<vmem>>, vector<1x16xf32>,
    %broadcast_in_dim3A_367 = arith.constant 1.000000e+00 : f32
    %broadcast_in_dim3A_368 = vector.broadcast %broadcast_in_dim3A_367 : f32 to vector<16xf32>
    %swap3A_369 = arith.constant 30 : i32
    %swap3A_370 = arith.index_cast %swap3A_369 : i32 to index
    %swap3A_371 = arith.constant 0 : index
    %swap3A_372 = tpu.vector_load %arg5[%swap3A_370, %swap3A_371] {strides = array<i32>} : memref<128x16xf32, #tpu.memory_space<vmem>>, vector<1x16xf32>,
    %swap3A_373 = vector.shape_cast %swap3A_372 : vector<1x16xf32> to vector<16xf32>
    %swap3A_374 = vector.shape_cast %broadcast_in_dim3A_368 : vector<16xf32> to vector<1x16xf32>
    tpu.vector_store %arg5[%swap3A_370, %swap3A_371], %swap3A_374 {strides = array<i32>} : memref<128x16xf32, #tpu.memory_space<vmem>>, vector<1x16xf32>,
    %broadcast_in_dim3A_375 = arith.constant 1.000000e+00 : f32
    %broadcast_in_dim3A_376 = vector.broadcast %broadcast_in_dim3A_375 : f32 to vector<16xf32>
    %swap3A_377 = arith.constant 31 : i32
    %swap3A_378 = arith.index_cast %swap3A_377 : i32 to index
    %swap3A_379 = arith.constant 0 : index
    %swap3A_380 = tpu.vector_load %arg5[%swap3A_378, %swap3A_379] {strides = array<i32>} : memref<128x16xf32, #tpu.memory_space<vmem>>, vector<1x16xf32>,
    %swap3A_381 = vector.shape_cast %swap3A_380 : vector<1x16xf32> to vector<16xf32>
    %swap3A_382 = vector.shape_cast %broadcast_in_dim3A_376 : vector<16xf32> to vector<1x16xf32>
    tpu.vector_store %arg5[%swap3A_378, %swap3A_379], %swap3A_382 {strides = array<i32>} : memref<128x16xf32, #tpu.memory_space<vmem>>, vector<1x16xf32>,
    %broadcast_in_dim3A_383 = arith.constant 1.000000e+00 : f32
    %broadcast_in_dim3A_384 = vector.broadcast %broadcast_in_dim3A_383 : f32 to vector<16xf32>
    %swap3A_385 = arith.constant 32 : i32
    %swap3A_386 = arith.index_cast %swap3A_385 : i32 to index
    %swap3A_387 = arith.constant 0 : index
    %swap3A_388 = tpu.vector_load %arg5[%swap3A_386, %swap3A_387] {strides = array<i32>} : memref<128x16xf32, #tpu.memory_space<vmem>>, vector<1x16xf32>,
    %swap3A_389 = vector.shape_cast %swap3A_388 : vector<1x16xf32> to vector<16xf32>
    %swap3A_390 = vector.shape_cast %broadcast_in_dim3A_384 : vector<16xf32> to vector<1x16xf32>
    tpu.vector_store %arg5[%swap3A_386, %swap3A_387], %swap3A_390 {strides = array<i32>} : memref<128x16xf32, #tpu.memory_space<vmem>>, vector<1x16xf32>,
    %broadcast_in_dim3A_391 = arith.constant 1.000000e+00 : f32
    %broadcast_in_dim3A_392 = vector.broadcast %broadcast_in_dim3A_391 : f32 to vector<16xf32>
    %swap3A_393 = arith.constant 33 : i32
    %swap3A_394 = arith.index_cast %swap3A_393 : i32 to index
    %swap3A_395 = arith.constant 0 : index
    %swap3A_396 = tpu.vector_load %arg5[%swap3A_394, %swap3A_395] {strides = array<i32>} : memref<128x16xf32, #tpu.memory_space<vmem>>, vector<1x16xf32>,
    %swap3A_397 = vector.shape_cast %swap3A_396 : vector<1x16xf32> to vector<16xf32>
    %swap3A_398 = vector.shape_cast %broadcast_in_dim3A_392 : vector<16xf32> to vector<1x16xf32>
    tpu.vector_store %arg5[%swap3A_394, %swap3A_395], %swap3A_398 {strides = array<i32>} : memref<128x16xf32, #tpu.memory_space<vmem>>, vector<1x16xf32>,
    %broadcast_in_dim3A_399 = arith.constant 1.000000e+00 : f32
    %broadcast_in_dim3A_400 = vector.broadcast %broadcast_in_dim3A_399 : f32 to vector<16xf32>
    %swap3A_401 = arith.constant 34 : i32
    %swap3A_402 = arith.index_cast %swap3A_401 : i32 to index
    %swap3A_403 = arith.constant 0 : index
    %swap3A_404 = tpu.vector_load %arg5[%swap3A_402, %swap3A_403] {strides = array<i32>} : memref<128x16xf32, #tpu.memory_space<vmem>>, vector<1x16xf32>,
    %swap3A_405 = vector.shape_cast %swap3A_404 : vector<1x16xf32> to vector<16xf32>
    %swap3A_406 = vector.shape_cast %broadcast_in_dim3A_400 : vector<16xf32> to vector<1x16xf32>
    tpu.vector_store %arg5[%swap3A_402, %swap3A_403], %swap3A_406 {strides = array<i32>} : memref<128x16xf32, #tpu.memory_space<vmem>>, vector<1x16xf32>,
    %broadcast_in_dim3A_407 = arith.constant 1.000000e+00 : f32
    %broadcast_in_dim3A_408 = vector.broadcast %broadcast_in_dim3A_407 : f32 to vector<16xf32>
    %swap3A_409 = arith.constant 35 : i32
    %swap3A_410 = arith.index_cast %swap3A_409 : i32 to index
    %swap3A_411 = arith.constant 0 : index
    %swap3A_412 = tpu.vector_load %arg5[%swap3A_410, %swap3A_411] {strides = array<i32>} : memref<128x16xf32, #tpu.memory_space<vmem>>, vector<1x16xf32>,
    %swap3A_413 = vector.shape_cast %swap3A_412 : vector<1x16xf32> to vector<16xf32>
    %swap3A_414 = vector.shape_cast %broadcast_in_dim3A_408 : vector<16xf32> to vector<1x16xf32>
    tpu.vector_store %arg5[%swap3A_410, %swap3A_411], %swap3A_414 {strides = array<i32>} : memref<128x16xf32, #tpu.memory_space<vmem>>, vector<1x16xf32>,
    %broadcast_in_dim3A_415 = arith.constant 1.000000e+00 : f32
    %broadcast_in_dim3A_416 = vector.broadcast %broadcast_in_dim3A_415 : f32 to vector<16xf32>
    %swap3A_417 = arith.constant 36 : i32
    %swap3A_418 = arith.index_cast %swap3A_417 : i32 to index
    %swap3A_419 = arith.constant 0 : index
    %swap3A_420 = tpu.vector_load %arg5[%swap3A_418, %swap3A_419] {strides = array<i32>} : memref<128x16xf32, #tpu.memory_space<vmem>>, vector<1x16xf32>,
    %swap3A_421 = vector.shape_cast %swap3A_420 : vector<1x16xf32> to vector<16xf32>
    %swap3A_422 = vector.shape_cast %broadcast_in_dim3A_416 : vector<16xf32> to vector<1x16xf32>
    tpu.vector_store %arg5[%swap3A_418, %swap3A_419], %swap3A_422 {strides = array<i32>} : memref<128x16xf32, #tpu.memory_space<vmem>>, vector<1x16xf32>,
    %broadcast_in_dim3A_423 = arith.constant 1.000000e+00 : f32
    %broadcast_in_dim3A_424 = vector.broadcast %broadcast_in_dim3A_423 : f32 to vector<16xf32>
    %swap3A_425 = arith.constant 37 : i32
    %swap3A_426 = arith.index_cast %swap3A_425 : i32 to index
    %swap3A_427 = arith.constant 0 : index
    %swap3A_428 = tpu.vector_load %arg5[%swap3A_426, %swap3A_427] {strides = array<i32>} : memref<128x16xf32, #tpu.memory_space<vmem>>, vector<1x16xf32>,
    %swap3A_429 = vector.shape_cast %swap3A_428 : vector<1x16xf32> to vector<16xf32>
    %swap3A_430 = vector.shape_cast %broadcast_in_dim3A_424 : vector<16xf32> to vector<1x16xf32>
    tpu.vector_store %arg5[%swap3A_426, %swap3A_427], %swap3A_430 {strides = array<i32>} : memref<128x16xf32, #tpu.memory_space<vmem>>, vector<1x16xf32>,
    %broadcast_in_dim3A_431 = arith.constant 1.000000e+00 : f32
    %broadcast_in_dim3A_432 = vector.broadcast %broadcast_in_dim3A_431 : f32 to vector<16xf32>
    %swap3A_433 = arith.constant 38 : i32
    %swap3A_434 = arith.index_cast %swap3A_433 : i32 to index
    %swap3A_435 = arith.constant 0 : index
    %swap3A_436 = tpu.vector_load %arg5[%swap3A_434, %swap3A_435] {strides = array<i32>} : memref<128x16xf32, #tpu.memory_space<vmem>>, vector<1x16xf32>,
    %swap3A_437 = vector.shape_cast %swap3A_436 : vector<1x16xf32> to vector<16xf32>
    %swap3A_438 = vector.shape_cast %broadcast_in_dim3A_432 : vector<16xf32> to vector<1x16xf32>
    tpu.vector_store %arg5[%swap3A_434, %swap3A_435], %swap3A_438 {strides = array<i32>} : memref<128x16xf32, #tpu.memory_space<vmem>>, vector<1x16xf32>,
    %broadcast_in_dim3A_439 = arith.constant 1.000000e+00 : f32
    %broadcast_in_dim3A_440 = vector.broadcast %broadcast_in_dim3A_439 : f32 to vector<16xf32>
    %swap3A_441 = arith.constant 39 : i32
    %swap3A_442 = arith.index_cast %swap3A_441 : i32 to index
    %swap3A_443 = arith.constant 0 : index
    %swap3A_444 = tpu.vector_load %arg5[%swap3A_442, %swap3A_443] {strides = array<i32>} : memref<128x16xf32, #tpu.memory_space<vmem>>, vector<1x16xf32>,
    %swap3A_445 = vector.shape_cast %swap3A_444 : vector<1x16xf32> to vector<16xf32>
    %swap3A_446 = vector.shape_cast %broadcast_in_dim3A_440 : vector<16xf32> to vector<1x16xf32>
    tpu.vector_store %arg5[%swap3A_442, %swap3A_443], %swap3A_446 {strides = array<i32>} : memref<128x16xf32, #tpu.memory_space<vmem>>, vector<1x16xf32>,
    %broadcast_in_dim3A_447 = arith.constant 1.000000e+00 : f32
    %broadcast_in_dim3A_448 = vector.broadcast %broadcast_in_dim3A_447 : f32 to vector<16xf32>
    %swap3A_449 = arith.constant 40 : i32
    %swap3A_450 = arith.index_cast %swap3A_449 : i32 to index
    %swap3A_451 = arith.constant 0 : index
    %swap3A_452 = tpu.vector_load %arg5[%swap3A_450, %swap3A_451] {strides = array<i32>} : memref<128x16xf32, #tpu.memory_space<vmem>>, vector<1x16xf32>,
    %swap3A_453 = vector.shape_cast %swap3A_452 : vector<1x16xf32> to vector<16xf32>
    %swap3A_454 = vector.shape_cast %broadcast_in_dim3A_448 : vector<16xf32> to vector<1x16xf32>
    tpu.vector_store %arg5[%swap3A_450, %swap3A_451], %swap3A_454 {strides = array<i32>} : memref<128x16xf32, #tpu.memory_space<vmem>>, vector<1x16xf32>,
    %broadcast_in_dim3A_455 = arith.constant 1.000000e+00 : f32
    %broadcast_in_dim3A_456 = vector.broadcast %broadcast_in_dim3A_455 : f32 to vector<16xf32>
    %swap3A_457 = arith.constant 41 : i32
    %swap3A_458 = arith.index_cast %swap3A_457 : i32 to index
    %swap3A_459 = arith.constant 0 : index
    %swap3A_460 = tpu.vector_load %arg5[%swap3A_458, %swap3A_459] {strides = array<i32>} : memref<128x16xf32, #tpu.memory_space<vmem>>, vector<1x16xf32>,
    %swap3A_461 = vector.shape_cast %swap3A_460 : vector<1x16xf32> to vector<16xf32>
    %swap3A_462 = vector.shape_cast %broadcast_in_dim3A_456 : vector<16xf32> to vector<1x16xf32>
    tpu.vector_store %arg5[%swap3A_458, %swap3A_459], %swap3A_462 {strides = array<i32>} : memref<128x16xf32, #tpu.memory_space<vmem>>, vector<1x16xf32>,
    %broadcast_in_dim3A_463 = arith.constant 1.000000e+00 : f32
    %broadcast_in_dim3A_464 = vector.broadcast %broadcast_in_dim3A_463 : f32 to vector<16xf32>
    %swap3A_465 = arith.constant 42 : i32
    %swap3A_466 = arith.index_cast %swap3A_465 : i32 to index
    %swap3A_467 = arith.constant 0 : index
    %swap3A_468 = tpu.vector_load %arg5[%swap3A_466, %swap3A_467] {strides = array<i32>} : memref<128x16xf32, #tpu.memory_space<vmem>>, vector<1x16xf32>,
    %swap3A_469 = vector.shape_cast %swap3A_468 : vector<1x16xf32> to vector<16xf32>
    %swap3A_470 = vector.shape_cast %broadcast_in_dim3A_464 : vector<16xf32> to vector<1x16xf32>
    tpu.vector_store %arg5[%swap3A_466, %swap3A_467], %swap3A_470 {strides = array<i32>} : memref<128x16xf32, #tpu.memory_space<vmem>>, vector<1x16xf32>,
    %broadcast_in_dim3A_471 = arith.constant 1.000000e+00 : f32
    %broadcast_in_dim3A_472 = vector.broadcast %broadcast_in_dim3A_471 : f32 to vector<16xf32>
    %swap3A_473 = arith.constant 43 : i32
    %swap3A_474 = arith.index_cast %swap3A_473 : i32 to index
    %swap3A_475 = arith.constant 0 : index
    %swap3A_476 = tpu.vector_load %arg5[%swap3A_474, %swap3A_475] {strides = array<i32>} : memref<128x16xf32, #tpu.memory_space<vmem>>, vector<1x16xf32>,
    %swap3A_477 = vector.shape_cast %swap3A_476 : vector<1x16xf32> to vector<16xf32>
    %swap3A_478 = vector.shape_cast %broadcast_in_dim3A_472 : vector<16xf32> to vector<1x16xf32>
    tpu.vector_store %arg5[%swap3A_474, %swap3A_475], %swap3A_478 {strides = array<i32>} : memref<128x16xf32, #tpu.memory_space<vmem>>, vector<1x16xf32>,
    %broadcast_in_dim3A_479 = arith.constant 1.000000e+00 : f32
    %broadcast_in_dim3A_480 = vector.broadcast %broadcast_in_dim3A_479 : f32 to vector<16xf32>
    %swap3A_481 = arith.constant 44 : i32
    %swap3A_482 = arith.index_cast %swap3A_481 : i32 to index
    %swap3A_483 = arith.constant 0 : index
    %swap3A_484 = tpu.vector_load %arg5[%swap3A_482, %swap3A_483] {strides = array<i32>} : memref<128x16xf32, #tpu.memory_space<vmem>>, vector<1x16xf32>,
    %swap3A_485 = vector.shape_cast %swap3A_484 : vector<1x16xf32> to vector<16xf32>
    %swap3A_486 = vector.shape_cast %broadcast_in_dim3A_480 : vector<16xf32> to vector<1x16xf32>
    tpu.vector_store %arg5[%swap3A_482, %swap3A_483], %swap3A_486 {strides = array<i32>} : memref<128x16xf32, #tpu.memory_space<vmem>>, vector<1x16xf32>,
    %broadcast_in_dim3A_487 = arith.constant 1.000000e+00 : f32
    %broadcast_in_dim3A_488 = vector.broadcast %broadcast_in_dim3A_487 : f32 to vector<16xf32>
    %swap3A_489 = arith.constant 45 : i32
    %swap3A_490 = arith.index_cast %swap3A_489 : i32 to index
    %swap3A_491 = arith.constant 0 : index
    %swap3A_492 = tpu.vector_load %arg5[%swap3A_490, %swap3A_491] {strides = array<i32>} : memref<128x16xf32, #tpu.memory_space<vmem>>, vector<1x16xf32>,
    %swap3A_493 = vector.shape_cast %swap3A_492 : vector<1x16xf32> to vector<16xf32>
    %swap3A_494 = vector.shape_cast %broadcast_in_dim3A_488 : vector<16xf32> to vector<1x16xf32>
    tpu.vector_store %arg5[%swap3A_490, %swap3A_491], %swap3A_494 {strides = array<i32>} : memref<128x16xf32, #tpu.memory_space<vmem>>, vector<1x16xf32>,
    %broadcast_in_dim3A_495 = arith.constant 1.000000e+00 : f32
    %broadcast_in_dim3A_496 = vector.broadcast %broadcast_in_dim3A_495 : f32 to vector<16xf32>
    %swap3A_497 = arith.constant 46 : i32
    %swap3A_498 = arith.index_cast %swap3A_497 : i32 to index
    %swap3A_499 = arith.constant 0 : index
    %swap3A_500 = tpu.vector_load %arg5[%swap3A_498, %swap3A_499] {strides = array<i32>} : memref<128x16xf32, #tpu.memory_space<vmem>>, vector<1x16xf32>,
    %swap3A_501 = vector.shape_cast %swap3A_500 : vector<1x16xf32> to vector<16xf32>
    %swap3A_502 = vector.shape_cast %broadcast_in_dim3A_496 : vector<16xf32> to vector<1x16xf32>
    tpu.vector_store %arg5[%swap3A_498, %swap3A_499], %swap3A_502 {strides = array<i32>} : memref<128x16xf32, #tpu.memory_space<vmem>>, vector<1x16xf32>,
    %broadcast_in_dim3A_503 = arith.constant 1.000000e+00 : f32
    %broadcast_in_dim3A_504 = vector.broadcast %broadcast_in_dim3A_503 : f32 to vector<16xf32>
    %swap3A_505 = arith.constant 47 : i32
    %swap3A_506 = arith.index_cast %swap3A_505 : i32 to index
    %swap3A_507 = arith.constant 0 : index
    %swap3A_508 = tpu.vector_load %arg5[%swap3A_506, %swap3A_507] {strides = array<i32>} : memref<128x16xf32, #tpu.memory_space<vmem>>, vector<1x16xf32>,
    %swap3A_509 = vector.shape_cast %swap3A_508 : vector<1x16xf32> to vector<16xf32>
    %swap3A_510 = vector.shape_cast %broadcast_in_dim3A_504 : vector<16xf32> to vector<1x16xf32>
    tpu.vector_store %arg5[%swap3A_506, %swap3A_507], %swap3A_510 {strides = array<i32>} : memref<128x16xf32, #tpu.memory_space<vmem>>, vector<1x16xf32>,
    %broadcast_in_dim3A_511 = arith.constant 1.000000e+00 : f32
    %broadcast_in_dim3A_512 = vector.broadcast %broadcast_in_dim3A_511 : f32 to vector<16xf32>
    %swap3A_513 = arith.constant 48 : i32
    %swap3A_514 = arith.index_cast %swap3A_513 : i32 to index
    %swap3A_515 = arith.constant 0 : index
    %swap3A_516 = tpu.vector_load %arg5[%swap3A_514, %swap3A_515] {strides = array<i32>} : memref<128x16xf32, #tpu.memory_space<vmem>>, vector<1x16xf32>,
    %swap3A_517 = vector.shape_cast %swap3A_516 : vector<1x16xf32> to vector<16xf32>
    %swap3A_518 = vector.shape_cast %broadcast_in_dim3A_512 : vector<16xf32> to vector<1x16xf32>
    tpu.vector_store %arg5[%swap3A_514, %swap3A_515], %swap3A_518 {strides = array<i32>} : memref<128x16xf32, #tpu.memory_space<vmem>>, vector<1x16xf32>,
    %broadcast_in_dim3A_519 = arith.constant 1.000000e+00 : f32
    %broadcast_in_dim3A_520 = vector.broadcast %broadcast_in_dim3A_519 : f32 to vector<16xf32>
    %swap3A_521 = arith.constant 49 : i32
    %swap3A_522 = arith.index_cast %swap3A_521 : i32 to index
    %swap3A_523 = arith.constant 0 : index
    %swap3A_524 = tpu.vector_load %arg5[%swap3A_522, %swap3A_523] {strides = array<i32>} : memref<128x16xf32, #tpu.memory_space<vmem>>, vector<1x16xf32>,
    %swap3A_525 = vector.shape_cast %swap3A_524 : vector<1x16xf32> to vector<16xf32>
    %swap3A_526 = vector.shape_cast %broadcast_in_dim3A_520 : vector<16xf32> to vector<1x16xf32>
    tpu.vector_store %arg5[%swap3A_522, %swap3A_523], %swap3A_526 {strides = array<i32>} : memref<128x16xf32, #tpu.memory_space<vmem>>, vector<1x16xf32>,
    %broadcast_in_dim3A_527 = arith.constant 1.000000e+00 : f32
    %broadcast_in_dim3A_528 = vector.broadcast %broadcast_in_dim3A_527 : f32 to vector<16xf32>
    %swap3A_529 = arith.constant 50 : i32
    %swap3A_530 = arith.index_cast %swap3A_529 : i32 to index
    %swap3A_531 = arith.constant 0 : index
    %swap3A_532 = tpu.vector_load %arg5[%swap3A_530, %swap3A_531] {strides = array<i32>} : memref<128x16xf32, #tpu.memory_space<vmem>>, vector<1x16xf32>,
    %swap3A_533 = vector.shape_cast %swap3A_532 : vector<1x16xf32> to vector<16xf32>
    %swap3A_534 = vector.shape_cast %broadcast_in_dim3A_528 : vector<16xf32> to vector<1x16xf32>
    tpu.vector_store %arg5[%swap3A_530, %swap3A_531], %swap3A_534 {strides = array<i32>} : memref<128x16xf32, #tpu.memory_space<vmem>>, vector<1x16xf32>,
    %broadcast_in_dim3A_535 = arith.constant 1.000000e+00 : f32
    %broadcast_in_dim3A_536 = vector.broadcast %broadcast_in_dim3A_535 : f32 to vector<16xf32>
    %swap3A_537 = arith.constant 51 : i32
    %swap3A_538 = arith.index_cast %swap3A_537 : i32 to index
    %swap3A_539 = arith.constant 0 : index
    %swap3A_540 = tpu.vector_load %arg5[%swap3A_538, %swap3A_539] {strides = array<i32>} : memref<128x16xf32, #tpu.memory_space<vmem>>, vector<1x16xf32>,
    %swap3A_541 = vector.shape_cast %swap3A_540 : vector<1x16xf32> to vector<16xf32>
    %swap3A_542 = vector.shape_cast %broadcast_in_dim3A_536 : vector<16xf32> to vector<1x16xf32>
    tpu.vector_store %arg5[%swap3A_538, %swap3A_539], %swap3A_542 {strides = array<i32>} : memref<128x16xf32, #tpu.memory_space<vmem>>, vector<1x16xf32>,
    %broadcast_in_dim3A_543 = arith.constant 1.000000e+00 : f32
    %broadcast_in_dim3A_544 = vector.broadcast %broadcast_in_dim3A_543 : f32 to vector<16xf32>
    %swap3A_545 = arith.constant 52 : i32
    %swap3A_546 = arith.index_cast %swap3A_545 : i32 to index
    %swap3A_547 = arith.constant 0 : index
    %swap3A_548 = tpu.vector_load %arg5[%swap3A_546, %swap3A_547] {strides = array<i32>} : memref<128x16xf32, #tpu.memory_space<vmem>>, vector<1x16xf32>,
    %swap3A_549 = vector.shape_cast %swap3A_548 : vector<1x16xf32> to vector<16xf32>
    %swap3A_550 = vector.shape_cast %broadcast_in_dim3A_544 : vector<16xf32> to vector<1x16xf32>
    tpu.vector_store %arg5[%swap3A_546, %swap3A_547], %swap3A_550 {strides = array<i32>} : memref<128x16xf32, #tpu.memory_space<vmem>>, vector<1x16xf32>,
    %broadcast_in_dim3A_551 = arith.constant 1.000000e+00 : f32
    %broadcast_in_dim3A_552 = vector.broadcast %broadcast_in_dim3A_551 : f32 to vector<16xf32>
    %swap3A_553 = arith.constant 53 : i32
    %swap3A_554 = arith.index_cast %swap3A_553 : i32 to index
    %swap3A_555 = arith.constant 0 : index
    %swap3A_556 = tpu.vector_load %arg5[%swap3A_554, %swap3A_555] {strides = array<i32>} : memref<128x16xf32, #tpu.memory_space<vmem>>, vector<1x16xf32>,
    %swap3A_557 = vector.shape_cast %swap3A_556 : vector<1x16xf32> to vector<16xf32>
    %swap3A_558 = vector.shape_cast %broadcast_in_dim3A_552 : vector<16xf32> to vector<1x16xf32>
    tpu.vector_store %arg5[%swap3A_554, %swap3A_555], %swap3A_558 {strides = array<i32>} : memref<128x16xf32, #tpu.memory_space<vmem>>, vector<1x16xf32>,
    %broadcast_in_dim3A_559 = arith.constant 1.000000e+00 : f32
    %broadcast_in_dim3A_560 = vector.broadcast %broadcast_in_dim3A_559 : f32 to vector<16xf32>
    %swap3A_561 = arith.constant 54 : i32
    %swap3A_562 = arith.index_cast %swap3A_561 : i32 to index
    %swap3A_563 = arith.constant 0 : index
    %swap3A_564 = tpu.vector_load %arg5[%swap3A_562, %swap3A_563] {strides = array<i32>} : memref<128x16xf32, #tpu.memory_space<vmem>>, vector<1x16xf32>,
    %swap3A_565 = vector.shape_cast %swap3A_564 : vector<1x16xf32> to vector<16xf32>
    %swap3A_566 = vector.shape_cast %broadcast_in_dim3A_560 : vector<16xf32> to vector<1x16xf32>
    tpu.vector_store %arg5[%swap3A_562, %swap3A_563], %swap3A_566 {strides = array<i32>} : memref<128x16xf32, #tpu.memory_space<vmem>>, vector<1x16xf32>,
    %broadcast_in_dim3A_567 = arith.constant 1.000000e+00 : f32
    %broadcast_in_dim3A_568 = vector.broadcast %broadcast_in_dim3A_567 : f32 to vector<16xf32>
    %swap3A_569 = arith.constant 55 : i32
    %swap3A_570 = arith.index_cast %swap3A_569 : i32 to index
    %swap3A_571 = arith.constant 0 : index
    %swap3A_572 = tpu.vector_load %arg5[%swap3A_570, %swap3A_571] {strides = array<i32>} : memref<128x16xf32, #tpu.memory_space<vmem>>, vector<1x16xf32>,
    %swap3A_573 = vector.shape_cast %swap3A_572 : vector<1x16xf32> to vector<16xf32>
    %swap3A_574 = vector.shape_cast %broadcast_in_dim3A_568 : vector<16xf32> to vector<1x16xf32>
    tpu.vector_store %arg5[%swap3A_570, %swap3A_571], %swap3A_574 {strides = array<i32>} : memref<128x16xf32, #tpu.memory_space<vmem>>, vector<1x16xf32>,
    %broadcast_in_dim3A_575 = arith.constant 1.000000e+00 : f32
    %broadcast_in_dim3A_576 = vector.broadcast %broadcast_in_dim3A_575 : f32 to vector<16xf32>
    %swap3A_577 = arith.constant 56 : i32
    %swap3A_578 = arith.index_cast %swap3A_577 : i32 to index
    %swap3A_579 = arith.constant 0 : index
    %swap3A_580 = tpu.vector_load %arg5[%swap3A_578, %swap3A_579] {strides = array<i32>} : memref<128x16xf32, #tpu.memory_space<vmem>>, vector<1x16xf32>,
    %swap3A_581 = vector.shape_cast %swap3A_580 : vector<1x16xf32> to vector<16xf32>
    %swap3A_582 = vector.shape_cast %broadcast_in_dim3A_576 : vector<16xf32> to vector<1x16xf32>
    tpu.vector_store %arg5[%swap3A_578, %swap3A_579], %swap3A_582 {strides = array<i32>} : memref<128x16xf32, #tpu.memory_space<vmem>>, vector<1x16xf32>,
    %broadcast_in_dim3A_583 = arith.constant 1.000000e+00 : f32
    %broadcast_in_dim3A_584 = vector.broadcast %broadcast_in_dim3A_583 : f32 to vector<16xf32>
    %swap3A_585 = arith.constant 57 : i32
    %swap3A_586 = arith.index_cast %swap3A_585 : i32 to index
    %swap3A_587 = arith.constant 0 : index
    %swap3A_588 = tpu.vector_load %arg5[%swap3A_586, %swap3A_587] {strides = array<i32>} : memref<128x16xf32, #tpu.memory_space<vmem>>, vector<1x16xf32>,
    %swap3A_589 = vector.shape_cast %swap3A_588 : vector<1x16xf32> to vector<16xf32>
    %swap3A_590 = vector.shape_cast %broadcast_in_dim3A_584 : vector<16xf32> to vector<1x16xf32>
    tpu.vector_store %arg5[%swap3A_586, %swap3A_587], %swap3A_590 {strides = array<i32>} : memref<128x16xf32, #tpu.memory_space<vmem>>, vector<1x16xf32>,
    %broadcast_in_dim3A_591 = arith.constant 1.000000e+00 : f32
    %broadcast_in_dim3A_592 = vector.broadcast %broadcast_in_dim3A_591 : f32 to vector<16xf32>
    %swap3A_593 = arith.constant 58 : i32
    %swap3A_594 = arith.index_cast %swap3A_593 : i32 to index
    %swap3A_595 = arith.constant 0 : index
    %swap3A_596 = tpu.vector_load %arg5[%swap3A_594, %swap3A_595] {strides = array<i32>} : memref<128x16xf32, #tpu.memory_space<vmem>>, vector<1x16xf32>,
    %swap3A_597 = vector.shape_cast %swap3A_596 : vector<1x16xf32> to vector<16xf32>
    %swap3A_598 = vector.shape_cast %broadcast_in_dim3A_592 : vector<16xf32> to vector<1x16xf32>
    tpu.vector_store %arg5[%swap3A_594, %swap3A_595], %swap3A_598 {strides = array<i32>} : memref<128x16xf32, #tpu.memory_space<vmem>>, vector<1x16xf32>,
    %broadcast_in_dim3A_599 = arith.constant 1.000000e+00 : f32
    %broadcast_in_dim3A_600 = vector.broadcast %broadcast_in_dim3A_599 : f32 to vector<16xf32>
    %swap3A_601 = arith.constant 59 : i32
    %swap3A_602 = arith.index_cast %swap3A_601 : i32 to index
    %swap3A_603 = arith.constant 0 : index
    %swap3A_604 = tpu.vector_load %arg5[%swap3A_602, %swap3A_603] {strides = array<i32>} : memref<128x16xf32, #tpu.memory_space<vmem>>, vector<1x16xf32>,
    %swap3A_605 = vector.shape_cast %swap3A_604 : vector<1x16xf32> to vector<16xf32>
    %swap3A_606 = vector.shape_cast %broadcast_in_dim3A_600 : vector<16xf32> to vector<1x16xf32>
    tpu.vector_store %arg5[%swap3A_602, %swap3A_603], %swap3A_606 {strides = array<i32>} : memref<128x16xf32, #tpu.memory_space<vmem>>, vector<1x16xf32>,
    %broadcast_in_dim3A_607 = arith.constant 1.000000e+00 : f32
    %broadcast_in_dim3A_608 = vector.broadcast %broadcast_in_dim3A_607 : f32 to vector<16xf32>
    %swap3A_609 = arith.constant 60 : i32
    %swap3A_610 = arith.index_cast %swap3A_609 : i32 to index
    %swap3A_611 = arith.constant 0 : index
    %swap3A_612 = tpu.vector_load %arg5[%swap3A_610, %swap3A_611] {strides = array<i32>} : memref<128x16xf32, #tpu.memory_space<vmem>>, vector<1x16xf32>,
    %swap3A_613 = vector.shape_cast %swap3A_612 : vector<1x16xf32> to vector<16xf32>
    %swap3A_614 = vector.shape_cast %broadcast_in_dim3A_608 : vector<16xf32> to vector<1x16xf32>
    tpu.vector_store %arg5[%swap3A_610, %swap3A_611], %swap3A_614 {strides = array<i32>} : memref<128x16xf32, #tpu.memory_space<vmem>>, vector<1x16xf32>,
    %broadcast_in_dim3A_615 = arith.constant 1.000000e+00 : f32
    %broadcast_in_dim3A_616 = vector.broadcast %broadcast_in_dim3A_615 : f32 to vector<16xf32>
    %swap3A_617 = arith.constant 61 : i32
    %swap3A_618 = arith.index_cast %swap3A_617 : i32 to index
    %swap3A_619 = arith.constant 0 : index
    %swap3A_620 = tpu.vector_load %arg5[%swap3A_618, %swap3A_619] {strides = array<i32>} : memref<128x16xf32, #tpu.memory_space<vmem>>, vector<1x16xf32>,
    %swap3A_621 = vector.shape_cast %swap3A_620 : vector<1x16xf32> to vector<16xf32>
    %swap3A_622 = vector.shape_cast %broadcast_in_dim3A_616 : vector<16xf32> to vector<1x16xf32>
    tpu.vector_store %arg5[%swap3A_618, %swap3A_619], %swap3A_622 {strides = array<i32>} : memref<128x16xf32, #tpu.memory_space<vmem>>, vector<1x16xf32>,
    %broadcast_in_dim3A_623 = arith.constant 1.000000e+00 : f32
    %broadcast_in_dim3A_624 = vector.broadcast %broadcast_in_dim3A_623 : f32 to vector<16xf32>
    %swap3A_625 = arith.constant 62 : i32
    %swap3A_626 = arith.index_cast %swap3A_625 : i32 to index
    %swap3A_627 = arith.constant 0 : index
    %swap3A_628 = tpu.vector_load %arg5[%swap3A_626, %swap3A_627] {strides = array<i32>} : memref<128x16xf32, #tpu.memory_space<vmem>>, vector<1x16xf32>,
    %swap3A_629 = vector.shape_cast %swap3A_628 : vector<1x16xf32> to vector<16xf32>
    %swap3A_630 = vector.shape_cast %broadcast_in_dim3A_624 : vector<16xf32> to vector<1x16xf32>
    tpu.vector_store %arg5[%swap3A_626, %swap3A_627], %swap3A_630 {strides = array<i32>} : memref<128x16xf32, #tpu.memory_space<vmem>>, vector<1x16xf32>,
    %broadcast_in_dim3A_631 = arith.constant 1.000000e+00 : f32
    %broadcast_in_dim3A_632 = vector.broadcast %broadcast_in_dim3A_631 : f32 to vector<16xf32>
    %swap3A_633 = arith.constant 63 : i32
    %swap3A_634 = arith.index_cast %swap3A_633 : i32 to index
    %swap3A_635 = arith.constant 0 : index
    %swap3A_636 = tpu.vector_load %arg5[%swap3A_634, %swap3A_635] {strides = array<i32>} : memref<128x16xf32, #tpu.memory_space<vmem>>, vector<1x16xf32>,
    %swap3A_637 = vector.shape_cast %swap3A_636 : vector<1x16xf32> to vector<16xf32>
    %swap3A_638 = vector.shape_cast %broadcast_in_dim3A_632 : vector<16xf32> to vector<1x16xf32>
    tpu.vector_store %arg5[%swap3A_634, %swap3A_635], %swap3A_638 {strides = array<i32>} : memref<128x16xf32, #tpu.memory_space<vmem>>, vector<1x16xf32>,
    %broadcast_in_dim3A_639 = arith.constant 1.000000e+00 : f32
    %broadcast_in_dim3A_640 = vector.broadcast %broadcast_in_dim3A_639 : f32 to vector<16xf32>
    %swap3A_641 = arith.constant 64 : i32
    %swap3A_642 = arith.index_cast %swap3A_641 : i32 to index
    %swap3A_643 = arith.constant 0 : index
    %swap3A_644 = tpu.vector_load %arg5[%swap3A_642, %swap3A_643] {strides = array<i32>} : memref<128x16xf32, #tpu.memory_space<vmem>>, vector<1x16xf32>,
    %swap3A_645 = vector.shape_cast %swap3A_644 : vector<1x16xf32> to vector<16xf32>
    %swap3A_646 = vector.shape_cast %broadcast_in_dim3A_640 : vector<16xf32> to vector<1x16xf32>
    tpu.vector_store %arg5[%swap3A_642, %swap3A_643], %swap3A_646 {strides = array<i32>} : memref<128x16xf32, #tpu.memory_space<vmem>>, vector<1x16xf32>,
    %broadcast_in_dim3A_647 = arith.constant 1.000000e+00 : f32
    %broadcast_in_dim3A_648 = vector.broadcast %broadcast_in_dim3A_647 : f32 to vector<16xf32>
    %swap3A_649 = arith.constant 65 : i32
    %swap3A_650 = arith.index_cast %swap3A_649 : i32 to index
    %swap3A_651 = arith.constant 0 : index
    %swap3A_652 = tpu.vector_load %arg5[%swap3A_650, %swap3A_651] {strides = array<i32>} : memref<128x16xf32, #tpu.memory_space<vmem>>, vector<1x16xf32>,
    %swap3A_653 = vector.shape_cast %swap3A_652 : vector<1x16xf32> to vector<16xf32>
    %swap3A_654 = vector.shape_cast %broadcast_in_dim3A_648 : vector<16xf32> to vector<1x16xf32>
    tpu.vector_store %arg5[%swap3A_650, %swap3A_651], %swap3A_654 {strides = array<i32>} : memref<128x16xf32, #tpu.memory_space<vmem>>, vector<1x16xf32>,
    %broadcast_in_dim3A_655 = arith.constant 1.000000e+00 : f32
    %broadcast_in_dim3A_656 = vector.broadcast %broadcast_in_dim3A_655 : f32 to vector<16xf32>
    %swap3A_657 = arith.constant 66 : i32
    %swap3A_658 = arith.index_cast %swap3A_657 : i32 to index
    %swap3A_659 = arith.constant 0 : index
    %swap3A_660 = tpu.vector_load %arg5[%swap3A_658, %swap3A_659] {strides = array<i32>} : memref<128x16xf32, #tpu.memory_space<vmem>>, vector<1x16xf32>,
    %swap3A_661 = vector.shape_cast %swap3A_660 : vector<1x16xf32> to vector<16xf32>
    %swap3A_662 = vector.shape_cast %broadcast_in_dim3A_656 : vector<16xf32> to vector<1x16xf32>
    tpu.vector_store %arg5[%swap3A_658, %swap3A_659], %swap3A_662 {strides = array<i32>} : memref<128x16xf32, #tpu.memory_space<vmem>>, vector<1x16xf32>,
    %broadcast_in_dim3A_663 = arith.constant 1.000000e+00 : f32
    %broadcast_in_dim3A_664 = vector.broadcast %broadcast_in_dim3A_663 : f32 to vector<16xf32>
    %swap3A_665 = arith.constant 67 : i32
    %swap3A_666 = arith.index_cast %swap3A_665 : i32 to index
    %swap3A_667 = arith.constant 0 : index
    %swap3A_668 = tpu.vector_load %arg5[%swap3A_666, %swap3A_667] {strides = array<i32>} : memref<128x16xf32, #tpu.memory_space<vmem>>, vector<1x16xf32>,
    %swap3A_669 = vector.shape_cast %swap3A_668 : vector<1x16xf32> to vector<16xf32>
    %swap3A_670 = vector.shape_cast %broadcast_in_dim3A_664 : vector<16xf32> to vector<1x16xf32>
    tpu.vector_store %arg5[%swap3A_666, %swap3A_667], %swap3A_670 {strides = array<i32>} : memref<128x16xf32, #tpu.memory_space<vmem>>, vector<1x16xf32>,
    %broadcast_in_dim3A_671 = arith.constant 1.000000e+00 : f32
    %broadcast_in_dim3A_672 = vector.broadcast %broadcast_in_dim3A_671 : f32 to vector<16xf32>
    %swap3A_673 = arith.constant 68 : i32
    %swap3A_674 = arith.index_cast %swap3A_673 : i32 to index
    %swap3A_675 = arith.constant 0 : index
    %swap3A_676 = tpu.vector_load %arg5[%swap3A_674, %swap3A_675] {strides = array<i32>} : memref<128x16xf32, #tpu.memory_space<vmem>>, vector<1x16xf32>,
    %swap3A_677 = vector.shape_cast %swap3A_676 : vector<1x16xf32> to vector<16xf32>
    %swap3A_678 = vector.shape_cast %broadcast_in_dim3A_672 : vector<16xf32> to vector<1x16xf32>
    tpu.vector_store %arg5[%swap3A_674, %swap3A_675], %swap3A_678 {strides = array<i32>} : memref<128x16xf32, #tpu.memory_space<vmem>>, vector<1x16xf32>,
    %broadcast_in_dim3A_679 = arith.constant 1.000000e+00 : f32
    %broadcast_in_dim3A_680 = vector.broadcast %broadcast_in_dim3A_679 : f32 to vector<16xf32>
    %swap3A_681 = arith.constant 69 : i32
    %swap3A_682 = arith.index_cast %swap3A_681 : i32 to index
    %swap3A_683 = arith.constant 0 : index
    %swap3A_684 = tpu.vector_load %arg5[%swap3A_682, %swap3A_683] {strides = array<i32>} : memref<128x16xf32, #tpu.memory_space<vmem>>, vector<1x16xf32>,
    %swap3A_685 = vector.shape_cast %swap3A_684 : vector<1x16xf32> to vector<16xf32>
    %swap3A_686 = vector.shape_cast %broadcast_in_dim3A_680 : vector<16xf32> to vector<1x16xf32>
    tpu.vector_store %arg5[%swap3A_682, %swap3A_683], %swap3A_686 {strides = array<i32>} : memref<128x16xf32, #tpu.memory_space<vmem>>, vector<1x16xf32>,
    %broadcast_in_dim3A_687 = arith.constant 1.000000e+00 : f32
    %broadcast_in_dim3A_688 = vector.broadcast %broadcast_in_dim3A_687 : f32 to vector<16xf32>
    %swap3A_689 = arith.constant 70 : i32
    %swap3A_690 = arith.index_cast %swap3A_689 : i32 to index
    %swap3A_691 = arith.constant 0 : index
    %swap3A_692 = tpu.vector_load %arg5[%swap3A_690, %swap3A_691] {strides = array<i32>} : memref<128x16xf32, #tpu.memory_space<vmem>>, vector<1x16xf32>,
    %swap3A_693 = vector.shape_cast %swap3A_692 : vector<1x16xf32> to vector<16xf32>
    %swap3A_694 = vector.shape_cast %broadcast_in_dim3A_688 : vector<16xf32> to vector<1x16xf32>
    tpu.vector_store %arg5[%swap3A_690, %swap3A_691], %swap3A_694 {strides = array<i32>} : memref<128x16xf32, #tpu.memory_space<vmem>>, vector<1x16xf32>,
    %broadcast_in_dim3A_695 = arith.constant 1.000000e+00 : f32
    %broadcast_in_dim3A_696 = vector.broadcast %broadcast_in_dim3A_695 : f32 to vector<16xf32>
    %swap3A_697 = arith.constant 71 : i32
    %swap3A_698 = arith.index_cast %swap3A_697 : i32 to index
    %swap3A_699 = arith.constant 0 : index
    %swap3A_700 = tpu.vector_load %arg5[%swap3A_698, %swap3A_699] {strides = array<i32>} : memref<128x16xf32, #tpu.memory_space<vmem>>, vector<1x16xf32>,
    %swap3A_701 = vector.shape_cast %swap3A_700 : vector<1x16xf32> to vector<16xf32>
    %swap3A_702 = vector.shape_cast %broadcast_in_dim3A_696 : vector<16xf32> to vector<1x16xf32>
    tpu.vector_store %arg5[%swap3A_698, %swap3A_699], %swap3A_702 {strides = array<i32>} : memref<128x16xf32, #tpu.memory_space<vmem>>, vector<1x16xf32>,
    %broadcast_in_dim3A_703 = arith.constant 1.000000e+00 : f32
    %broadcast_in_dim3A_704 = vector.broadcast %broadcast_in_dim3A_703 : f32 to vector<16xf32>
    %swap3A_705 = arith.constant 72 : i32
    %swap3A_706 = arith.index_cast %swap3A_705 : i32 to index
    %swap3A_707 = arith.constant 0 : index
    %swap3A_708 = tpu.vector_load %arg5[%swap3A_706, %swap3A_707] {strides = array<i32>} : memref<128x16xf32, #tpu.memory_space<vmem>>, vector<1x16xf32>,
    %swap3A_709 = vector.shape_cast %swap3A_708 : vector<1x16xf32> to vector<16xf32>
    %swap3A_710 = vector.shape_cast %broadcast_in_dim3A_704 : vector<16xf32> to vector<1x16xf32>
    tpu.vector_store %arg5[%swap3A_706, %swap3A_707], %swap3A_710 {strides = array<i32>} : memref<128x16xf32, #tpu.memory_space<vmem>>, vector<1x16xf32>,
    %broadcast_in_dim3A_711 = arith.constant 1.000000e+00 : f32
    %broadcast_in_dim3A_712 = vector.broadcast %broadcast_in_dim3A_711 : f32 to vector<16xf32>
    %swap3A_713 = arith.constant 73 : i32
    %swap3A_714 = arith.index_cast %swap3A_713 : i32 to index
    %swap3A_715 = arith.constant 0 : index
    %swap3A_716 = tpu.vector_load %arg5[%swap3A_714, %swap3A_715] {strides = array<i32>} : memref<128x16xf32, #tpu.memory_space<vmem>>, vector<1x16xf32>,
    %swap3A_717 = vector.shape_cast %swap3A_716 : vector<1x16xf32> to vector<16xf32>
    %swap3A_718 = vector.shape_cast %broadcast_in_dim3A_712 : vector<16xf32> to vector<1x16xf32>
    tpu.vector_store %arg5[%swap3A_714, %swap3A_715], %swap3A_718 {strides = array<i32>} : memref<128x16xf32, #tpu.memory_space<vmem>>, vector<1x16xf32>,
    %broadcast_in_dim3A_719 = arith.constant 1.000000e+00 : f32
    %broadcast_in_dim3A_720 = vector.broadcast %broadcast_in_dim3A_719 : f32 to vector<16xf32>
    %swap3A_721 = arith.constant 74 : i32
    %swap3A_722 = arith.index_cast %swap3A_721 : i32 to index
    %swap3A_723 = arith.constant 0 : index
    %swap3A_724 = tpu.vector_load %arg5[%swap3A_722, %swap3A_723] {strides = array<i32>} : memref<128x16xf32, #tpu.memory_space<vmem>>, vector<1x16xf32>,
    %swap3A_725 = vector.shape_cast %swap3A_724 : vector<1x16xf32> to vector<16xf32>
    %swap3A_726 = vector.shape_cast %broadcast_in_dim3A_720 : vector<16xf32> to vector<1x16xf32>
    tpu.vector_store %arg5[%swap3A_722, %swap3A_723], %swap3A_726 {strides = array<i32>} : memref<128x16xf32, #tpu.memory_space<vmem>>, vector<1x16xf32>,
    %broadcast_in_dim3A_727 = arith.constant 1.000000e+00 : f32
    %broadcast_in_dim3A_728 = vector.broadcast %broadcast_in_dim3A_727 : f32 to vector<16xf32>
    %swap3A_729 = arith.constant 75 : i32
    %swap3A_730 = arith.index_cast %swap3A_729 : i32 to index
    %swap3A_731 = arith.constant 0 : index
    %swap3A_732 = tpu.vector_load %arg5[%swap3A_730, %swap3A_731] {strides = array<i32>} : memref<128x16xf32, #tpu.memory_space<vmem>>, vector<1x16xf32>,
    %swap3A_733 = vector.shape_cast %swap3A_732 : vector<1x16xf32> to vector<16xf32>
    %swap3A_734 = vector.shape_cast %broadcast_in_dim3A_728 : vector<16xf32> to vector<1x16xf32>
    tpu.vector_store %arg5[%swap3A_730, %swap3A_731], %swap3A_734 {strides = array<i32>} : memref<128x16xf32, #tpu.memory_space<vmem>>, vector<1x16xf32>,
    %broadcast_in_dim3A_735 = arith.constant 1.000000e+00 : f32
    %broadcast_in_dim3A_736 = vector.broadcast %broadcast_in_dim3A_735 : f32 to vector<16xf32>
    %swap3A_737 = arith.constant 76 : i32
    %swap3A_738 = arith.index_cast %swap3A_737 : i32 to index
    %swap3A_739 = arith.constant 0 : index
    %swap3A_740 = tpu.vector_load %arg5[%swap3A_738, %swap3A_739] {strides = array<i32>} : memref<128x16xf32, #tpu.memory_space<vmem>>, vector<1x16xf32>,
    %swap3A_741 = vector.shape_cast %swap3A_740 : vector<1x16xf32> to vector<16xf32>
    %swap3A_742 = vector.shape_cast %broadcast_in_dim3A_736 : vector<16xf32> to vector<1x16xf32>
    tpu.vector_store %arg5[%swap3A_738, %swap3A_739], %swap3A_742 {strides = array<i32>} : memref<128x16xf32, #tpu.memory_space<vmem>>, vector<1x16xf32>,
    %broadcast_in_dim3A_743 = arith.constant 1.000000e+00 : f32
    %broadcast_in_dim3A_744 = vector.broadcast %broadcast_in_dim3A_743 : f32 to vector<16xf32>
    %swap3A_745 = arith.constant 77 : i32
    %swap3A_746 = arith.index_cast %swap3A_745 : i32 to index
    %swap3A_747 = arith.constant 0 : index
    %swap3A_748 = tpu.vector_load %arg5[%swap3A_746, %swap3A_747] {strides = array<i32>} : memref<128x16xf32, #tpu.memory_space<vmem>>, vector<1x16xf32>,
    %swap3A_749 = vector.shape_cast %swap3A_748 : vector<1x16xf32> to vector<16xf32>
    %swap3A_750 = vector.shape_cast %broadcast_in_dim3A_744 : vector<16xf32> to vector<1x16xf32>
    tpu.vector_store %arg5[%swap3A_746, %swap3A_747], %swap3A_750 {strides = array<i32>} : memref<128x16xf32, #tpu.memory_space<vmem>>, vector<1x16xf32>,
    %broadcast_in_dim3A_751 = arith.constant 1.000000e+00 : f32
    %broadcast_in_dim3A_752 = vector.broadcast %broadcast_in_dim3A_751 : f32 to vector<16xf32>
    %swap3A_753 = arith.constant 78 : i32
    %swap3A_754 = arith.index_cast %swap3A_753 : i32 to index
    %swap3A_755 = arith.constant 0 : index
    %swap3A_756 = tpu.vector_load %arg5[%swap3A_754, %swap3A_755] {strides = array<i32>} : memref<128x16xf32, #tpu.memory_space<vmem>>, vector<1x16xf32>,
    %swap3A_757 = vector.shape_cast %swap3A_756 : vector<1x16xf32> to vector<16xf32>
    %swap3A_758 = vector.shape_cast %broadcast_in_dim3A_752 : vector<16xf32> to vector<1x16xf32>
    tpu.vector_store %arg5[%swap3A_754, %swap3A_755], %swap3A_758 {strides = array<i32>} : memref<128x16xf32, #tpu.memory_space<vmem>>, vector<1x16xf32>,
    %broadcast_in_dim3A_759 = arith.constant 1.000000e+00 : f32
    %broadcast_in_dim3A_760 = vector.broadcast %broadcast_in_dim3A_759 : f32 to vector<16xf32>
    %swap3A_761 = arith.constant 79 : i32
    %swap3A_762 = arith.index_cast %swap3A_761 : i32 to index
    %swap3A_763 = arith.constant 0 : index
    %swap3A_764 = tpu.vector_load %arg5[%swap3A_762, %swap3A_763] {strides = array<i32>} : memref<128x16xf32, #tpu.memory_space<vmem>>, vector<1x16xf32>,
    %swap3A_765 = vector.shape_cast %swap3A_764 : vector<1x16xf32> to vector<16xf32>
    %swap3A_766 = vector.shape_cast %broadcast_in_dim3A_760 : vector<16xf32> to vector<1x16xf32>
    tpu.vector_store %arg5[%swap3A_762, %swap3A_763], %swap3A_766 {strides = array<i32>} : memref<128x16xf32, #tpu.memory_space<vmem>>, vector<1x16xf32>,
    %broadcast_in_dim3A_767 = arith.constant 1.000000e+00 : f32
    %broadcast_in_dim3A_768 = vector.broadcast %broadcast_in_dim3A_767 : f32 to vector<16xf32>
    %swap3A_769 = arith.constant 80 : i32
    %swap3A_770 = arith.index_cast %swap3A_769 : i32 to index
    %swap3A_771 = arith.constant 0 : index
    %swap3A_772 = tpu.vector_load %arg5[%swap3A_770, %swap3A_771] {strides = array<i32>} : memref<128x16xf32, #tpu.memory_space<vmem>>, vector<1x16xf32>,
    %swap3A_773 = vector.shape_cast %swap3A_772 : vector<1x16xf32> to vector<16xf32>
    %swap3A_774 = vector.shape_cast %broadcast_in_dim3A_768 : vector<16xf32> to vector<1x16xf32>
    tpu.vector_store %arg5[%swap3A_770, %swap3A_771], %swap3A_774 {strides = array<i32>} : memref<128x16xf32, #tpu.memory_space<vmem>>, vector<1x16xf32>,
    %broadcast_in_dim3A_775 = arith.constant 1.000000e+00 : f32
    %broadcast_in_dim3A_776 = vector.broadcast %broadcast_in_dim3A_775 : f32 to vector<16xf32>
    %swap3A_777 = arith.constant 81 : i32
    %swap3A_778 = arith.index_cast %swap3A_777 : i32 to index
    %swap3A_779 = arith.constant 0 : index
    %swap3A_780 = tpu.vector_load %arg5[%swap3A_778, %swap3A_779] {strides = array<i32>} : memref<128x16xf32, #tpu.memory_space<vmem>>, vector<1x16xf32>,
    %swap3A_781 = vector.shape_cast %swap3A_780 : vector<1x16xf32> to vector<16xf32>
    %swap3A_782 = vector.shape_cast %broadcast_in_dim3A_776 : vector<16xf32> to vector<1x16xf32>
    tpu.vector_store %arg5[%swap3A_778, %swap3A_779], %swap3A_782 {strides = array<i32>} : memref<128x16xf32, #tpu.memory_space<vmem>>, vector<1x16xf32>,
    %broadcast_in_dim3A_783 = arith.constant 1.000000e+00 : f32
    %broadcast_in_dim3A_784 = vector.broadcast %broadcast_in_dim3A_783 : f32 to vector<16xf32>
    %swap3A_785 = arith.constant 82 : i32
    %swap3A_786 = arith.index_cast %swap3A_785 : i32 to index
    %swap3A_787 = arith.constant 0 : index
    %swap3A_788 = tpu.vector_load %arg5[%swap3A_786, %swap3A_787] {strides = array<i32>} : memref<128x16xf32, #tpu.memory_space<vmem>>, vector<1x16xf32>,
    %swap3A_789 = vector.shape_cast %swap3A_788 : vector<1x16xf32> to vector<16xf32>
    %swap3A_790 = vector.shape_cast %broadcast_in_dim3A_784 : vector<16xf32> to vector<1x16xf32>
    tpu.vector_store %arg5[%swap3A_786, %swap3A_787], %swap3A_790 {strides = array<i32>} : memref<128x16xf32, #tpu.memory_space<vmem>>, vector<1x16xf32>,
    %broadcast_in_dim3A_791 = arith.constant 1.000000e+00 : f32
    %broadcast_in_dim3A_792 = vector.broadcast %broadcast_in_dim3A_791 : f32 to vector<16xf32>
    %swap3A_793 = arith.constant 83 : i32
    %swap3A_794 = arith.index_cast %swap3A_793 : i32 to index
    %swap3A_795 = arith.constant 0 : index
    %swap3A_796 = tpu.vector_load %arg5[%swap3A_794, %swap3A_795] {strides = array<i32>} : memref<128x16xf32, #tpu.memory_space<vmem>>, vector<1x16xf32>,
    %swap3A_797 = vector.shape_cast %swap3A_796 : vector<1x16xf32> to vector<16xf32>
    %swap3A_798 = vector.shape_cast %broadcast_in_dim3A_792 : vector<16xf32> to vector<1x16xf32>
    tpu.vector_store %arg5[%swap3A_794, %swap3A_795], %swap3A_798 {strides = array<i32>} : memref<128x16xf32, #tpu.memory_space<vmem>>, vector<1x16xf32>,
    %broadcast_in_dim3A_799 = arith.constant 1.000000e+00 : f32
    %broadcast_in_dim3A_800 = vector.broadcast %broadcast_in_dim3A_799 : f32 to vector<16xf32>
    %swap3A_801 = arith.constant 84 : i32
    %swap3A_802 = arith.index_cast %swap3A_801 : i32 to index
    %swap3A_803 = arith.constant 0 : index
    %swap3A_804 = tpu.vector_load %arg5[%swap3A_802, %swap3A_803] {strides = array<i32>} : memref<128x16xf32, #tpu.memory_space<vmem>>, vector<1x16xf32>,
    %swap3A_805 = vector.shape_cast %swap3A_804 : vector<1x16xf32> to vector<16xf32>
    %swap3A_806 = vector.shape_cast %broadcast_in_dim3A_800 : vector<16xf32> to vector<1x16xf32>
    tpu.vector_store %arg5[%swap3A_802, %swap3A_803], %swap3A_806 {strides = array<i32>} : memref<128x16xf32, #tpu.memory_space<vmem>>, vector<1x16xf32>,
    %broadcast_in_dim3A_807 = arith.constant 1.000000e+00 : f32
    %broadcast_in_dim3A_808 = vector.broadcast %broadcast_in_dim3A_807 : f32 to vector<16xf32>
    %swap3A_809 = arith.constant 85 : i32
    %swap3A_810 = arith.index_cast %swap3A_809 : i32 to index
    %swap3A_811 = arith.constant 0 : index
    %swap3A_812 = tpu.vector_load %arg5[%swap3A_810, %swap3A_811] {strides = array<i32>} : memref<128x16xf32, #tpu.memory_space<vmem>>, vector<1x16xf32>,
    %swap3A_813 = vector.shape_cast %swap3A_812 : vector<1x16xf32> to vector<16xf32>
    %swap3A_814 = vector.shape_cast %broadcast_in_dim3A_808 : vector<16xf32> to vector<1x16xf32>
    tpu.vector_store %arg5[%swap3A_810, %swap3A_811], %swap3A_814 {strides = array<i32>} : memref<128x16xf32, #tpu.memory_space<vmem>>, vector<1x16xf32>,
    %broadcast_in_dim3A_815 = arith.constant 1.000000e+00 : f32
    %broadcast_in_dim3A_816 = vector.broadcast %broadcast_in_dim3A_815 : f32 to vector<16xf32>
    %swap3A_817 = arith.constant 86 : i32
    %swap3A_818 = arith.index_cast %swap3A_817 : i32 to index
    %swap3A_819 = arith.constant 0 : index
    %swap3A_820 = tpu.vector_load %arg5[%swap3A_818, %swap3A_819] {strides = array<i32>} : memref<128x16xf32, #tpu.memory_space<vmem>>, vector<1x16xf32>,
    %swap3A_821 = vector.shape_cast %swap3A_820 : vector<1x16xf32> to vector<16xf32>
    %swap3A_822 = vector.shape_cast %broadcast_in_dim3A_816 : vector<16xf32> to vector<1x16xf32>
    tpu.vector_store %arg5[%swap3A_818, %swap3A_819], %swap3A_822 {strides = array<i32>} : memref<128x16xf32, #tpu.memory_space<vmem>>, vector<1x16xf32>,
    %broadcast_in_dim3A_823 = arith.constant 1.000000e+00 : f32
    %broadcast_in_dim3A_824 = vector.broadcast %broadcast_in_dim3A_823 : f32 to vector<16xf32>
    %swap3A_825 = arith.constant 87 : i32
    %swap3A_826 = arith.index_cast %swap3A_825 : i32 to index
    %swap3A_827 = arith.constant 0 : index
    %swap3A_828 = tpu.vector_load %arg5[%swap3A_826, %swap3A_827] {strides = array<i32>} : memref<128x16xf32, #tpu.memory_space<vmem>>, vector<1x16xf32>,
    %swap3A_829 = vector.shape_cast %swap3A_828 : vector<1x16xf32> to vector<16xf32>
    %swap3A_830 = vector.shape_cast %broadcast_in_dim3A_824 : vector<16xf32> to vector<1x16xf32>
    tpu.vector_store %arg5[%swap3A_826, %swap3A_827], %swap3A_830 {strides = array<i32>} : memref<128x16xf32, #tpu.memory_space<vmem>>, vector<1x16xf32>,
    %broadcast_in_dim3A_831 = arith.constant 1.000000e+00 : f32
    %broadcast_in_dim3A_832 = vector.broadcast %broadcast_in_dim3A_831 : f32 to vector<16xf32>
    %swap3A_833 = arith.constant 88 : i32
    %swap3A_834 = arith.index_cast %swap3A_833 : i32 to index
    %swap3A_835 = arith.constant 0 : index
    %swap3A_836 = tpu.vector_load %arg5[%swap3A_834, %swap3A_835] {strides = array<i32>} : memref<128x16xf32, #tpu.memory_space<vmem>>, vector<1x16xf32>,
    %swap3A_837 = vector.shape_cast %swap3A_836 : vector<1x16xf32> to vector<16xf32>
    %swap3A_838 = vector.shape_cast %broadcast_in_dim3A_832 : vector<16xf32> to vector<1x16xf32>
    tpu.vector_store %arg5[%swap3A_834, %swap3A_835], %swap3A_838 {strides = array<i32>} : memref<128x16xf32, #tpu.memory_space<vmem>>, vector<1x16xf32>,
    %broadcast_in_dim3A_839 = arith.constant 1.000000e+00 : f32
    %broadcast_in_dim3A_840 = vector.broadcast %broadcast_in_dim3A_839 : f32 to vector<16xf32>
    %swap3A_841 = arith.constant 89 : i32
    %swap3A_842 = arith.index_cast %swap3A_841 : i32 to index
    %swap3A_843 = arith.constant 0 : index
    %swap3A_844 = tpu.vector_load %arg5[%swap3A_842, %swap3A_843] {strides = array<i32>} : memref<128x16xf32, #tpu.memory_space<vmem>>, vector<1x16xf32>,
    %swap3A_845 = vector.shape_cast %swap3A_844 : vector<1x16xf32> to vector<16xf32>
    %swap3A_846 = vector.shape_cast %broadcast_in_dim3A_840 : vector<16xf32> to vector<1x16xf32>
    tpu.vector_store %arg5[%swap3A_842, %swap3A_843], %swap3A_846 {strides = array<i32>} : memref<128x16xf32, #tpu.memory_space<vmem>>, vector<1x16xf32>,
    %broadcast_in_dim3A_847 = arith.constant 1.000000e+00 : f32
    %broadcast_in_dim3A_848 = vector.broadcast %broadcast_in_dim3A_847 : f32 to vector<16xf32>
    %swap3A_849 = arith.constant 90 : i32
    %swap3A_850 = arith.index_cast %swap3A_849 : i32 to index
    %swap3A_851 = arith.constant 0 : index
    %swap3A_852 = tpu.vector_load %arg5[%swap3A_850, %swap3A_851] {strides = array<i32>} : memref<128x16xf32, #tpu.memory_space<vmem>>, vector<1x16xf32>,
    %swap3A_853 = vector.shape_cast %swap3A_852 : vector<1x16xf32> to vector<16xf32>
    %swap3A_854 = vector.shape_cast %broadcast_in_dim3A_848 : vector<16xf32> to vector<1x16xf32>
    tpu.vector_store %arg5[%swap3A_850, %swap3A_851], %swap3A_854 {strides = array<i32>} : memref<128x16xf32, #tpu.memory_space<vmem>>, vector<1x16xf32>,
    %broadcast_in_dim3A_855 = arith.constant 1.000000e+00 : f32
    %broadcast_in_dim3A_856 = vector.broadcast %broadcast_in_dim3A_855 : f32 to vector<16xf32>
    %swap3A_857 = arith.constant 91 : i32
    %swap3A_858 = arith.index_cast %swap3A_857 : i32 to index
    %swap3A_859 = arith.constant 0 : index
    %swap3A_860 = tpu.vector_load %arg5[%swap3A_858, %swap3A_859] {strides = array<i32>} : memref<128x16xf32, #tpu.memory_space<vmem>>, vector<1x16xf32>,
    %swap3A_861 = vector.shape_cast %swap3A_860 : vector<1x16xf32> to vector<16xf32>
    %swap3A_862 = vector.shape_cast %broadcast_in_dim3A_856 : vector<16xf32> to vector<1x16xf32>
    tpu.vector_store %arg5[%swap3A_858, %swap3A_859], %swap3A_862 {strides = array<i32>} : memref<128x16xf32, #tpu.memory_space<vmem>>, vector<1x16xf32>,
    %broadcast_in_dim3A_863 = arith.constant 1.000000e+00 : f32
    %broadcast_in_dim3A_864 = vector.broadcast %broadcast_in_dim3A_863 : f32 to vector<16xf32>
    %swap3A_865 = arith.constant 92 : i32
    %swap3A_866 = arith.index_cast %swap3A_865 : i32 to index
    %swap3A_867 = arith.constant 0 : index
    %swap3A_868 = tpu.vector_load %arg5[%swap3A_866, %swap3A_867] {strides = array<i32>} : memref<128x16xf32, #tpu.memory_space<vmem>>, vector<1x16xf32>,
    %swap3A_869 = vector.shape_cast %swap3A_868 : vector<1x16xf32> to vector<16xf32>
    %swap3A_870 = vector.shape_cast %broadcast_in_dim3A_864 : vector<16xf32> to vector<1x16xf32>
    tpu.vector_store %arg5[%swap3A_866, %swap3A_867], %swap3A_870 {strides = array<i32>} : memref<128x16xf32, #tpu.memory_space<vmem>>, vector<1x16xf32>,
    %broadcast_in_dim3A_871 = arith.constant 1.000000e+00 : f32
    %broadcast_in_dim3A_872 = vector.broadcast %broadcast_in_dim3A_871 : f32 to vector<16xf32>
    %swap3A_873 = arith.constant 93 : i32
    %swap3A_874 = arith.index_cast %swap3A_873 : i32 to index
    %swap3A_875 = arith.constant 0 : index
    %swap3A_876 = tpu.vector_load %arg5[%swap3A_874, %swap3A_875] {strides = array<i32>} : memref<128x16xf32, #tpu.memory_space<vmem>>, vector<1x16xf32>,
    %swap3A_877 = vector.shape_cast %swap3A_876 : vector<1x16xf32> to vector<16xf32>
    %swap3A_878 = vector.shape_cast %broadcast_in_dim3A_872 : vector<16xf32> to vector<1x16xf32>
    tpu.vector_store %arg5[%swap3A_874, %swap3A_875], %swap3A_878 {strides = array<i32>} : memref<128x16xf32, #tpu.memory_space<vmem>>, vector<1x16xf32>,
    %broadcast_in_dim3A_879 = arith.constant 1.000000e+00 : f32
    %broadcast_in_dim3A_880 = vector.broadcast %broadcast_in_dim3A_879 : f32 to vector<16xf32>
    %swap3A_881 = arith.constant 94 : i32
    %swap3A_882 = arith.index_cast %swap3A_881 : i32 to index
    %swap3A_883 = arith.constant 0 : index
    %swap3A_884 = tpu.vector_load %arg5[%swap3A_882, %swap3A_883] {strides = array<i32>} : memref<128x16xf32, #tpu.memory_space<vmem>>, vector<1x16xf32>,
    %swap3A_885 = vector.shape_cast %swap3A_884 : vector<1x16xf32> to vector<16xf32>
    %swap3A_886 = vector.shape_cast %broadcast_in_dim3A_880 : vector<16xf32> to vector<1x16xf32>
    tpu.vector_store %arg5[%swap3A_882, %swap3A_883], %swap3A_886 {strides = array<i32>} : memref<128x16xf32, #tpu.memory_space<vmem>>, vector<1x16xf32>,
    %broadcast_in_dim3A_887 = arith.constant 1.000000e+00 : f32
    %broadcast_in_dim3A_888 = vector.broadcast %broadcast_in_dim3A_887 : f32 to vector<16xf32>
    %swap3A_889 = arith.constant 95 : i32
    %swap3A_890 = arith.index_cast %swap3A_889 : i32 to index
    %swap3A_891 = arith.constant 0 : index
    %swap3A_892 = tpu.vector_load %arg5[%swap3A_890, %swap3A_891] {strides = array<i32>} : memref<128x16xf32, #tpu.memory_space<vmem>>, vector<1x16xf32>,
    %swap3A_893 = vector.shape_cast %swap3A_892 : vector<1x16xf32> to vector<16xf32>
    %swap3A_894 = vector.shape_cast %broadcast_in_dim3A_888 : vector<16xf32> to vector<1x16xf32>
    tpu.vector_store %arg5[%swap3A_890, %swap3A_891], %swap3A_894 {strides = array<i32>} : memref<128x16xf32, #tpu.memory_space<vmem>>, vector<1x16xf32>,
    %broadcast_in_dim3A_895 = arith.constant 1.000000e+00 : f32
    %broadcast_in_dim3A_896 = vector.broadcast %broadcast_in_dim3A_895 : f32 to vector<16xf32>
    %swap3A_897 = arith.constant 96 : i32
    %swap3A_898 = arith.index_cast %swap3A_897 : i32 to index
    %swap3A_899 = arith.constant 0 : index
    %swap3A_900 = tpu.vector_load %arg5[%swap3A_898, %swap3A_899] {strides = array<i32>} : memref<128x16xf32, #tpu.memory_space<vmem>>, vector<1x16xf32>,
    %swap3A_901 = vector.shape_cast %swap3A_900 : vector<1x16xf32> to vector<16xf32>
    %swap3A_902 = vector.shape_cast %broadcast_in_dim3A_896 : vector<16xf32> to vector<1x16xf32>
    tpu.vector_store %arg5[%swap3A_898, %swap3A_899], %swap3A_902 {strides = array<i32>} : memref<128x16xf32, #tpu.memory_space<vmem>>, vector<1x16xf32>,
    %broadcast_in_dim3A_903 = arith.constant 1.000000e+00 : f32
    %broadcast_in_dim3A_904 = vector.broadcast %broadcast_in_dim3A_903 : f32 to vector<16xf32>
    %swap3A_905 = arith.constant 97 : i32
    %swap3A_906 = arith.index_cast %swap3A_905 : i32 to index
    %swap3A_907 = arith.constant 0 : index
    %swap3A_908 = tpu.vector_load %arg5[%swap3A_906, %swap3A_907] {strides = array<i32>} : memref<128x16xf32, #tpu.memory_space<vmem>>, vector<1x16xf32>,
    %swap3A_909 = vector.shape_cast %swap3A_908 : vector<1x16xf32> to vector<16xf32>
    %swap3A_910 = vector.shape_cast %broadcast_in_dim3A_904 : vector<16xf32> to vector<1x16xf32>
    tpu.vector_store %arg5[%swap3A_906, %swap3A_907], %swap3A_910 {strides = array<i32>} : memref<128x16xf32, #tpu.memory_space<vmem>>, vector<1x16xf32>,
    %broadcast_in_dim3A_911 = arith.constant 1.000000e+00 : f32
    %broadcast_in_dim3A_912 = vector.broadcast %broadcast_in_dim3A_911 : f32 to vector<16xf32>
    %swap3A_913 = arith.constant 98 : i32
    %swap3A_914 = arith.index_cast %swap3A_913 : i32 to index
    %swap3A_915 = arith.constant 0 : index
    %swap3A_916 = tpu.vector_load %arg5[%swap3A_914, %swap3A_915] {strides = array<i32>} : memref<128x16xf32, #tpu.memory_space<vmem>>, vector<1x16xf32>,
    %swap3A_917 = vector.shape_cast %swap3A_916 : vector<1x16xf32> to vector<16xf32>
    %swap3A_918 = vector.shape_cast %broadcast_in_dim3A_912 : vector<16xf32> to vector<1x16xf32>
    tpu.vector_store %arg5[%swap3A_914, %swap3A_915], %swap3A_918 {strides = array<i32>} : memref<128x16xf32, #tpu.memory_space<vmem>>, vector<1x16xf32>,
    %broadcast_in_dim3A_919 = arith.constant 1.000000e+00 : f32
    %broadcast_in_dim3A_920 = vector.broadcast %broadcast_in_dim3A_919 : f32 to vector<16xf32>
    %swap3A_921 = arith.constant 99 : i32
    %swap3A_922 = arith.index_cast %swap3A_921 : i32 to index
    %swap3A_923 = arith.constant 0 : index
    %swap3A_924 = tpu.vector_load %arg5[%swap3A_922, %swap3A_923] {strides = array<i32>} : memref<128x16xf32, #tpu.memory_space<vmem>>, vector<1x16xf32>,
    %swap3A_925 = vector.shape_cast %swap3A_924 : vector<1x16xf32> to vector<16xf32>
    %swap3A_926 = vector.shape_cast %broadcast_in_dim3A_920 : vector<16xf32> to vector<1x16xf32>
    tpu.vector_store %arg5[%swap3A_922, %swap3A_923], %swap3A_926 {strides = array<i32>} : memref<128x16xf32, #tpu.memory_space<vmem>>, vector<1x16xf32>,
    %broadcast_in_dim3A_927 = arith.constant 1.000000e+00 : f32
    %broadcast_in_dim3A_928 = vector.broadcast %broadcast_in_dim3A_927 : f32 to vector<16xf32>
    %swap3A_929 = arith.constant 100 : i32
    %swap3A_930 = arith.index_cast %swap3A_929 : i32 to index
    %swap3A_931 = arith.constant 0 : index
    %swap3A_932 = tpu.vector_load %arg5[%swap3A_930, %swap3A_931] {strides = array<i32>} : memref<128x16xf32, #tpu.memory_space<vmem>>, vector<1x16xf32>,
    %swap3A_933 = vector.shape_cast %swap3A_932 : vector<1x16xf32> to vector<16xf32>
    %swap3A_934 = vector.shape_cast %broadcast_in_dim3A_928 : vector<16xf32> to vector<1x16xf32>
    tpu.vector_store %arg5[%swap3A_930, %swap3A_931], %swap3A_934 {strides = array<i32>} : memref<128x16xf32, #tpu.memory_space<vmem>>, vector<1x16xf32>,
    %broadcast_in_dim3A_935 = arith.constant 1.000000e+00 : f32
    %broadcast_in_dim3A_936 = vector.broadcast %broadcast_in_dim3A_935 : f32 to vector<16xf32>
    %swap3A_937 = arith.constant 101 : i32
    %swap3A_938 = arith.index_cast %swap3A_937 : i32 to index
    %swap3A_939 = arith.constant 0 : index
    %swap3A_940 = tpu.vector_load %arg5[%swap3A_938, %swap3A_939] {strides = array<i32>} : memref<128x16xf32, #tpu.memory_space<vmem>>, vector<1x16xf32>,
    %swap3A_941 = vector.shape_cast %swap3A_940 : vector<1x16xf32> to vector<16xf32>
    %swap3A_942 = vector.shape_cast %broadcast_in_dim3A_936 : vector<16xf32> to vector<1x16xf32>
    tpu.vector_store %arg5[%swap3A_938, %swap3A_939], %swap3A_942 {strides = array<i32>} : memref<128x16xf32, #tpu.memory_space<vmem>>, vector<1x16xf32>,
    %broadcast_in_dim3A_943 = arith.constant 1.000000e+00 : f32
    %broadcast_in_dim3A_944 = vector.broadcast %broadcast_in_dim3A_943 : f32 to vector<16xf32>
    %swap3A_945 = arith.constant 102 : i32
    %swap3A_946 = arith.index_cast %swap3A_945 : i32 to index
    %swap3A_947 = arith.constant 0 : index
    %swap3A_948 = tpu.vector_load %arg5[%swap3A_946, %swap3A_947] {strides = array<i32>} : memref<128x16xf32, #tpu.memory_space<vmem>>, vector<1x16xf32>,
    %swap3A_949 = vector.shape_cast %swap3A_948 : vector<1x16xf32> to vector<16xf32>
    %swap3A_950 = vector.shape_cast %broadcast_in_dim3A_944 : vector<16xf32> to vector<1x16xf32>
    tpu.vector_store %arg5[%swap3A_946, %swap3A_947], %swap3A_950 {strides = array<i32>} : memref<128x16xf32, #tpu.memory_space<vmem>>, vector<1x16xf32>,
    %broadcast_in_dim3A_951 = arith.constant 1.000000e+00 : f32
    %broadcast_in_dim3A_952 = vector.broadcast %broadcast_in_dim3A_951 : f32 to vector<16xf32>
    %swap3A_953 = arith.constant 103 : i32
    %swap3A_954 = arith.index_cast %swap3A_953 : i32 to index
    %swap3A_955 = arith.constant 0 : index
    %swap3A_956 = tpu.vector_load %arg5[%swap3A_954, %swap3A_955] {strides = array<i32>} : memref<128x16xf32, #tpu.memory_space<vmem>>, vector<1x16xf32>,
    %swap3A_957 = vector.shape_cast %swap3A_956 : vector<1x16xf32> to vector<16xf32>
    %swap3A_958 = vector.shape_cast %broadcast_in_dim3A_952 : vector<16xf32> to vector<1x16xf32>
    tpu.vector_store %arg5[%swap3A_954, %swap3A_955], %swap3A_958 {strides = array<i32>} : memref<128x16xf32, #tpu.memory_space<vmem>>, vector<1x16xf32>,
    %broadcast_in_dim3A_959 = arith.constant 1.000000e+00 : f32
    %broadcast_in_dim3A_960 = vector.broadcast %broadcast_in_dim3A_959 : f32 to vector<16xf32>
    %swap3A_961 = arith.constant 104 : i32
    %swap3A_962 = arith.index_cast %swap3A_961 : i32 to index
    %swap3A_963 = arith.constant 0 : index
    %swap3A_964 = tpu.vector_load %arg5[%swap3A_962, %swap3A_963] {strides = array<i32>} : memref<128x16xf32, #tpu.memory_space<vmem>>, vector<1x16xf32>,
    %swap3A_965 = vector.shape_cast %swap3A_964 : vector<1x16xf32> to vector<16xf32>
    %swap3A_966 = vector.shape_cast %broadcast_in_dim3A_960 : vector<16xf32> to vector<1x16xf32>
    tpu.vector_store %arg5[%swap3A_962, %swap3A_963], %swap3A_966 {strides = array<i32>} : memref<128x16xf32, #tpu.memory_space<vmem>>, vector<1x16xf32>,
    %broadcast_in_dim3A_967 = arith.constant 1.000000e+00 : f32
    %broadcast_in_dim3A_968 = vector.broadcast %broadcast_in_dim3A_967 : f32 to vector<16xf32>
    %swap3A_969 = arith.constant 105 : i32
    %swap3A_970 = arith.index_cast %swap3A_969 : i32 to index
    %swap3A_971 = arith.constant 0 : index
    %swap3A_972 = tpu.vector_load %arg5[%swap3A_970, %swap3A_971] {strides = array<i32>} : memref<128x16xf32, #tpu.memory_space<vmem>>, vector<1x16xf32>,
    %swap3A_973 = vector.shape_cast %swap3A_972 : vector<1x16xf32> to vector<16xf32>
    %swap3A_974 = vector.shape_cast %broadcast_in_dim3A_968 : vector<16xf32> to vector<1x16xf32>
    tpu.vector_store %arg5[%swap3A_970, %swap3A_971], %swap3A_974 {strides = array<i32>} : memref<128x16xf32, #tpu.memory_space<vmem>>, vector<1x16xf32>,
    %broadcast_in_dim3A_975 = arith.constant 1.000000e+00 : f32
    %broadcast_in_dim3A_976 = vector.broadcast %broadcast_in_dim3A_975 : f32 to vector<16xf32>
    %swap3A_977 = arith.constant 106 : i32
    %swap3A_978 = arith.index_cast %swap3A_977 : i32 to index
    %swap3A_979 = arith.constant 0 : index
    %swap3A_980 = tpu.vector_load %arg5[%swap3A_978, %swap3A_979] {strides = array<i32>} : memref<128x16xf32, #tpu.memory_space<vmem>>, vector<1x16xf32>,
    %swap3A_981 = vector.shape_cast %swap3A_980 : vector<1x16xf32> to vector<16xf32>
    %swap3A_982 = vector.shape_cast %broadcast_in_dim3A_976 : vector<16xf32> to vector<1x16xf32>
    tpu.vector_store %arg5[%swap3A_978, %swap3A_979], %swap3A_982 {strides = array<i32>} : memref<128x16xf32, #tpu.memory_space<vmem>>, vector<1x16xf32>,
    %broadcast_in_dim3A_983 = arith.constant 1.000000e+00 : f32
    %broadcast_in_dim3A_984 = vector.broadcast %broadcast_in_dim3A_983 : f32 to vector<16xf32>
    %swap3A_985 = arith.constant 107 : i32
    %swap3A_986 = arith.index_cast %swap3A_985 : i32 to index
    %swap3A_987 = arith.constant 0 : index
    %swap3A_988 = tpu.vector_load %arg5[%swap3A_986, %swap3A_987] {strides = array<i32>} : memref<128x16xf32, #tpu.memory_space<vmem>>, vector<1x16xf32>,
    %swap3A_989 = vector.shape_cast %swap3A_988 : vector<1x16xf32> to vector<16xf32>
    %swap3A_990 = vector.shape_cast %broadcast_in_dim3A_984 : vector<16xf32> to vector<1x16xf32>
    tpu.vector_store %arg5[%swap3A_986, %swap3A_987], %swap3A_990 {strides = array<i32>} : memref<128x16xf32, #tpu.memory_space<vmem>>, vector<1x16xf32>,
    %broadcast_in_dim3A_991 = arith.constant 1.000000e+00 : f32
    %broadcast_in_dim3A_992 = vector.broadcast %broadcast_in_dim3A_991 : f32 to vector<16xf32>
    %swap3A_993 = arith.constant 108 : i32
    %swap3A_994 = arith.index_cast %swap3A_993 : i32 to index
    %swap3A_995 = arith.constant 0 : index
    %swap3A_996 = tpu.vector_load %arg5[%swap3A_994, %swap3A_995] {strides = array<i32>} : memref<128x16xf32, #tpu.memory_space<vmem>>, vector<1x16xf32>,
    %swap3A_997 = vector.shape_cast %swap3A_996 : vector<1x16xf32> to vector<16xf32>
    %swap3A_998 = vector.shape_cast %broadcast_in_dim3A_992 : vector<16xf32> to vector<1x16xf32>
    tpu.vector_store %arg5[%swap3A_994, %swap3A_995], %swap3A_998 {strides = array<i32>} : memref<128x16xf32, #tpu.memory_space<vmem>>, vector<1x16xf32>,
    %broadcast_in_dim3A_999 = arith.constant 1.000000e+00 : f32
    %broadcast_in_dim3A_1000 = vector.broadcast %broadcast_in_dim3A_999 : f32 to vector<16xf32>
    %swap3A_1001 = arith.constant 109 : i32
    %swap3A_1002 = arith.index_cast %swap3A_1001 : i32 to index
    %swap3A_1003 = arith.constant 0 : index
    %swap3A_1004 = tpu.vector_load %arg5[%swap3A_1002, %swap3A_1003] {strides = array<i32>} : memref<128x16xf32, #tpu.memory_space<vmem>>, vector<1x16xf32>,
    %swap3A_1005 = vector.shape_cast %swap3A_1004 : vector<1x16xf32> to vector<16xf32>
    %swap3A_1006 = vector.shape_cast %broadcast_in_dim3A_1000 : vector<16xf32> to vector<1x16xf32>
    tpu.vector_store %arg5[%swap3A_1002, %swap3A_1003], %swap3A_1006 {strides = array<i32>} : memref<128x16xf32, #tpu.memory_space<vmem>>, vector<1x16xf32>,
    %broadcast_in_dim3A_1007 = arith.constant 1.000000e+00 : f32
    %broadcast_in_dim3A_1008 = vector.broadcast %broadcast_in_dim3A_1007 : f32 to vector<16xf32>
    %swap3A_1009 = arith.constant 110 : i32
    %swap3A_1010 = arith.index_cast %swap3A_1009 : i32 to index
    %swap3A_1011 = arith.constant 0 : index
    %swap3A_1012 = tpu.vector_load %arg5[%swap3A_1010, %swap3A_1011] {strides = array<i32>} : memref<128x16xf32, #tpu.memory_space<vmem>>, vector<1x16xf32>,
    %swap3A_1013 = vector.shape_cast %swap3A_1012 : vector<1x16xf32> to vector<16xf32>
    %swap3A_1014 = vector.shape_cast %broadcast_in_dim3A_1008 : vector<16xf32> to vector<1x16xf32>
    tpu.vector_store %arg5[%swap3A_1010, %swap3A_1011], %swap3A_1014 {strides = array<i32>} : memref<128x16xf32, #tpu.memory_space<vmem>>, vector<1x16xf32>,
    %broadcast_in_dim3A_1015 = arith.constant 1.000000e+00 : f32
    %broadcast_in_dim3A_1016 = vector.broadcast %broadcast_in_dim3A_1015 : f32 to vector<16xf32>
    %swap3A_1017 = arith.constant 111 : i32
    %swap3A_1018 = arith.index_cast %swap3A_1017 : i32 to index
    %swap3A_1019 = arith.constant 0 : index
    %swap3A_1020 = tpu.vector_load %arg5[%swap3A_1018, %swap3A_1019] {strides = array<i32>} : memref<128x16xf32, #tpu.memory_space<vmem>>, vector<1x16xf32>,
    %swap3A_1021 = vector.shape_cast %swap3A_1020 : vector<1x16xf32> to vector<16xf32>
    %swap3A_1022 = vector.shape_cast %broadcast_in_dim3A_1016 : vector<16xf32> to vector<1x16xf32>
    tpu.vector_store %arg5[%swap3A_1018, %swap3A_1019], %swap3A_1022 {strides = array<i32>} : memref<128x16xf32, #tpu.memory_space<vmem>>, vector<1x16xf32>,
    %broadcast_in_dim3A_1023 = arith.constant 1.000000e+00 : f32
    %broadcast_in_dim3A_1024 = vector.broadcast %broadcast_in_dim3A_1023 : f32 to vector<16xf32>
    %swap3A_1025 = arith.constant 112 : i32
    %swap3A_1026 = arith.index_cast %swap3A_1025 : i32 to index
    %swap3A_1027 = arith.constant 0 : index
    %swap3A_1028 = tpu.vector_load %arg5[%swap3A_1026, %swap3A_1027] {strides = array<i32>} : memref<128x16xf32, #tpu.memory_space<vmem>>, vector<1x16xf32>,
    %swap3A_1029 = vector.shape_cast %swap3A_1028 : vector<1x16xf32> to vector<16xf32>
    %swap3A_1030 = vector.shape_cast %broadcast_in_dim3A_1024 : vector<16xf32> to vector<1x16xf32>
    tpu.vector_store %arg5[%swap3A_1026, %swap3A_1027], %swap3A_1030 {strides = array<i32>} : memref<128x16xf32, #tpu.memory_space<vmem>>, vector<1x16xf32>,
    %broadcast_in_dim3A_1031 = arith.constant 1.000000e+00 : f32
    %broadcast_in_dim3A_1032 = vector.broadcast %broadcast_in_dim3A_1031 : f32 to vector<16xf32>
    %swap3A_1033 = arith.constant 113 : i32
    %swap3A_1034 = arith.index_cast %swap3A_1033 : i32 to index
    %swap3A_1035 = arith.constant 0 : index
    %swap3A_1036 = tpu.vector_load %arg5[%swap3A_1034, %swap3A_1035] {strides = array<i32>} : memref<128x16xf32, #tpu.memory_space<vmem>>, vector<1x16xf32>,
    %swap3A_1037 = vector.shape_cast %swap3A_1036 : vector<1x16xf32> to vector<16xf32>
    %swap3A_1038 = vector.shape_cast %broadcast_in_dim3A_1032 : vector<16xf32> to vector<1x16xf32>
    tpu.vector_store %arg5[%swap3A_1034, %swap3A_1035], %swap3A_1038 {strides = array<i32>} : memref<128x16xf32, #tpu.memory_space<vmem>>, vector<1x16xf32>,
    %broadcast_in_dim3A_1039 = arith.constant 1.000000e+00 : f32
    %broadcast_in_dim3A_1040 = vector.broadcast %broadcast_in_dim3A_1039 : f32 to vector<16xf32>
    %swap3A_1041 = arith.constant 114 : i32
    %swap3A_1042 = arith.index_cast %swap3A_1041 : i32 to index
    %swap3A_1043 = arith.constant 0 : index
    %swap3A_1044 = tpu.vector_load %arg5[%swap3A_1042, %swap3A_1043] {strides = array<i32>} : memref<128x16xf32, #tpu.memory_space<vmem>>, vector<1x16xf32>,
    %swap3A_1045 = vector.shape_cast %swap3A_1044 : vector<1x16xf32> to vector<16xf32>
    %swap3A_1046 = vector.shape_cast %broadcast_in_dim3A_1040 : vector<16xf32> to vector<1x16xf32>
    tpu.vector_store %arg5[%swap3A_1042, %swap3A_1043], %swap3A_1046 {strides = array<i32>} : memref<128x16xf32, #tpu.memory_space<vmem>>, vector<1x16xf32>,
    %broadcast_in_dim3A_1047 = arith.constant 1.000000e+00 : f32
    %broadcast_in_dim3A_1048 = vector.broadcast %broadcast_in_dim3A_1047 : f32 to vector<16xf32>
    %swap3A_1049 = arith.constant 115 : i32
    %swap3A_1050 = arith.index_cast %swap3A_1049 : i32 to index
    %swap3A_1051 = arith.constant 0 : index
    %swap3A_1052 = tpu.vector_load %arg5[%swap3A_1050, %swap3A_1051] {strides = array<i32>} : memref<128x16xf32, #tpu.memory_space<vmem>>, vector<1x16xf32>,
    %swap3A_1053 = vector.shape_cast %swap3A_1052 : vector<1x16xf32> to vector<16xf32>
    %swap3A_1054 = vector.shape_cast %broadcast_in_dim3A_1048 : vector<16xf32> to vector<1x16xf32>
    tpu.vector_store %arg5[%swap3A_1050, %swap3A_1051], %swap3A_1054 {strides = array<i32>} : memref<128x16xf32, #tpu.memory_space<vmem>>, vector<1x16xf32>,
    %broadcast_in_dim3A_1055 = arith.constant 1.000000e+00 : f32
    %broadcast_in_dim3A_1056 = vector.broadcast %broadcast_in_dim3A_1055 : f32 to vector<16xf32>
    %swap3A_1057 = arith.constant 116 : i32
    %swap3A_1058 = arith.index_cast %swap3A_1057 : i32 to index
    %swap3A_1059 = arith.constant 0 : index
    %swap3A_1060 = tpu.vector_load %arg5[%swap3A_1058, %swap3A_1059] {strides = array<i32>} : memref<128x16xf32, #tpu.memory_space<vmem>>, vector<1x16xf32>,
    %swap3A_1061 = vector.shape_cast %swap3A_1060 : vector<1x16xf32> to vector<16xf32>
    %swap3A_1062 = vector.shape_cast %broadcast_in_dim3A_1056 : vector<16xf32> to vector<1x16xf32>
    tpu.vector_store %arg5[%swap3A_1058, %swap3A_1059], %swap3A_1062 {strides = array<i32>} : memref<128x16xf32, #tpu.memory_space<vmem>>, vector<1x16xf32>,
    %broadcast_in_dim3A_1063 = arith.constant 1.000000e+00 : f32
    %broadcast_in_dim3A_1064 = vector.broadcast %broadcast_in_dim3A_1063 : f32 to vector<16xf32>
    %swap3A_1065 = arith.constant 117 : i32
    %swap3A_1066 = arith.index_cast %swap3A_1065 : i32 to index
    %swap3A_1067 = arith.constant 0 : index
    %swap3A_1068 = tpu.vector_load %arg5[%swap3A_1066, %swap3A_1067] {strides = array<i32>} : memref<128x16xf32, #tpu.memory_space<vmem>>, vector<1x16xf32>,
    %swap3A_1069 = vector.shape_cast %swap3A_1068 : vector<1x16xf32> to vector<16xf32>
    %swap3A_1070 = vector.shape_cast %broadcast_in_dim3A_1064 : vector<16xf32> to vector<1x16xf32>
    tpu.vector_store %arg5[%swap3A_1066, %swap3A_1067], %swap3A_1070 {strides = array<i32>} : memref<128x16xf32, #tpu.memory_space<vmem>>, vector<1x16xf32>,
    %broadcast_in_dim3A_1071 = arith.constant 1.000000e+00 : f32
    %broadcast_in_dim3A_1072 = vector.broadcast %broadcast_in_dim3A_1071 : f32 to vector<16xf32>
    %swap3A_1073 = arith.constant 118 : i32
    %swap3A_1074 = arith.index_cast %swap3A_1073 : i32 to index
    %swap3A_1075 = arith.constant 0 : index
    %swap3A_1076 = tpu.vector_load %arg5[%swap3A_1074, %swap3A_1075] {strides = array<i32>} : memref<128x16xf32, #tpu.memory_space<vmem>>, vector<1x16xf32>,
    %swap3A_1077 = vector.shape_cast %swap3A_1076 : vector<1x16xf32> to vector<16xf32>
    %swap3A_1078 = vector.shape_cast %broadcast_in_dim3A_1072 : vector<16xf32> to vector<1x16xf32>
    tpu.vector_store %arg5[%swap3A_1074, %swap3A_1075], %swap3A_1078 {strides = array<i32>} : memref<128x16xf32, #tpu.memory_space<vmem>>, vector<1x16xf32>,
    %broadcast_in_dim3A_1079 = arith.constant 1.000000e+00 : f32
    %broadcast_in_dim3A_1080 = vector.broadcast %broadcast_in_dim3A_1079 : f32 to vector<16xf32>
    %swap3A_1081 = arith.constant 119 : i32
    %swap3A_1082 = arith.index_cast %swap3A_1081 : i32 to index
    %swap3A_1083 = arith.constant 0 : index
    %swap3A_1084 = tpu.vector_load %arg5[%swap3A_1082, %swap3A_1083] {strides = array<i32>} : memref<128x16xf32, #tpu.memory_space<vmem>>, vector<1x16xf32>,
    %swap3A_1085 = vector.shape_cast %swap3A_1084 : vector<1x16xf32> to vector<16xf32>
    %swap3A_1086 = vector.shape_cast %broadcast_in_dim3A_1080 : vector<16xf32> to vector<1x16xf32>
    tpu.vector_store %arg5[%swap3A_1082, %swap3A_1083], %swap3A_1086 {strides = array<i32>} : memref<128x16xf32, #tpu.memory_space<vmem>>, vector<1x16xf32>,
    %broadcast_in_dim3A_1087 = arith.constant 1.000000e+00 : f32
    %broadcast_in_dim3A_1088 = vector.broadcast %broadcast_in_dim3A_1087 : f32 to vector<16xf32>
    %swap3A_1089 = arith.constant 120 : i32
    %swap3A_1090 = arith.index_cast %swap3A_1089 : i32 to index
    %swap3A_1091 = arith.constant 0 : index
    %swap3A_1092 = tpu.vector_load %arg5[%swap3A_1090, %swap3A_1091] {strides = array<i32>} : memref<128x16xf32, #tpu.memory_space<vmem>>, vector<1x16xf32>,
    %swap3A_1093 = vector.shape_cast %swap3A_1092 : vector<1x16xf32> to vector<16xf32>
    %swap3A_1094 = vector.shape_cast %broadcast_in_dim3A_1088 : vector<16xf32> to vector<1x16xf32>
    tpu.vector_store %arg5[%swap3A_1090, %swap3A_1091], %swap3A_1094 {strides = array<i32>} : memref<128x16xf32, #tpu.memory_space<vmem>>, vector<1x16xf32>,
    %broadcast_in_dim3A_1095 = arith.constant 1.000000e+00 : f32
    %broadcast_in_dim3A_1096 = vector.broadcast %broadcast_in_dim3A_1095 : f32 to vector<16xf32>
    %swap3A_1097 = arith.constant 121 : i32
    %swap3A_1098 = arith.index_cast %swap3A_1097 : i32 to index
    %swap3A_1099 = arith.constant 0 : index
    %swap3A_1100 = tpu.vector_load %arg5[%swap3A_1098, %swap3A_1099] {strides = array<i32>} : memref<128x16xf32, #tpu.memory_space<vmem>>, vector<1x16xf32>,
    %swap3A_1101 = vector.shape_cast %swap3A_1100 : vector<1x16xf32> to vector<16xf32>
    %swap3A_1102 = vector.shape_cast %broadcast_in_dim3A_1096 : vector<16xf32> to vector<1x16xf32>
    tpu.vector_store %arg5[%swap3A_1098, %swap3A_1099], %swap3A_1102 {strides = array<i32>} : memref<128x16xf32, #tpu.memory_space<vmem>>, vector<1x16xf32>,
    %broadcast_in_dim3A_1103 = arith.constant 1.000000e+00 : f32
    %broadcast_in_dim3A_1104 = vector.broadcast %broadcast_in_dim3A_1103 : f32 to vector<16xf32>
    %swap3A_1105 = arith.constant 122 : i32
    %swap3A_1106 = arith.index_cast %swap3A_1105 : i32 to index
    %swap3A_1107 = arith.constant 0 : index
    %swap3A_1108 = tpu.vector_load %arg5[%swap3A_1106, %swap3A_1107] {strides = array<i32>} : memref<128x16xf32, #tpu.memory_space<vmem>>, vector<1x16xf32>,
    %swap3A_1109 = vector.shape_cast %swap3A_1108 : vector<1x16xf32> to vector<16xf32>
    %swap3A_1110 = vector.shape_cast %broadcast_in_dim3A_1104 : vector<16xf32> to vector<1x16xf32>
    tpu.vector_store %arg5[%swap3A_1106, %swap3A_1107], %swap3A_1110 {strides = array<i32>} : memref<128x16xf32, #tpu.memory_space<vmem>>, vector<1x16xf32>,
    %broadcast_in_dim3A_1111 = arith.constant 1.000000e+00 : f32
    %broadcast_in_dim3A_1112 = vector.broadcast %broadcast_in_dim3A_1111 : f32 to vector<16xf32>
    %swap3A_1113 = arith.constant 123 : i32
    %swap3A_1114 = arith.index_cast %swap3A_1113 : i32 to index
    %swap3A_1115 = arith.constant 0 : index
    %swap3A_1116 = tpu.vector_load %arg5[%swap3A_1114, %swap3A_1115] {strides = array<i32>} : memref<128x16xf32, #tpu.memory_space<vmem>>, vector<1x16xf32>,
    %swap3A_1117 = vector.shape_cast %swap3A_1116 : vector<1x16xf32> to vector<16xf32>
    %swap3A_1118 = vector.shape_cast %broadcast_in_dim3A_1112 : vector<16xf32> to vector<1x16xf32>
    tpu.vector_store %arg5[%swap3A_1114, %swap3A_1115], %swap3A_1118 {strides = array<i32>} : memref<128x16xf32, #tpu.memory_space<vmem>>, vector<1x16xf32>,
    %broadcast_in_dim3A_1119 = arith.constant 1.000000e+00 : f32
    %broadcast_in_dim3A_1120 = vector.broadcast %broadcast_in_dim3A_1119 : f32 to vector<16xf32>
    %swap3A_1121 = arith.constant 124 : i32
    %swap3A_1122 = arith.index_cast %swap3A_1121 : i32 to index
    %swap3A_1123 = arith.constant 0 : index
    %swap3A_1124 = tpu.vector_load %arg5[%swap3A_1122, %swap3A_1123] {strides = array<i32>} : memref<128x16xf32, #tpu.memory_space<vmem>>, vector<1x16xf32>,
    %swap3A_1125 = vector.shape_cast %swap3A_1124 : vector<1x16xf32> to vector<16xf32>
    %swap3A_1126 = vector.shape_cast %broadcast_in_dim3A_1120 : vector<16xf32> to vector<1x16xf32>
    tpu.vector_store %arg5[%swap3A_1122, %swap3A_1123], %swap3A_1126 {strides = array<i32>} : memref<128x16xf32, #tpu.memory_space<vmem>>, vector<1x16xf32>,
    %broadcast_in_dim3A_1127 = arith.constant 1.000000e+00 : f32
    %broadcast_in_dim3A_1128 = vector.broadcast %broadcast_in_dim3A_1127 : f32 to vector<16xf32>
    %swap3A_1129 = arith.constant 125 : i32
    %swap3A_1130 = arith.index_cast %swap3A_1129 : i32 to index
    %swap3A_1131 = arith.constant 0 : index
    %swap3A_1132 = tpu.vector_load %arg5[%swap3A_1130, %swap3A_1131] {strides = array<i32>} : memref<128x16xf32, #tpu.memory_space<vmem>>, vector<1x16xf32>,
    %swap3A_1133 = vector.shape_cast %swap3A_1132 : vector<1x16xf32> to vector<16xf32>
    %swap3A_1134 = vector.shape_cast %broadcast_in_dim3A_1128 : vector<16xf32> to vector<1x16xf32>
    tpu.vector_store %arg5[%swap3A_1130, %swap3A_1131], %swap3A_1134 {strides = array<i32>} : memref<128x16xf32, #tpu.memory_space<vmem>>, vector<1x16xf32>,
    %broadcast_in_dim3A_1135 = arith.constant 1.000000e+00 : f32
    %broadcast_in_dim3A_1136 = vector.broadcast %broadcast_in_dim3A_1135 : f32 to vector<16xf32>
    %swap3A_1137 = arith.constant 126 : i32
    %swap3A_1138 = arith.index_cast %swap3A_1137 : i32 to index
    %swap3A_1139 = arith.constant 0 : index
    %swap3A_1140 = tpu.vector_load %arg5[%swap3A_1138, %swap3A_1139] {strides = array<i32>} : memref<128x16xf32, #tpu.memory_space<vmem>>, vector<1x16xf32>,
    %swap3A_1141 = vector.shape_cast %swap3A_1140 : vector<1x16xf32> to vector<16xf32>
    %swap3A_1142 = vector.shape_cast %broadcast_in_dim3A_1136 : vector<16xf32> to vector<1x16xf32>
    tpu.vector_store %arg5[%swap3A_1138, %swap3A_1139], %swap3A_1142 {strides = array<i32>} : memref<128x16xf32, #tpu.memory_space<vmem>>, vector<1x16xf32>,
    %broadcast_in_dim3A_1143 = arith.constant 1.000000e+00 : f32
    %broadcast_in_dim3A_1144 = vector.broadcast %broadcast_in_dim3A_1143 : f32 to vector<16xf32>
    %swap3A_1145 = arith.constant 127 : i32
    %swap3A_1146 = arith.index_cast %swap3A_1145 : i32 to index
    %swap3A_1147 = arith.constant 0 : index
    %swap3A_1148 = tpu.vector_load %arg5[%swap3A_1146, %swap3A_1147] {strides = array<i32>} : memref<128x16xf32, #tpu.memory_space<vmem>>, vector<1x16xf32>,
    %swap3A_1149 = vector.shape_cast %swap3A_1148 : vector<1x16xf32> to vector<16xf32>
    %swap3A_1150 = vector.shape_cast %broadcast_in_dim3A_1144 : vector<16xf32> to vector<1x16xf32>
    tpu.vector_store %arg5[%swap3A_1146, %swap3A_1147], %swap3A_1150 {strides = array<i32>} : memref<128x16xf32, #tpu.memory_space<vmem>>, vector<1x16xf32>,
    %scan3A = arith.constant 0 : i32
    %scan3A_1151 = arith.constant 0 : i32
    %scan3A_1152 = arith.constant 40 : i32
    %scan3A_1153 = arith.addi %scan3A_1151, %scan3A_1152 : i32
    %scan3A_1154 = arith.constant 1 : i32
    %scan3A_1155 = scf.for %scan3A_1174 = %scan3A_1151 to %scan3A_1153 step %scan3A_1154 iter_args(%scan3A_1175 = %scan3A) -> (i32)  : i32 {
      %mul3A_1176 = arith.constant 640 : i32
      %mul3A_1177 = arith.muli %arg1, %mul3A_1176 : i32
      %mul3A_1178 = arith.constant 16 : i32
      %mul3A_1179 = arith.muli %scan3A_1174, %mul3A_1178 : i32
      %add3A_1180 = arith.addi %mul3A_1177, %mul3A_1179 : i32
      "tpu.region"() ({
        %run_scoped3A = tpu.sem_alloc : memref<!tpu.dma_semaphore, #tpu.memory_space<semaphore_mem>>
        %dma_start3A = arith.constant 0 : i32
        %dma_start3A_1182 = tpu.memref_slice %arg7[%add3A_1180, %dma_start3A] : memref<10240x16xf32, #tpu.memory_space<vmem_shared>> -> memref<16x16xf32, #tpu.memory_space<vmem_shared>>
        %dma_start3A_1183 = arith.constant 0 : i32
        %dma_start3A_1184 = tpu.memref_slice %arg7[%add3A_1180, %dma_start3A_1183] : memref<10240x16xf32, #tpu.memory_space<vmem_shared>> -> memref<16x16xf32, #tpu.memory_space<vmem_shared>>
        tpu.enqueue_dma source(%arg6 : memref<16x16xf32, #tpu.memory_space<vmem>>) target(%dma_start3A_1184 : memref<16x16xf32, #tpu.memory_space<vmem_shared>>) target_semaphore(%run_scoped3A : memref<!tpu.dma_semaphore, #tpu.memory_space<semaphore_mem>>)
        %dma_wait3A = arith.constant 0 : i32
        %dma_wait3A_1185 = tpu.memref_slice %arg7[%add3A_1180, %dma_wait3A] : memref<10240x16xf32, #tpu.memory_space<vmem_shared>> -> memref<16x16xf32, #tpu.memory_space<vmem_shared>>
        %dma_wait3A_1186 = arith.constant 0 : i32
        %dma_wait3A_1187 = tpu.memref_slice %arg7[%add3A_1180, %dma_wait3A_1186] : memref<10240x16xf32, #tpu.memory_space<vmem_shared>> -> memref<16x16xf32, #tpu.memory_space<vmem_shared>>
        tpu.wait_dma2 semaphore(%run_scoped3A : memref<!tpu.dma_semaphore, #tpu.memory_space<semaphore_mem>>) src(%arg6 : memref<16x16xf32, #tpu.memory_space<vmem>>) dst(%dma_wait3A_1187 : memref<16x16xf32, #tpu.memory_space<vmem_shared>>)
        tpu.yield
      }) : () -> ()
      %scan3A_1181 = arith.constant 0 : i32
      scf.yield %scan3A_1181 : i32
    }
    %scan3A_1156 = arith.constant 40 : i32
    %mul3A_1157 = arith.constant 80 : i32
    %mul3A_1158 = arith.muli %add3A, %mul3A_1157 : i32
    "tpu.region"() ({
      %run_scoped3A = tpu.sem_alloc : memref<!tpu.dma_semaphore, #tpu.memory_space<semaphore_mem>>
      %dma_start3A = arith.constant 0 : i32
      %dma_start3A_1174 = tpu.memref_slice %arg2[%mul3A_1158, %dma_start3A] : memref<2608x128xi32, #tpu.memory_space<hbm>> -> memref<80x128xi32, #tpu.memory_space<hbm>>
      %dma_start3A_1175 = arith.constant 0 : i32
      %dma_start3A_1176 = tpu.memref_slice %arg2[%mul3A_1158, %dma_start3A_1175] : memref<2608x128xi32, #tpu.memory_space<hbm>> -> memref<80x128xi32, #tpu.memory_space<hbm>>
      tpu.enqueue_dma source(%dma_start3A_1176 : memref<80x128xi32, #tpu.memory_space<hbm>>) target(%arg4 : memref<80x128xi32, #tpu.memory_space<vmem>>) target_semaphore(%run_scoped3A : memref<!tpu.dma_semaphore, #tpu.memory_space<semaphore_mem>>)
      %dma_wait3A = arith.constant 0 : i32
      %dma_wait3A_1177 = tpu.memref_slice %arg2[%mul3A_1158, %dma_wait3A] : memref<2608x128xi32, #tpu.memory_space<hbm>> -> memref<80x128xi32, #tpu.memory_space<hbm>>
      %dma_wait3A_1178 = arith.constant 0 : i32
      %dma_wait3A_1179 = tpu.memref_slice %arg2[%mul3A_1158, %dma_wait3A_1178] : memref<2608x128xi32, #tpu.memory_space<hbm>> -> memref<80x128xi32, #tpu.memory_space<hbm>>
      tpu.wait_dma2 semaphore(%run_scoped3A : memref<!tpu.dma_semaphore, #tpu.memory_space<semaphore_mem>>) src(%dma_wait3A_1179 : memref<80x128xi32, #tpu.memory_space<hbm>>) dst(%arg4 : memref<80x128xi32, #tpu.memory_space<vmem>>)
      tpu.yield
    }) : () -> ()
    %barrier3A = arith.constant 0 : index
    tpu.barrier barrier_id(%barrier3A)
    %scan3A_1159 = arith.constant 0 : i32
    %scan3A_1160 = arith.constant 0 : i32
    %scan3A_1161 = arith.constant 80 : i32
    %scan3A_1162 = arith.addi %scan3A_1160, %scan3A_1161 : i32
    %scan3A_1163 = arith.constant 1 : i32
    %scan3A_1164 = scf.for %scan3A_1174 = %scan3A_1160 to %scan3A_1162 step %scan3A_1163 iter_args(%scan3A_1175 = %scan3A_1159) -> (i32)  : i32 {
      "tpu.region"() ({
        %run_scoped3A = tpu.sem_alloc : memref<!tpu.dma_semaphore, #tpu.memory_space<semaphore_mem>>
        %dma_start3A = arith.constant 0 : i32
        %dma_start3A_1177 = tpu.memref_slice %arg4[%scan3A_1174, %dma_start3A] : memref<80x128xi32, #tpu.memory_space<vmem>> -> memref<1x128xi32, #tpu.memory_space<vmem>>
        %dma_start3A_1178 = tpu.memref_squeeze %dma_start3A_1177 : memref<1x128xi32, #tpu.memory_space<vmem>> -> memref<128xi32, #tpu.memory_space<vmem>>
        %dma_start3A_1179 = arith.constant 0 : i32
        %dma_start3A_1180 = arith.constant 0 : i32
        %dma_start3A_1181 = tpu.memref_slice %arg7[%dma_start3A_1179, %dma_start3A_1180] : memref<10240x16xf32, #tpu.memory_space<vmem_shared>> -> memref<10240x16xf32, #tpu.memory_space<vmem_shared>>
        tpu.enqueue_indirect_dma source(%arg5 : memref<128x16xf32, #tpu.memory_space<vmem>>) target(%dma_start3A_1181 : memref<10240x16xf32, #tpu.memory_space<vmem_shared>>) offsets(%dma_start3A_1178 : memref<128xi32, #tpu.memory_space<vmem>>) semaphore(%run_scoped3A : memref<!tpu.dma_semaphore, #tpu.memory_space<semaphore_mem>>) {add = true}
        %dma_wait3A = arith.constant 0 : i32
        %dma_wait3A_1182 = tpu.memref_slice %arg4[%scan3A_1174, %dma_wait3A] : memref<80x128xi32, #tpu.memory_space<vmem>> -> memref<1x128xi32, #tpu.memory_space<vmem>>
        %dma_wait3A_1183 = tpu.memref_squeeze %dma_wait3A_1182 : memref<1x128xi32, #tpu.memory_space<vmem>> -> memref<128xi32, #tpu.memory_space<vmem>>
        %dma_wait3A_1184 = arith.constant 0 : i32
        %dma_wait3A_1185 = arith.constant 0 : i32
        %dma_wait3A_1186 = tpu.memref_slice %arg7[%dma_wait3A_1184, %dma_wait3A_1185] : memref<10240x16xf32, #tpu.memory_space<vmem_shared>> -> memref<10240x16xf32, #tpu.memory_space<vmem_shared>>
        tpu.wait_indirect_dma semaphore(%run_scoped3A : memref<!tpu.dma_semaphore, #tpu.memory_space<semaphore_mem>>) src(%arg5 : memref<128x16xf32, #tpu.memory_space<vmem>>) dst(%dma_wait3A_1186 : memref<10240x16xf32, #tpu.memory_space<vmem_shared>>)
        tpu.yield
      }) : () -> ()
      %scan3A_1176 = arith.constant 0 : i32
      scf.yield %scan3A_1176 : i32
    }
    %scan3A_1165 = arith.constant 80 : i32
    %barrier3A_1166 = arith.constant 0 : index
    tpu.barrier barrier_id(%barrier3A_1166)
    %mul3A_1167 = arith.constant 640 : i32
    %mul3A_1168 = arith.muli %arg1, %mul3A_1167 : i32
    %mul3A_1169 = arith.constant 10240 : i32
    %mul3A_1170 = arith.muli %arg0, %mul3A_1169 : i32
    %mul3A_1171 = arith.constant 640 : i32
    %mul3A_1172 = arith.muli %arg1, %mul3A_1171 : i32
    %add3A_1173 = arith.addi %mul3A_1170, %mul3A_1172 : i32
    "tpu.region"() ({
      %run_scoped3A = tpu.sem_alloc : memref<!tpu.dma_semaphore, #tpu.memory_space<semaphore_mem>>
      %dma_start3A = arith.constant 0 : i32
      %dma_start3A_1174 = tpu.memref_slice %arg3[%add3A_1173, %dma_start3A] : memref<20480x16xf32, #tpu.memory_space<hbm>> -> memref<640x16xf32, #tpu.memory_space<hbm>>
      %dma_start3A_1175 = arith.constant 0 : i32
      %dma_start3A_1176 = tpu.memref_slice %arg7[%mul3A_1168, %dma_start3A_1175] : memref<10240x16xf32, #tpu.memory_space<vmem_shared>> -> memref<640x16xf32, #tpu.memory_space<vmem_shared>>
      tpu.enqueue_dma source(%dma_start3A_1176 : memref<640x16xf32, #tpu.memory_space<vmem_shared>>) target(%dma_start3A_1174 : memref<640x16xf32, #tpu.memory_space<hbm>>) target_semaphore(%run_scoped3A : memref<!tpu.dma_semaphore, #tpu.memory_space<semaphore_mem>>)
      %dma_wait3A = arith.constant 0 : i32
      %dma_wait3A_1177 = tpu.memref_slice %arg3[%add3A_1173, %dma_wait3A] : memref<20480x16xf32, #tpu.memory_space<hbm>> -> memref<640x16xf32, #tpu.memory_space<hbm>>
      %dma_wait3A_1178 = arith.constant 0 : i32
      %dma_wait3A_1179 = tpu.memref_slice %arg7[%mul3A_1168, %dma_wait3A_1178] : memref<10240x16xf32, #tpu.memory_space<vmem_shared>> -> memref<640x16xf32, #tpu.memory_space<vmem_shared>>
      tpu.wait_dma2 semaphore(%run_scoped3A : memref<!tpu.dma_semaphore, #tpu.memory_space<semaphore_mem>>) src(%dma_wait3A_1179 : memref<640x16xf32, #tpu.memory_space<vmem_shared>>) dst(%dma_wait3A_1177 : memref<640x16xf32, #tpu.memory_space<hbm>>)
      tpu.yield
    }) : () -> ()
    return
  }
}

#map = affine_map<(d0, d1) -> (0, 0)>
module attributes {stable_mosaic.version = 14 : i64} {
  func.func @gs_kernel(%arg0: i32, %arg1: i32, %arg2: memref<10240x128xf32, #tpu.memory_space<hbm>>, %arg3: memref<2608x128xi32, #tpu.memory_space<hbm>>, %arg4: memref<2608x128xi32, #tpu.memory_space<hbm>>, %arg5: memref<20480x128xf32, #tpu.memory_space<hbm>>, %arg6: memref<48x128xi32, #tpu.memory_space<vmem>>, %arg7: memref<48x128xi32, #tpu.memory_space<vmem>>, %arg8: memref<128x128xf32, #tpu.memory_space<vmem>>, %arg9: memref<128x128xf32, #tpu.memory_space<vmem>>, %arg10: memref<8x128xf32, #tpu.memory_space<vmem>>, %arg11: memref<10240x128xf32, #tpu.memory_space<vmem_shared>>, %arg12: memref<!tpu.dma_semaphore, #tpu.memory_space<semaphore_mem>>, %arg13: memref<!tpu.dma_semaphore, #tpu.memory_space<semaphore_mem>>) attributes {dimension_semantics = [#tpu.dimension_semantics<core_parallel>, #tpu.dimension_semantics<subcore_parallel>], iteration_bounds = array<i64: 2, 16>, scalar_prefetch = 0 : i64, scratch_operands = 8 : i64, tpu.core_type = #tpu.core_type<sc_vector_subcore>, window_params = [{transform_indices = #map}, {transform_indices = #map}, {transform_indices = #map}, {transform_indices = #map}]} {
    %broadcast_in_dim3A = arith.constant 0.000000e+00 : f32
    %broadcast_in_dim3A_0 = vector.broadcast %broadcast_in_dim3A : f32 to vector<16xf32>
    %swap3A = arith.constant 0 : i32
    %swap3A_1 = arith.index_cast %swap3A : i32 to index
    %swap3A_2 = arith.constant 0 : index
    %swap3A_3 = tpu.vector_load %arg10[%swap3A_1, %swap3A_2] {strides = array<i32>} : memref<8x128xf32, #tpu.memory_space<vmem>>, vector<1x16xf32>,
    %swap3A_4 = vector.shape_cast %swap3A_3 : vector<1x16xf32> to vector<16xf32>
    %swap3A_5 = vector.shape_cast %broadcast_in_dim3A_0 : vector<16xf32> to vector<1x16xf32>
    tpu.vector_store %arg10[%swap3A_1, %swap3A_2], %swap3A_5 {strides = array<i32>} : memref<8x128xf32, #tpu.memory_space<vmem>>, vector<1x16xf32>,
    %broadcast_in_dim3A_6 = arith.constant 0.000000e+00 : f32
    %broadcast_in_dim3A_7 = vector.broadcast %broadcast_in_dim3A_6 : f32 to vector<16xf32>
    %swap3A_8 = arith.constant 0 : i32
    %swap3A_9 = arith.index_cast %swap3A_8 : i32 to index
    %swap3A_10 = arith.constant 16 : index
    %swap3A_11 = tpu.vector_load %arg10[%swap3A_9, %swap3A_10] {strides = array<i32>} : memref<8x128xf32, #tpu.memory_space<vmem>>, vector<1x16xf32>,
    %swap3A_12 = vector.shape_cast %swap3A_11 : vector<1x16xf32> to vector<16xf32>
    %swap3A_13 = vector.shape_cast %broadcast_in_dim3A_7 : vector<16xf32> to vector<1x16xf32>
    tpu.vector_store %arg10[%swap3A_9, %swap3A_10], %swap3A_13 {strides = array<i32>} : memref<8x128xf32, #tpu.memory_space<vmem>>, vector<1x16xf32>,
    %broadcast_in_dim3A_14 = arith.constant 0.000000e+00 : f32
    %broadcast_in_dim3A_15 = vector.broadcast %broadcast_in_dim3A_14 : f32 to vector<16xf32>
    %swap3A_16 = arith.constant 0 : i32
    %swap3A_17 = arith.index_cast %swap3A_16 : i32 to index
    %swap3A_18 = arith.constant 32 : index
    %swap3A_19 = tpu.vector_load %arg10[%swap3A_17, %swap3A_18] {strides = array<i32>} : memref<8x128xf32, #tpu.memory_space<vmem>>, vector<1x16xf32>,
    %swap3A_20 = vector.shape_cast %swap3A_19 : vector<1x16xf32> to vector<16xf32>
    %swap3A_21 = vector.shape_cast %broadcast_in_dim3A_15 : vector<16xf32> to vector<1x16xf32>
    tpu.vector_store %arg10[%swap3A_17, %swap3A_18], %swap3A_21 {strides = array<i32>} : memref<8x128xf32, #tpu.memory_space<vmem>>, vector<1x16xf32>,
    %broadcast_in_dim3A_22 = arith.constant 0.000000e+00 : f32
    %broadcast_in_dim3A_23 = vector.broadcast %broadcast_in_dim3A_22 : f32 to vector<16xf32>
    %swap3A_24 = arith.constant 0 : i32
    %swap3A_25 = arith.index_cast %swap3A_24 : i32 to index
    %swap3A_26 = arith.constant 48 : index
    %swap3A_27 = tpu.vector_load %arg10[%swap3A_25, %swap3A_26] {strides = array<i32>} : memref<8x128xf32, #tpu.memory_space<vmem>>, vector<1x16xf32>,
    %swap3A_28 = vector.shape_cast %swap3A_27 : vector<1x16xf32> to vector<16xf32>
    %swap3A_29 = vector.shape_cast %broadcast_in_dim3A_23 : vector<16xf32> to vector<1x16xf32>
    tpu.vector_store %arg10[%swap3A_25, %swap3A_26], %swap3A_29 {strides = array<i32>} : memref<8x128xf32, #tpu.memory_space<vmem>>, vector<1x16xf32>,
    %broadcast_in_dim3A_30 = arith.constant 0.000000e+00 : f32
    %broadcast_in_dim3A_31 = vector.broadcast %broadcast_in_dim3A_30 : f32 to vector<16xf32>
    %swap3A_32 = arith.constant 0 : i32
    %swap3A_33 = arith.index_cast %swap3A_32 : i32 to index
    %swap3A_34 = arith.constant 64 : index
    %swap3A_35 = tpu.vector_load %arg10[%swap3A_33, %swap3A_34] {strides = array<i32>} : memref<8x128xf32, #tpu.memory_space<vmem>>, vector<1x16xf32>,
    %swap3A_36 = vector.shape_cast %swap3A_35 : vector<1x16xf32> to vector<16xf32>
    %swap3A_37 = vector.shape_cast %broadcast_in_dim3A_31 : vector<16xf32> to vector<1x16xf32>
    tpu.vector_store %arg10[%swap3A_33, %swap3A_34], %swap3A_37 {strides = array<i32>} : memref<8x128xf32, #tpu.memory_space<vmem>>, vector<1x16xf32>,
    %broadcast_in_dim3A_38 = arith.constant 0.000000e+00 : f32
    %broadcast_in_dim3A_39 = vector.broadcast %broadcast_in_dim3A_38 : f32 to vector<16xf32>
    %swap3A_40 = arith.constant 0 : i32
    %swap3A_41 = arith.index_cast %swap3A_40 : i32 to index
    %swap3A_42 = arith.constant 80 : index
    %swap3A_43 = tpu.vector_load %arg10[%swap3A_41, %swap3A_42] {strides = array<i32>} : memref<8x128xf32, #tpu.memory_space<vmem>>, vector<1x16xf32>,
    %swap3A_44 = vector.shape_cast %swap3A_43 : vector<1x16xf32> to vector<16xf32>
    %swap3A_45 = vector.shape_cast %broadcast_in_dim3A_39 : vector<16xf32> to vector<1x16xf32>
    tpu.vector_store %arg10[%swap3A_41, %swap3A_42], %swap3A_45 {strides = array<i32>} : memref<8x128xf32, #tpu.memory_space<vmem>>, vector<1x16xf32>,
    %broadcast_in_dim3A_46 = arith.constant 0.000000e+00 : f32
    %broadcast_in_dim3A_47 = vector.broadcast %broadcast_in_dim3A_46 : f32 to vector<16xf32>
    %swap3A_48 = arith.constant 0 : i32
    %swap3A_49 = arith.index_cast %swap3A_48 : i32 to index
    %swap3A_50 = arith.constant 96 : index
    %swap3A_51 = tpu.vector_load %arg10[%swap3A_49, %swap3A_50] {strides = array<i32>} : memref<8x128xf32, #tpu.memory_space<vmem>>, vector<1x16xf32>,
    %swap3A_52 = vector.shape_cast %swap3A_51 : vector<1x16xf32> to vector<16xf32>
    %swap3A_53 = vector.shape_cast %broadcast_in_dim3A_47 : vector<16xf32> to vector<1x16xf32>
    tpu.vector_store %arg10[%swap3A_49, %swap3A_50], %swap3A_53 {strides = array<i32>} : memref<8x128xf32, #tpu.memory_space<vmem>>, vector<1x16xf32>,
    %broadcast_in_dim3A_54 = arith.constant 0.000000e+00 : f32
    %broadcast_in_dim3A_55 = vector.broadcast %broadcast_in_dim3A_54 : f32 to vector<16xf32>
    %swap3A_56 = arith.constant 0 : i32
    %swap3A_57 = arith.index_cast %swap3A_56 : i32 to index
    %swap3A_58 = arith.constant 112 : index
    %swap3A_59 = tpu.vector_load %arg10[%swap3A_57, %swap3A_58] {strides = array<i32>} : memref<8x128xf32, #tpu.memory_space<vmem>>, vector<1x16xf32>,
    %swap3A_60 = vector.shape_cast %swap3A_59 : vector<1x16xf32> to vector<16xf32>
    %swap3A_61 = vector.shape_cast %broadcast_in_dim3A_55 : vector<16xf32> to vector<1x16xf32>
    tpu.vector_store %arg10[%swap3A_57, %swap3A_58], %swap3A_61 {strides = array<i32>} : memref<8x128xf32, #tpu.memory_space<vmem>>, vector<1x16xf32>,
    %broadcast_in_dim3A_62 = arith.constant 0.000000e+00 : f32
    %broadcast_in_dim3A_63 = vector.broadcast %broadcast_in_dim3A_62 : f32 to vector<16xf32>
    %swap3A_64 = arith.constant 1 : i32
    %swap3A_65 = arith.index_cast %swap3A_64 : i32 to index
    %swap3A_66 = arith.constant 0 : index
    %swap3A_67 = tpu.vector_load %arg10[%swap3A_65, %swap3A_66] {strides = array<i32>} : memref<8x128xf32, #tpu.memory_space<vmem>>, vector<1x16xf32>,
    %swap3A_68 = vector.shape_cast %swap3A_67 : vector<1x16xf32> to vector<16xf32>
    %swap3A_69 = vector.shape_cast %broadcast_in_dim3A_63 : vector<16xf32> to vector<1x16xf32>
    tpu.vector_store %arg10[%swap3A_65, %swap3A_66], %swap3A_69 {strides = array<i32>} : memref<8x128xf32, #tpu.memory_space<vmem>>, vector<1x16xf32>,
    %broadcast_in_dim3A_70 = arith.constant 0.000000e+00 : f32
    %broadcast_in_dim3A_71 = vector.broadcast %broadcast_in_dim3A_70 : f32 to vector<16xf32>
    %swap3A_72 = arith.constant 1 : i32
    %swap3A_73 = arith.index_cast %swap3A_72 : i32 to index
    %swap3A_74 = arith.constant 16 : index
    %swap3A_75 = tpu.vector_load %arg10[%swap3A_73, %swap3A_74] {strides = array<i32>} : memref<8x128xf32, #tpu.memory_space<vmem>>, vector<1x16xf32>,
    %swap3A_76 = vector.shape_cast %swap3A_75 : vector<1x16xf32> to vector<16xf32>
    %swap3A_77 = vector.shape_cast %broadcast_in_dim3A_71 : vector<16xf32> to vector<1x16xf32>
    tpu.vector_store %arg10[%swap3A_73, %swap3A_74], %swap3A_77 {strides = array<i32>} : memref<8x128xf32, #tpu.memory_space<vmem>>, vector<1x16xf32>,
    %broadcast_in_dim3A_78 = arith.constant 0.000000e+00 : f32
    %broadcast_in_dim3A_79 = vector.broadcast %broadcast_in_dim3A_78 : f32 to vector<16xf32>
    %swap3A_80 = arith.constant 1 : i32
    %swap3A_81 = arith.index_cast %swap3A_80 : i32 to index
    %swap3A_82 = arith.constant 32 : index
    %swap3A_83 = tpu.vector_load %arg10[%swap3A_81, %swap3A_82] {strides = array<i32>} : memref<8x128xf32, #tpu.memory_space<vmem>>, vector<1x16xf32>,
    %swap3A_84 = vector.shape_cast %swap3A_83 : vector<1x16xf32> to vector<16xf32>
    %swap3A_85 = vector.shape_cast %broadcast_in_dim3A_79 : vector<16xf32> to vector<1x16xf32>
    tpu.vector_store %arg10[%swap3A_81, %swap3A_82], %swap3A_85 {strides = array<i32>} : memref<8x128xf32, #tpu.memory_space<vmem>>, vector<1x16xf32>,
    %broadcast_in_dim3A_86 = arith.constant 0.000000e+00 : f32
    %broadcast_in_dim3A_87 = vector.broadcast %broadcast_in_dim3A_86 : f32 to vector<16xf32>
    %swap3A_88 = arith.constant 1 : i32
    %swap3A_89 = arith.index_cast %swap3A_88 : i32 to index
    %swap3A_90 = arith.constant 48 : index
    %swap3A_91 = tpu.vector_load %arg10[%swap3A_89, %swap3A_90] {strides = array<i32>} : memref<8x128xf32, #tpu.memory_space<vmem>>, vector<1x16xf32>,
    %swap3A_92 = vector.shape_cast %swap3A_91 : vector<1x16xf32> to vector<16xf32>
    %swap3A_93 = vector.shape_cast %broadcast_in_dim3A_87 : vector<16xf32> to vector<1x16xf32>
    tpu.vector_store %arg10[%swap3A_89, %swap3A_90], %swap3A_93 {strides = array<i32>} : memref<8x128xf32, #tpu.memory_space<vmem>>, vector<1x16xf32>,
    %broadcast_in_dim3A_94 = arith.constant 0.000000e+00 : f32
    %broadcast_in_dim3A_95 = vector.broadcast %broadcast_in_dim3A_94 : f32 to vector<16xf32>
    %swap3A_96 = arith.constant 1 : i32
    %swap3A_97 = arith.index_cast %swap3A_96 : i32 to index
    %swap3A_98 = arith.constant 64 : index
    %swap3A_99 = tpu.vector_load %arg10[%swap3A_97, %swap3A_98] {strides = array<i32>} : memref<8x128xf32, #tpu.memory_space<vmem>>, vector<1x16xf32>,
    %swap3A_100 = vector.shape_cast %swap3A_99 : vector<1x16xf32> to vector<16xf32>
    %swap3A_101 = vector.shape_cast %broadcast_in_dim3A_95 : vector<16xf32> to vector<1x16xf32>
    tpu.vector_store %arg10[%swap3A_97, %swap3A_98], %swap3A_101 {strides = array<i32>} : memref<8x128xf32, #tpu.memory_space<vmem>>, vector<1x16xf32>,
    %broadcast_in_dim3A_102 = arith.constant 0.000000e+00 : f32
    %broadcast_in_dim3A_103 = vector.broadcast %broadcast_in_dim3A_102 : f32 to vector<16xf32>
    %swap3A_104 = arith.constant 1 : i32
    %swap3A_105 = arith.index_cast %swap3A_104 : i32 to index
    %swap3A_106 = arith.constant 80 : index
    %swap3A_107 = tpu.vector_load %arg10[%swap3A_105, %swap3A_106] {strides = array<i32>} : memref<8x128xf32, #tpu.memory_space<vmem>>, vector<1x16xf32>,
    %swap3A_108 = vector.shape_cast %swap3A_107 : vector<1x16xf32> to vector<16xf32>
    %swap3A_109 = vector.shape_cast %broadcast_in_dim3A_103 : vector<16xf32> to vector<1x16xf32>
    tpu.vector_store %arg10[%swap3A_105, %swap3A_106], %swap3A_109 {strides = array<i32>} : memref<8x128xf32, #tpu.memory_space<vmem>>, vector<1x16xf32>,
    %broadcast_in_dim3A_110 = arith.constant 0.000000e+00 : f32
    %broadcast_in_dim3A_111 = vector.broadcast %broadcast_in_dim3A_110 : f32 to vector<16xf32>
    %swap3A_112 = arith.constant 1 : i32
    %swap3A_113 = arith.index_cast %swap3A_112 : i32 to index
    %swap3A_114 = arith.constant 96 : index
    %swap3A_115 = tpu.vector_load %arg10[%swap3A_113, %swap3A_114] {strides = array<i32>} : memref<8x128xf32, #tpu.memory_space<vmem>>, vector<1x16xf32>,
    %swap3A_116 = vector.shape_cast %swap3A_115 : vector<1x16xf32> to vector<16xf32>
    %swap3A_117 = vector.shape_cast %broadcast_in_dim3A_111 : vector<16xf32> to vector<1x16xf32>
    tpu.vector_store %arg10[%swap3A_113, %swap3A_114], %swap3A_117 {strides = array<i32>} : memref<8x128xf32, #tpu.memory_space<vmem>>, vector<1x16xf32>,
    %broadcast_in_dim3A_118 = arith.constant 0.000000e+00 : f32
    %broadcast_in_dim3A_119 = vector.broadcast %broadcast_in_dim3A_118 : f32 to vector<16xf32>
    %swap3A_120 = arith.constant 1 : i32
    %swap3A_121 = arith.index_cast %swap3A_120 : i32 to index
    %swap3A_122 = arith.constant 112 : index
    %swap3A_123 = tpu.vector_load %arg10[%swap3A_121, %swap3A_122] {strides = array<i32>} : memref<8x128xf32, #tpu.memory_space<vmem>>, vector<1x16xf32>,
    %swap3A_124 = vector.shape_cast %swap3A_123 : vector<1x16xf32> to vector<16xf32>
    %swap3A_125 = vector.shape_cast %broadcast_in_dim3A_119 : vector<16xf32> to vector<1x16xf32>
    tpu.vector_store %arg10[%swap3A_121, %swap3A_122], %swap3A_125 {strides = array<i32>} : memref<8x128xf32, #tpu.memory_space<vmem>>, vector<1x16xf32>,
    %broadcast_in_dim3A_126 = arith.constant 0.000000e+00 : f32
    %broadcast_in_dim3A_127 = vector.broadcast %broadcast_in_dim3A_126 : f32 to vector<16xf32>
    %swap3A_128 = arith.constant 2 : i32
    %swap3A_129 = arith.index_cast %swap3A_128 : i32 to index
    %swap3A_130 = arith.constant 0 : index
    %swap3A_131 = tpu.vector_load %arg10[%swap3A_129, %swap3A_130] {strides = array<i32>} : memref<8x128xf32, #tpu.memory_space<vmem>>, vector<1x16xf32>,
    %swap3A_132 = vector.shape_cast %swap3A_131 : vector<1x16xf32> to vector<16xf32>
    %swap3A_133 = vector.shape_cast %broadcast_in_dim3A_127 : vector<16xf32> to vector<1x16xf32>
    tpu.vector_store %arg10[%swap3A_129, %swap3A_130], %swap3A_133 {strides = array<i32>} : memref<8x128xf32, #tpu.memory_space<vmem>>, vector<1x16xf32>,
    %broadcast_in_dim3A_134 = arith.constant 0.000000e+00 : f32
    %broadcast_in_dim3A_135 = vector.broadcast %broadcast_in_dim3A_134 : f32 to vector<16xf32>
    %swap3A_136 = arith.constant 2 : i32
    %swap3A_137 = arith.index_cast %swap3A_136 : i32 to index
    %swap3A_138 = arith.constant 16 : index
    %swap3A_139 = tpu.vector_load %arg10[%swap3A_137, %swap3A_138] {strides = array<i32>} : memref<8x128xf32, #tpu.memory_space<vmem>>, vector<1x16xf32>,
    %swap3A_140 = vector.shape_cast %swap3A_139 : vector<1x16xf32> to vector<16xf32>
    %swap3A_141 = vector.shape_cast %broadcast_in_dim3A_135 : vector<16xf32> to vector<1x16xf32>
    tpu.vector_store %arg10[%swap3A_137, %swap3A_138], %swap3A_141 {strides = array<i32>} : memref<8x128xf32, #tpu.memory_space<vmem>>, vector<1x16xf32>,
    %broadcast_in_dim3A_142 = arith.constant 0.000000e+00 : f32
    %broadcast_in_dim3A_143 = vector.broadcast %broadcast_in_dim3A_142 : f32 to vector<16xf32>
    %swap3A_144 = arith.constant 2 : i32
    %swap3A_145 = arith.index_cast %swap3A_144 : i32 to index
    %swap3A_146 = arith.constant 32 : index
    %swap3A_147 = tpu.vector_load %arg10[%swap3A_145, %swap3A_146] {strides = array<i32>} : memref<8x128xf32, #tpu.memory_space<vmem>>, vector<1x16xf32>,
    %swap3A_148 = vector.shape_cast %swap3A_147 : vector<1x16xf32> to vector<16xf32>
    %swap3A_149 = vector.shape_cast %broadcast_in_dim3A_143 : vector<16xf32> to vector<1x16xf32>
    tpu.vector_store %arg10[%swap3A_145, %swap3A_146], %swap3A_149 {strides = array<i32>} : memref<8x128xf32, #tpu.memory_space<vmem>>, vector<1x16xf32>,
    %broadcast_in_dim3A_150 = arith.constant 0.000000e+00 : f32
    %broadcast_in_dim3A_151 = vector.broadcast %broadcast_in_dim3A_150 : f32 to vector<16xf32>
    %swap3A_152 = arith.constant 2 : i32
    %swap3A_153 = arith.index_cast %swap3A_152 : i32 to index
    %swap3A_154 = arith.constant 48 : index
    %swap3A_155 = tpu.vector_load %arg10[%swap3A_153, %swap3A_154] {strides = array<i32>} : memref<8x128xf32, #tpu.memory_space<vmem>>, vector<1x16xf32>,
    %swap3A_156 = vector.shape_cast %swap3A_155 : vector<1x16xf32> to vector<16xf32>
    %swap3A_157 = vector.shape_cast %broadcast_in_dim3A_151 : vector<16xf32> to vector<1x16xf32>
    tpu.vector_store %arg10[%swap3A_153, %swap3A_154], %swap3A_157 {strides = array<i32>} : memref<8x128xf32, #tpu.memory_space<vmem>>, vector<1x16xf32>,
    %broadcast_in_dim3A_158 = arith.constant 0.000000e+00 : f32
    %broadcast_in_dim3A_159 = vector.broadcast %broadcast_in_dim3A_158 : f32 to vector<16xf32>
    %swap3A_160 = arith.constant 2 : i32
    %swap3A_161 = arith.index_cast %swap3A_160 : i32 to index
    %swap3A_162 = arith.constant 64 : index
    %swap3A_163 = tpu.vector_load %arg10[%swap3A_161, %swap3A_162] {strides = array<i32>} : memref<8x128xf32, #tpu.memory_space<vmem>>, vector<1x16xf32>,
    %swap3A_164 = vector.shape_cast %swap3A_163 : vector<1x16xf32> to vector<16xf32>
    %swap3A_165 = vector.shape_cast %broadcast_in_dim3A_159 : vector<16xf32> to vector<1x16xf32>
    tpu.vector_store %arg10[%swap3A_161, %swap3A_162], %swap3A_165 {strides = array<i32>} : memref<8x128xf32, #tpu.memory_space<vmem>>, vector<1x16xf32>,
    %broadcast_in_dim3A_166 = arith.constant 0.000000e+00 : f32
    %broadcast_in_dim3A_167 = vector.broadcast %broadcast_in_dim3A_166 : f32 to vector<16xf32>
    %swap3A_168 = arith.constant 2 : i32
    %swap3A_169 = arith.index_cast %swap3A_168 : i32 to index
    %swap3A_170 = arith.constant 80 : index
    %swap3A_171 = tpu.vector_load %arg10[%swap3A_169, %swap3A_170] {strides = array<i32>} : memref<8x128xf32, #tpu.memory_space<vmem>>, vector<1x16xf32>,
    %swap3A_172 = vector.shape_cast %swap3A_171 : vector<1x16xf32> to vector<16xf32>
    %swap3A_173 = vector.shape_cast %broadcast_in_dim3A_167 : vector<16xf32> to vector<1x16xf32>
    tpu.vector_store %arg10[%swap3A_169, %swap3A_170], %swap3A_173 {strides = array<i32>} : memref<8x128xf32, #tpu.memory_space<vmem>>, vector<1x16xf32>,
    %broadcast_in_dim3A_174 = arith.constant 0.000000e+00 : f32
    %broadcast_in_dim3A_175 = vector.broadcast %broadcast_in_dim3A_174 : f32 to vector<16xf32>
    %swap3A_176 = arith.constant 2 : i32
    %swap3A_177 = arith.index_cast %swap3A_176 : i32 to index
    %swap3A_178 = arith.constant 96 : index
    %swap3A_179 = tpu.vector_load %arg10[%swap3A_177, %swap3A_178] {strides = array<i32>} : memref<8x128xf32, #tpu.memory_space<vmem>>, vector<1x16xf32>,
    %swap3A_180 = vector.shape_cast %swap3A_179 : vector<1x16xf32> to vector<16xf32>
    %swap3A_181 = vector.shape_cast %broadcast_in_dim3A_175 : vector<16xf32> to vector<1x16xf32>
    tpu.vector_store %arg10[%swap3A_177, %swap3A_178], %swap3A_181 {strides = array<i32>} : memref<8x128xf32, #tpu.memory_space<vmem>>, vector<1x16xf32>,
    %broadcast_in_dim3A_182 = arith.constant 0.000000e+00 : f32
    %broadcast_in_dim3A_183 = vector.broadcast %broadcast_in_dim3A_182 : f32 to vector<16xf32>
    %swap3A_184 = arith.constant 2 : i32
    %swap3A_185 = arith.index_cast %swap3A_184 : i32 to index
    %swap3A_186 = arith.constant 112 : index
    %swap3A_187 = tpu.vector_load %arg10[%swap3A_185, %swap3A_186] {strides = array<i32>} : memref<8x128xf32, #tpu.memory_space<vmem>>, vector<1x16xf32>,
    %swap3A_188 = vector.shape_cast %swap3A_187 : vector<1x16xf32> to vector<16xf32>
    %swap3A_189 = vector.shape_cast %broadcast_in_dim3A_183 : vector<16xf32> to vector<1x16xf32>
    tpu.vector_store %arg10[%swap3A_185, %swap3A_186], %swap3A_189 {strides = array<i32>} : memref<8x128xf32, #tpu.memory_space<vmem>>, vector<1x16xf32>,
    %broadcast_in_dim3A_190 = arith.constant 0.000000e+00 : f32
    %broadcast_in_dim3A_191 = vector.broadcast %broadcast_in_dim3A_190 : f32 to vector<16xf32>
    %swap3A_192 = arith.constant 3 : i32
    %swap3A_193 = arith.index_cast %swap3A_192 : i32 to index
    %swap3A_194 = arith.constant 0 : index
    %swap3A_195 = tpu.vector_load %arg10[%swap3A_193, %swap3A_194] {strides = array<i32>} : memref<8x128xf32, #tpu.memory_space<vmem>>, vector<1x16xf32>,
    %swap3A_196 = vector.shape_cast %swap3A_195 : vector<1x16xf32> to vector<16xf32>
    %swap3A_197 = vector.shape_cast %broadcast_in_dim3A_191 : vector<16xf32> to vector<1x16xf32>
    tpu.vector_store %arg10[%swap3A_193, %swap3A_194], %swap3A_197 {strides = array<i32>} : memref<8x128xf32, #tpu.memory_space<vmem>>, vector<1x16xf32>,
    %broadcast_in_dim3A_198 = arith.constant 0.000000e+00 : f32
    %broadcast_in_dim3A_199 = vector.broadcast %broadcast_in_dim3A_198 : f32 to vector<16xf32>
    %swap3A_200 = arith.constant 3 : i32
    %swap3A_201 = arith.index_cast %swap3A_200 : i32 to index
    %swap3A_202 = arith.constant 16 : index
    %swap3A_203 = tpu.vector_load %arg10[%swap3A_201, %swap3A_202] {strides = array<i32>} : memref<8x128xf32, #tpu.memory_space<vmem>>, vector<1x16xf32>,
    %swap3A_204 = vector.shape_cast %swap3A_203 : vector<1x16xf32> to vector<16xf32>
    %swap3A_205 = vector.shape_cast %broadcast_in_dim3A_199 : vector<16xf32> to vector<1x16xf32>
    tpu.vector_store %arg10[%swap3A_201, %swap3A_202], %swap3A_205 {strides = array<i32>} : memref<8x128xf32, #tpu.memory_space<vmem>>, vector<1x16xf32>,
    %broadcast_in_dim3A_206 = arith.constant 0.000000e+00 : f32
    %broadcast_in_dim3A_207 = vector.broadcast %broadcast_in_dim3A_206 : f32 to vector<16xf32>
    %swap3A_208 = arith.constant 3 : i32
    %swap3A_209 = arith.index_cast %swap3A_208 : i32 to index
    %swap3A_210 = arith.constant 32 : index
    %swap3A_211 = tpu.vector_load %arg10[%swap3A_209, %swap3A_210] {strides = array<i32>} : memref<8x128xf32, #tpu.memory_space<vmem>>, vector<1x16xf32>,
    %swap3A_212 = vector.shape_cast %swap3A_211 : vector<1x16xf32> to vector<16xf32>
    %swap3A_213 = vector.shape_cast %broadcast_in_dim3A_207 : vector<16xf32> to vector<1x16xf32>
    tpu.vector_store %arg10[%swap3A_209, %swap3A_210], %swap3A_213 {strides = array<i32>} : memref<8x128xf32, #tpu.memory_space<vmem>>, vector<1x16xf32>,
    %broadcast_in_dim3A_214 = arith.constant 0.000000e+00 : f32
    %broadcast_in_dim3A_215 = vector.broadcast %broadcast_in_dim3A_214 : f32 to vector<16xf32>
    %swap3A_216 = arith.constant 3 : i32
    %swap3A_217 = arith.index_cast %swap3A_216 : i32 to index
    %swap3A_218 = arith.constant 48 : index
    %swap3A_219 = tpu.vector_load %arg10[%swap3A_217, %swap3A_218] {strides = array<i32>} : memref<8x128xf32, #tpu.memory_space<vmem>>, vector<1x16xf32>,
    %swap3A_220 = vector.shape_cast %swap3A_219 : vector<1x16xf32> to vector<16xf32>
    %swap3A_221 = vector.shape_cast %broadcast_in_dim3A_215 : vector<16xf32> to vector<1x16xf32>
    tpu.vector_store %arg10[%swap3A_217, %swap3A_218], %swap3A_221 {strides = array<i32>} : memref<8x128xf32, #tpu.memory_space<vmem>>, vector<1x16xf32>,
    %broadcast_in_dim3A_222 = arith.constant 0.000000e+00 : f32
    %broadcast_in_dim3A_223 = vector.broadcast %broadcast_in_dim3A_222 : f32 to vector<16xf32>
    %swap3A_224 = arith.constant 3 : i32
    %swap3A_225 = arith.index_cast %swap3A_224 : i32 to index
    %swap3A_226 = arith.constant 64 : index
    %swap3A_227 = tpu.vector_load %arg10[%swap3A_225, %swap3A_226] {strides = array<i32>} : memref<8x128xf32, #tpu.memory_space<vmem>>, vector<1x16xf32>,
    %swap3A_228 = vector.shape_cast %swap3A_227 : vector<1x16xf32> to vector<16xf32>
    %swap3A_229 = vector.shape_cast %broadcast_in_dim3A_223 : vector<16xf32> to vector<1x16xf32>
    tpu.vector_store %arg10[%swap3A_225, %swap3A_226], %swap3A_229 {strides = array<i32>} : memref<8x128xf32, #tpu.memory_space<vmem>>, vector<1x16xf32>,
    %broadcast_in_dim3A_230 = arith.constant 0.000000e+00 : f32
    %broadcast_in_dim3A_231 = vector.broadcast %broadcast_in_dim3A_230 : f32 to vector<16xf32>
    %swap3A_232 = arith.constant 3 : i32
    %swap3A_233 = arith.index_cast %swap3A_232 : i32 to index
    %swap3A_234 = arith.constant 80 : index
    %swap3A_235 = tpu.vector_load %arg10[%swap3A_233, %swap3A_234] {strides = array<i32>} : memref<8x128xf32, #tpu.memory_space<vmem>>, vector<1x16xf32>,
    %swap3A_236 = vector.shape_cast %swap3A_235 : vector<1x16xf32> to vector<16xf32>
    %swap3A_237 = vector.shape_cast %broadcast_in_dim3A_231 : vector<16xf32> to vector<1x16xf32>
    tpu.vector_store %arg10[%swap3A_233, %swap3A_234], %swap3A_237 {strides = array<i32>} : memref<8x128xf32, #tpu.memory_space<vmem>>, vector<1x16xf32>,
    %broadcast_in_dim3A_238 = arith.constant 0.000000e+00 : f32
    %broadcast_in_dim3A_239 = vector.broadcast %broadcast_in_dim3A_238 : f32 to vector<16xf32>
    %swap3A_240 = arith.constant 3 : i32
    %swap3A_241 = arith.index_cast %swap3A_240 : i32 to index
    %swap3A_242 = arith.constant 96 : index
    %swap3A_243 = tpu.vector_load %arg10[%swap3A_241, %swap3A_242] {strides = array<i32>} : memref<8x128xf32, #tpu.memory_space<vmem>>, vector<1x16xf32>,
    %swap3A_244 = vector.shape_cast %swap3A_243 : vector<1x16xf32> to vector<16xf32>
    %swap3A_245 = vector.shape_cast %broadcast_in_dim3A_239 : vector<16xf32> to vector<1x16xf32>
    tpu.vector_store %arg10[%swap3A_241, %swap3A_242], %swap3A_245 {strides = array<i32>} : memref<8x128xf32, #tpu.memory_space<vmem>>, vector<1x16xf32>,
    %broadcast_in_dim3A_246 = arith.constant 0.000000e+00 : f32
    %broadcast_in_dim3A_247 = vector.broadcast %broadcast_in_dim3A_246 : f32 to vector<16xf32>
    %swap3A_248 = arith.constant 3 : i32
    %swap3A_249 = arith.index_cast %swap3A_248 : i32 to index
    %swap3A_250 = arith.constant 112 : index
    %swap3A_251 = tpu.vector_load %arg10[%swap3A_249, %swap3A_250] {strides = array<i32>} : memref<8x128xf32, #tpu.memory_space<vmem>>, vector<1x16xf32>,
    %swap3A_252 = vector.shape_cast %swap3A_251 : vector<1x16xf32> to vector<16xf32>
    %swap3A_253 = vector.shape_cast %broadcast_in_dim3A_247 : vector<16xf32> to vector<1x16xf32>
    tpu.vector_store %arg10[%swap3A_249, %swap3A_250], %swap3A_253 {strides = array<i32>} : memref<8x128xf32, #tpu.memory_space<vmem>>, vector<1x16xf32>,
    %broadcast_in_dim3A_254 = arith.constant 0.000000e+00 : f32
    %broadcast_in_dim3A_255 = vector.broadcast %broadcast_in_dim3A_254 : f32 to vector<16xf32>
    %swap3A_256 = arith.constant 4 : i32
    %swap3A_257 = arith.index_cast %swap3A_256 : i32 to index
    %swap3A_258 = arith.constant 0 : index
    %swap3A_259 = tpu.vector_load %arg10[%swap3A_257, %swap3A_258] {strides = array<i32>} : memref<8x128xf32, #tpu.memory_space<vmem>>, vector<1x16xf32>,
    %swap3A_260 = vector.shape_cast %swap3A_259 : vector<1x16xf32> to vector<16xf32>
    %swap3A_261 = vector.shape_cast %broadcast_in_dim3A_255 : vector<16xf32> to vector<1x16xf32>
    tpu.vector_store %arg10[%swap3A_257, %swap3A_258], %swap3A_261 {strides = array<i32>} : memref<8x128xf32, #tpu.memory_space<vmem>>, vector<1x16xf32>,
    %broadcast_in_dim3A_262 = arith.constant 0.000000e+00 : f32
    %broadcast_in_dim3A_263 = vector.broadcast %broadcast_in_dim3A_262 : f32 to vector<16xf32>
    %swap3A_264 = arith.constant 4 : i32
    %swap3A_265 = arith.index_cast %swap3A_264 : i32 to index
    %swap3A_266 = arith.constant 16 : index
    %swap3A_267 = tpu.vector_load %arg10[%swap3A_265, %swap3A_266] {strides = array<i32>} : memref<8x128xf32, #tpu.memory_space<vmem>>, vector<1x16xf32>,
    %swap3A_268 = vector.shape_cast %swap3A_267 : vector<1x16xf32> to vector<16xf32>
    %swap3A_269 = vector.shape_cast %broadcast_in_dim3A_263 : vector<16xf32> to vector<1x16xf32>
    tpu.vector_store %arg10[%swap3A_265, %swap3A_266], %swap3A_269 {strides = array<i32>} : memref<8x128xf32, #tpu.memory_space<vmem>>, vector<1x16xf32>,
    %broadcast_in_dim3A_270 = arith.constant 0.000000e+00 : f32
    %broadcast_in_dim3A_271 = vector.broadcast %broadcast_in_dim3A_270 : f32 to vector<16xf32>
    %swap3A_272 = arith.constant 4 : i32
    %swap3A_273 = arith.index_cast %swap3A_272 : i32 to index
    %swap3A_274 = arith.constant 32 : index
    %swap3A_275 = tpu.vector_load %arg10[%swap3A_273, %swap3A_274] {strides = array<i32>} : memref<8x128xf32, #tpu.memory_space<vmem>>, vector<1x16xf32>,
    %swap3A_276 = vector.shape_cast %swap3A_275 : vector<1x16xf32> to vector<16xf32>
    %swap3A_277 = vector.shape_cast %broadcast_in_dim3A_271 : vector<16xf32> to vector<1x16xf32>
    tpu.vector_store %arg10[%swap3A_273, %swap3A_274], %swap3A_277 {strides = array<i32>} : memref<8x128xf32, #tpu.memory_space<vmem>>, vector<1x16xf32>,
    %broadcast_in_dim3A_278 = arith.constant 0.000000e+00 : f32
    %broadcast_in_dim3A_279 = vector.broadcast %broadcast_in_dim3A_278 : f32 to vector<16xf32>
    %swap3A_280 = arith.constant 4 : i32
    %swap3A_281 = arith.index_cast %swap3A_280 : i32 to index
    %swap3A_282 = arith.constant 48 : index
    %swap3A_283 = tpu.vector_load %arg10[%swap3A_281, %swap3A_282] {strides = array<i32>} : memref<8x128xf32, #tpu.memory_space<vmem>>, vector<1x16xf32>,
    %swap3A_284 = vector.shape_cast %swap3A_283 : vector<1x16xf32> to vector<16xf32>
    %swap3A_285 = vector.shape_cast %broadcast_in_dim3A_279 : vector<16xf32> to vector<1x16xf32>
    tpu.vector_store %arg10[%swap3A_281, %swap3A_282], %swap3A_285 {strides = array<i32>} : memref<8x128xf32, #tpu.memory_space<vmem>>, vector<1x16xf32>,
    %broadcast_in_dim3A_286 = arith.constant 0.000000e+00 : f32
    %broadcast_in_dim3A_287 = vector.broadcast %broadcast_in_dim3A_286 : f32 to vector<16xf32>
    %swap3A_288 = arith.constant 4 : i32
    %swap3A_289 = arith.index_cast %swap3A_288 : i32 to index
    %swap3A_290 = arith.constant 64 : index
    %swap3A_291 = tpu.vector_load %arg10[%swap3A_289, %swap3A_290] {strides = array<i32>} : memref<8x128xf32, #tpu.memory_space<vmem>>, vector<1x16xf32>,
    %swap3A_292 = vector.shape_cast %swap3A_291 : vector<1x16xf32> to vector<16xf32>
    %swap3A_293 = vector.shape_cast %broadcast_in_dim3A_287 : vector<16xf32> to vector<1x16xf32>
    tpu.vector_store %arg10[%swap3A_289, %swap3A_290], %swap3A_293 {strides = array<i32>} : memref<8x128xf32, #tpu.memory_space<vmem>>, vector<1x16xf32>,
    %broadcast_in_dim3A_294 = arith.constant 0.000000e+00 : f32
    %broadcast_in_dim3A_295 = vector.broadcast %broadcast_in_dim3A_294 : f32 to vector<16xf32>
    %swap3A_296 = arith.constant 4 : i32
    %swap3A_297 = arith.index_cast %swap3A_296 : i32 to index
    %swap3A_298 = arith.constant 80 : index
    %swap3A_299 = tpu.vector_load %arg10[%swap3A_297, %swap3A_298] {strides = array<i32>} : memref<8x128xf32, #tpu.memory_space<vmem>>, vector<1x16xf32>,
    %swap3A_300 = vector.shape_cast %swap3A_299 : vector<1x16xf32> to vector<16xf32>
    %swap3A_301 = vector.shape_cast %broadcast_in_dim3A_295 : vector<16xf32> to vector<1x16xf32>
    tpu.vector_store %arg10[%swap3A_297, %swap3A_298], %swap3A_301 {strides = array<i32>} : memref<8x128xf32, #tpu.memory_space<vmem>>, vector<1x16xf32>,
    %broadcast_in_dim3A_302 = arith.constant 0.000000e+00 : f32
    %broadcast_in_dim3A_303 = vector.broadcast %broadcast_in_dim3A_302 : f32 to vector<16xf32>
    %swap3A_304 = arith.constant 4 : i32
    %swap3A_305 = arith.index_cast %swap3A_304 : i32 to index
    %swap3A_306 = arith.constant 96 : index
    %swap3A_307 = tpu.vector_load %arg10[%swap3A_305, %swap3A_306] {strides = array<i32>} : memref<8x128xf32, #tpu.memory_space<vmem>>, vector<1x16xf32>,
    %swap3A_308 = vector.shape_cast %swap3A_307 : vector<1x16xf32> to vector<16xf32>
    %swap3A_309 = vector.shape_cast %broadcast_in_dim3A_303 : vector<16xf32> to vector<1x16xf32>
    tpu.vector_store %arg10[%swap3A_305, %swap3A_306], %swap3A_309 {strides = array<i32>} : memref<8x128xf32, #tpu.memory_space<vmem>>, vector<1x16xf32>,
    %broadcast_in_dim3A_310 = arith.constant 0.000000e+00 : f32
    %broadcast_in_dim3A_311 = vector.broadcast %broadcast_in_dim3A_310 : f32 to vector<16xf32>
    %swap3A_312 = arith.constant 4 : i32
    %swap3A_313 = arith.index_cast %swap3A_312 : i32 to index
    %swap3A_314 = arith.constant 112 : index
    %swap3A_315 = tpu.vector_load %arg10[%swap3A_313, %swap3A_314] {strides = array<i32>} : memref<8x128xf32, #tpu.memory_space<vmem>>, vector<1x16xf32>,
    %swap3A_316 = vector.shape_cast %swap3A_315 : vector<1x16xf32> to vector<16xf32>
    %swap3A_317 = vector.shape_cast %broadcast_in_dim3A_311 : vector<16xf32> to vector<1x16xf32>
    tpu.vector_store %arg10[%swap3A_313, %swap3A_314], %swap3A_317 {strides = array<i32>} : memref<8x128xf32, #tpu.memory_space<vmem>>, vector<1x16xf32>,
    %broadcast_in_dim3A_318 = arith.constant 0.000000e+00 : f32
    %broadcast_in_dim3A_319 = vector.broadcast %broadcast_in_dim3A_318 : f32 to vector<16xf32>
    %swap3A_320 = arith.constant 5 : i32
    %swap3A_321 = arith.index_cast %swap3A_320 : i32 to index
    %swap3A_322 = arith.constant 0 : index
    %swap3A_323 = tpu.vector_load %arg10[%swap3A_321, %swap3A_322] {strides = array<i32>} : memref<8x128xf32, #tpu.memory_space<vmem>>, vector<1x16xf32>,
    %swap3A_324 = vector.shape_cast %swap3A_323 : vector<1x16xf32> to vector<16xf32>
    %swap3A_325 = vector.shape_cast %broadcast_in_dim3A_319 : vector<16xf32> to vector<1x16xf32>
    tpu.vector_store %arg10[%swap3A_321, %swap3A_322], %swap3A_325 {strides = array<i32>} : memref<8x128xf32, #tpu.memory_space<vmem>>, vector<1x16xf32>,
    %broadcast_in_dim3A_326 = arith.constant 0.000000e+00 : f32
    %broadcast_in_dim3A_327 = vector.broadcast %broadcast_in_dim3A_326 : f32 to vector<16xf32>
    %swap3A_328 = arith.constant 5 : i32
    %swap3A_329 = arith.index_cast %swap3A_328 : i32 to index
    %swap3A_330 = arith.constant 16 : index
    %swap3A_331 = tpu.vector_load %arg10[%swap3A_329, %swap3A_330] {strides = array<i32>} : memref<8x128xf32, #tpu.memory_space<vmem>>, vector<1x16xf32>,
    %swap3A_332 = vector.shape_cast %swap3A_331 : vector<1x16xf32> to vector<16xf32>
    %swap3A_333 = vector.shape_cast %broadcast_in_dim3A_327 : vector<16xf32> to vector<1x16xf32>
    tpu.vector_store %arg10[%swap3A_329, %swap3A_330], %swap3A_333 {strides = array<i32>} : memref<8x128xf32, #tpu.memory_space<vmem>>, vector<1x16xf32>,
    %broadcast_in_dim3A_334 = arith.constant 0.000000e+00 : f32
    %broadcast_in_dim3A_335 = vector.broadcast %broadcast_in_dim3A_334 : f32 to vector<16xf32>
    %swap3A_336 = arith.constant 5 : i32
    %swap3A_337 = arith.index_cast %swap3A_336 : i32 to index
    %swap3A_338 = arith.constant 32 : index
    %swap3A_339 = tpu.vector_load %arg10[%swap3A_337, %swap3A_338] {strides = array<i32>} : memref<8x128xf32, #tpu.memory_space<vmem>>, vector<1x16xf32>,
    %swap3A_340 = vector.shape_cast %swap3A_339 : vector<1x16xf32> to vector<16xf32>
    %swap3A_341 = vector.shape_cast %broadcast_in_dim3A_335 : vector<16xf32> to vector<1x16xf32>
    tpu.vector_store %arg10[%swap3A_337, %swap3A_338], %swap3A_341 {strides = array<i32>} : memref<8x128xf32, #tpu.memory_space<vmem>>, vector<1x16xf32>,
    %broadcast_in_dim3A_342 = arith.constant 0.000000e+00 : f32
    %broadcast_in_dim3A_343 = vector.broadcast %broadcast_in_dim3A_342 : f32 to vector<16xf32>
    %swap3A_344 = arith.constant 5 : i32
    %swap3A_345 = arith.index_cast %swap3A_344 : i32 to index
    %swap3A_346 = arith.constant 48 : index
    %swap3A_347 = tpu.vector_load %arg10[%swap3A_345, %swap3A_346] {strides = array<i32>} : memref<8x128xf32, #tpu.memory_space<vmem>>, vector<1x16xf32>,
    %swap3A_348 = vector.shape_cast %swap3A_347 : vector<1x16xf32> to vector<16xf32>
    %swap3A_349 = vector.shape_cast %broadcast_in_dim3A_343 : vector<16xf32> to vector<1x16xf32>
    tpu.vector_store %arg10[%swap3A_345, %swap3A_346], %swap3A_349 {strides = array<i32>} : memref<8x128xf32, #tpu.memory_space<vmem>>, vector<1x16xf32>,
    %broadcast_in_dim3A_350 = arith.constant 0.000000e+00 : f32
    %broadcast_in_dim3A_351 = vector.broadcast %broadcast_in_dim3A_350 : f32 to vector<16xf32>
    %swap3A_352 = arith.constant 5 : i32
    %swap3A_353 = arith.index_cast %swap3A_352 : i32 to index
    %swap3A_354 = arith.constant 64 : index
    %swap3A_355 = tpu.vector_load %arg10[%swap3A_353, %swap3A_354] {strides = array<i32>} : memref<8x128xf32, #tpu.memory_space<vmem>>, vector<1x16xf32>,
    %swap3A_356 = vector.shape_cast %swap3A_355 : vector<1x16xf32> to vector<16xf32>
    %swap3A_357 = vector.shape_cast %broadcast_in_dim3A_351 : vector<16xf32> to vector<1x16xf32>
    tpu.vector_store %arg10[%swap3A_353, %swap3A_354], %swap3A_357 {strides = array<i32>} : memref<8x128xf32, #tpu.memory_space<vmem>>, vector<1x16xf32>,
    %broadcast_in_dim3A_358 = arith.constant 0.000000e+00 : f32
    %broadcast_in_dim3A_359 = vector.broadcast %broadcast_in_dim3A_358 : f32 to vector<16xf32>
    %swap3A_360 = arith.constant 5 : i32
    %swap3A_361 = arith.index_cast %swap3A_360 : i32 to index
    %swap3A_362 = arith.constant 80 : index
    %swap3A_363 = tpu.vector_load %arg10[%swap3A_361, %swap3A_362] {strides = array<i32>} : memref<8x128xf32, #tpu.memory_space<vmem>>, vector<1x16xf32>,
    %swap3A_364 = vector.shape_cast %swap3A_363 : vector<1x16xf32> to vector<16xf32>
    %swap3A_365 = vector.shape_cast %broadcast_in_dim3A_359 : vector<16xf32> to vector<1x16xf32>
    tpu.vector_store %arg10[%swap3A_361, %swap3A_362], %swap3A_365 {strides = array<i32>} : memref<8x128xf32, #tpu.memory_space<vmem>>, vector<1x16xf32>,
    %broadcast_in_dim3A_366 = arith.constant 0.000000e+00 : f32
    %broadcast_in_dim3A_367 = vector.broadcast %broadcast_in_dim3A_366 : f32 to vector<16xf32>
    %swap3A_368 = arith.constant 5 : i32
    %swap3A_369 = arith.index_cast %swap3A_368 : i32 to index
    %swap3A_370 = arith.constant 96 : index
    %swap3A_371 = tpu.vector_load %arg10[%swap3A_369, %swap3A_370] {strides = array<i32>} : memref<8x128xf32, #tpu.memory_space<vmem>>, vector<1x16xf32>,
    %swap3A_372 = vector.shape_cast %swap3A_371 : vector<1x16xf32> to vector<16xf32>
    %swap3A_373 = vector.shape_cast %broadcast_in_dim3A_367 : vector<16xf32> to vector<1x16xf32>
    tpu.vector_store %arg10[%swap3A_369, %swap3A_370], %swap3A_373 {strides = array<i32>} : memref<8x128xf32, #tpu.memory_space<vmem>>, vector<1x16xf32>,
    %broadcast_in_dim3A_374 = arith.constant 0.000000e+00 : f32
    %broadcast_in_dim3A_375 = vector.broadcast %broadcast_in_dim3A_374 : f32 to vector<16xf32>
    %swap3A_376 = arith.constant 5 : i32
    %swap3A_377 = arith.index_cast %swap3A_376 : i32 to index
    %swap3A_378 = arith.constant 112 : index
    %swap3A_379 = tpu.vector_load %arg10[%swap3A_377, %swap3A_378] {strides = array<i32>} : memref<8x128xf32, #tpu.memory_space<vmem>>, vector<1x16xf32>,
    %swap3A_380 = vector.shape_cast %swap3A_379 : vector<1x16xf32> to vector<16xf32>
    %swap3A_381 = vector.shape_cast %broadcast_in_dim3A_375 : vector<16xf32> to vector<1x16xf32>
    tpu.vector_store %arg10[%swap3A_377, %swap3A_378], %swap3A_381 {strides = array<i32>} : memref<8x128xf32, #tpu.memory_space<vmem>>, vector<1x16xf32>,
    %broadcast_in_dim3A_382 = arith.constant 0.000000e+00 : f32
    %broadcast_in_dim3A_383 = vector.broadcast %broadcast_in_dim3A_382 : f32 to vector<16xf32>
    %swap3A_384 = arith.constant 6 : i32
    %swap3A_385 = arith.index_cast %swap3A_384 : i32 to index
    %swap3A_386 = arith.constant 0 : index
    %swap3A_387 = tpu.vector_load %arg10[%swap3A_385, %swap3A_386] {strides = array<i32>} : memref<8x128xf32, #tpu.memory_space<vmem>>, vector<1x16xf32>,
    %swap3A_388 = vector.shape_cast %swap3A_387 : vector<1x16xf32> to vector<16xf32>
    %swap3A_389 = vector.shape_cast %broadcast_in_dim3A_383 : vector<16xf32> to vector<1x16xf32>
    tpu.vector_store %arg10[%swap3A_385, %swap3A_386], %swap3A_389 {strides = array<i32>} : memref<8x128xf32, #tpu.memory_space<vmem>>, vector<1x16xf32>,
    %broadcast_in_dim3A_390 = arith.constant 0.000000e+00 : f32
    %broadcast_in_dim3A_391 = vector.broadcast %broadcast_in_dim3A_390 : f32 to vector<16xf32>
    %swap3A_392 = arith.constant 6 : i32
    %swap3A_393 = arith.index_cast %swap3A_392 : i32 to index
    %swap3A_394 = arith.constant 16 : index
    %swap3A_395 = tpu.vector_load %arg10[%swap3A_393, %swap3A_394] {strides = array<i32>} : memref<8x128xf32, #tpu.memory_space<vmem>>, vector<1x16xf32>,
    %swap3A_396 = vector.shape_cast %swap3A_395 : vector<1x16xf32> to vector<16xf32>
    %swap3A_397 = vector.shape_cast %broadcast_in_dim3A_391 : vector<16xf32> to vector<1x16xf32>
    tpu.vector_store %arg10[%swap3A_393, %swap3A_394], %swap3A_397 {strides = array<i32>} : memref<8x128xf32, #tpu.memory_space<vmem>>, vector<1x16xf32>,
    %broadcast_in_dim3A_398 = arith.constant 0.000000e+00 : f32
    %broadcast_in_dim3A_399 = vector.broadcast %broadcast_in_dim3A_398 : f32 to vector<16xf32>
    %swap3A_400 = arith.constant 6 : i32
    %swap3A_401 = arith.index_cast %swap3A_400 : i32 to index
    %swap3A_402 = arith.constant 32 : index
    %swap3A_403 = tpu.vector_load %arg10[%swap3A_401, %swap3A_402] {strides = array<i32>} : memref<8x128xf32, #tpu.memory_space<vmem>>, vector<1x16xf32>,
    %swap3A_404 = vector.shape_cast %swap3A_403 : vector<1x16xf32> to vector<16xf32>
    %swap3A_405 = vector.shape_cast %broadcast_in_dim3A_399 : vector<16xf32> to vector<1x16xf32>
    tpu.vector_store %arg10[%swap3A_401, %swap3A_402], %swap3A_405 {strides = array<i32>} : memref<8x128xf32, #tpu.memory_space<vmem>>, vector<1x16xf32>,
    %broadcast_in_dim3A_406 = arith.constant 0.000000e+00 : f32
    %broadcast_in_dim3A_407 = vector.broadcast %broadcast_in_dim3A_406 : f32 to vector<16xf32>
    %swap3A_408 = arith.constant 6 : i32
    %swap3A_409 = arith.index_cast %swap3A_408 : i32 to index
    %swap3A_410 = arith.constant 48 : index
    %swap3A_411 = tpu.vector_load %arg10[%swap3A_409, %swap3A_410] {strides = array<i32>} : memref<8x128xf32, #tpu.memory_space<vmem>>, vector<1x16xf32>,
    %swap3A_412 = vector.shape_cast %swap3A_411 : vector<1x16xf32> to vector<16xf32>
    %swap3A_413 = vector.shape_cast %broadcast_in_dim3A_407 : vector<16xf32> to vector<1x16xf32>
    tpu.vector_store %arg10[%swap3A_409, %swap3A_410], %swap3A_413 {strides = array<i32>} : memref<8x128xf32, #tpu.memory_space<vmem>>, vector<1x16xf32>,
    %broadcast_in_dim3A_414 = arith.constant 0.000000e+00 : f32
    %broadcast_in_dim3A_415 = vector.broadcast %broadcast_in_dim3A_414 : f32 to vector<16xf32>
    %swap3A_416 = arith.constant 6 : i32
    %swap3A_417 = arith.index_cast %swap3A_416 : i32 to index
    %swap3A_418 = arith.constant 64 : index
    %swap3A_419 = tpu.vector_load %arg10[%swap3A_417, %swap3A_418] {strides = array<i32>} : memref<8x128xf32, #tpu.memory_space<vmem>>, vector<1x16xf32>,
    %swap3A_420 = vector.shape_cast %swap3A_419 : vector<1x16xf32> to vector<16xf32>
    %swap3A_421 = vector.shape_cast %broadcast_in_dim3A_415 : vector<16xf32> to vector<1x16xf32>
    tpu.vector_store %arg10[%swap3A_417, %swap3A_418], %swap3A_421 {strides = array<i32>} : memref<8x128xf32, #tpu.memory_space<vmem>>, vector<1x16xf32>,
    %broadcast_in_dim3A_422 = arith.constant 0.000000e+00 : f32
    %broadcast_in_dim3A_423 = vector.broadcast %broadcast_in_dim3A_422 : f32 to vector<16xf32>
    %swap3A_424 = arith.constant 6 : i32
    %swap3A_425 = arith.index_cast %swap3A_424 : i32 to index
    %swap3A_426 = arith.constant 80 : index
    %swap3A_427 = tpu.vector_load %arg10[%swap3A_425, %swap3A_426] {strides = array<i32>} : memref<8x128xf32, #tpu.memory_space<vmem>>, vector<1x16xf32>,
    %swap3A_428 = vector.shape_cast %swap3A_427 : vector<1x16xf32> to vector<16xf32>
    %swap3A_429 = vector.shape_cast %broadcast_in_dim3A_423 : vector<16xf32> to vector<1x16xf32>
    tpu.vector_store %arg10[%swap3A_425, %swap3A_426], %swap3A_429 {strides = array<i32>} : memref<8x128xf32, #tpu.memory_space<vmem>>, vector<1x16xf32>,
    %broadcast_in_dim3A_430 = arith.constant 0.000000e+00 : f32
    %broadcast_in_dim3A_431 = vector.broadcast %broadcast_in_dim3A_430 : f32 to vector<16xf32>
    %swap3A_432 = arith.constant 6 : i32
    %swap3A_433 = arith.index_cast %swap3A_432 : i32 to index
    %swap3A_434 = arith.constant 96 : index
    %swap3A_435 = tpu.vector_load %arg10[%swap3A_433, %swap3A_434] {strides = array<i32>} : memref<8x128xf32, #tpu.memory_space<vmem>>, vector<1x16xf32>,
    %swap3A_436 = vector.shape_cast %swap3A_435 : vector<1x16xf32> to vector<16xf32>
    %swap3A_437 = vector.shape_cast %broadcast_in_dim3A_431 : vector<16xf32> to vector<1x16xf32>
    tpu.vector_store %arg10[%swap3A_433, %swap3A_434], %swap3A_437 {strides = array<i32>} : memref<8x128xf32, #tpu.memory_space<vmem>>, vector<1x16xf32>,
    %broadcast_in_dim3A_438 = arith.constant 0.000000e+00 : f32
    %broadcast_in_dim3A_439 = vector.broadcast %broadcast_in_dim3A_438 : f32 to vector<16xf32>
    %swap3A_440 = arith.constant 6 : i32
    %swap3A_441 = arith.index_cast %swap3A_440 : i32 to index
    %swap3A_442 = arith.constant 112 : index
    %swap3A_443 = tpu.vector_load %arg10[%swap3A_441, %swap3A_442] {strides = array<i32>} : memref<8x128xf32, #tpu.memory_space<vmem>>, vector<1x16xf32>,
    %swap3A_444 = vector.shape_cast %swap3A_443 : vector<1x16xf32> to vector<16xf32>
    %swap3A_445 = vector.shape_cast %broadcast_in_dim3A_439 : vector<16xf32> to vector<1x16xf32>
    tpu.vector_store %arg10[%swap3A_441, %swap3A_442], %swap3A_445 {strides = array<i32>} : memref<8x128xf32, #tpu.memory_space<vmem>>, vector<1x16xf32>,
    %broadcast_in_dim3A_446 = arith.constant 0.000000e+00 : f32
    %broadcast_in_dim3A_447 = vector.broadcast %broadcast_in_dim3A_446 : f32 to vector<16xf32>
    %swap3A_448 = arith.constant 7 : i32
    %swap3A_449 = arith.index_cast %swap3A_448 : i32 to index
    %swap3A_450 = arith.constant 0 : index
    %swap3A_451 = tpu.vector_load %arg10[%swap3A_449, %swap3A_450] {strides = array<i32>} : memref<8x128xf32, #tpu.memory_space<vmem>>, vector<1x16xf32>,
    %swap3A_452 = vector.shape_cast %swap3A_451 : vector<1x16xf32> to vector<16xf32>
    %swap3A_453 = vector.shape_cast %broadcast_in_dim3A_447 : vector<16xf32> to vector<1x16xf32>
    tpu.vector_store %arg10[%swap3A_449, %swap3A_450], %swap3A_453 {strides = array<i32>} : memref<8x128xf32, #tpu.memory_space<vmem>>, vector<1x16xf32>,
    %broadcast_in_dim3A_454 = arith.constant 0.000000e+00 : f32
    %broadcast_in_dim3A_455 = vector.broadcast %broadcast_in_dim3A_454 : f32 to vector<16xf32>
    %swap3A_456 = arith.constant 7 : i32
    %swap3A_457 = arith.index_cast %swap3A_456 : i32 to index
    %swap3A_458 = arith.constant 16 : index
    %swap3A_459 = tpu.vector_load %arg10[%swap3A_457, %swap3A_458] {strides = array<i32>} : memref<8x128xf32, #tpu.memory_space<vmem>>, vector<1x16xf32>,
    %swap3A_460 = vector.shape_cast %swap3A_459 : vector<1x16xf32> to vector<16xf32>
    %swap3A_461 = vector.shape_cast %broadcast_in_dim3A_455 : vector<16xf32> to vector<1x16xf32>
    tpu.vector_store %arg10[%swap3A_457, %swap3A_458], %swap3A_461 {strides = array<i32>} : memref<8x128xf32, #tpu.memory_space<vmem>>, vector<1x16xf32>,
    %broadcast_in_dim3A_462 = arith.constant 0.000000e+00 : f32
    %broadcast_in_dim3A_463 = vector.broadcast %broadcast_in_dim3A_462 : f32 to vector<16xf32>
    %swap3A_464 = arith.constant 7 : i32
    %swap3A_465 = arith.index_cast %swap3A_464 : i32 to index
    %swap3A_466 = arith.constant 32 : index
    %swap3A_467 = tpu.vector_load %arg10[%swap3A_465, %swap3A_466] {strides = array<i32>} : memref<8x128xf32, #tpu.memory_space<vmem>>, vector<1x16xf32>,
    %swap3A_468 = vector.shape_cast %swap3A_467 : vector<1x16xf32> to vector<16xf32>
    %swap3A_469 = vector.shape_cast %broadcast_in_dim3A_463 : vector<16xf32> to vector<1x16xf32>
    tpu.vector_store %arg10[%swap3A_465, %swap3A_466], %swap3A_469 {strides = array<i32>} : memref<8x128xf32, #tpu.memory_space<vmem>>, vector<1x16xf32>,
    %broadcast_in_dim3A_470 = arith.constant 0.000000e+00 : f32
    %broadcast_in_dim3A_471 = vector.broadcast %broadcast_in_dim3A_470 : f32 to vector<16xf32>
    %swap3A_472 = arith.constant 7 : i32
    %swap3A_473 = arith.index_cast %swap3A_472 : i32 to index
    %swap3A_474 = arith.constant 48 : index
    %swap3A_475 = tpu.vector_load %arg10[%swap3A_473, %swap3A_474] {strides = array<i32>} : memref<8x128xf32, #tpu.memory_space<vmem>>, vector<1x16xf32>,
    %swap3A_476 = vector.shape_cast %swap3A_475 : vector<1x16xf32> to vector<16xf32>
    %swap3A_477 = vector.shape_cast %broadcast_in_dim3A_471 : vector<16xf32> to vector<1x16xf32>
    tpu.vector_store %arg10[%swap3A_473, %swap3A_474], %swap3A_477 {strides = array<i32>} : memref<8x128xf32, #tpu.memory_space<vmem>>, vector<1x16xf32>,
    %broadcast_in_dim3A_478 = arith.constant 0.000000e+00 : f32
    %broadcast_in_dim3A_479 = vector.broadcast %broadcast_in_dim3A_478 : f32 to vector<16xf32>
    %swap3A_480 = arith.constant 7 : i32
    %swap3A_481 = arith.index_cast %swap3A_480 : i32 to index
    %swap3A_482 = arith.constant 64 : index
    %swap3A_483 = tpu.vector_load %arg10[%swap3A_481, %swap3A_482] {strides = array<i32>} : memref<8x128xf32, #tpu.memory_space<vmem>>, vector<1x16xf32>,
    %swap3A_484 = vector.shape_cast %swap3A_483 : vector<1x16xf32> to vector<16xf32>
    %swap3A_485 = vector.shape_cast %broadcast_in_dim3A_479 : vector<16xf32> to vector<1x16xf32>
    tpu.vector_store %arg10[%swap3A_481, %swap3A_482], %swap3A_485 {strides = array<i32>} : memref<8x128xf32, #tpu.memory_space<vmem>>, vector<1x16xf32>,
    %broadcast_in_dim3A_486 = arith.constant 0.000000e+00 : f32
    %broadcast_in_dim3A_487 = vector.broadcast %broadcast_in_dim3A_486 : f32 to vector<16xf32>
    %swap3A_488 = arith.constant 7 : i32
    %swap3A_489 = arith.index_cast %swap3A_488 : i32 to index
    %swap3A_490 = arith.constant 80 : index
    %swap3A_491 = tpu.vector_load %arg10[%swap3A_489, %swap3A_490] {strides = array<i32>} : memref<8x128xf32, #tpu.memory_space<vmem>>, vector<1x16xf32>,
    %swap3A_492 = vector.shape_cast %swap3A_491 : vector<1x16xf32> to vector<16xf32>
    %swap3A_493 = vector.shape_cast %broadcast_in_dim3A_487 : vector<16xf32> to vector<1x16xf32>
    tpu.vector_store %arg10[%swap3A_489, %swap3A_490], %swap3A_493 {strides = array<i32>} : memref<8x128xf32, #tpu.memory_space<vmem>>, vector<1x16xf32>,
    %broadcast_in_dim3A_494 = arith.constant 0.000000e+00 : f32
    %broadcast_in_dim3A_495 = vector.broadcast %broadcast_in_dim3A_494 : f32 to vector<16xf32>
    %swap3A_496 = arith.constant 7 : i32
    %swap3A_497 = arith.index_cast %swap3A_496 : i32 to index
    %swap3A_498 = arith.constant 96 : index
    %swap3A_499 = tpu.vector_load %arg10[%swap3A_497, %swap3A_498] {strides = array<i32>} : memref<8x128xf32, #tpu.memory_space<vmem>>, vector<1x16xf32>,
    %swap3A_500 = vector.shape_cast %swap3A_499 : vector<1x16xf32> to vector<16xf32>
    %swap3A_501 = vector.shape_cast %broadcast_in_dim3A_495 : vector<16xf32> to vector<1x16xf32>
    tpu.vector_store %arg10[%swap3A_497, %swap3A_498], %swap3A_501 {strides = array<i32>} : memref<8x128xf32, #tpu.memory_space<vmem>>, vector<1x16xf32>,
    %broadcast_in_dim3A_502 = arith.constant 0.000000e+00 : f32
    %broadcast_in_dim3A_503 = vector.broadcast %broadcast_in_dim3A_502 : f32 to vector<16xf32>
    %swap3A_504 = arith.constant 7 : i32
    %swap3A_505 = arith.index_cast %swap3A_504 : i32 to index
    %swap3A_506 = arith.constant 112 : index
    %swap3A_507 = tpu.vector_load %arg10[%swap3A_505, %swap3A_506] {strides = array<i32>} : memref<8x128xf32, #tpu.memory_space<vmem>>, vector<1x16xf32>,
    %swap3A_508 = vector.shape_cast %swap3A_507 : vector<1x16xf32> to vector<16xf32>
    %swap3A_509 = vector.shape_cast %broadcast_in_dim3A_503 : vector<16xf32> to vector<1x16xf32>
    tpu.vector_store %arg10[%swap3A_505, %swap3A_506], %swap3A_509 {strides = array<i32>} : memref<8x128xf32, #tpu.memory_space<vmem>>, vector<1x16xf32>,
    %scan3A = arith.constant 0 : i32
    %scan3A_510 = arith.constant 0 : i32
    %scan3A_511 = arith.constant 80 : i32
    %scan3A_512 = arith.addi %scan3A_510, %scan3A_511 : i32
    %scan3A_513 = arith.constant 1 : i32
    %scan3A_514 = scf.for %scan3A_566 = %scan3A_510 to %scan3A_512 step %scan3A_513 iter_args(%scan3A_567 = %scan3A) -> (i32)  : i32 {
      %mul3A_568 = arith.constant 640 : i32
      %mul3A_569 = arith.muli %arg1, %mul3A_568 : i32
      %mul3A_570 = arith.constant 8 : i32
      %mul3A_571 = arith.muli %scan3A_566, %mul3A_570 : i32
      %add3A_572 = arith.addi %mul3A_569, %mul3A_571 : i32
      "tpu.region"() ({
        %run_scoped3A = tpu.sem_alloc : memref<!tpu.dma_semaphore, #tpu.memory_space<semaphore_mem>>
        %dma_start3A = arith.constant 0 : i32
        %dma_start3A_574 = tpu.memref_slice %arg11[%add3A_572, %dma_start3A] : memref<10240x128xf32, #tpu.memory_space<vmem_shared>> -> memref<8x128xf32, #tpu.memory_space<vmem_shared>>
        %dma_start3A_575 = arith.constant 0 : i32
        %dma_start3A_576 = tpu.memref_slice %arg11[%add3A_572, %dma_start3A_575] : memref<10240x128xf32, #tpu.memory_space<vmem_shared>> -> memref<8x128xf32, #tpu.memory_space<vmem_shared>>
        tpu.enqueue_dma source(%arg10 : memref<8x128xf32, #tpu.memory_space<vmem>>) target(%dma_start3A_576 : memref<8x128xf32, #tpu.memory_space<vmem_shared>>) target_semaphore(%run_scoped3A : memref<!tpu.dma_semaphore, #tpu.memory_space<semaphore_mem>>)
        %dma_wait3A = arith.constant 0 : i32
        %dma_wait3A_577 = tpu.memref_slice %arg11[%add3A_572, %dma_wait3A] : memref<10240x128xf32, #tpu.memory_space<vmem_shared>> -> memref<8x128xf32, #tpu.memory_space<vmem_shared>>
        %dma_wait3A_578 = arith.constant 0 : i32
        %dma_wait3A_579 = tpu.memref_slice %arg11[%add3A_572, %dma_wait3A_578] : memref<10240x128xf32, #tpu.memory_space<vmem_shared>> -> memref<8x128xf32, #tpu.memory_space<vmem_shared>>
        tpu.wait_dma2 semaphore(%run_scoped3A : memref<!tpu.dma_semaphore, #tpu.memory_space<semaphore_mem>>) src(%arg10 : memref<8x128xf32, #tpu.memory_space<vmem>>) dst(%dma_wait3A_579 : memref<8x128xf32, #tpu.memory_space<vmem_shared>>)
        tpu.yield
      }) : () -> ()
      %scan3A_573 = arith.constant 0 : i32
      scf.yield %scan3A_573 : i32
    }
    %scan3A_515 = arith.constant 80 : i32
    %barrier3A = arith.constant 0 : index
    tpu.barrier barrier_id(%barrier3A)
    %eq3A = arith.constant 0 : i32
    %eq3A_516 = arith.cmpi eq, %arg0, %eq3A : i32
    %jit3A = arith.constant 152 : i32
    %jit3A_517 = arith.constant 8 : i32
    %select_n3A = arith.select %eq3A_516, %jit3A, %jit3A_517 : i32
    %eq3A_518 = arith.constant 0 : i32
    %eq3A_519 = arith.cmpi eq, %arg0, %eq3A_518 : i32
    %mul3A = arith.constant 152 : i32
    %mul3A_520 = arith.muli %arg1, %mul3A : i32
    %mul3A_521 = arith.constant 8 : i32
    %mul3A_522 = arith.muli %arg1, %mul3A_521 : i32
    %add3A = arith.constant 2432 : i32
    %add3A_523 = arith.addi %add3A, %mul3A_522 : i32
    %select_n3A_524 = arith.select %eq3A_519, %mul3A_520, %add3A_523 : i32
    %multiple_of3A = tpu.assume_multiple %select_n3A_524, 8 : i32
    %add3A_525 = arith.constant 48 : i32
    %add3A_526 = arith.addi %select_n3A, %add3A_525 : i32
    %sub3A = arith.constant 1 : i32
    %sub3A_527 = arith.subi %add3A_526, %sub3A : i32
    %jit3A_528 = arith.constant 48 : i32
    %div3A = arith.divsi %sub3A_527, %jit3A_528 : i32
    %sign3A = arith.constant 0 : i32
    %sign3A_529 = arith.cmpi sgt, %sub3A_527, %sign3A : i32
    %sign3A_530 = arith.extui %sign3A_529 : i1 to i32
    %sign3A_531 = arith.constant 0 : i32
    %sign3A_532 = arith.cmpi slt, %sub3A_527, %sign3A_531 : i32
    %sign3A_533 = arith.extui %sign3A_532 : i1 to i32
    %sign3A_534 = arith.subi %sign3A_530, %sign3A_533 : i32
    %sign3A_535 = arith.constant 0 : i32
    %sign3A_536 = arith.cmpi sgt, %jit3A_528, %sign3A_535 : i32
    %sign3A_537 = arith.extui %sign3A_536 : i1 to i32
    %sign3A_538 = arith.constant 0 : i32
    %sign3A_539 = arith.cmpi slt, %jit3A_528, %sign3A_538 : i32
    %sign3A_540 = arith.extui %sign3A_539 : i1 to i32
    %sign3A_541 = arith.subi %sign3A_537, %sign3A_540 : i32
    %ne3A = arith.cmpi ne, %sign3A_534, %sign3A_541 : i32
    %rem3A = arith.remsi %sub3A_527, %jit3A_528 : i32
    %ne3A_542 = arith.constant 0 : i32
    %ne3A_543 = arith.cmpi ne, %rem3A, %ne3A_542 : i32
    %and3A = arith.andi %ne3A, %ne3A_543 : i1
    %sub3A_544 = arith.constant 1 : i32
    %sub3A_545 = arith.subi %div3A, %sub3A_544 : i32
    %select_n3A_546 = arith.select %and3A, %sub3A_545, %div3A : i32
    %while3A = arith.constant 0 : i32
    %while3A_547 = arith.constant 0 : i32
    %while3A_548 = arith.subi %select_n3A_546, %while3A : i32
    %while3A_549 = arith.addi %while3A, %while3A_548 : i32
    %while3A_550 = arith.constant 1 : i32
    %while3A_551 = arith.divsi %while3A_548, %while3A_550 : i32
    %while3A_552 = arith.muli %while3A_551, %while3A_550 : i32
    %while3A_553 = arith.addi %while3A, %while3A_552 : i32
    %while3A_554 = arith.constant 1 : i32
    %while3A_555 = scf.for %while3A_566 = %while3A to %while3A_553 step %while3A_554 iter_args(%while3A_567 = %while3A_547) -> (i32)  : i32 {
      %mul3A_568 = arith.constant 48 : i32
      %mul3A_569 = arith.muli %while3A_566, %mul3A_568 : i32
      %add3A_570 = arith.addi %multiple_of3A, %mul3A_569 : i32
      %multiple_of3A_571 = tpu.assume_multiple %add3A_570, 8 : i32
      "tpu.region"() ({
        %run_scoped3A = tpu.sem_alloc : memref<!tpu.dma_semaphore, #tpu.memory_space<semaphore_mem>>
        %dma_start3A_619 = arith.constant 0 : i32
        %dma_start3A_620 = tpu.memref_slice %arg3[%multiple_of3A_571, %dma_start3A_619] : memref<2608x128xi32, #tpu.memory_space<hbm>> -> memref<48x128xi32, #tpu.memory_space<hbm>>
        %dma_start3A_621 = arith.constant 0 : i32
        %dma_start3A_622 = tpu.memref_slice %arg3[%multiple_of3A_571, %dma_start3A_621] : memref<2608x128xi32, #tpu.memory_space<hbm>> -> memref<48x128xi32, #tpu.memory_space<hbm>>
        tpu.enqueue_dma source(%dma_start3A_622 : memref<48x128xi32, #tpu.memory_space<hbm>>) target(%arg6 : memref<48x128xi32, #tpu.memory_space<vmem>>) target_semaphore(%run_scoped3A : memref<!tpu.dma_semaphore, #tpu.memory_space<semaphore_mem>>)
        %dma_wait3A = arith.constant 0 : i32
        %dma_wait3A_623 = tpu.memref_slice %arg3[%multiple_of3A_571, %dma_wait3A] : memref<2608x128xi32, #tpu.memory_space<hbm>> -> memref<48x128xi32, #tpu.memory_space<hbm>>
        %dma_wait3A_624 = arith.constant 0 : i32
        %dma_wait3A_625 = tpu.memref_slice %arg3[%multiple_of3A_571, %dma_wait3A_624] : memref<2608x128xi32, #tpu.memory_space<hbm>> -> memref<48x128xi32, #tpu.memory_space<hbm>>
        tpu.wait_dma2 semaphore(%run_scoped3A : memref<!tpu.dma_semaphore, #tpu.memory_space<semaphore_mem>>) src(%dma_wait3A_625 : memref<48x128xi32, #tpu.memory_space<hbm>>) dst(%arg6 : memref<48x128xi32, #tpu.memory_space<vmem>>)
        tpu.yield
      }) : () -> ()
      "tpu.region"() ({
        %run_scoped3A = tpu.sem_alloc : memref<!tpu.dma_semaphore, #tpu.memory_space<semaphore_mem>>
        %dma_start3A_619 = arith.constant 0 : i32
        %dma_start3A_620 = tpu.memref_slice %arg4[%multiple_of3A_571, %dma_start3A_619] : memref<2608x128xi32, #tpu.memory_space<hbm>> -> memref<48x128xi32, #tpu.memory_space<hbm>>
        %dma_start3A_621 = arith.constant 0 : i32
        %dma_start3A_622 = tpu.memref_slice %arg4[%multiple_of3A_571, %dma_start3A_621] : memref<2608x128xi32, #tpu.memory_space<hbm>> -> memref<48x128xi32, #tpu.memory_space<hbm>>
        tpu.enqueue_dma source(%dma_start3A_622 : memref<48x128xi32, #tpu.memory_space<hbm>>) target(%arg7 : memref<48x128xi32, #tpu.memory_space<vmem>>) target_semaphore(%run_scoped3A : memref<!tpu.dma_semaphore, #tpu.memory_space<semaphore_mem>>)
        %dma_wait3A = arith.constant 0 : i32
        %dma_wait3A_623 = tpu.memref_slice %arg4[%multiple_of3A_571, %dma_wait3A] : memref<2608x128xi32, #tpu.memory_space<hbm>> -> memref<48x128xi32, #tpu.memory_space<hbm>>
        %dma_wait3A_624 = arith.constant 0 : i32
        %dma_wait3A_625 = tpu.memref_slice %arg4[%multiple_of3A_571, %dma_wait3A_624] : memref<2608x128xi32, #tpu.memory_space<hbm>> -> memref<48x128xi32, #tpu.memory_space<hbm>>
        tpu.wait_dma2 semaphore(%run_scoped3A : memref<!tpu.dma_semaphore, #tpu.memory_space<semaphore_mem>>) src(%dma_wait3A_625 : memref<48x128xi32, #tpu.memory_space<hbm>>) dst(%arg7 : memref<48x128xi32, #tpu.memory_space<vmem>>)
        tpu.yield
      }) : () -> ()
      %mul3A_572 = arith.constant 48 : i32
      %mul3A_573 = arith.muli %while3A_566, %mul3A_572 : i32
      %sub3A_574 = arith.subi %select_n3A, %mul3A_573 : i32
      %min3A = arith.constant 48 : i32
      %min3A_575 = arith.minsi %sub3A_574, %min3A : i32
      %dma_start3A = arith.constant 0 : i32
      %dma_start3A_576 = arith.constant 0 : i32
      %dma_start3A_577 = tpu.memref_slice %arg6[%dma_start3A, %dma_start3A_576] : memref<48x128xi32, #tpu.memory_space<vmem>> -> memref<1x128xi32, #tpu.memory_space<vmem>>
      %dma_start3A_578 = tpu.memref_squeeze %dma_start3A_577 : memref<1x128xi32, #tpu.memory_space<vmem>> -> memref<128xi32, #tpu.memory_space<vmem>>
      %dma_start3A_579 = arith.constant 0 : i32
      %dma_start3A_580 = arith.constant 0 : i32
      %dma_start3A_581 = tpu.memref_slice %arg2[%dma_start3A_579, %dma_start3A_580] : memref<10240x128xf32, #tpu.memory_space<hbm>> -> memref<10240x128xf32, #tpu.memory_space<hbm>>
      tpu.enqueue_indirect_dma source(%dma_start3A_581 : memref<10240x128xf32, #tpu.memory_space<hbm>>) target(%arg8 : memref<128x128xf32, #tpu.memory_space<vmem>>) offsets(%dma_start3A_578 : memref<128xi32, #tpu.memory_space<vmem>>) semaphore(%arg12 : memref<!tpu.dma_semaphore, #tpu.memory_space<semaphore_mem>>)
      %jit3A_582 = arith.constant 2 : i32
      %div3A_583 = arith.divsi %min3A_575, %jit3A_582 : i32
      %sign3A_584 = arith.constant 0 : i32
      %sign3A_585 = arith.cmpi sgt, %min3A_575, %sign3A_584 : i32
      %sign3A_586 = arith.extui %sign3A_585 : i1 to i32
      %sign3A_587 = arith.constant 0 : i32
      %sign3A_588 = arith.cmpi slt, %min3A_575, %sign3A_587 : i32
      %sign3A_589 = arith.extui %sign3A_588 : i1 to i32
      %sign3A_590 = arith.subi %sign3A_586, %sign3A_589 : i32
      %sign3A_591 = arith.constant 0 : i32
      %sign3A_592 = arith.cmpi sgt, %jit3A_582, %sign3A_591 : i32
      %sign3A_593 = arith.extui %sign3A_592 : i1 to i32
      %sign3A_594 = arith.constant 0 : i32
      %sign3A_595 = arith.cmpi slt, %jit3A_582, %sign3A_594 : i32
      %sign3A_596 = arith.extui %sign3A_595 : i1 to i32
      %sign3A_597 = arith.subi %sign3A_593, %sign3A_596 : i32
      %ne3A_598 = arith.cmpi ne, %sign3A_590, %sign3A_597 : i32
      %rem3A_599 = arith.remsi %min3A_575, %jit3A_582 : i32
      %ne3A_600 = arith.constant 0 : i32
      %ne3A_601 = arith.cmpi ne, %rem3A_599, %ne3A_600 : i32
      %and3A_602 = arith.andi %ne3A_598, %ne3A_601 : i1
      %sub3A_603 = arith.constant 1 : i32
      %sub3A_604 = arith.subi %div3A_583, %sub3A_603 : i32
      %select_n3A_605 = arith.select %and3A_602, %sub3A_604, %div3A_583 : i32
      %while3A_606 = arith.constant 0 : i32
      %while3A_607 = arith.constant 0 : i32
      %while3A_608 = arith.subi %select_n3A_605, %while3A_606 : i32
      %while3A_609 = arith.addi %while3A_606, %while3A_608 : i32
      %while3A_610 = arith.constant 1 : i32
      %while3A_611 = arith.divsi %while3A_608, %while3A_610 : i32
      %while3A_612 = arith.muli %while3A_611, %while3A_610 : i32
      %while3A_613 = arith.addi %while3A_606, %while3A_612 : i32
      %while3A_614 = arith.constant 1 : i32
      %while3A_615 = scf.for %while3A_619 = %while3A_606 to %while3A_613 step %while3A_614 iter_args(%while3A_620 = %while3A_607) -> (i32)  : i32 {
        %mul3A_621 = arith.constant 2 : i32
        %mul3A_622 = arith.muli %mul3A_621, %while3A_619 : i32
        %add3A_623 = arith.constant 1 : i32
        %add3A_624 = arith.addi %mul3A_622, %add3A_623 : i32
        %dma_start3A_625 = arith.constant 0 : i32
        %dma_start3A_626 = tpu.memref_slice %arg6[%add3A_624, %dma_start3A_625] : memref<48x128xi32, #tpu.memory_space<vmem>> -> memref<1x128xi32, #tpu.memory_space<vmem>>
        %dma_start3A_627 = tpu.memref_squeeze %dma_start3A_626 : memref<1x128xi32, #tpu.memory_space<vmem>> -> memref<128xi32, #tpu.memory_space<vmem>>
        %dma_start3A_628 = arith.constant 0 : i32
        %dma_start3A_629 = arith.constant 0 : i32
        %dma_start3A_630 = tpu.memref_slice %arg2[%dma_start3A_628, %dma_start3A_629] : memref<10240x128xf32, #tpu.memory_space<hbm>> -> memref<10240x128xf32, #tpu.memory_space<hbm>>
        tpu.enqueue_indirect_dma source(%dma_start3A_630 : memref<10240x128xf32, #tpu.memory_space<hbm>>) target(%arg9 : memref<128x128xf32, #tpu.memory_space<vmem>>) offsets(%dma_start3A_627 : memref<128xi32, #tpu.memory_space<vmem>>) semaphore(%arg13 : memref<!tpu.dma_semaphore, #tpu.memory_space<semaphore_mem>>)
        %dma_wait3A = arith.constant 0 : i32
        %dma_wait3A_631 = tpu.memref_slice %arg6[%mul3A_622, %dma_wait3A] : memref<48x128xi32, #tpu.memory_space<vmem>> -> memref<1x128xi32, #tpu.memory_space<vmem>>
        %dma_wait3A_632 = tpu.memref_squeeze %dma_wait3A_631 : memref<1x128xi32, #tpu.memory_space<vmem>> -> memref<128xi32, #tpu.memory_space<vmem>>
        %dma_wait3A_633 = arith.constant 0 : i32
        %dma_wait3A_634 = arith.constant 0 : i32
        %dma_wait3A_635 = tpu.memref_slice %arg2[%dma_wait3A_633, %dma_wait3A_634] : memref<10240x128xf32, #tpu.memory_space<hbm>> -> memref<10240x128xf32, #tpu.memory_space<hbm>>
        tpu.wait_indirect_dma semaphore(%arg12 : memref<!tpu.dma_semaphore, #tpu.memory_space<semaphore_mem>>) src(%dma_wait3A_635 : memref<10240x128xf32, #tpu.memory_space<hbm>>) dst(%arg8 : memref<128x128xf32, #tpu.memory_space<vmem>>)
        "tpu.region"() ({
          %run_scoped3A = tpu.sem_alloc : memref<!tpu.dma_semaphore, #tpu.memory_space<semaphore_mem>>
          %dma_start3A_646 = arith.constant 0 : i32
          %dma_start3A_647 = tpu.memref_slice %arg7[%mul3A_622, %dma_start3A_646] : memref<48x128xi32, #tpu.memory_space<vmem>> -> memref<1x128xi32, #tpu.memory_space<vmem>>
          %dma_start3A_648 = tpu.memref_squeeze %dma_start3A_647 : memref<1x128xi32, #tpu.memory_space<vmem>> -> memref<128xi32, #tpu.memory_space<vmem>>
          %dma_start3A_649 = arith.constant 0 : i32
          %dma_start3A_650 = arith.constant 0 : i32
          %dma_start3A_651 = tpu.memref_slice %arg11[%dma_start3A_649, %dma_start3A_650] : memref<10240x128xf32, #tpu.memory_space<vmem_shared>> -> memref<10240x128xf32, #tpu.memory_space<vmem_shared>>
          tpu.enqueue_indirect_dma source(%arg8 : memref<128x128xf32, #tpu.memory_space<vmem>>) target(%dma_start3A_651 : memref<10240x128xf32, #tpu.memory_space<vmem_shared>>) offsets(%dma_start3A_648 : memref<128xi32, #tpu.memory_space<vmem>>) semaphore(%run_scoped3A : memref<!tpu.dma_semaphore, #tpu.memory_space<semaphore_mem>>) {add = true}
          %dma_wait3A_652 = arith.constant 0 : i32
          %dma_wait3A_653 = tpu.memref_slice %arg7[%mul3A_622, %dma_wait3A_652] : memref<48x128xi32, #tpu.memory_space<vmem>> -> memref<1x128xi32, #tpu.memory_space<vmem>>
          %dma_wait3A_654 = tpu.memref_squeeze %dma_wait3A_653 : memref<1x128xi32, #tpu.memory_space<vmem>> -> memref<128xi32, #tpu.memory_space<vmem>>
          %dma_wait3A_655 = arith.constant 0 : i32
          %dma_wait3A_656 = arith.constant 0 : i32
          %dma_wait3A_657 = tpu.memref_slice %arg11[%dma_wait3A_655, %dma_wait3A_656] : memref<10240x128xf32, #tpu.memory_space<vmem_shared>> -> memref<10240x128xf32, #tpu.memory_space<vmem_shared>>
          tpu.wait_indirect_dma semaphore(%run_scoped3A : memref<!tpu.dma_semaphore, #tpu.memory_space<semaphore_mem>>) src(%arg8 : memref<128x128xf32, #tpu.memory_space<vmem>>) dst(%dma_wait3A_657 : memref<10240x128xf32, #tpu.memory_space<vmem_shared>>)
          tpu.yield
        }) : () -> ()
        %add3A_636 = arith.constant 2 : i32
        %add3A_637 = arith.addi %mul3A_622, %add3A_636 : i32
        %lt3A = arith.cmpi slt, %add3A_637, %min3A_575 : i32
        %convert_element_type3A = arith.extui %lt3A : i1 to i32
        %cond3A = arith.constant 0 : i32
        %cond3A_638 = arith.cmpi ne, %convert_element_type3A, %cond3A : i32
        scf.if %cond3A_638 {
          %add3A_646 = arith.constant 2 : i32
          %add3A_647 = arith.addi %mul3A_622, %add3A_646 : i32
          %dma_start3A_648 = arith.constant 0 : i32
          %dma_start3A_649 = tpu.memref_slice %arg6[%add3A_647, %dma_start3A_648] : memref<48x128xi32, #tpu.memory_space<vmem>> -> memref<1x128xi32, #tpu.memory_space<vmem>>
          %dma_start3A_650 = tpu.memref_squeeze %dma_start3A_649 : memref<1x128xi32, #tpu.memory_space<vmem>> -> memref<128xi32, #tpu.memory_space<vmem>>
          %dma_start3A_651 = arith.constant 0 : i32
          %dma_start3A_652 = arith.constant 0 : i32
          %dma_start3A_653 = tpu.memref_slice %arg2[%dma_start3A_651, %dma_start3A_652] : memref<10240x128xf32, #tpu.memory_space<hbm>> -> memref<10240x128xf32, #tpu.memory_space<hbm>>
          tpu.enqueue_indirect_dma source(%dma_start3A_653 : memref<10240x128xf32, #tpu.memory_space<hbm>>) target(%arg8 : memref<128x128xf32, #tpu.memory_space<vmem>>) offsets(%dma_start3A_650 : memref<128xi32, #tpu.memory_space<vmem>>) semaphore(%arg12 : memref<!tpu.dma_semaphore, #tpu.memory_space<semaphore_mem>>)
        } else {
        }
        %dma_wait3A_639 = arith.constant 0 : i32
        %dma_wait3A_640 = tpu.memref_slice %arg6[%add3A_624, %dma_wait3A_639] : memref<48x128xi32, #tpu.memory_space<vmem>> -> memref<1x128xi32, #tpu.memory_space<vmem>>
        %dma_wait3A_641 = tpu.memref_squeeze %dma_wait3A_640 : memref<1x128xi32, #tpu.memory_space<vmem>> -> memref<128xi32, #tpu.memory_space<vmem>>
        %dma_wait3A_642 = arith.constant 0 : i32
        %dma_wait3A_643 = arith.constant 0 : i32
        %dma_wait3A_644 = tpu.memref_slice %arg2[%dma_wait3A_642, %dma_wait3A_643] : memref<10240x128xf32, #tpu.memory_space<hbm>> -> memref<10240x128xf32, #tpu.memory_space<hbm>>
        tpu.wait_indirect_dma semaphore(%arg13 : memref<!tpu.dma_semaphore, #tpu.memory_space<semaphore_mem>>) src(%dma_wait3A_644 : memref<10240x128xf32, #tpu.memory_space<hbm>>) dst(%arg9 : memref<128x128xf32, #tpu.memory_space<vmem>>)
        "tpu.region"() ({
          %run_scoped3A = tpu.sem_alloc : memref<!tpu.dma_semaphore, #tpu.memory_space<semaphore_mem>>
          %dma_start3A_646 = arith.constant 0 : i32
          %dma_start3A_647 = tpu.memref_slice %arg7[%add3A_624, %dma_start3A_646] : memref<48x128xi32, #tpu.memory_space<vmem>> -> memref<1x128xi32, #tpu.memory_space<vmem>>
          %dma_start3A_648 = tpu.memref_squeeze %dma_start3A_647 : memref<1x128xi32, #tpu.memory_space<vmem>> -> memref<128xi32, #tpu.memory_space<vmem>>
          %dma_start3A_649 = arith.constant 0 : i32
          %dma_start3A_650 = arith.constant 0 : i32
          %dma_start3A_651 = tpu.memref_slice %arg11[%dma_start3A_649, %dma_start3A_650] : memref<10240x128xf32, #tpu.memory_space<vmem_shared>> -> memref<10240x128xf32, #tpu.memory_space<vmem_shared>>
          tpu.enqueue_indirect_dma source(%arg9 : memref<128x128xf32, #tpu.memory_space<vmem>>) target(%dma_start3A_651 : memref<10240x128xf32, #tpu.memory_space<vmem_shared>>) offsets(%dma_start3A_648 : memref<128xi32, #tpu.memory_space<vmem>>) semaphore(%run_scoped3A : memref<!tpu.dma_semaphore, #tpu.memory_space<semaphore_mem>>) {add = true}
          %dma_wait3A_652 = arith.constant 0 : i32
          %dma_wait3A_653 = tpu.memref_slice %arg7[%add3A_624, %dma_wait3A_652] : memref<48x128xi32, #tpu.memory_space<vmem>> -> memref<1x128xi32, #tpu.memory_space<vmem>>
          %dma_wait3A_654 = tpu.memref_squeeze %dma_wait3A_653 : memref<1x128xi32, #tpu.memory_space<vmem>> -> memref<128xi32, #tpu.memory_space<vmem>>
          %dma_wait3A_655 = arith.constant 0 : i32
          %dma_wait3A_656 = arith.constant 0 : i32
          %dma_wait3A_657 = tpu.memref_slice %arg11[%dma_wait3A_655, %dma_wait3A_656] : memref<10240x128xf32, #tpu.memory_space<vmem_shared>> -> memref<10240x128xf32, #tpu.memory_space<vmem_shared>>
          tpu.wait_indirect_dma semaphore(%run_scoped3A : memref<!tpu.dma_semaphore, #tpu.memory_space<semaphore_mem>>) src(%arg9 : memref<128x128xf32, #tpu.memory_space<vmem>>) dst(%dma_wait3A_657 : memref<10240x128xf32, #tpu.memory_space<vmem_shared>>)
          tpu.yield
        }) : () -> ()
        %while3A_645 = arith.constant 0 : i32
        scf.yield %while3A_645 : i32
      }
      %while3A_616 = arith.constant 1 : i32
      %while3A_617 = scf.for %while3A_619 = %while3A_613 to %while3A_609 step %while3A_616 iter_args(%while3A_620 = %while3A_615) -> (i32)  : i32 {
        %mul3A_621 = arith.constant 2 : i32
        %mul3A_622 = arith.muli %mul3A_621, %while3A_619 : i32
        %add3A_623 = arith.constant 1 : i32
        %add3A_624 = arith.addi %mul3A_622, %add3A_623 : i32
        %dma_start3A_625 = arith.constant 0 : i32
        %dma_start3A_626 = tpu.memref_slice %arg6[%add3A_624, %dma_start3A_625] : memref<48x128xi32, #tpu.memory_space<vmem>> -> memref<1x128xi32, #tpu.memory_space<vmem>>
        %dma_start3A_627 = tpu.memref_squeeze %dma_start3A_626 : memref<1x128xi32, #tpu.memory_space<vmem>> -> memref<128xi32, #tpu.memory_space<vmem>>
        %dma_start3A_628 = arith.constant 0 : i32
        %dma_start3A_629 = arith.constant 0 : i32
        %dma_start3A_630 = tpu.memref_slice %arg2[%dma_start3A_628, %dma_start3A_629] : memref<10240x128xf32, #tpu.memory_space<hbm>> -> memref<10240x128xf32, #tpu.memory_space<hbm>>
        tpu.enqueue_indirect_dma source(%dma_start3A_630 : memref<10240x128xf32, #tpu.memory_space<hbm>>) target(%arg9 : memref<128x128xf32, #tpu.memory_space<vmem>>) offsets(%dma_start3A_627 : memref<128xi32, #tpu.memory_space<vmem>>) semaphore(%arg13 : memref<!tpu.dma_semaphore, #tpu.memory_space<semaphore_mem>>)
        %dma_wait3A = arith.constant 0 : i32
        %dma_wait3A_631 = tpu.memref_slice %arg6[%mul3A_622, %dma_wait3A] : memref<48x128xi32, #tpu.memory_space<vmem>> -> memref<1x128xi32, #tpu.memory_space<vmem>>
        %dma_wait3A_632 = tpu.memref_squeeze %dma_wait3A_631 : memref<1x128xi32, #tpu.memory_space<vmem>> -> memref<128xi32, #tpu.memory_space<vmem>>
        %dma_wait3A_633 = arith.constant 0 : i32
        %dma_wait3A_634 = arith.constant 0 : i32
        %dma_wait3A_635 = tpu.memref_slice %arg2[%dma_wait3A_633, %dma_wait3A_634] : memref<10240x128xf32, #tpu.memory_space<hbm>> -> memref<10240x128xf32, #tpu.memory_space<hbm>>
        tpu.wait_indirect_dma semaphore(%arg12 : memref<!tpu.dma_semaphore, #tpu.memory_space<semaphore_mem>>) src(%dma_wait3A_635 : memref<10240x128xf32, #tpu.memory_space<hbm>>) dst(%arg8 : memref<128x128xf32, #tpu.memory_space<vmem>>)
        "tpu.region"() ({
          %run_scoped3A = tpu.sem_alloc : memref<!tpu.dma_semaphore, #tpu.memory_space<semaphore_mem>>
          %dma_start3A_646 = arith.constant 0 : i32
          %dma_start3A_647 = tpu.memref_slice %arg7[%mul3A_622, %dma_start3A_646] : memref<48x128xi32, #tpu.memory_space<vmem>> -> memref<1x128xi32, #tpu.memory_space<vmem>>
          %dma_start3A_648 = tpu.memref_squeeze %dma_start3A_647 : memref<1x128xi32, #tpu.memory_space<vmem>> -> memref<128xi32, #tpu.memory_space<vmem>>
          %dma_start3A_649 = arith.constant 0 : i32
          %dma_start3A_650 = arith.constant 0 : i32
          %dma_start3A_651 = tpu.memref_slice %arg11[%dma_start3A_649, %dma_start3A_650] : memref<10240x128xf32, #tpu.memory_space<vmem_shared>> -> memref<10240x128xf32, #tpu.memory_space<vmem_shared>>
          tpu.enqueue_indirect_dma source(%arg8 : memref<128x128xf32, #tpu.memory_space<vmem>>) target(%dma_start3A_651 : memref<10240x128xf32, #tpu.memory_space<vmem_shared>>) offsets(%dma_start3A_648 : memref<128xi32, #tpu.memory_space<vmem>>) semaphore(%run_scoped3A : memref<!tpu.dma_semaphore, #tpu.memory_space<semaphore_mem>>) {add = true}
          %dma_wait3A_652 = arith.constant 0 : i32
          %dma_wait3A_653 = tpu.memref_slice %arg7[%mul3A_622, %dma_wait3A_652] : memref<48x128xi32, #tpu.memory_space<vmem>> -> memref<1x128xi32, #tpu.memory_space<vmem>>
          %dma_wait3A_654 = tpu.memref_squeeze %dma_wait3A_653 : memref<1x128xi32, #tpu.memory_space<vmem>> -> memref<128xi32, #tpu.memory_space<vmem>>
          %dma_wait3A_655 = arith.constant 0 : i32
          %dma_wait3A_656 = arith.constant 0 : i32
          %dma_wait3A_657 = tpu.memref_slice %arg11[%dma_wait3A_655, %dma_wait3A_656] : memref<10240x128xf32, #tpu.memory_space<vmem_shared>> -> memref<10240x128xf32, #tpu.memory_space<vmem_shared>>
          tpu.wait_indirect_dma semaphore(%run_scoped3A : memref<!tpu.dma_semaphore, #tpu.memory_space<semaphore_mem>>) src(%arg8 : memref<128x128xf32, #tpu.memory_space<vmem>>) dst(%dma_wait3A_657 : memref<10240x128xf32, #tpu.memory_space<vmem_shared>>)
          tpu.yield
        }) : () -> ()
        %add3A_636 = arith.constant 2 : i32
        %add3A_637 = arith.addi %mul3A_622, %add3A_636 : i32
        %lt3A = arith.cmpi slt, %add3A_637, %min3A_575 : i32
        %convert_element_type3A = arith.extui %lt3A : i1 to i32
        %cond3A = arith.constant 0 : i32
        %cond3A_638 = arith.cmpi ne, %convert_element_type3A, %cond3A : i32
        scf.if %cond3A_638 {
          %add3A_646 = arith.constant 2 : i32
          %add3A_647 = arith.addi %mul3A_622, %add3A_646 : i32
          %dma_start3A_648 = arith.constant 0 : i32
          %dma_start3A_649 = tpu.memref_slice %arg6[%add3A_647, %dma_start3A_648] : memref<48x128xi32, #tpu.memory_space<vmem>> -> memref<1x128xi32, #tpu.memory_space<vmem>>
          %dma_start3A_650 = tpu.memref_squeeze %dma_start3A_649 : memref<1x128xi32, #tpu.memory_space<vmem>> -> memref<128xi32, #tpu.memory_space<vmem>>
          %dma_start3A_651 = arith.constant 0 : i32
          %dma_start3A_652 = arith.constant 0 : i32
          %dma_start3A_653 = tpu.memref_slice %arg2[%dma_start3A_651, %dma_start3A_652] : memref<10240x128xf32, #tpu.memory_space<hbm>> -> memref<10240x128xf32, #tpu.memory_space<hbm>>
          tpu.enqueue_indirect_dma source(%dma_start3A_653 : memref<10240x128xf32, #tpu.memory_space<hbm>>) target(%arg8 : memref<128x128xf32, #tpu.memory_space<vmem>>) offsets(%dma_start3A_650 : memref<128xi32, #tpu.memory_space<vmem>>) semaphore(%arg12 : memref<!tpu.dma_semaphore, #tpu.memory_space<semaphore_mem>>)
        } else {
        }
        %dma_wait3A_639 = arith.constant 0 : i32
        %dma_wait3A_640 = tpu.memref_slice %arg6[%add3A_624, %dma_wait3A_639] : memref<48x128xi32, #tpu.memory_space<vmem>> -> memref<1x128xi32, #tpu.memory_space<vmem>>
        %dma_wait3A_641 = tpu.memref_squeeze %dma_wait3A_640 : memref<1x128xi32, #tpu.memory_space<vmem>> -> memref<128xi32, #tpu.memory_space<vmem>>
        %dma_wait3A_642 = arith.constant 0 : i32
        %dma_wait3A_643 = arith.constant 0 : i32
        %dma_wait3A_644 = tpu.memref_slice %arg2[%dma_wait3A_642, %dma_wait3A_643] : memref<10240x128xf32, #tpu.memory_space<hbm>> -> memref<10240x128xf32, #tpu.memory_space<hbm>>
        tpu.wait_indirect_dma semaphore(%arg13 : memref<!tpu.dma_semaphore, #tpu.memory_space<semaphore_mem>>) src(%dma_wait3A_644 : memref<10240x128xf32, #tpu.memory_space<hbm>>) dst(%arg9 : memref<128x128xf32, #tpu.memory_space<vmem>>)
        "tpu.region"() ({
          %run_scoped3A = tpu.sem_alloc : memref<!tpu.dma_semaphore, #tpu.memory_space<semaphore_mem>>
          %dma_start3A_646 = arith.constant 0 : i32
          %dma_start3A_647 = tpu.memref_slice %arg7[%add3A_624, %dma_start3A_646] : memref<48x128xi32, #tpu.memory_space<vmem>> -> memref<1x128xi32, #tpu.memory_space<vmem>>
          %dma_start3A_648 = tpu.memref_squeeze %dma_start3A_647 : memref<1x128xi32, #tpu.memory_space<vmem>> -> memref<128xi32, #tpu.memory_space<vmem>>
          %dma_start3A_649 = arith.constant 0 : i32
          %dma_start3A_650 = arith.constant 0 : i32
          %dma_start3A_651 = tpu.memref_slice %arg11[%dma_start3A_649, %dma_start3A_650] : memref<10240x128xf32, #tpu.memory_space<vmem_shared>> -> memref<10240x128xf32, #tpu.memory_space<vmem_shared>>
          tpu.enqueue_indirect_dma source(%arg9 : memref<128x128xf32, #tpu.memory_space<vmem>>) target(%dma_start3A_651 : memref<10240x128xf32, #tpu.memory_space<vmem_shared>>) offsets(%dma_start3A_648 : memref<128xi32, #tpu.memory_space<vmem>>) semaphore(%run_scoped3A : memref<!tpu.dma_semaphore, #tpu.memory_space<semaphore_mem>>) {add = true}
          %dma_wait3A_652 = arith.constant 0 : i32
          %dma_wait3A_653 = tpu.memref_slice %arg7[%add3A_624, %dma_wait3A_652] : memref<48x128xi32, #tpu.memory_space<vmem>> -> memref<1x128xi32, #tpu.memory_space<vmem>>
          %dma_wait3A_654 = tpu.memref_squeeze %dma_wait3A_653 : memref<1x128xi32, #tpu.memory_space<vmem>> -> memref<128xi32, #tpu.memory_space<vmem>>
          %dma_wait3A_655 = arith.constant 0 : i32
          %dma_wait3A_656 = arith.constant 0 : i32
          %dma_wait3A_657 = tpu.memref_slice %arg11[%dma_wait3A_655, %dma_wait3A_656] : memref<10240x128xf32, #tpu.memory_space<vmem_shared>> -> memref<10240x128xf32, #tpu.memory_space<vmem_shared>>
          tpu.wait_indirect_dma semaphore(%run_scoped3A : memref<!tpu.dma_semaphore, #tpu.memory_space<semaphore_mem>>) src(%arg9 : memref<128x128xf32, #tpu.memory_space<vmem>>) dst(%dma_wait3A_657 : memref<10240x128xf32, #tpu.memory_space<vmem_shared>>)
          tpu.yield
        }) : () -> ()
        %while3A_645 = arith.constant 0 : i32
        scf.yield %while3A_645 : i32
      }
      %while3A_618 = arith.constant 0 : i32
      scf.yield %while3A_618 : i32
    }
    %while3A_556 = arith.constant 1 : i32
    %while3A_557 = scf.for %while3A_566 = %while3A_553 to %while3A_549 step %while3A_556 iter_args(%while3A_567 = %while3A_555) -> (i32)  : i32 {
      %mul3A_568 = arith.constant 48 : i32
      %mul3A_569 = arith.muli %while3A_566, %mul3A_568 : i32
      %add3A_570 = arith.addi %multiple_of3A, %mul3A_569 : i32
      %multiple_of3A_571 = tpu.assume_multiple %add3A_570, 8 : i32
      "tpu.region"() ({
        %run_scoped3A = tpu.sem_alloc : memref<!tpu.dma_semaphore, #tpu.memory_space<semaphore_mem>>
        %dma_start3A_619 = arith.constant 0 : i32
        %dma_start3A_620 = tpu.memref_slice %arg3[%multiple_of3A_571, %dma_start3A_619] : memref<2608x128xi32, #tpu.memory_space<hbm>> -> memref<48x128xi32, #tpu.memory_space<hbm>>
        %dma_start3A_621 = arith.constant 0 : i32
        %dma_start3A_622 = tpu.memref_slice %arg3[%multiple_of3A_571, %dma_start3A_621] : memref<2608x128xi32, #tpu.memory_space<hbm>> -> memref<48x128xi32, #tpu.memory_space<hbm>>
        tpu.enqueue_dma source(%dma_start3A_622 : memref<48x128xi32, #tpu.memory_space<hbm>>) target(%arg6 : memref<48x128xi32, #tpu.memory_space<vmem>>) target_semaphore(%run_scoped3A : memref<!tpu.dma_semaphore, #tpu.memory_space<semaphore_mem>>)
        %dma_wait3A = arith.constant 0 : i32
        %dma_wait3A_623 = tpu.memref_slice %arg3[%multiple_of3A_571, %dma_wait3A] : memref<2608x128xi32, #tpu.memory_space<hbm>> -> memref<48x128xi32, #tpu.memory_space<hbm>>
        %dma_wait3A_624 = arith.constant 0 : i32
        %dma_wait3A_625 = tpu.memref_slice %arg3[%multiple_of3A_571, %dma_wait3A_624] : memref<2608x128xi32, #tpu.memory_space<hbm>> -> memref<48x128xi32, #tpu.memory_space<hbm>>
        tpu.wait_dma2 semaphore(%run_scoped3A : memref<!tpu.dma_semaphore, #tpu.memory_space<semaphore_mem>>) src(%dma_wait3A_625 : memref<48x128xi32, #tpu.memory_space<hbm>>) dst(%arg6 : memref<48x128xi32, #tpu.memory_space<vmem>>)
        tpu.yield
      }) : () -> ()
      "tpu.region"() ({
        %run_scoped3A = tpu.sem_alloc : memref<!tpu.dma_semaphore, #tpu.memory_space<semaphore_mem>>
        %dma_start3A_619 = arith.constant 0 : i32
        %dma_start3A_620 = tpu.memref_slice %arg4[%multiple_of3A_571, %dma_start3A_619] : memref<2608x128xi32, #tpu.memory_space<hbm>> -> memref<48x128xi32, #tpu.memory_space<hbm>>
        %dma_start3A_621 = arith.constant 0 : i32
        %dma_start3A_622 = tpu.memref_slice %arg4[%multiple_of3A_571, %dma_start3A_621] : memref<2608x128xi32, #tpu.memory_space<hbm>> -> memref<48x128xi32, #tpu.memory_space<hbm>>
        tpu.enqueue_dma source(%dma_start3A_622 : memref<48x128xi32, #tpu.memory_space<hbm>>) target(%arg7 : memref<48x128xi32, #tpu.memory_space<vmem>>) target_semaphore(%run_scoped3A : memref<!tpu.dma_semaphore, #tpu.memory_space<semaphore_mem>>)
        %dma_wait3A = arith.constant 0 : i32
        %dma_wait3A_623 = tpu.memref_slice %arg4[%multiple_of3A_571, %dma_wait3A] : memref<2608x128xi32, #tpu.memory_space<hbm>> -> memref<48x128xi32, #tpu.memory_space<hbm>>
        %dma_wait3A_624 = arith.constant 0 : i32
        %dma_wait3A_625 = tpu.memref_slice %arg4[%multiple_of3A_571, %dma_wait3A_624] : memref<2608x128xi32, #tpu.memory_space<hbm>> -> memref<48x128xi32, #tpu.memory_space<hbm>>
        tpu.wait_dma2 semaphore(%run_scoped3A : memref<!tpu.dma_semaphore, #tpu.memory_space<semaphore_mem>>) src(%dma_wait3A_625 : memref<48x128xi32, #tpu.memory_space<hbm>>) dst(%arg7 : memref<48x128xi32, #tpu.memory_space<vmem>>)
        tpu.yield
      }) : () -> ()
      %mul3A_572 = arith.constant 48 : i32
      %mul3A_573 = arith.muli %while3A_566, %mul3A_572 : i32
      %sub3A_574 = arith.subi %select_n3A, %mul3A_573 : i32
      %min3A = arith.constant 48 : i32
      %min3A_575 = arith.minsi %sub3A_574, %min3A : i32
      %dma_start3A = arith.constant 0 : i32
      %dma_start3A_576 = arith.constant 0 : i32
      %dma_start3A_577 = tpu.memref_slice %arg6[%dma_start3A, %dma_start3A_576] : memref<48x128xi32, #tpu.memory_space<vmem>> -> memref<1x128xi32, #tpu.memory_space<vmem>>
      %dma_start3A_578 = tpu.memref_squeeze %dma_start3A_577 : memref<1x128xi32, #tpu.memory_space<vmem>> -> memref<128xi32, #tpu.memory_space<vmem>>
      %dma_start3A_579 = arith.constant 0 : i32
      %dma_start3A_580 = arith.constant 0 : i32
      %dma_start3A_581 = tpu.memref_slice %arg2[%dma_start3A_579, %dma_start3A_580] : memref<10240x128xf32, #tpu.memory_space<hbm>> -> memref<10240x128xf32, #tpu.memory_space<hbm>>
      tpu.enqueue_indirect_dma source(%dma_start3A_581 : memref<10240x128xf32, #tpu.memory_space<hbm>>) target(%arg8 : memref<128x128xf32, #tpu.memory_space<vmem>>) offsets(%dma_start3A_578 : memref<128xi32, #tpu.memory_space<vmem>>) semaphore(%arg12 : memref<!tpu.dma_semaphore, #tpu.memory_space<semaphore_mem>>)
      %jit3A_582 = arith.constant 2 : i32
      %div3A_583 = arith.divsi %min3A_575, %jit3A_582 : i32
      %sign3A_584 = arith.constant 0 : i32
      %sign3A_585 = arith.cmpi sgt, %min3A_575, %sign3A_584 : i32
      %sign3A_586 = arith.extui %sign3A_585 : i1 to i32
      %sign3A_587 = arith.constant 0 : i32
      %sign3A_588 = arith.cmpi slt, %min3A_575, %sign3A_587 : i32
      %sign3A_589 = arith.extui %sign3A_588 : i1 to i32
      %sign3A_590 = arith.subi %sign3A_586, %sign3A_589 : i32
      %sign3A_591 = arith.constant 0 : i32
      %sign3A_592 = arith.cmpi sgt, %jit3A_582, %sign3A_591 : i32
      %sign3A_593 = arith.extui %sign3A_592 : i1 to i32
      %sign3A_594 = arith.constant 0 : i32
      %sign3A_595 = arith.cmpi slt, %jit3A_582, %sign3A_594 : i32
      %sign3A_596 = arith.extui %sign3A_595 : i1 to i32
      %sign3A_597 = arith.subi %sign3A_593, %sign3A_596 : i32
      %ne3A_598 = arith.cmpi ne, %sign3A_590, %sign3A_597 : i32
      %rem3A_599 = arith.remsi %min3A_575, %jit3A_582 : i32
      %ne3A_600 = arith.constant 0 : i32
      %ne3A_601 = arith.cmpi ne, %rem3A_599, %ne3A_600 : i32
      %and3A_602 = arith.andi %ne3A_598, %ne3A_601 : i1
      %sub3A_603 = arith.constant 1 : i32
      %sub3A_604 = arith.subi %div3A_583, %sub3A_603 : i32
      %select_n3A_605 = arith.select %and3A_602, %sub3A_604, %div3A_583 : i32
      %while3A_606 = arith.constant 0 : i32
      %while3A_607 = arith.constant 0 : i32
      %while3A_608 = arith.subi %select_n3A_605, %while3A_606 : i32
      %while3A_609 = arith.addi %while3A_606, %while3A_608 : i32
      %while3A_610 = arith.constant 1 : i32
      %while3A_611 = arith.divsi %while3A_608, %while3A_610 : i32
      %while3A_612 = arith.muli %while3A_611, %while3A_610 : i32
      %while3A_613 = arith.addi %while3A_606, %while3A_612 : i32
      %while3A_614 = arith.constant 1 : i32
      %while3A_615 = scf.for %while3A_619 = %while3A_606 to %while3A_613 step %while3A_614 iter_args(%while3A_620 = %while3A_607) -> (i32)  : i32 {
        %mul3A_621 = arith.constant 2 : i32
        %mul3A_622 = arith.muli %mul3A_621, %while3A_619 : i32
        %add3A_623 = arith.constant 1 : i32
        %add3A_624 = arith.addi %mul3A_622, %add3A_623 : i32
        %dma_start3A_625 = arith.constant 0 : i32
        %dma_start3A_626 = tpu.memref_slice %arg6[%add3A_624, %dma_start3A_625] : memref<48x128xi32, #tpu.memory_space<vmem>> -> memref<1x128xi32, #tpu.memory_space<vmem>>
        %dma_start3A_627 = tpu.memref_squeeze %dma_start3A_626 : memref<1x128xi32, #tpu.memory_space<vmem>> -> memref<128xi32, #tpu.memory_space<vmem>>
        %dma_start3A_628 = arith.constant 0 : i32
        %dma_start3A_629 = arith.constant 0 : i32
        %dma_start3A_630 = tpu.memref_slice %arg2[%dma_start3A_628, %dma_start3A_629] : memref<10240x128xf32, #tpu.memory_space<hbm>> -> memref<10240x128xf32, #tpu.memory_space<hbm>>
        tpu.enqueue_indirect_dma source(%dma_start3A_630 : memref<10240x128xf32, #tpu.memory_space<hbm>>) target(%arg9 : memref<128x128xf32, #tpu.memory_space<vmem>>) offsets(%dma_start3A_627 : memref<128xi32, #tpu.memory_space<vmem>>) semaphore(%arg13 : memref<!tpu.dma_semaphore, #tpu.memory_space<semaphore_mem>>)
        %dma_wait3A = arith.constant 0 : i32
        %dma_wait3A_631 = tpu.memref_slice %arg6[%mul3A_622, %dma_wait3A] : memref<48x128xi32, #tpu.memory_space<vmem>> -> memref<1x128xi32, #tpu.memory_space<vmem>>
        %dma_wait3A_632 = tpu.memref_squeeze %dma_wait3A_631 : memref<1x128xi32, #tpu.memory_space<vmem>> -> memref<128xi32, #tpu.memory_space<vmem>>
        %dma_wait3A_633 = arith.constant 0 : i32
        %dma_wait3A_634 = arith.constant 0 : i32
        %dma_wait3A_635 = tpu.memref_slice %arg2[%dma_wait3A_633, %dma_wait3A_634] : memref<10240x128xf32, #tpu.memory_space<hbm>> -> memref<10240x128xf32, #tpu.memory_space<hbm>>
        tpu.wait_indirect_dma semaphore(%arg12 : memref<!tpu.dma_semaphore, #tpu.memory_space<semaphore_mem>>) src(%dma_wait3A_635 : memref<10240x128xf32, #tpu.memory_space<hbm>>) dst(%arg8 : memref<128x128xf32, #tpu.memory_space<vmem>>)
        "tpu.region"() ({
          %run_scoped3A = tpu.sem_alloc : memref<!tpu.dma_semaphore, #tpu.memory_space<semaphore_mem>>
          %dma_start3A_646 = arith.constant 0 : i32
          %dma_start3A_647 = tpu.memref_slice %arg7[%mul3A_622, %dma_start3A_646] : memref<48x128xi32, #tpu.memory_space<vmem>> -> memref<1x128xi32, #tpu.memory_space<vmem>>
          %dma_start3A_648 = tpu.memref_squeeze %dma_start3A_647 : memref<1x128xi32, #tpu.memory_space<vmem>> -> memref<128xi32, #tpu.memory_space<vmem>>
          %dma_start3A_649 = arith.constant 0 : i32
          %dma_start3A_650 = arith.constant 0 : i32
          %dma_start3A_651 = tpu.memref_slice %arg11[%dma_start3A_649, %dma_start3A_650] : memref<10240x128xf32, #tpu.memory_space<vmem_shared>> -> memref<10240x128xf32, #tpu.memory_space<vmem_shared>>
          tpu.enqueue_indirect_dma source(%arg8 : memref<128x128xf32, #tpu.memory_space<vmem>>) target(%dma_start3A_651 : memref<10240x128xf32, #tpu.memory_space<vmem_shared>>) offsets(%dma_start3A_648 : memref<128xi32, #tpu.memory_space<vmem>>) semaphore(%run_scoped3A : memref<!tpu.dma_semaphore, #tpu.memory_space<semaphore_mem>>) {add = true}
          %dma_wait3A_652 = arith.constant 0 : i32
          %dma_wait3A_653 = tpu.memref_slice %arg7[%mul3A_622, %dma_wait3A_652] : memref<48x128xi32, #tpu.memory_space<vmem>> -> memref<1x128xi32, #tpu.memory_space<vmem>>
          %dma_wait3A_654 = tpu.memref_squeeze %dma_wait3A_653 : memref<1x128xi32, #tpu.memory_space<vmem>> -> memref<128xi32, #tpu.memory_space<vmem>>
          %dma_wait3A_655 = arith.constant 0 : i32
          %dma_wait3A_656 = arith.constant 0 : i32
          %dma_wait3A_657 = tpu.memref_slice %arg11[%dma_wait3A_655, %dma_wait3A_656] : memref<10240x128xf32, #tpu.memory_space<vmem_shared>> -> memref<10240x128xf32, #tpu.memory_space<vmem_shared>>
          tpu.wait_indirect_dma semaphore(%run_scoped3A : memref<!tpu.dma_semaphore, #tpu.memory_space<semaphore_mem>>) src(%arg8 : memref<128x128xf32, #tpu.memory_space<vmem>>) dst(%dma_wait3A_657 : memref<10240x128xf32, #tpu.memory_space<vmem_shared>>)
          tpu.yield
        }) : () -> ()
        %add3A_636 = arith.constant 2 : i32
        %add3A_637 = arith.addi %mul3A_622, %add3A_636 : i32
        %lt3A = arith.cmpi slt, %add3A_637, %min3A_575 : i32
        %convert_element_type3A = arith.extui %lt3A : i1 to i32
        %cond3A = arith.constant 0 : i32
        %cond3A_638 = arith.cmpi ne, %convert_element_type3A, %cond3A : i32
        scf.if %cond3A_638 {
          %add3A_646 = arith.constant 2 : i32
          %add3A_647 = arith.addi %mul3A_622, %add3A_646 : i32
          %dma_start3A_648 = arith.constant 0 : i32
          %dma_start3A_649 = tpu.memref_slice %arg6[%add3A_647, %dma_start3A_648] : memref<48x128xi32, #tpu.memory_space<vmem>> -> memref<1x128xi32, #tpu.memory_space<vmem>>
          %dma_start3A_650 = tpu.memref_squeeze %dma_start3A_649 : memref<1x128xi32, #tpu.memory_space<vmem>> -> memref<128xi32, #tpu.memory_space<vmem>>
          %dma_start3A_651 = arith.constant 0 : i32
          %dma_start3A_652 = arith.constant 0 : i32
          %dma_start3A_653 = tpu.memref_slice %arg2[%dma_start3A_651, %dma_start3A_652] : memref<10240x128xf32, #tpu.memory_space<hbm>> -> memref<10240x128xf32, #tpu.memory_space<hbm>>
          tpu.enqueue_indirect_dma source(%dma_start3A_653 : memref<10240x128xf32, #tpu.memory_space<hbm>>) target(%arg8 : memref<128x128xf32, #tpu.memory_space<vmem>>) offsets(%dma_start3A_650 : memref<128xi32, #tpu.memory_space<vmem>>) semaphore(%arg12 : memref<!tpu.dma_semaphore, #tpu.memory_space<semaphore_mem>>)
        } else {
        }
        %dma_wait3A_639 = arith.constant 0 : i32
        %dma_wait3A_640 = tpu.memref_slice %arg6[%add3A_624, %dma_wait3A_639] : memref<48x128xi32, #tpu.memory_space<vmem>> -> memref<1x128xi32, #tpu.memory_space<vmem>>
        %dma_wait3A_641 = tpu.memref_squeeze %dma_wait3A_640 : memref<1x128xi32, #tpu.memory_space<vmem>> -> memref<128xi32, #tpu.memory_space<vmem>>
        %dma_wait3A_642 = arith.constant 0 : i32
        %dma_wait3A_643 = arith.constant 0 : i32
        %dma_wait3A_644 = tpu.memref_slice %arg2[%dma_wait3A_642, %dma_wait3A_643] : memref<10240x128xf32, #tpu.memory_space<hbm>> -> memref<10240x128xf32, #tpu.memory_space<hbm>>
        tpu.wait_indirect_dma semaphore(%arg13 : memref<!tpu.dma_semaphore, #tpu.memory_space<semaphore_mem>>) src(%dma_wait3A_644 : memref<10240x128xf32, #tpu.memory_space<hbm>>) dst(%arg9 : memref<128x128xf32, #tpu.memory_space<vmem>>)
        "tpu.region"() ({
          %run_scoped3A = tpu.sem_alloc : memref<!tpu.dma_semaphore, #tpu.memory_space<semaphore_mem>>
          %dma_start3A_646 = arith.constant 0 : i32
          %dma_start3A_647 = tpu.memref_slice %arg7[%add3A_624, %dma_start3A_646] : memref<48x128xi32, #tpu.memory_space<vmem>> -> memref<1x128xi32, #tpu.memory_space<vmem>>
          %dma_start3A_648 = tpu.memref_squeeze %dma_start3A_647 : memref<1x128xi32, #tpu.memory_space<vmem>> -> memref<128xi32, #tpu.memory_space<vmem>>
          %dma_start3A_649 = arith.constant 0 : i32
          %dma_start3A_650 = arith.constant 0 : i32
          %dma_start3A_651 = tpu.memref_slice %arg11[%dma_start3A_649, %dma_start3A_650] : memref<10240x128xf32, #tpu.memory_space<vmem_shared>> -> memref<10240x128xf32, #tpu.memory_space<vmem_shared>>
          tpu.enqueue_indirect_dma source(%arg9 : memref<128x128xf32, #tpu.memory_space<vmem>>) target(%dma_start3A_651 : memref<10240x128xf32, #tpu.memory_space<vmem_shared>>) offsets(%dma_start3A_648 : memref<128xi32, #tpu.memory_space<vmem>>) semaphore(%run_scoped3A : memref<!tpu.dma_semaphore, #tpu.memory_space<semaphore_mem>>) {add = true}
          %dma_wait3A_652 = arith.constant 0 : i32
          %dma_wait3A_653 = tpu.memref_slice %arg7[%add3A_624, %dma_wait3A_652] : memref<48x128xi32, #tpu.memory_space<vmem>> -> memref<1x128xi32, #tpu.memory_space<vmem>>
          %dma_wait3A_654 = tpu.memref_squeeze %dma_wait3A_653 : memref<1x128xi32, #tpu.memory_space<vmem>> -> memref<128xi32, #tpu.memory_space<vmem>>
          %dma_wait3A_655 = arith.constant 0 : i32
          %dma_wait3A_656 = arith.constant 0 : i32
          %dma_wait3A_657 = tpu.memref_slice %arg11[%dma_wait3A_655, %dma_wait3A_656] : memref<10240x128xf32, #tpu.memory_space<vmem_shared>> -> memref<10240x128xf32, #tpu.memory_space<vmem_shared>>
          tpu.wait_indirect_dma semaphore(%run_scoped3A : memref<!tpu.dma_semaphore, #tpu.memory_space<semaphore_mem>>) src(%arg9 : memref<128x128xf32, #tpu.memory_space<vmem>>) dst(%dma_wait3A_657 : memref<10240x128xf32, #tpu.memory_space<vmem_shared>>)
          tpu.yield
        }) : () -> ()
        %while3A_645 = arith.constant 0 : i32
        scf.yield %while3A_645 : i32
      }
      %while3A_616 = arith.constant 1 : i32
      %while3A_617 = scf.for %while3A_619 = %while3A_613 to %while3A_609 step %while3A_616 iter_args(%while3A_620 = %while3A_615) -> (i32)  : i32 {
        %mul3A_621 = arith.constant 2 : i32
        %mul3A_622 = arith.muli %mul3A_621, %while3A_619 : i32
        %add3A_623 = arith.constant 1 : i32
        %add3A_624 = arith.addi %mul3A_622, %add3A_623 : i32
        %dma_start3A_625 = arith.constant 0 : i32
        %dma_start3A_626 = tpu.memref_slice %arg6[%add3A_624, %dma_start3A_625] : memref<48x128xi32, #tpu.memory_space<vmem>> -> memref<1x128xi32, #tpu.memory_space<vmem>>
        %dma_start3A_627 = tpu.memref_squeeze %dma_start3A_626 : memref<1x128xi32, #tpu.memory_space<vmem>> -> memref<128xi32, #tpu.memory_space<vmem>>
        %dma_start3A_628 = arith.constant 0 : i32
        %dma_start3A_629 = arith.constant 0 : i32
        %dma_start3A_630 = tpu.memref_slice %arg2[%dma_start3A_628, %dma_start3A_629] : memref<10240x128xf32, #tpu.memory_space<hbm>> -> memref<10240x128xf32, #tpu.memory_space<hbm>>
        tpu.enqueue_indirect_dma source(%dma_start3A_630 : memref<10240x128xf32, #tpu.memory_space<hbm>>) target(%arg9 : memref<128x128xf32, #tpu.memory_space<vmem>>) offsets(%dma_start3A_627 : memref<128xi32, #tpu.memory_space<vmem>>) semaphore(%arg13 : memref<!tpu.dma_semaphore, #tpu.memory_space<semaphore_mem>>)
        %dma_wait3A = arith.constant 0 : i32
        %dma_wait3A_631 = tpu.memref_slice %arg6[%mul3A_622, %dma_wait3A] : memref<48x128xi32, #tpu.memory_space<vmem>> -> memref<1x128xi32, #tpu.memory_space<vmem>>
        %dma_wait3A_632 = tpu.memref_squeeze %dma_wait3A_631 : memref<1x128xi32, #tpu.memory_space<vmem>> -> memref<128xi32, #tpu.memory_space<vmem>>
        %dma_wait3A_633 = arith.constant 0 : i32
        %dma_wait3A_634 = arith.constant 0 : i32
        %dma_wait3A_635 = tpu.memref_slice %arg2[%dma_wait3A_633, %dma_wait3A_634] : memref<10240x128xf32, #tpu.memory_space<hbm>> -> memref<10240x128xf32, #tpu.memory_space<hbm>>
        tpu.wait_indirect_dma semaphore(%arg12 : memref<!tpu.dma_semaphore, #tpu.memory_space<semaphore_mem>>) src(%dma_wait3A_635 : memref<10240x128xf32, #tpu.memory_space<hbm>>) dst(%arg8 : memref<128x128xf32, #tpu.memory_space<vmem>>)
        "tpu.region"() ({
          %run_scoped3A = tpu.sem_alloc : memref<!tpu.dma_semaphore, #tpu.memory_space<semaphore_mem>>
          %dma_start3A_646 = arith.constant 0 : i32
          %dma_start3A_647 = tpu.memref_slice %arg7[%mul3A_622, %dma_start3A_646] : memref<48x128xi32, #tpu.memory_space<vmem>> -> memref<1x128xi32, #tpu.memory_space<vmem>>
          %dma_start3A_648 = tpu.memref_squeeze %dma_start3A_647 : memref<1x128xi32, #tpu.memory_space<vmem>> -> memref<128xi32, #tpu.memory_space<vmem>>
          %dma_start3A_649 = arith.constant 0 : i32
          %dma_start3A_650 = arith.constant 0 : i32
          %dma_start3A_651 = tpu.memref_slice %arg11[%dma_start3A_649, %dma_start3A_650] : memref<10240x128xf32, #tpu.memory_space<vmem_shared>> -> memref<10240x128xf32, #tpu.memory_space<vmem_shared>>
          tpu.enqueue_indirect_dma source(%arg8 : memref<128x128xf32, #tpu.memory_space<vmem>>) target(%dma_start3A_651 : memref<10240x128xf32, #tpu.memory_space<vmem_shared>>) offsets(%dma_start3A_648 : memref<128xi32, #tpu.memory_space<vmem>>) semaphore(%run_scoped3A : memref<!tpu.dma_semaphore, #tpu.memory_space<semaphore_mem>>) {add = true}
          %dma_wait3A_652 = arith.constant 0 : i32
          %dma_wait3A_653 = tpu.memref_slice %arg7[%mul3A_622, %dma_wait3A_652] : memref<48x128xi32, #tpu.memory_space<vmem>> -> memref<1x128xi32, #tpu.memory_space<vmem>>
          %dma_wait3A_654 = tpu.memref_squeeze %dma_wait3A_653 : memref<1x128xi32, #tpu.memory_space<vmem>> -> memref<128xi32, #tpu.memory_space<vmem>>
          %dma_wait3A_655 = arith.constant 0 : i32
          %dma_wait3A_656 = arith.constant 0 : i32
          %dma_wait3A_657 = tpu.memref_slice %arg11[%dma_wait3A_655, %dma_wait3A_656] : memref<10240x128xf32, #tpu.memory_space<vmem_shared>> -> memref<10240x128xf32, #tpu.memory_space<vmem_shared>>
          tpu.wait_indirect_dma semaphore(%run_scoped3A : memref<!tpu.dma_semaphore, #tpu.memory_space<semaphore_mem>>) src(%arg8 : memref<128x128xf32, #tpu.memory_space<vmem>>) dst(%dma_wait3A_657 : memref<10240x128xf32, #tpu.memory_space<vmem_shared>>)
          tpu.yield
        }) : () -> ()
        %add3A_636 = arith.constant 2 : i32
        %add3A_637 = arith.addi %mul3A_622, %add3A_636 : i32
        %lt3A = arith.cmpi slt, %add3A_637, %min3A_575 : i32
        %convert_element_type3A = arith.extui %lt3A : i1 to i32
        %cond3A = arith.constant 0 : i32
        %cond3A_638 = arith.cmpi ne, %convert_element_type3A, %cond3A : i32
        scf.if %cond3A_638 {
          %add3A_646 = arith.constant 2 : i32
          %add3A_647 = arith.addi %mul3A_622, %add3A_646 : i32
          %dma_start3A_648 = arith.constant 0 : i32
          %dma_start3A_649 = tpu.memref_slice %arg6[%add3A_647, %dma_start3A_648] : memref<48x128xi32, #tpu.memory_space<vmem>> -> memref<1x128xi32, #tpu.memory_space<vmem>>
          %dma_start3A_650 = tpu.memref_squeeze %dma_start3A_649 : memref<1x128xi32, #tpu.memory_space<vmem>> -> memref<128xi32, #tpu.memory_space<vmem>>
          %dma_start3A_651 = arith.constant 0 : i32
          %dma_start3A_652 = arith.constant 0 : i32
          %dma_start3A_653 = tpu.memref_slice %arg2[%dma_start3A_651, %dma_start3A_652] : memref<10240x128xf32, #tpu.memory_space<hbm>> -> memref<10240x128xf32, #tpu.memory_space<hbm>>
          tpu.enqueue_indirect_dma source(%dma_start3A_653 : memref<10240x128xf32, #tpu.memory_space<hbm>>) target(%arg8 : memref<128x128xf32, #tpu.memory_space<vmem>>) offsets(%dma_start3A_650 : memref<128xi32, #tpu.memory_space<vmem>>) semaphore(%arg12 : memref<!tpu.dma_semaphore, #tpu.memory_space<semaphore_mem>>)
        } else {
        }
        %dma_wait3A_639 = arith.constant 0 : i32
        %dma_wait3A_640 = tpu.memref_slice %arg6[%add3A_624, %dma_wait3A_639] : memref<48x128xi32, #tpu.memory_space<vmem>> -> memref<1x128xi32, #tpu.memory_space<vmem>>
        %dma_wait3A_641 = tpu.memref_squeeze %dma_wait3A_640 : memref<1x128xi32, #tpu.memory_space<vmem>> -> memref<128xi32, #tpu.memory_space<vmem>>
        %dma_wait3A_642 = arith.constant 0 : i32
        %dma_wait3A_643 = arith.constant 0 : i32
        %dma_wait3A_644 = tpu.memref_slice %arg2[%dma_wait3A_642, %dma_wait3A_643] : memref<10240x128xf32, #tpu.memory_space<hbm>> -> memref<10240x128xf32, #tpu.memory_space<hbm>>
        tpu.wait_indirect_dma semaphore(%arg13 : memref<!tpu.dma_semaphore, #tpu.memory_space<semaphore_mem>>) src(%dma_wait3A_644 : memref<10240x128xf32, #tpu.memory_space<hbm>>) dst(%arg9 : memref<128x128xf32, #tpu.memory_space<vmem>>)
        "tpu.region"() ({
          %run_scoped3A = tpu.sem_alloc : memref<!tpu.dma_semaphore, #tpu.memory_space<semaphore_mem>>
          %dma_start3A_646 = arith.constant 0 : i32
          %dma_start3A_647 = tpu.memref_slice %arg7[%add3A_624, %dma_start3A_646] : memref<48x128xi32, #tpu.memory_space<vmem>> -> memref<1x128xi32, #tpu.memory_space<vmem>>
          %dma_start3A_648 = tpu.memref_squeeze %dma_start3A_647 : memref<1x128xi32, #tpu.memory_space<vmem>> -> memref<128xi32, #tpu.memory_space<vmem>>
          %dma_start3A_649 = arith.constant 0 : i32
          %dma_start3A_650 = arith.constant 0 : i32
          %dma_start3A_651 = tpu.memref_slice %arg11[%dma_start3A_649, %dma_start3A_650] : memref<10240x128xf32, #tpu.memory_space<vmem_shared>> -> memref<10240x128xf32, #tpu.memory_space<vmem_shared>>
          tpu.enqueue_indirect_dma source(%arg9 : memref<128x128xf32, #tpu.memory_space<vmem>>) target(%dma_start3A_651 : memref<10240x128xf32, #tpu.memory_space<vmem_shared>>) offsets(%dma_start3A_648 : memref<128xi32, #tpu.memory_space<vmem>>) semaphore(%run_scoped3A : memref<!tpu.dma_semaphore, #tpu.memory_space<semaphore_mem>>) {add = true}
          %dma_wait3A_652 = arith.constant 0 : i32
          %dma_wait3A_653 = tpu.memref_slice %arg7[%add3A_624, %dma_wait3A_652] : memref<48x128xi32, #tpu.memory_space<vmem>> -> memref<1x128xi32, #tpu.memory_space<vmem>>
          %dma_wait3A_654 = tpu.memref_squeeze %dma_wait3A_653 : memref<1x128xi32, #tpu.memory_space<vmem>> -> memref<128xi32, #tpu.memory_space<vmem>>
          %dma_wait3A_655 = arith.constant 0 : i32
          %dma_wait3A_656 = arith.constant 0 : i32
          %dma_wait3A_657 = tpu.memref_slice %arg11[%dma_wait3A_655, %dma_wait3A_656] : memref<10240x128xf32, #tpu.memory_space<vmem_shared>> -> memref<10240x128xf32, #tpu.memory_space<vmem_shared>>
          tpu.wait_indirect_dma semaphore(%run_scoped3A : memref<!tpu.dma_semaphore, #tpu.memory_space<semaphore_mem>>) src(%arg9 : memref<128x128xf32, #tpu.memory_space<vmem>>) dst(%dma_wait3A_657 : memref<10240x128xf32, #tpu.memory_space<vmem_shared>>)
          tpu.yield
        }) : () -> ()
        %while3A_645 = arith.constant 0 : i32
        scf.yield %while3A_645 : i32
      }
      %while3A_618 = arith.constant 0 : i32
      scf.yield %while3A_618 : i32
    }
    %barrier3A_558 = arith.constant 0 : index
    tpu.barrier barrier_id(%barrier3A_558)
    %mul3A_559 = arith.constant 640 : i32
    %mul3A_560 = arith.muli %arg1, %mul3A_559 : i32
    %mul3A_561 = arith.constant 10240 : i32
    %mul3A_562 = arith.muli %arg0, %mul3A_561 : i32
    %mul3A_563 = arith.constant 640 : i32
    %mul3A_564 = arith.muli %arg1, %mul3A_563 : i32
    %add3A_565 = arith.addi %mul3A_562, %mul3A_564 : i32
    "tpu.region"() ({
      %run_scoped3A = tpu.sem_alloc : memref<!tpu.dma_semaphore, #tpu.memory_space<semaphore_mem>>
      %dma_start3A = arith.constant 0 : i32
      %dma_start3A_566 = tpu.memref_slice %arg5[%add3A_565, %dma_start3A] : memref<20480x128xf32, #tpu.memory_space<hbm>> -> memref<640x128xf32, #tpu.memory_space<hbm>>
      %dma_start3A_567 = arith.constant 0 : i32
      %dma_start3A_568 = tpu.memref_slice %arg11[%mul3A_560, %dma_start3A_567] : memref<10240x128xf32, #tpu.memory_space<vmem_shared>> -> memref<640x128xf32, #tpu.memory_space<vmem_shared>>
      tpu.enqueue_dma source(%dma_start3A_568 : memref<640x128xf32, #tpu.memory_space<vmem_shared>>) target(%dma_start3A_566 : memref<640x128xf32, #tpu.memory_space<hbm>>) target_semaphore(%run_scoped3A : memref<!tpu.dma_semaphore, #tpu.memory_space<semaphore_mem>>)
      %dma_wait3A = arith.constant 0 : i32
      %dma_wait3A_569 = tpu.memref_slice %arg5[%add3A_565, %dma_wait3A] : memref<20480x128xf32, #tpu.memory_space<hbm>> -> memref<640x128xf32, #tpu.memory_space<hbm>>
      %dma_wait3A_570 = arith.constant 0 : i32
      %dma_wait3A_571 = tpu.memref_slice %arg11[%mul3A_560, %dma_wait3A_570] : memref<10240x128xf32, #tpu.memory_space<vmem_shared>> -> memref<640x128xf32, #tpu.memory_space<vmem_shared>>
      tpu.wait_dma2 semaphore(%run_scoped3A : memref<!tpu.dma_semaphore, #tpu.memory_space<semaphore_mem>>) src(%dma_wait3A_571 : memref<640x128xf32, #tpu.memory_space<vmem_shared>>) dst(%dma_wait3A_569 : memref<640x128xf32, #tpu.memory_space<hbm>>)
      tpu.yield
    }) : () -> ()
    return
  }
}

module attributes {stable_mosaic.version = 14 : i64} {
  func.func @_k1_body(%arg0: memref<10240x128xf32, #tpu.memory_space<vmem>>, %arg1: memref<128x128xf32, #tpu.memory_space<vmem>>, %arg2: memref<20480x16xf32, #tpu.memory_space<vmem>>, %arg3: memref<10240x128xf32, #tpu.memory_space<vmem>>) attributes {dimension_semantics = [], scalar_prefetch = 0 : i64, scratch_operands = 0 : i64, tpu.core_type = #tpu.core_type<tc>} {
    %get3A = arith.constant 0 : index
    %get3A_0 = arith.constant 0 : index
    %get3A_1 = vector.load %arg2[%get3A, %get3A_0] : memref<20480x16xf32, #tpu.memory_space<vmem>>, vector<10240x1xf32>
    %get3A_2 = arith.constant 10240 : index
    %get3A_3 = arith.constant 0 : index
    %get3A_4 = vector.load %arg2[%get3A_2, %get3A_3] : memref<20480x16xf32, #tpu.memory_space<vmem>>, vector<10240x1xf32>
    %add3A = arith.addf %get3A_1, %get3A_4 : vector<10240x1xf32>
    %add3A_5 = arith.constant 1.000000e+00 : f32
    %add3A_6 = vector.broadcast %add3A_5 : f32 to vector<10240x1xf32>
    %add3A_7 = arith.addf %add3A, %add3A_6 : vector<10240x1xf32>
    %rsqrt3A = math.rsqrt %add3A_7 : vector<10240x1xf32>
    %get3A_8 = arith.constant 0 : index
    %get3A_9 = arith.constant 0 : index
    %get3A_10 = vector.load %arg0[%get3A_8, %get3A_9] : memref<10240x128xf32, #tpu.memory_space<vmem>>, vector<10240x128xf32>
    %get3A_11 = arith.constant 0 : index
    %get3A_12 = arith.constant 0 : index
    %get3A_13 = vector.load %arg1[%get3A_11, %get3A_12] : memref<128x128xf32, #tpu.memory_space<vmem>>, vector<128x128xf32>
    %dot_general3A = arith.constant dense<0.000000e+00> : vector<10240x128xf32>
    %dot_general3A_14 = tpu.matmul %get3A_10, %get3A_13, %dot_general3A {dimension_numbers = #tpu.dot_dimension_numbers<[1], [0], [0], [1], [0, 0, 1, 1], [], []>, transpose_lhs_hint = false} : vector<10240x128xf32>, vector<128x128xf32>, vector<10240x128xf32> -> vector<10240x128xf32>
    %mul3A = vector.broadcast %rsqrt3A : vector<10240x1xf32> to vector<10240x128xf32>
    %mul3A_15 = arith.mulf %dot_general3A_14, %mul3A : vector<10240x128xf32>
    %swap3A = arith.constant 0 : index
    %swap3A_16 = arith.constant 0 : index
    %swap3A_17 = vector.load %arg3[%swap3A, %swap3A_16] : memref<10240x128xf32, #tpu.memory_space<vmem>>, vector<10240x128xf32>
    tpu.vector_store %arg3[%swap3A, %swap3A_16], %mul3A_15 {strides = array<i32>} : memref<10240x128xf32, #tpu.memory_space<vmem>>, vector<10240x128xf32>,
    return
  }
}

module attributes {stable_mosaic.version = 14 : i64} {
  func.func @_k2_body(%arg0: memref<20480x128xf32, #tpu.memory_space<vmem>>, %arg1: memref<10240x128xf32, #tpu.memory_space<vmem>>, %arg2: memref<20480x16xf32, #tpu.memory_space<vmem>>, %arg3: memref<1x128xf32, #tpu.memory_space<vmem>>, %arg4: memref<128x128xf32, #tpu.memory_space<vmem>>, %arg5: memref<10240x128xf32, #tpu.memory_space<vmem>>) attributes {dimension_semantics = [], scalar_prefetch = 0 : i64, scratch_operands = 0 : i64, tpu.core_type = #tpu.core_type<tc>} {
    %get3A = arith.constant 0 : index
    %get3A_0 = arith.constant 0 : index
    %get3A_1 = vector.load %arg2[%get3A, %get3A_0] : memref<20480x16xf32, #tpu.memory_space<vmem>>, vector<10240x1xf32>
    %get3A_2 = arith.constant 10240 : index
    %get3A_3 = arith.constant 0 : index
    %get3A_4 = vector.load %arg2[%get3A_2, %get3A_3] : memref<20480x16xf32, #tpu.memory_space<vmem>>, vector<10240x1xf32>
    %add3A = arith.addf %get3A_1, %get3A_4 : vector<10240x1xf32>
    %add3A_5 = arith.constant 1.000000e+00 : f32
    %add3A_6 = vector.broadcast %add3A_5 : f32 to vector<10240x1xf32>
    %add3A_7 = arith.addf %add3A, %add3A_6 : vector<10240x1xf32>
    %rsqrt3A = math.rsqrt %add3A_7 : vector<10240x1xf32>
    %get3A_8 = arith.constant 0 : index
    %get3A_9 = arith.constant 0 : index
    %get3A_10 = vector.load %arg0[%get3A_8, %get3A_9] : memref<20480x128xf32, #tpu.memory_space<vmem>>, vector<10240x128xf32>
    %get3A_11 = arith.constant 10240 : index
    %get3A_12 = arith.constant 0 : index
    %get3A_13 = vector.load %arg0[%get3A_11, %get3A_12] : memref<20480x128xf32, #tpu.memory_space<vmem>>, vector<10240x128xf32>
    %add3A_14 = arith.addf %get3A_10, %get3A_13 : vector<10240x128xf32>
    %get3A_15 = arith.constant 0 : index
    %get3A_16 = arith.constant 0 : index
    %get3A_17 = vector.load %arg1[%get3A_15, %get3A_16] : memref<10240x128xf32, #tpu.memory_space<vmem>>, vector<10240x128xf32>
    %add3A_18 = arith.addf %add3A_14, %get3A_17 : vector<10240x128xf32>
    %mul3A = vector.broadcast %rsqrt3A : vector<10240x1xf32> to vector<10240x128xf32>
    %mul3A_19 = arith.mulf %add3A_18, %mul3A : vector<10240x128xf32>
    %get3A_20 = arith.constant 0 : index
    %get3A_21 = arith.constant 0 : index
    %get3A_22 = vector.load %arg3[%get3A_20, %get3A_21] : memref<1x128xf32, #tpu.memory_space<vmem>>, vector<1x128xf32>
    %add3A_23 = vector.broadcast %get3A_22 : vector<1x128xf32> to vector<10240x128xf32>
    %add3A_24 = arith.addf %mul3A_19, %add3A_23 : vector<10240x128xf32>
    %max3A = arith.constant 0.000000e+00 : f32
    %max3A_25 = vector.broadcast %max3A : f32 to vector<10240x128xf32>
    %max3A_26 = arith.maximumf %add3A_24, %max3A_25 : vector<10240x128xf32>
    %get3A_27 = arith.constant 0 : index
    %get3A_28 = arith.constant 0 : index
    %get3A_29 = vector.load %arg4[%get3A_27, %get3A_28] : memref<128x128xf32, #tpu.memory_space<vmem>>, vector<128x128xf32>
    %dot_general3A = arith.constant dense<0.000000e+00> : vector<10240x128xf32>
    %dot_general3A_30 = tpu.matmul %max3A_26, %get3A_29, %dot_general3A {dimension_numbers = #tpu.dot_dimension_numbers<[1], [0], [0], [1], [0, 0, 1, 1], [], []>, transpose_lhs_hint = false} : vector<10240x128xf32>, vector<128x128xf32>, vector<10240x128xf32> -> vector<10240x128xf32>
    %mul3A_31 = vector.broadcast %rsqrt3A : vector<10240x1xf32> to vector<10240x128xf32>
    %mul3A_32 = arith.mulf %dot_general3A_30, %mul3A_31 : vector<10240x128xf32>
    %swap3A = arith.constant 0 : index
    %swap3A_33 = arith.constant 0 : index
    %swap3A_34 = vector.load %arg5[%swap3A, %swap3A_33] : memref<10240x128xf32, #tpu.memory_space<vmem>>, vector<10240x128xf32>
    tpu.vector_store %arg5[%swap3A, %swap3A_33], %mul3A_32 {strides = array<i32>} : memref<10240x128xf32, #tpu.memory_space<vmem>>, vector<10240x128xf32>,
    return
  }
}

module attributes {stable_mosaic.version = 14 : i64} {
  func.func @_k3_body(%arg0: memref<20480x128xf32, #tpu.memory_space<vmem>>, %arg1: memref<10240x128xf32, #tpu.memory_space<vmem>>, %arg2: memref<20480x16xf32, #tpu.memory_space<vmem>>, %arg3: memref<1x128xf32, #tpu.memory_space<vmem>>, %arg4: memref<1x10240xi32, #tpu.memory_space<vmem>>, %arg5: memref<64x64xf32, #tpu.memory_space<vmem>>, %arg6: memref<64x128xf32, #tpu.memory_space<vmem>>, %arg7: memref<1x128xf32, #tpu.memory_space<vmem>>, %arg8: memref<1x128xf32, #tpu.memory_space<vmem>>, %arg9: memref<1x128xf32, #tpu.memory_space<vmem>>, %arg10: memref<1x1xf32, #tpu.memory_space<vmem>>, %arg11: memref<64x1xf32, #tpu.memory_space<vmem>>) attributes {dimension_semantics = [], scalar_prefetch = 0 : i64, scratch_operands = 0 : i64, tpu.core_type = #tpu.core_type<tc>} {
    %get3A = arith.constant 0 : index
    %get3A_0 = arith.constant 0 : index
    %get3A_1 = vector.load %arg2[%get3A, %get3A_0] : memref<20480x16xf32, #tpu.memory_space<vmem>>, vector<10240x1xf32>
    %get3A_2 = arith.constant 10240 : index
    %get3A_3 = arith.constant 0 : index
    %get3A_4 = vector.load %arg2[%get3A_2, %get3A_3] : memref<20480x16xf32, #tpu.memory_space<vmem>>, vector<10240x1xf32>
    %add3A = arith.addf %get3A_1, %get3A_4 : vector<10240x1xf32>
    %add3A_5 = arith.constant 1.000000e+00 : f32
    %add3A_6 = vector.broadcast %add3A_5 : f32 to vector<10240x1xf32>
    %add3A_7 = arith.addf %add3A, %add3A_6 : vector<10240x1xf32>
    %rsqrt3A = math.rsqrt %add3A_7 : vector<10240x1xf32>
    %get3A_8 = arith.constant 0 : index
    %get3A_9 = arith.constant 0 : index
    %get3A_10 = vector.load %arg0[%get3A_8, %get3A_9] : memref<20480x128xf32, #tpu.memory_space<vmem>>, vector<10240x128xf32>
    %get3A_11 = arith.constant 10240 : index
    %get3A_12 = arith.constant 0 : index
    %get3A_13 = vector.load %arg0[%get3A_11, %get3A_12] : memref<20480x128xf32, #tpu.memory_space<vmem>>, vector<10240x128xf32>
    %add3A_14 = arith.addf %get3A_10, %get3A_13 : vector<10240x128xf32>
    %get3A_15 = arith.constant 0 : index
    %get3A_16 = arith.constant 0 : index
    %get3A_17 = vector.load %arg1[%get3A_15, %get3A_16] : memref<10240x128xf32, #tpu.memory_space<vmem>>, vector<10240x128xf32>
    %add3A_18 = arith.addf %add3A_14, %get3A_17 : vector<10240x128xf32>
    %mul3A = vector.broadcast %rsqrt3A : vector<10240x1xf32> to vector<10240x128xf32>
    %mul3A_19 = arith.mulf %add3A_18, %mul3A : vector<10240x128xf32>
    %get3A_20 = arith.constant 0 : index
    %get3A_21 = arith.constant 0 : index
    %get3A_22 = vector.load %arg3[%get3A_20, %get3A_21] : memref<1x128xf32, #tpu.memory_space<vmem>>, vector<1x128xf32>
    %add3A_23 = vector.broadcast %get3A_22 : vector<1x128xf32> to vector<10240x128xf32>
    %add3A_24 = arith.addf %mul3A_19, %add3A_23 : vector<10240x128xf32>
    %max3A = arith.constant 0.000000e+00 : f32
    %max3A_25 = vector.broadcast %max3A : f32 to vector<10240x128xf32>
    %max3A_26 = arith.maximumf %add3A_24, %max3A_25 : vector<10240x128xf32>
    %iota3A = tpu.iota {dimensions = array<i32: 0>} : vector<64x10240xi32>
    %get3A_27 = arith.constant 0 : index
    %get3A_28 = arith.constant 0 : index
    %get3A_29 = vector.load %arg4[%get3A_27, %get3A_28] : memref<1x10240xi32, #tpu.memory_space<vmem>>, vector<1x10240xi32>
    %eq3A = vector.broadcast %get3A_29 : vector<1x10240xi32> to vector<64x10240xi32>
    %eq3A_30 = arith.cmpi eq, %iota3A, %eq3A : vector<64x10240xi32>
    %convert_element_type3A = arith.extui %eq3A_30 : vector<64x10240xi1> to vector<64x10240xi32>
    %convert_element_type3A_31 = arith.sitofp %convert_element_type3A : vector<64x10240xi32> to vector<64x10240xf32>
    %dot_general3A = arith.constant dense<0.000000e+00> : vector<64x128xf32>
    %dot_general3A_32 = tpu.matmul %convert_element_type3A_31, %max3A_26, %dot_general3A {dimension_numbers = #tpu.dot_dimension_numbers<[1], [0], [0], [1], [0, 0, 1, 1], [], []>, transpose_lhs_hint = false} : vector<64x10240xf32>, vector<10240x128xf32>, vector<64x128xf32> -> vector<64x128xf32>
    %reduce_sum3A = arith.constant dense<0.000000e+00> : vector<64xf32>
    %reduce_sum3A_33 = vector.multi_reduction <add>, %convert_element_type3A_31, %reduce_sum3A [1] : vector<64x10240xf32> to vector<64xf32>
    %broadcast_in_dim3A = vector.shape_cast %reduce_sum3A_33 : vector<64xf32> to vector<64x1xf32>
    %max3A_34 = arith.constant 1.000000e+00 : f32
    %max3A_35 = vector.broadcast %max3A_34 : f32 to vector<64x1xf32>
    %max3A_36 = arith.maximumf %broadcast_in_dim3A, %max3A_35 : vector<64x1xf32>
    %div3A = vector.broadcast %max3A_36 : vector<64x1xf32> to vector<64x128xf32>
    %div3A_37 = arith.divf %dot_general3A_32, %div3A : vector<64x128xf32>
    %get3A_38 = arith.constant 0 : index
    %get3A_39 = arith.constant 0 : index
    %get3A_40 = vector.load %arg5[%get3A_38, %get3A_39] : memref<64x64xf32, #tpu.memory_space<vmem>>, vector<64x64xf32>
    %get3A_41 = arith.constant 0 : index
    %get3A_42 = arith.constant 0 : index
    %get3A_43 = vector.load %arg6[%get3A_41, %get3A_42] : memref<64x128xf32, #tpu.memory_space<vmem>>, vector<64x128xf32>
    %dot_general3A_44 = arith.constant dense<0.000000e+00> : vector<64x128xf32>
    %dot_general3A_45 = tpu.matmul %get3A_40, %get3A_43, %dot_general3A_44 {dimension_numbers = #tpu.dot_dimension_numbers<[1], [0], [0], [1], [0, 0, 1, 1], [], []>, transpose_lhs_hint = false} : vector<64x64xf32>, vector<64x128xf32>, vector<64x128xf32> -> vector<64x128xf32>
    %get3A_46 = arith.constant 0 : index
    %get3A_47 = arith.constant 0 : index
    %get3A_48 = vector.load %arg7[%get3A_46, %get3A_47] : memref<1x128xf32, #tpu.memory_space<vmem>>, vector<1x128xf32>
    %add3A_49 = vector.broadcast %get3A_48 : vector<1x128xf32> to vector<64x128xf32>
    %add3A_50 = arith.addf %dot_general3A_45, %add3A_49 : vector<64x128xf32>
    %max3A_51 = arith.constant 0.000000e+00 : f32
    %max3A_52 = vector.broadcast %max3A_51 : f32 to vector<64x128xf32>
    %max3A_53 = arith.maximumf %add3A_50, %max3A_52 : vector<64x128xf32>
    %get3A_54 = arith.constant 0 : index
    %get3A_55 = arith.constant 0 : index
    %get3A_56 = vector.load %arg8[%get3A_54, %get3A_55] : memref<1x128xf32, #tpu.memory_space<vmem>>, vector<1x128xf32>
    %mul3A_57 = vector.broadcast %get3A_56 : vector<1x128xf32> to vector<64x128xf32>
    %mul3A_58 = arith.mulf %div3A_37, %mul3A_57 : vector<64x128xf32>
    %reduce_sum3A_59 = arith.constant dense<0.000000e+00> : vector<64xf32>
    %reduce_sum3A_60 = vector.multi_reduction <add>, %mul3A_58, %reduce_sum3A_59 [1] : vector<64x128xf32> to vector<64xf32>
    %broadcast_in_dim3A_61 = vector.shape_cast %reduce_sum3A_60 : vector<64xf32> to vector<64x1xf32>
    %get3A_62 = arith.constant 0 : index
    %get3A_63 = arith.constant 0 : index
    %get3A_64 = vector.load %arg9[%get3A_62, %get3A_63] : memref<1x128xf32, #tpu.memory_space<vmem>>, vector<1x128xf32>
    %mul3A_65 = vector.broadcast %get3A_64 : vector<1x128xf32> to vector<64x128xf32>
    %mul3A_66 = arith.mulf %max3A_53, %mul3A_65 : vector<64x128xf32>
    %reduce_sum3A_67 = arith.constant dense<0.000000e+00> : vector<64xf32>
    %reduce_sum3A_68 = vector.multi_reduction <add>, %mul3A_66, %reduce_sum3A_67 [1] : vector<64x128xf32> to vector<64xf32>
    %broadcast_in_dim3A_69 = vector.shape_cast %reduce_sum3A_68 : vector<64xf32> to vector<64x1xf32>
    %add3A_70 = arith.addf %broadcast_in_dim3A_61, %broadcast_in_dim3A_69 : vector<64x1xf32>
    %get3A_71 = arith.constant 0 : index
    %get3A_72 = arith.constant 0 : index
    %get3A_73 = vector.load %arg10[%get3A_71, %get3A_72] : memref<1x1xf32, #tpu.memory_space<vmem>>, vector<1x1xf32>
    %add3A_74 = vector.broadcast %get3A_73 : vector<1x1xf32> to vector<64x1xf32>
    %add3A_75 = arith.addf %add3A_70, %add3A_74 : vector<64x1xf32>
    %swap3A = arith.constant 0 : index
    %swap3A_76 = arith.constant 0 : index
    %swap3A_77 = vector.load %arg11[%swap3A, %swap3A_76] : memref<64x1xf32, #tpu.memory_space<vmem>>, vector<64x1xf32>
    tpu.vector_store %arg11[%swap3A, %swap3A_76], %add3A_75 {strides = array<i32>} : memref<64x1xf32, #tpu.memory_space<vmem>>, vector<64x1xf32>,
    return
  }
}

</mosaic_0001>

<sc_bundles>
// kernel: kernel.11.cloned.1.call-start
scs
__scs_entry_jumppad:
0x0: {  	(pc) =	sbr.rel $0x88, $3  }
0x1: {  	(tag) =	ssettag $0x0;
	lr =	simm.s32 $0x1  }
0x2: {  	[smem:$0x3F95] =	sst lr;
	_ =	strace $0xD0000000  }
0x3: {  	_ = 	snop  }
0x4: {  	_ = 	snop  }
0x5: {  	_ = 	snop  }
0x6: {  	_ = 	snop  }
0x7: {  	_ = 	snop  }
__scs_overlays_trampoline_lowered:
0x8: {  	[smem:$0x3FA4] =	sst s0  }
0x9: {  	[smem:$0x3FA5] =	sst s1  }
0xa: {  	[smem:$0x3FA6] =	sst s2  }
0xb: {  	[smem:$0x3FA7] =	sst s3  }
0xc: {  	[smem:$0x3FA8] =	sst s4  }
0xd: {  	[smem:$0x3FA9] =	sst s5  }
0xe: {  	[smem:$0x3FAA] =	sst s6  }
0xf: {  	[smem:$0x3FAB] =	sst s7  }
0x10: {  	[smem:$0x3FAC] =	sst s8  }
0x11: {  	[smem:$0x3FAD] =	sst s9;
	s0 =	simm.s32 @!p0 $0x0  }
0x12: {  	s1 =	sld [smem:$0x3F93];
	s0 =	simm.s32 @p0 $0x1  }
0x13: {  	[smem:$0x3FAE] =	sst s0;
	s0 =	simm.s32 @!p1 $0x0  }
0x14: {  	s2 =	sld [smem:$0x3F92];
	s0 =	simm.s32 @p1 $0x1  }
0x15: {  	[smem:$0x3FAF] =	sst s0;
	s0 =	simm.s32 @!p2 $0x0  }
0x16: {  	s3 =	sld [smem:$0x3FDB];
	s0 =	simm.s32 @p2 $0x1  }
0x17: {  	s4 =	simm.s32 $0x1BF5;
	[smem:$0x3FB1] =	sst s0  }
0x18: {  	s0 =	sld [smem:$0x3F94];
	_ =	swait.ge [sflag:s4], $0x0  }
0x19: {  	s7 =	sld [smem:$0x3F95]  }
0x1a: {  	s8 =	sadd.s32 $0xFFFFE003, lr  }
0x1b: {  	s9 =	sadd.s32 $0xFFFFFEF7, lr;
	s5 =	simm.s32 $0xFFFFFFFF;
	p2 =	slt.u32 s8, $0xFFFFF086  }
0x1c: {  	p1 =	slt.u32 s9, $0xF7A;
	s5 =	simm.s32 @!p2 $0x0  }
0x1d: {  	s5 =	simm.s32 @p1 $0x1;
	p0 =	seq.s32 s7, s2  }
0x1e: {  	s7 =	smul.u32 @!p0 $0xF7A, s2;
	p2 =	seq.s32 @!p0 s5, $0x0  }
0x1f: {  	s9 =	smul.u32 $0xF7A, s1;
	s8 =	simm.s32 @!p0 $0x1BF5;
	p2 =	por !p2, p0  }
0x20: {  	[sflag:s8] =	ssyncset.s32 @!p0 $0xFFFFF086;
	s6 =	sadd.s32 @!p0 s3, s7;
	s7 =	simm.s32 @!p0 $0x108  }
0x21: {  	s3 =	sadd.s32 s3, s9;
	s6 =	sadd.s32 @!p0 $0x88, s6;
	s7 =	simm.s32 @p2 $0x1082  }
0x22: {  	[simem:s7], [sflag:s8] =	dma.local @!p0 [hbm:s6], $0xF7A  }
0x23: {  	s9 =	sor.u32 $0xD0000000, s2;
	s6 =	simm.s32 $0x108;
	_ =	swait.ge @!p0 [sflag:s8], $0x0  }
0x24: {  	s3 =	sadd.s32 $0x88, s3;
	s6 =	simm.s32 @!p1 $0x1082;
	[sflag:s4] =	ssyncset.s32 $0xFFFFF086  }
0x25: {  	[simem:s6], [sflag:s4] =	dma.local [hbm:s3], $0xF7A  }
0x26: {  	[smem:$0x3F95] =	sst s1;
	(tag) =	ssettag s2;
	_ =	strace s9  }
0x27: {  	s1 =	sld [smem:$0x3FA5]  }
0x28: {  	s2 =	sld [smem:$0x3FA6]  }
0x29: {  	s4 =	sld [smem:$0x3FA8]  }
0x2a: {  	p0 =	seq.s32 s5, $0x0;
	s5 =	sld [smem:$0x3FA9]  }
0x2b: {  	s6 =	sld [smem:$0x3FAA]  }
0x2c: {  	s7 =	sld [smem:$0x3FAB]  }
0x2d: {  	s3 =	simm.s32 $0x108;
	s8 =	sld [smem:$0x3FAC]  }
0x2e: {  	s3 =	simm.s32 @!p0 $0x1082;
	s9 =	sld [smem:$0x3FAD]  }
0x2f: {  	lr =	sadd.s32 s0, s3;
	s0 =	sld [smem:$0x3FA4]  }
0x30: {  	s3 =	sld [smem:$0x3FA7]  }
0x31: {  	[smem:$0x3FB0] =	sst s10  }
0x32: {  	s10 =	sld [smem:$0x3FAE];
	_ =	sdelay $0x3  }
0x33: {  	p0 =	seq.s32 s10, $0x1;
	s10 =	sld [smem:$0x3FB0];
	_ =	sdelay $0x3  }
0x34: {  	[smem:$0x3FB0] =	sst s10  }
0x35: {  	s10 =	sld [smem:$0x3FAF];
	_ =	sdelay $0x3  }
0x36: {  	p1 =	seq.s32 s10, $0x1;
	s10 =	sld [smem:$0x3FB0];
	_ =	sdelay $0x3  }
0x37: {  	[smem:$0x3FB0] =	sst s10  }
0x38: {  	s10 =	sld [smem:$0x3FB1]  }
0x39: {  	_ = 	snop;
	(pc) =	sbr.ind lr, $3  }
0x3a: {  	_ = 	snop  }
0x3b: {  	_ = 	snop  }
0x3c: {  	p2 =	seq.s32 s10, $0x1;
	s10 =	sld [smem:$0x3FB0]  }
0x3d: {  	_ =	shalt  }
0x3e: {  	_ =	shalt  }
0x3f: {  	_ =	shalt  }
0x40: {  	_ =	shalt  }
0x41: {  	_ =	shalt  }
0x42: {  	_ =	shalt  }
0x43: {  	_ =	shalt  }
0x44: {  	_ =	shalt  }
0x45: {  	_ =	shalt  }
0x46: {  	_ =	shalt  }
0x47: {  	_ =	shalt  }
0x48: {  	_ =	shalt  }
0x49: {  	_ =	shalt  }
0x4a: {  	_ =	shalt  }
0x4b: {  	_ =	shalt  }
0x4c: {  	_ =	shalt  }
0x4d: {  	_ =	shalt  }
0x4e: {  	_ =	shalt  }
0x4f: {  	_ =	shalt  }
0x50: {  	_ =	shalt  }
0x51: {  	_ =	shalt  }
0x52: {  	_ =	shalt  }
0x53: {  	_ =	shalt  }
0x54: {  	_ =	shalt  }
0x55: {  	_ =	shalt  }
0x56: {  	_ =	shalt  }
0x57: {  	_ =	shalt  }
0x58: {  	_ =	shalt  }
0x59: {  	_ =	shalt  }
0x5a: {  	_ =	shalt  }
0x5b: {  	_ =	shalt  }
0x5c: {  	_ =	shalt  }
0x5d: {  	_ =	shalt  }
0x5e: {  	_ =	shalt  }
0x5f: {  	_ =	shalt  }
0x60: {  	_ =	shalt  }
0x61: {  	_ =	shalt  }
0x62: {  	_ =	shalt  }
0x63: {  	_ =	shalt  }
0x64: {  	_ =	shalt  }
0x65: {  	_ =	shalt  }
0x66: {  	_ =	shalt  }
0x67: {  	_ =	shalt  }
0x68: {  	_ =	shalt  }
0x69: {  	_ =	shalt  }
0x6a: {  	_ =	shalt  }
0x6b: {  	_ =	shalt  }
0x6c: {  	_ =	shalt  }
0x6d: {  	_ =	shalt  }
0x6e: {  	_ =	shalt  }
0x6f: {  	_ =	shalt  }
0x70: {  	_ =	shalt  }
0x71: {  	_ =	shalt  }
0x72: {  	_ =	shalt  }
0x73: {  	_ =	shalt  }
0x74: {  	_ =	shalt  }
0x75: {  	_ =	shalt  }
0x76: {  	_ =	shalt  }
0x77: {  	_ =	shalt  }
0x78: {  	_ =	shalt  }
0x79: {  	_ =	shalt  }
0x7a: {  	_ =	shalt  }
0x7b: {  	_ =	shalt  }
0x7c: {  	_ =	shalt  }
0x7d: {  	_ =	shalt  }
0x7e: {  	_ =	shalt  }
0x7f: {  	_ =	shalt  }
0x80: {  	_ =	shalt  }
0x81: {  	_ =	shalt  }
0x82: {  	_ =	shalt  }
0x83: {  	_ =	shalt  }
0x84: {  	_ =	shalt  }
0x85: {  	_ =	shalt  }
0x86: {  	_ =	shalt  }
0x87: {  	_ =	shalt  }
.Lfunc_end0:
.L_simem_size_0:
called_computation.1_lowered:
.L_overlay_start_0:
0x88: {  	s2 =	sld [smem:$0x3FD9]  }
0x89: {  	s3 =	sld [smem:$0x3FFE];
	_ =	sdelay $0x1  }
0x8a: {  	s1 =	srdreg.scid  }
0x8b: {  	s0 =	sand.u32 $0x1, s1  }
0x8c: {  	s16 =	sshll.u32 s0, $0xA;
	s2 =	sadd.s32 s3, s2  }
0x8d: {  	s2 =	sadd.s32 s2, s16  }
0x8e: {  	[smem:$0x3FBC] =	sst s2  }
0x8f: {  	_ = 	snop  }
0x90: {  	(tm) =	ssettm $0x1  }
0x91: {  	s17 =	sld [smem:$0x3FFB];
	_ =	sdelay $0x3  }
0x92: {  	_ =	strace s17  }
0x93: {  	s2 =	sld [smem:$0x3FFC];
	_ =	sdelay $0x3  }
0x94: {  	_ =	strace s2  }
0x95: {  	s2 =	sld [smem:$0x3FFD];
	_ =	sdelay $0x3  }
0x96: {  	_ =	strace s2  }
0x97: {  	_ =	strace $0x8FFFFFFF  }
0x98: {  	s18 =	sld [smem:$0x3FDB];
	_ =	sdelay $0x1  }
0x99: {  	s19 =	simm.s32 $_scs_section_size  }
0x9a: {  	s4 =	simm.s32 $_size__tile_overlayer_lowered;
	s5 =	simm.s32 $_tile_overlayer_lowered  }
0x9b: {  	s22 =	simm.s32 $0x1BFF;
	s21 =	sshll.u32 s5, $0x1;
	s2 =	sadd.s32 s19, s18  }
0x9c: {  	s6 =	simm.s32 $0x0;
	s20 =	sshll.u32 s4, $0x1;
	s4 =	sadd.s32 s21, s2  }
0x9d: {  	[timem:s6], [sflag:s22] =	dma.local [hbm:s4], s20  }
0x9e: {  	_ =	swait.ge [sflag:s22], s20  }
0x9f: {  	s3 =	ssub.s32 $0x0, s20;
	[sflag:s22] =	ssyncset.done $0x0  }
0xa0: {  	[sflag:s22] =	ssyncadd.s32 s3;
	_ =	sdelay $0x1  }
0xa1: {  	s23 =	simm.s32 $0x1B8B  }
0xa2: {  	_ =	swait.ge [sflag:s23], $0x1  }
0xa3: {  	[sflag:s23] =	ssyncset.done $0x0  }
0xa4: {  	s25 =	simm.s32 $0x1B8E;
	s24 =	sld [smem:$0x3FFE];
	[sflag:s23] =	ssyncadd.s32 $0xFFFFFFFF  }
0xa5: {  	s26 =	simm.s32 $execute0_lowered;
	[smem:$0x3FD2] =	sst s25  }
0xa6: {  	s4 =	sshll.u32 s26, $0x1;
	_ =	strace $0x80000049;
	[dreg:$0x1] =	wrdreg $0xFFFFFFFF  }
0xa7: {  	s28 =	simm.s32 $_size_execute0_lowered;
	s2 =	sadd.s32 s2, s4;
	[dreg:$0x0] =	wrdreg $0x0  }
0xa8: {  	s4 =	sshll.u32 s28, $0x1;
	[dreg:$0x2] =	wrdreg s2  }
0xa9: {  	[dreg:$0x3] =	wrdreg s4  }
0xaa: {  	[dreg:$0x4] =	wrdreg $0xC0  }
0xab: {  	_ =	task [dreg:s6], $0x5FFFF  }
0xac: {  	[dreg:$0x1] =	wrdreg $0xFFFFFFFF  }
0xad: {  	[dreg:$0x0] =	wrdreg $0x60  }
0xae: {  	[dreg:$0x2] =	wrdreg s24  }
0xaf: {  	[dreg:$0x3] =	wrdreg $0xB4000  }
0xb0: {  	[dreg:$0x4] =	wrdreg $0x9  }
0xb1: {  	_ =	task.clear_ibuf [dreg:s6], $0x5FFFF;
	_ =	strace $0x90000049  }
0xb2: {  	s29 =	simm.s32 $0x9;
	_ =	strace $0x8000004B  }
0xb3: {  	_ =	swait.ge [sflag:s29], $0x1  }
0xb4: {  	[sflag:s29] =	ssyncadd.s32 $0xFFFFFFFF  }
0xb5: {  	_ =	strace $0x9000004B  }
0xb6: {  	_ =	sfence  }
0xb7: {  	s30 =	sld [smem:$0x0];
	_ =	sdelay $0x2  }
0xb8: {  	s31 =	sshll.u32 s1, $0xD;
	s1 =	sshrl.u32 s1, $0x2  }
0xb9: {  	s3 =	sand.u32 $0x4000, s31;
	s1 =	sadd.s32 s1, s30  }
0xba: {  	s0 =	sor.u32 s3, s0;
	s1 =	sshll.u32 s1, $0x11  }
0xbb: {  	s0 =	sor.u32 s1, s0  }
0xbc: {  	s0 =	sadd.s32 $0x8F2B, s0  }
0xbd: {  	[sflag:s0] =	ssyncadd.remote.s32 $0x1  }
0xbe: {  	_ =	sfence.sel $0xFFFF  }
0xbf: {  	[dreg:$0x0] =	wrdreg $0xFFFFFFFF;
	(pc) =	sbr.abs _section_cstart, $3  }
0xc0: {  	[dreg:$0x1] =	wrdreg $0xFFFFFFFF  }
0xc1: {  	_ =	task.clear_ibuf [dreg:s6], $0x2FFFF;
	_ =	strace $0x9FFFFFFF  }
0xc2: {  	(tm) =	ssettm $0x7FFFFFFF  }
0xc3: {  	_ =	shalt  }
tec
execute0_lowered:
.L_overlay_start_1:
0x0: {  	(tag) =	ssettag $0x1  }
0x1: {  	s8 =	rddreg [dreg:$0x0]  }
0x2: {  	s1 =	rddreg [dreg:$0x1]  }
0x3: {  	s2 =	srdreg.scid;
	s0 =	rddreg [dreg:$0x2]  }
0x4: {  	s3 =	simm.s32 $0x0;
	s15 =	simm.s32 $0x3000;
	s16 =	simm.s32 $0x80  }
0x5: {  	s17 =	simm.s32 $0x7000;
	s18 =	simm.s32 $0x1;
	s19 =	simm.s32 $0x2  }
0x6: {  	s20 =	simm.s32 $0x0;
	s7 =	sand.u32 $0x1, s2;
	s2 =	stileid.u32  }
0x7: {  	[smem:$0x7FF] =	sst s3;
	s4 =	sadd.s32 $0x67E00, s8;
	s9 =	smul.u32 $0x28000, s7  }
0x8: {  	s5 =	sadd.s32 $0xDA00, s8;
	s6 =	sadd.s32 $0x3600, s8;
	s10 =	smul.u32 $0x2800, s2  }
0x9: {  	s28 =	ssub.s32 $0x2, s7;
	p0 =	seq.s32 s7, $0x0;
	s7 =	simm.s32 $0x98  }
0xa: {  	_ =	strace $0x8000004A;
	s12 =	smul.u32 $0x50000, s2;
	s7 =	simm.s32 @!p0 $0x8  }
0xb: {  	s31 =	sshll.u32 s2, $0x3;
	s11 =	sshrl.u32 s28, $0x1;
	s29 =	smul.u32 $0xAB, s7  }
.Ltmp0:
0xc: {  	s9 =	sadd.s32 s10, s9;
	s14 =	ssub.s32 s28, s11;
	(pc) =	sbr.rel .LBB2_1-.Ltmp0, $4  }
0xd: {  	s30 =	sshrl.u32 s12, $0x2;
	s11 =	smul.u32 $0x98, s2;
	s13 =	sadd.s32 s9, s8  }
0xe: {  	s8 =	sadd.s32 s30, s1;
	s9 =	sor.u32 $0x980, s31;
	s12 =	smax.u32 s14, $0x1  }
0xf: {  	s14 =	simm.s32 $0x3;
	s10 =	sadd.s32 $0x1AB8, s29;
	s9 =	smov.u32 @p0 s11  }
0x10: {  	v0 =	vimm.f32 $0.0e+00;
	s11 =	sadd.s32 $0x8FE00, s13;
	s13 =	simm.s32 $0xB000;
	s10 =	sshrl.u32 s10, $0xD  }
.LBB2_9:
0x11: {  	s20 =	sadd.s32 $0x1, s20  }
0x12: {  	s21 =	sshll.u32 s2, $0x6;
	[bflag:$0x0] =	sbarrier.arrive $0xFFFF;
	p0 =	sne.s32 s20, s12  }
.Ltmp1:
0x13: {  	s22 =	sshrl.u32 s8, $0x3;
	s21 =	sor.u32 $0x1C03, s21;
	(pc) =	sbr.rel @!p0 .LBB2_10-.Ltmp1, $4  }
0x14: {  	[hbm:s11], [sflag:s21] =	dma.local [spmem:s22], $0x2800  }
0x15: {  	_ =	swait.ge [sflag:s14], $0x2800  }
0x16: {  	[sflag:s14] =	ssyncset.done $0x0  }
0x17: {  	[sflag:s14] =	ssyncadd.s32 $0xFFFFD800  }
.LBB2_1:
0x18: {  	[tilespmem:$0xB000] =	vst v0  }
0x19: {  	[tilespmem:$0xB010] =	vst v0  }
0x1a: {  	[tilespmem:$0xB020] =	vst v0  }
0x1b: {  	[tilespmem:$0xB030] =	vst v0  }
0x1c: {  	[tilespmem:$0xB040] =	vst v0  }
0x1d: {  	[tilespmem:$0xB050] =	vst v0  }
0x1e: {  	[tilespmem:$0xB060] =	vst v0  }
0x1f: {  	[tilespmem:$0xB070] =	vst v0  }
0x20: {  	[tilespmem:$0xB080] =	vst v0  }
0x21: {  	[tilespmem:$0xB090] =	vst v0  }
0x22: {  	[tilespmem:$0xB0A0] =	vst v0  }
0x23: {  	[tilespmem:$0xB0B0] =	vst v0  }
0x24: {  	[tilespmem:$0xB0C0] =	vst v0  }
0x25: {  	[tilespmem:$0xB0D0] =	vst v0  }
0x26: {  	[tilespmem:$0xB0E0] =	vst v0  }
0x27: {  	[tilespmem:$0xB0F0] =	vst v0  }
0x28: {  	[tilespmem:$0xB100] =	vst v0  }
0x29: {  	[tilespmem:$0xB110] =	vst v0  }
0x2a: {  	[tilespmem:$0xB120] =	vst v0  }
0x2b: {  	[tilespmem:$0xB130] =	vst v0  }
0x2c: {  	[tilespmem:$0xB140] =	vst v0  }
0x2d: {  	[tilespmem:$0xB150] =	vst v0  }
0x2e: {  	[tilespmem:$0xB160] =	vst v0  }
0x2f: {  	[tilespmem:$0xB170] =	vst v0  }
0x30: {  	[tilespmem:$0xB180] =	vst v0  }
0x31: {  	[tilespmem:$0xB190] =	vst v0  }
0x32: {  	[tilespmem:$0xB1A0] =	vst v0  }
0x33: {  	[tilespmem:$0xB1B0] =	vst v0  }
0x34: {  	[tilespmem:$0xB1C0] =	vst v0  }
0x35: {  	[tilespmem:$0xB1D0] =	vst v0  }
0x36: {  	[tilespmem:$0xB1E0] =	vst v0  }
0x37: {  	[tilespmem:$0xB1F0] =	vst v0  }
0x38: {  	[tilespmem:$0xB200] =	vst v0  }
0x39: {  	[tilespmem:$0xB210] =	vst v0  }
0x3a: {  	[tilespmem:$0xB220] =	vst v0  }
0x3b: {  	[tilespmem:$0xB230] =	vst v0  }
0x3c: {  	[tilespmem:$0xB240] =	vst v0  }
0x3d: {  	[tilespmem:$0xB250] =	vst v0  }
0x3e: {  	[tilespmem:$0xB260] =	vst v0  }
0x3f: {  	[tilespmem:$0xB270] =	vst v0  }
0x40: {  	[tilespmem:$0xB280] =	vst v0  }
0x41: {  	[tilespmem:$0xB290] =	vst v0  }
0x42: {  	[tilespmem:$0xB2A0] =	vst v0  }
0x43: {  	[tilespmem:$0xB2B0] =	vst v0  }
0x44: {  	[tilespmem:$0xB2C0] =	vst v0  }
0x45: {  	[tilespmem:$0xB2D0] =	vst v0  }
0x46: {  	[tilespmem:$0xB2E0] =	vst v0  }
0x47: {  	[tilespmem:$0xB2F0] =	vst v0  }
0x48: {  	[tilespmem:$0xB300] =	vst v0  }
0x49: {  	[tilespmem:$0xB310] =	vst v0  }
0x4a: {  	[tilespmem:$0xB320] =	vst v0  }
0x4b: {  	[tilespmem:$0xB330] =	vst v0  }
0x4c: {  	[tilespmem:$0xB340] =	vst v0  }
0x4d: {  	[tilespmem:$0xB350] =	vst v0  }
0x4e: {  	[tilespmem:$0xB360] =	vst v0  }
0x4f: {  	[tilespmem:$0xB370] =	vst v0  }
0x50: {  	[tilespmem:$0xB380] =	vst v0  }
0x51: {  	[tilespmem:$0xB390] =	vst v0  }
0x52: {  	[tilespmem:$0xB3A0] =	vst v0  }
0x53: {  	[tilespmem:$0xB3B0] =	vst v0  }
0x54: {  	[tilespmem:$0xB3C0] =	vst v0  }
0x55: {  	[tilespmem:$0xB3D0] =	vst v0  }
0x56: {  	[tilespmem:$0xB3E0] =	vst v0  }
0x57: {  	[tilespmem:$0xB3F0] =	vst v0;
	s21 =	sadd.s32 $0x0, s8  }
0x58: {  	[spmem:s21] =	stream.linear.scatter [tilespmem:s13], [sflag:$0x3], $0x400, $0x38;
	[tilespmem:$0x1F400] =	vst v63  }
0x59: {  	s21 =	simm.s32 $0x1000;
	_ =	swait.ge [sflag:s14], $0x400  }
.LBB2_2:
0x5a: {  	s22 =	sshra.s32 s21, $0x2;
	[sflag:s14] =	ssyncset.done $0x0;
	p0 =	sne.s32 s21, $0x4F000  }
.Ltmp2:
0x5b: {  	s22 =	sadd.s32 s22, s8;
	[sflag:s14] =	ssyncadd.s32 $0xFFFFFC00;
	(pc) =	sbr.rel @p0 .LBB2_2-.Ltmp2, $3  }
0x5c: {  	[spmem:s22] =	stream.linear.scatter [tilespmem:s13], [sflag:$0x3], $0x400, $0x38;
	[tilespmem:$0x1F400] =	vst v63  }
0x5d: {  	s21 =	sadd.s32 $0x1000, s21;
	_ =	sdelay $0x1  }
0x5e: {  	_ =	swait.ge [sflag:s14], $0x400  }
.Ltmp3:
0x5f: {  	(pc) =	sbr.rel .LBB2_4-.Ltmp3, $4  }
0x60: {  	[sflag:s14] =	ssyncset.done $0x0  }
0x61: {  	[sflag:s14] =	ssyncadd.s32 $0xFFFFFC00  }
0x62: {  	[bflag:$0x0] =	sbarrier.arrive $0xFFFF  }
0x63: {  	s21 =	simm.s32 $0x0  }
.LBB2_7:
0x64: {  	[sflag:s14] =	ssyncset.done $0x0  }
0x65: {  	[sflag:s14] =	ssyncadd.s32 $0xFFFFC000  }
.LBB2_8:
0x66: {  	s21 =	sadd.s32 $0x1, s21  }
0x67: {  	p0 =	sne.s32 s21, s10  }
.Ltmp4:
0x68: {  	_ = 	snop;
	(pc) =	sbr.rel @!p0 .LBB2_9-.Ltmp4, $1  }
0x69: {  	_ =	sdelay $0x3  }
.LBB2_4:
0x6a: {  	s23 =	smul.u32 $0x30, s21;
	_ =	sdelay $0x1  }
0x6b: {  	s22 =	sadd.s32 s9, s23  }
0x6c: {  	s23 =	ssub.s32 s7, s23;
	s22 =	sshll.u32 s22, $0x4  }
0x6d: {  	p0 =	slt.s32 s23, $0x30;
	s24 =	sadd.s32 s5, s22  }
0x6e: {  	[tilespmem:s3], [sflag:$0x3] =	stream.linear.gather [hbm4b:s24+s3], $0x1800, $0x38;
	[tilespmem:$0x1F400] =	vst v63  }
0x6f: {  	s23 =	simm.s32 @!p0 $0x30;
	_ =	swait.ge [sflag:s14], $0x1800  }
0x70: {  	s31 =	sadd.s32 s6, s22;
	s24 =	sshra.s32 s23, $0x1;
	[sflag:s14] =	ssyncset.done $0x0  }
0x71: {  	s22 =	simm.s32 $0x1800;
	p0 =	slt.s32 s24, $0x1;
	[sflag:s14] =	ssyncadd.s32 $0xFFFFE800  }
0x72: {  	[tilespmem:s22], [sflag:$0x3] =	stream.linear.gather [hbm4b:s31+s3], $0x1800, $0x38;
	[tilespmem:$0x1F400] =	vst v63  }
.Ltmp5:
0x73: {  	_ = 	snop;
	(pc) =	sbr.rel @p0 .LBB2_8-.Ltmp5, $4  }
0x74: {  	_ =	swait.ge [sflag:s14], $0x1800  }
0x75: {  	[sflag:s14] =	ssyncset.done $0x0  }
0x76: {  	s25 =	simm.s32 $0x80;
	s26 =	simm.s32 $0x2;
	[sflag:s14] =	ssyncadd.s32 $0xFFFFE800  }
0x77: {  	[tilespmem:s15], [sflag:$0x1] =	stream.indirect.gather [hbm4b:s4+s25], $0x80, s3, s25, $0xb8;
	[tilespmem:$0x1F400] =	vst v63  }
0x78: {  	[tilespmem:s17], [sflag:$0x2] =	stream.indirect.gather [hbm4b:s4+s16], $0x80, s25, s16, $0xb8;
	[tilespmem:$0x1F400] =	vst v63  }
0x79: {  	_ =	swait.ge [sflag:s18], $0x4000  }
0x7a: {  	[sflag:s18] =	ssyncset.done $0x0  }
0x7b: {  	[sflag:s18] =	ssyncadd.s32 $0xFFFFC000  }
0x7c: {  	[spmem:s1] =	stream.indirect.scatter.add.f32 [tilespmem:s15], [sflag:$0x3], $0x80, s22, s16, $0xb8;
	[tilespmem:$0x1F400] =	vst v63  }
0x7d: {  	p0 =	sge.s32 s26, s23;
	_ =	swait.ge [sflag:s14], $0x4000  }
0x7e: {  	s24 =	sadd.s32 $0xFFFFFFFF, s24;
	s28 =	sadd.s32 @!p0 $0x80, s25;
	[sflag:s14] =	ssyncset.done $0x0  }
0x7f: {  	s29 =	simm.s32 @!p0 $0x80;
	s30 =	simm.s32 @!p0 $0x3000;
	[sflag:s14] =	ssyncadd.s32 $0xFFFFC000  }
0x80: {  	[tilespmem:s30], [sflag:$0x1] =	stream.indirect.gather @!p0 [hbm4b:s4+s29], $0x80, s28, s29, $0xb8;
	[tilespmem:$0x1F400] =	vst v63  }
0x81: {  	p0 =	sne.s32 s24, $0x0  }
.Ltmp6:
0x82: {  	_ =	swait.ge [sflag:s19], $0x4000;
	(pc) =	sbr.rel @!p0 .LBB2_7-.Ltmp6, $4  }
0x83: {  	[sflag:s19] =	ssyncset.done $0x0  }
0x84: {  	s31 =	sadd.s32 $0x80, s22;
	[sflag:s19] =	ssyncadd.s32 $0xFFFFC000  }
0x85: {  	[spmem:s1] =	stream.indirect.scatter.add.f32 [tilespmem:s17], [sflag:$0x3], $0x80, s31, s16, $0xb8;
	[tilespmem:$0x1F400] =	vst v63  }
0x86: {  	s26 =	sadd.s32 $0x2, s26;
	s25 =	sadd.s32 $0x100, s25;
	_ =	swait.ge [sflag:s14], $0x4000  }
.LBB2_6:
0x87: {  	s24 =	sadd.s32 $0xFFFFFFFF, s24;
	[sflag:s14] =	ssyncset.done $0x0;
	s22 =	sadd.s32 $0x100, s22  }
0x88: {  	p0 =	sne.s32 s24, $0x0;
	[sflag:s14] =	ssyncadd.s32 $0xFFFFC000  }
0x89: {  	[tilespmem:s17], [sflag:$0x2] =	stream.indirect.gather [hbm4b:s4+s16], $0x80, s25, s16, $0xb8;
	[tilespmem:$0x1F400] =	vst v63  }
0x8a: {  	_ =	swait.ge [sflag:s18], $0x4000  }
0x8b: {  	[sflag:s18] =	ssyncset.done $0x0  }
0x8c: {  	[sflag:s18] =	ssyncadd.s32 $0xFFFFC000  }
0x8d: {  	[spmem:s1] =	stream.indirect.scatter.add.f32 [tilespmem:s15], [sflag:$0x3], $0x80, s22, s16, $0xb8;
	[tilespmem:$0x1F400] =	vst v63  }
0x8e: {  	p1 =	sge.s32 s26, s23;
	_ =	swait.ge [sflag:s14], $0x4000  }
0x8f: {  	s28 =	sadd.s32 @!p1 $0x80, s25;
	s29 =	simm.s32 @!p1 $0x80;
	[sflag:s14] =	ssyncset.done $0x0  }
0x90: {  	s30 =	simm.s32 @!p1 $0x3000;
	[sflag:s14] =	ssyncadd.s32 $0xFFFFC000  }
0x91: {  	[tilespmem:s30], [sflag:$0x1] =	stream.indirect.gather @!p1 [hbm4b:s4+s29], $0x80, s28, s29, $0xb8;
	[tilespmem:$0x1F400] =	vst v63  }
.Ltmp7:
0x92: {  	_ =	swait.ge [sflag:s19], $0x4000;
	(pc) =	sbr.rel @p0 .LBB2_6-.Ltmp7, $4  }
0x93: {  	s28 =	sadd.s32 $0x80, s22;
	[sflag:s19] =	ssyncset.done $0x0  }
0x94: {  	[sflag:s19] =	ssyncadd.s32 $0xFFFFC000  }
0x95: {  	[spmem:s1] =	stream.indirect.scatter.add.f32 [tilespmem:s17], [sflag:$0x3], $0x80, s28, s16, $0xb8;
	[tilespmem:$0x1F400] =	vst v63  }
0x96: {  	s26 =	sadd.s32 $0x2, s26;
	s25 =	sadd.s32 $0x100, s25;
	_ =	swait.ge [sflag:s14], $0x4000  }
.Ltmp8:
0x97: {  	_ = 	snop;
	(pc) =	sbr.rel .LBB2_7-.Ltmp8, $1  }
0x98: {  	_ =	sdelay $0x3  }
.LBB2_10:
0x99: {  	_ =	sfence.sel $0x180000  }
0x9a: {  	[bflag:$0x0] =	sbarrier.arrive $0xFFFF  }
0x9b: {  	p0 =	sne.s32 s2, $0x0;
	_ =	strace $0x9000004A  }
0x9c: {  	s0 =	sadd.s32 @!p0 $0x100000, s0;
	[bflag:$0x2] =	sbarrier.arrive $0xFFFF  }
0x9d: {  	[sflag:s0] =	ssyncadd.tile.s32 @!p0 $0x1;
	_ =	shalt  }
.Lfunc_end2:
_tile_overlayer_lowered:
.L_overlay_start_2:
0x9e: {  	(tag) =	ssettag $0x2  }
0x9f: {  	s0 =	rddreg [dreg:$0x0];
	s2 =	stileid.u32  }
0xa0: {  	s1 =	rddreg [dreg:$0x1];
	p0 =	sne.s32 s2, $0x0  }
0xa1: {  	s3 =	rddreg [dreg:$0x2];
	[bflag:$0x3] =	sbarrier.arrive $0xFFFF;
	s2 =	simm.s32 @!p0 $0x1C03  }
0xa2: {  	[timem:s3], [sflag:s2] =	dma.local @!p0 [hbm:s0], s1  }
0xa3: {  	s0 =	simm.s32 @!p0 $0x3  }
0xa4: {  	_ =	swait.ge @!p0 [sflag:s0], s1  }
0xa5: {  	s1 =	ssub.s32 @!p0 $0x0, s1;
	[sflag:s0] =	ssyncset.done @!p0 $0x0  }
0xa6: {  	[sflag:s0] =	ssyncadd.s32 @!p0 s1  }
0xa7: {  	[bflag:$0x3] =	sbarrier.arrive $0xFFFF  }
0xa8: {  	_ =	shalt  }

// kernel: kernel.14.cloned.1.call-start
scs
__scs_entry_jumppad:
0x0: {  	(pc) =	sbr.rel $0x88, $3  }
0x1: {  	(tag) =	ssettag $0x0;
	lr =	simm.s32 $0x1  }
0x2: {  	[smem:$0x3F95] =	sst lr;
	_ =	strace $0xD0000000  }
0x3: {  	_ = 	snop  }
0x4: {  	_ = 	snop  }
0x5: {  	_ = 	snop  }
0x6: {  	_ = 	snop  }
0x7: {  	_ = 	snop  }
__scs_overlays_trampoline_lowered:
0x8: {  	[smem:$0x3FA4] =	sst s0  }
0x9: {  	[smem:$0x3FA5] =	sst s1  }
0xa: {  	[smem:$0x3FA6] =	sst s2  }
0xb: {  	[smem:$0x3FA7] =	sst s3  }
0xc: {  	[smem:$0x3FA8] =	sst s4  }
0xd: {  	[smem:$0x3FA9] =	sst s5  }
0xe: {  	[smem:$0x3FAA] =	sst s6  }
0xf: {  	[smem:$0x3FAB] =	sst s7  }
0x10: {  	[smem:$0x3FAC] =	sst s8  }
0x11: {  	[smem:$0x3FAD] =	sst s9;
	s0 =	simm.s32 @!p0 $0x0  }
0x12: {  	s1 =	sld [smem:$0x3F93];
	s0 =	simm.s32 @p0 $0x1  }
0x13: {  	[smem:$0x3FAE] =	sst s0;
	s0 =	simm.s32 @!p1 $0x0  }
0x14: {  	s2 =	sld [smem:$0x3F92];
	s0 =	simm.s32 @p1 $0x1  }
0x15: {  	[smem:$0x3FAF] =	sst s0;
	s0 =	simm.s32 @!p2 $0x0  }
0x16: {  	s3 =	sld [smem:$0x3FDB];
	s0 =	simm.s32 @p2 $0x1  }
0x17: {  	s4 =	simm.s32 $0x1BF5;
	[smem:$0x3FB1] =	sst s0  }
0x18: {  	s0 =	sld [smem:$0x3F94];
	_ =	swait.ge [sflag:s4], $0x0  }
0x19: {  	s7 =	sld [smem:$0x3F95]  }
0x1a: {  	s8 =	sadd.s32 $0xFFFFE003, lr  }
0x1b: {  	s9 =	sadd.s32 $0xFFFFFEF7, lr;
	s5 =	simm.s32 $0xFFFFFFFF;
	p2 =	slt.u32 s8, $0xFFFFF086  }
0x1c: {  	p1 =	slt.u32 s9, $0xF7A;
	s5 =	simm.s32 @!p2 $0x0  }
0x1d: {  	s5 =	simm.s32 @p1 $0x1;
	p0 =	seq.s32 s7, s2  }
0x1e: {  	s7 =	smul.u32 @!p0 $0xF7A, s2;
	p2 =	seq.s32 @!p0 s5, $0x0  }
0x1f: {  	s9 =	smul.u32 $0xF7A, s1;
	s8 =	simm.s32 @!p0 $0x1BF5;
	p2 =	por !p2, p0  }
0x20: {  	[sflag:s8] =	ssyncset.s32 @!p0 $0xFFFFF086;
	s6 =	sadd.s32 @!p0 s3, s7;
	s7 =	simm.s32 @!p0 $0x108  }
0x21: {  	s3 =	sadd.s32 s3, s9;
	s6 =	sadd.s32 @!p0 $0x88, s6;
	s7 =	simm.s32 @p2 $0x1082  }
0x22: {  	[simem:s7], [sflag:s8] =	dma.local @!p0 [hbm:s6], $0xF7A  }
0x23: {  	s9 =	sor.u32 $0xD0000000, s2;
	s6 =	simm.s32 $0x108;
	_ =	swait.ge @!p0 [sflag:s8], $0x0  }
0x24: {  	s3 =	sadd.s32 $0x88, s3;
	s6 =	simm.s32 @!p1 $0x1082;
	[sflag:s4] =	ssyncset.s32 $0xFFFFF086  }
0x25: {  	[simem:s6], [sflag:s4] =	dma.local [hbm:s3], $0xF7A  }
0x26: {  	[smem:$0x3F95] =	sst s1;
	(tag) =	ssettag s2;
	_ =	strace s9  }
0x27: {  	s1 =	sld [smem:$0x3FA5]  }
0x28: {  	s2 =	sld [smem:$0x3FA6]  }
0x29: {  	s4 =	sld [smem:$0x3FA8]  }
0x2a: {  	p0 =	seq.s32 s5, $0x0;
	s5 =	sld [smem:$0x3FA9]  }
0x2b: {  	s6 =	sld [smem:$0x3FAA]  }
0x2c: {  	s7 =	sld [smem:$0x3FAB]  }
0x2d: {  	s3 =	simm.s32 $0x108;
	s8 =	sld [smem:$0x3FAC]  }
0x2e: {  	s3 =	simm.s32 @!p0 $0x1082;
	s9 =	sld [smem:$0x3FAD]  }
0x2f: {  	lr =	sadd.s32 s0, s3;
	s0 =	sld [smem:$0x3FA4]  }
0x30: {  	s3 =	sld [smem:$0x3FA7]  }
0x31: {  	[smem:$0x3FB0] =	sst s10  }
0x32: {  	s10 =	sld [smem:$0x3FAE];
	_ =	sdelay $0x3  }
0x33: {  	p0 =	seq.s32 s10, $0x1;
	s10 =	sld [smem:$0x3FB0];
	_ =	sdelay $0x3  }
0x34: {  	[smem:$0x3FB0] =	sst s10  }
0x35: {  	s10 =	sld [smem:$0x3FAF];
	_ =	sdelay $0x3  }
0x36: {  	p1 =	seq.s32 s10, $0x1;
	s10 =	sld [smem:$0x3FB0];
	_ =	sdelay $0x3  }
0x37: {  	[smem:$0x3FB0] =	sst s10  }
0x38: {  	s10 =	sld [smem:$0x3FB1]  }
0x39: {  	_ = 	snop;
	(pc) =	sbr.ind lr, $3  }
0x3a: {  	_ = 	snop  }
0x3b: {  	_ = 	snop  }
0x3c: {  	p2 =	seq.s32 s10, $0x1;
	s10 =	sld [smem:$0x3FB0]  }
0x3d: {  	_ =	shalt  }
0x3e: {  	_ =	shalt  }
0x3f: {  	_ =	shalt  }
0x40: {  	_ =	shalt  }
0x41: {  	_ =	shalt  }
0x42: {  	_ =	shalt  }
0x43: {  	_ =	shalt  }
0x44: {  	_ =	shalt  }
0x45: {  	_ =	shalt  }
0x46: {  	_ =	shalt  }
0x47: {  	_ =	shalt  }
0x48: {  	_ =	shalt  }
0x49: {  	_ =	shalt  }
0x4a: {  	_ =	shalt  }
0x4b: {  	_ =	shalt  }
0x4c: {  	_ =	shalt  }
0x4d: {  	_ =	shalt  }
0x4e: {  	_ =	shalt  }
0x4f: {  	_ =	shalt  }
0x50: {  	_ =	shalt  }
0x51: {  	_ =	shalt  }
0x52: {  	_ =	shalt  }
0x53: {  	_ =	shalt  }
0x54: {  	_ =	shalt  }
0x55: {  	_ =	shalt  }
0x56: {  	_ =	shalt  }
0x57: {  	_ =	shalt  }
0x58: {  	_ =	shalt  }
0x59: {  	_ =	shalt  }
0x5a: {  	_ =	shalt  }
0x5b: {  	_ =	shalt  }
0x5c: {  	_ =	shalt  }
0x5d: {  	_ =	shalt  }
0x5e: {  	_ =	shalt  }
0x5f: {  	_ =	shalt  }
0x60: {  	_ =	shalt  }
0x61: {  	_ =	shalt  }
0x62: {  	_ =	shalt  }
0x63: {  	_ =	shalt  }
0x64: {  	_ =	shalt  }
0x65: {  	_ =	shalt  }
0x66: {  	_ =	shalt  }
0x67: {  	_ =	shalt  }
0x68: {  	_ =	shalt  }
0x69: {  	_ =	shalt  }
0x6a: {  	_ =	shalt  }
0x6b: {  	_ =	shalt  }
0x6c: {  	_ =	shalt  }
0x6d: {  	_ =	shalt  }
0x6e: {  	_ =	shalt  }
0x6f: {  	_ =	shalt  }
0x70: {  	_ =	shalt  }
0x71: {  	_ =	shalt  }
0x72: {  	_ =	shalt  }
0x73: {  	_ =	shalt  }
0x74: {  	_ =	shalt  }
0x75: {  	_ =	shalt  }
0x76: {  	_ =	shalt  }
0x77: {  	_ =	shalt  }
0x78: {  	_ =	shalt  }
0x79: {  	_ =	shalt  }
0x7a: {  	_ =	shalt  }
0x7b: {  	_ =	shalt  }
0x7c: {  	_ =	shalt  }
0x7d: {  	_ =	shalt  }
0x7e: {  	_ =	shalt  }
0x7f: {  	_ =	shalt  }
0x80: {  	_ =	shalt  }
0x81: {  	_ =	shalt  }
0x82: {  	_ =	shalt  }
0x83: {  	_ =	shalt  }
0x84: {  	_ =	shalt  }
0x85: {  	_ =	shalt  }
0x86: {  	_ =	shalt  }
0x87: {  	_ =	shalt  }
.Lfunc_end0:
.L_simem_size_0:
called_computation.2_lowered:
.L_overlay_start_0:
0x88: {  	s2 =	sld [smem:$0x3FD9]  }
0x89: {  	s3 =	sld [smem:$0x3FFE];
	_ =	sdelay $0x1  }
0x8a: {  	s1 =	srdreg.scid  }
0x8b: {  	s0 =	sand.u32 $0x1, s1  }
0x8c: {  	s16 =	sshll.u32 s0, $0xA;
	s2 =	sadd.s32 s3, s2  }
0x8d: {  	s2 =	sadd.s32 s2, s16  }
0x8e: {  	[smem:$0x3FBC] =	sst s2  }
0x8f: {  	_ = 	snop  }
0x90: {  	(tm) =	ssettm $0x1  }
0x91: {  	s17 =	sld [smem:$0x3FFB];
	_ =	sdelay $0x3  }
0x92: {  	_ =	strace s17  }
0x93: {  	s2 =	sld [smem:$0x3FFC];
	_ =	sdelay $0x3  }
0x94: {  	_ =	strace s2  }
0x95: {  	s2 =	sld [smem:$0x3FFD];
	_ =	sdelay $0x3  }
0x96: {  	_ =	strace s2  }
0x97: {  	_ =	strace $0x8FFFFFFF  }
0x98: {  	s18 =	sld [smem:$0x3FDB];
	_ =	sdelay $0x1  }
0x99: {  	s19 =	simm.s32 $_scs_section_size  }
0x9a: {  	s4 =	simm.s32 $_size__tile_overlayer_lowered;
	s5 =	simm.s32 $_tile_overlayer_lowered  }
0x9b: {  	s22 =	simm.s32 $0x1BFF;
	s21 =	sshll.u32 s5, $0x1;
	s2 =	sadd.s32 s19, s18  }
0x9c: {  	s6 =	simm.s32 $0x0;
	s20 =	sshll.u32 s4, $0x1;
	s4 =	sadd.s32 s21, s2  }
0x9d: {  	[timem:s6], [sflag:s22] =	dma.local [hbm:s4], s20  }
0x9e: {  	_ =	swait.ge [sflag:s22], s20  }
0x9f: {  	s3 =	ssub.s32 $0x0, s20;
	[sflag:s22] =	ssyncset.done $0x0  }
0xa0: {  	[sflag:s22] =	ssyncadd.s32 s3;
	_ =	sdelay $0x1  }
0xa1: {  	s23 =	simm.s32 $0x1B8B  }
0xa2: {  	_ =	swait.ge [sflag:s23], $0x1  }
0xa3: {  	[sflag:s23] =	ssyncset.done $0x0  }
0xa4: {  	s25 =	simm.s32 $0x1B8E;
	s24 =	sld [smem:$0x3FFE];
	[sflag:s23] =	ssyncadd.s32 $0xFFFFFFFF  }
0xa5: {  	s26 =	simm.s32 $execute0_lowered;
	[smem:$0x3FD2] =	sst s25  }
0xa6: {  	s4 =	sshll.u32 s26, $0x1;
	_ =	strace $0x8000004C;
	[dreg:$0x1] =	wrdreg $0xFFFFFFFF  }
0xa7: {  	s28 =	simm.s32 $_size_execute0_lowered;
	s2 =	sadd.s32 s2, s4;
	[dreg:$0x0] =	wrdreg $0x0  }
0xa8: {  	s4 =	sshll.u32 s28, $0x1;
	[dreg:$0x2] =	wrdreg s2  }
0xa9: {  	[dreg:$0x3] =	wrdreg s4  }
0xaa: {  	[dreg:$0x4] =	wrdreg $0xC0  }
0xab: {  	_ =	task [dreg:s6], $0x5FFFF  }
0xac: {  	[dreg:$0x1] =	wrdreg $0xFFFFFFFF  }
0xad: {  	[dreg:$0x0] =	wrdreg $0x60  }
0xae: {  	[dreg:$0x2] =	wrdreg s24  }
0xaf: {  	[dreg:$0x3] =	wrdreg $0xB4000  }
0xb0: {  	[dreg:$0x4] =	wrdreg $0x9  }
0xb1: {  	_ =	task.clear_ibuf [dreg:s6], $0x5FFFF;
	_ =	strace $0x9000004C  }
0xb2: {  	s29 =	simm.s32 $0x9;
	_ =	strace $0x8000004E  }
0xb3: {  	_ =	swait.ge [sflag:s29], $0x1  }
0xb4: {  	[sflag:s29] =	ssyncadd.s32 $0xFFFFFFFF  }
0xb5: {  	_ =	strace $0x9000004E  }
0xb6: {  	_ =	sfence  }
0xb7: {  	s30 =	sld [smem:$0x0];
	_ =	sdelay $0x2  }
0xb8: {  	s31 =	sshll.u32 s1, $0xD;
	s1 =	sshrl.u32 s1, $0x2  }
0xb9: {  	s3 =	sand.u32 $0x4000, s31;
	s1 =	sadd.s32 s1, s30  }
0xba: {  	s0 =	sor.u32 s3, s0;
	s1 =	sshll.u32 s1, $0x11  }
0xbb: {  	s0 =	sor.u32 s1, s0  }
0xbc: {  	s0 =	sadd.s32 $0x8F2B, s0  }
0xbd: {  	[sflag:s0] =	ssyncadd.remote.s32 $0x1  }
0xbe: {  	_ =	sfence.sel $0xFFFF  }
0xbf: {  	[dreg:$0x0] =	wrdreg $0xFFFFFFFF;
	(pc) =	sbr.abs _section_cstart, $3  }
0xc0: {  	[dreg:$0x1] =	wrdreg $0xFFFFFFFF  }
0xc1: {  	_ =	task.clear_ibuf [dreg:s6], $0x2FFFF;
	_ =	strace $0x9FFFFFFF  }
0xc2: {  	(tm) =	ssettm $0x7FFFFFFF  }
0xc3: {  	_ =	shalt  }
tec
execute0_lowered:
.L_overlay_start_1:
0x0: {  	(tag) =	ssettag $0x1  }
0x1: {  	s8 =	rddreg [dreg:$0x0]  }
0x2: {  	s1 =	rddreg [dreg:$0x1]  }
0x3: {  	s2 =	srdreg.scid;
	s0 =	rddreg [dreg:$0x2]  }
0x4: {  	s3 =	simm.s32 $0x0;
	s15 =	simm.s32 $0x3000;
	s16 =	simm.s32 $0x80  }
0x5: {  	s17 =	simm.s32 $0x7000;
	s18 =	simm.s32 $0x1;
	s19 =	simm.s32 $0x2  }
0x6: {  	s20 =	simm.s32 $0x0;
	s7 =	sand.u32 $0x1, s2;
	s2 =	stileid.u32  }
0x7: {  	[smem:$0x7FF] =	sst s3;
	s4 =	sadd.s32 $0x67E00, s8;
	s9 =	smul.u32 $0x28000, s7  }
0x8: {  	s5 =	sadd.s32 $0xDA00, s8;
	s6 =	sadd.s32 $0x3600, s8;
	s10 =	smul.u32 $0x2800, s2  }
0x9: {  	s28 =	ssub.s32 $0x2, s7;
	p0 =	seq.s32 s7, $0x0;
	s7 =	simm.s32 $0x98  }
0xa: {  	_ =	strace $0x8000004D;
	s12 =	smul.u32 $0x50000, s2;
	s7 =	simm.s32 @!p0 $0x8  }
0xb: {  	s31 =	sshll.u32 s2, $0x3;
	s11 =	sshrl.u32 s28, $0x1;
	s29 =	smul.u32 $0xAB, s7  }
.Ltmp0:
0xc: {  	s9 =	sadd.s32 s10, s9;
	s14 =	ssub.s32 s28, s11;
	(pc) =	sbr.rel .LBB2_1-.Ltmp0, $4  }
0xd: {  	s30 =	sshrl.u32 s12, $0x2;
	s11 =	smul.u32 $0x98, s2;
	s13 =	sadd.s32 s9, s8  }
0xe: {  	s8 =	sadd.s32 s30, s1;
	s9 =	sor.u32 $0x980, s31;
	s12 =	smax.u32 s14, $0x1  }
0xf: {  	s14 =	simm.s32 $0x3;
	s10 =	sadd.s32 $0x1AB8, s29;
	s9 =	smov.u32 @p0 s11  }
0x10: {  	v0 =	vimm.f32 $0.0e+00;
	s11 =	sadd.s32 $0x8FE00, s13;
	s13 =	simm.s32 $0xB000;
	s10 =	sshrl.u32 s10, $0xD  }
.LBB2_9:
0x11: {  	s20 =	sadd.s32 $0x1, s20  }
0x12: {  	s21 =	sshll.u32 s2, $0x6;
	[bflag:$0x0] =	sbarrier.arrive $0xFFFF;
	p0 =	sne.s32 s20, s12  }
.Ltmp1:
0x13: {  	s22 =	sshrl.u32 s8, $0x3;
	s21 =	sor.u32 $0x1C03, s21;
	(pc) =	sbr.rel @!p0 .LBB2_10-.Ltmp1, $4  }
0x14: {  	[hbm:s11], [sflag:s21] =	dma.local [spmem:s22], $0x2800  }
0x15: {  	_ =	swait.ge [sflag:s14], $0x2800  }
0x16: {  	[sflag:s14] =	ssyncset.done $0x0  }
0x17: {  	[sflag:s14] =	ssyncadd.s32 $0xFFFFD800  }
.LBB2_1:
0x18: {  	[tilespmem:$0xB000] =	vst v0  }
0x19: {  	[tilespmem:$0xB010] =	vst v0  }
0x1a: {  	[tilespmem:$0xB020] =	vst v0  }
0x1b: {  	[tilespmem:$0xB030] =	vst v0  }
0x1c: {  	[tilespmem:$0xB040] =	vst v0  }
0x1d: {  	[tilespmem:$0xB050] =	vst v0  }
0x1e: {  	[tilespmem:$0xB060] =	vst v0  }
0x1f: {  	[tilespmem:$0xB070] =	vst v0  }
0x20: {  	[tilespmem:$0xB080] =	vst v0  }
0x21: {  	[tilespmem:$0xB090] =	vst v0  }
0x22: {  	[tilespmem:$0xB0A0] =	vst v0  }
0x23: {  	[tilespmem:$0xB0B0] =	vst v0  }
0x24: {  	[tilespmem:$0xB0C0] =	vst v0  }
0x25: {  	[tilespmem:$0xB0D0] =	vst v0  }
0x26: {  	[tilespmem:$0xB0E0] =	vst v0  }
0x27: {  	[tilespmem:$0xB0F0] =	vst v0  }
0x28: {  	[tilespmem:$0xB100] =	vst v0  }
0x29: {  	[tilespmem:$0xB110] =	vst v0  }
0x2a: {  	[tilespmem:$0xB120] =	vst v0  }
0x2b: {  	[tilespmem:$0xB130] =	vst v0  }
0x2c: {  	[tilespmem:$0xB140] =	vst v0  }
0x2d: {  	[tilespmem:$0xB150] =	vst v0  }
0x2e: {  	[tilespmem:$0xB160] =	vst v0  }
0x2f: {  	[tilespmem:$0xB170] =	vst v0  }
0x30: {  	[tilespmem:$0xB180] =	vst v0  }
0x31: {  	[tilespmem:$0xB190] =	vst v0  }
0x32: {  	[tilespmem:$0xB1A0] =	vst v0  }
0x33: {  	[tilespmem:$0xB1B0] =	vst v0  }
0x34: {  	[tilespmem:$0xB1C0] =	vst v0  }
0x35: {  	[tilespmem:$0xB1D0] =	vst v0  }
0x36: {  	[tilespmem:$0xB1E0] =	vst v0  }
0x37: {  	[tilespmem:$0xB1F0] =	vst v0  }
0x38: {  	[tilespmem:$0xB200] =	vst v0  }
0x39: {  	[tilespmem:$0xB210] =	vst v0  }
0x3a: {  	[tilespmem:$0xB220] =	vst v0  }
0x3b: {  	[tilespmem:$0xB230] =	vst v0  }
0x3c: {  	[tilespmem:$0xB240] =	vst v0  }
0x3d: {  	[tilespmem:$0xB250] =	vst v0  }
0x3e: {  	[tilespmem:$0xB260] =	vst v0  }
0x3f: {  	[tilespmem:$0xB270] =	vst v0  }
0x40: {  	[tilespmem:$0xB280] =	vst v0  }
0x41: {  	[tilespmem:$0xB290] =	vst v0  }
0x42: {  	[tilespmem:$0xB2A0] =	vst v0  }
0x43: {  	[tilespmem:$0xB2B0] =	vst v0  }
0x44: {  	[tilespmem:$0xB2C0] =	vst v0  }
0x45: {  	[tilespmem:$0xB2D0] =	vst v0  }
0x46: {  	[tilespmem:$0xB2E0] =	vst v0  }
0x47: {  	[tilespmem:$0xB2F0] =	vst v0  }
0x48: {  	[tilespmem:$0xB300] =	vst v0  }
0x49: {  	[tilespmem:$0xB310] =	vst v0  }
0x4a: {  	[tilespmem:$0xB320] =	vst v0  }
0x4b: {  	[tilespmem:$0xB330] =	vst v0  }
0x4c: {  	[tilespmem:$0xB340] =	vst v0  }
0x4d: {  	[tilespmem:$0xB350] =	vst v0  }
0x4e: {  	[tilespmem:$0xB360] =	vst v0  }
0x4f: {  	[tilespmem:$0xB370] =	vst v0  }
0x50: {  	[tilespmem:$0xB380] =	vst v0  }
0x51: {  	[tilespmem:$0xB390] =	vst v0  }
0x52: {  	[tilespmem:$0xB3A0] =	vst v0  }
0x53: {  	[tilespmem:$0xB3B0] =	vst v0  }
0x54: {  	[tilespmem:$0xB3C0] =	vst v0  }
0x55: {  	[tilespmem:$0xB3D0] =	vst v0  }
0x56: {  	[tilespmem:$0xB3E0] =	vst v0  }
0x57: {  	[tilespmem:$0xB3F0] =	vst v0;
	s21 =	sadd.s32 $0x0, s8  }
0x58: {  	[spmem:s21] =	stream.linear.scatter [tilespmem:s13], [sflag:$0x3], $0x400, $0x38;
	[tilespmem:$0x1F400] =	vst v63  }
0x59: {  	s21 =	simm.s32 $0x1000;
	_ =	swait.ge [sflag:s14], $0x400  }
.LBB2_2:
0x5a: {  	s22 =	sshra.s32 s21, $0x2;
	[sflag:s14] =	ssyncset.done $0x0;
	p0 =	sne.s32 s21, $0x4F000  }
.Ltmp2:
0x5b: {  	s22 =	sadd.s32 s22, s8;
	[sflag:s14] =	ssyncadd.s32 $0xFFFFFC00;
	(pc) =	sbr.rel @p0 .LBB2_2-.Ltmp2, $3  }
0x5c: {  	[spmem:s22] =	stream.linear.scatter [tilespmem:s13], [sflag:$0x3], $0x400, $0x38;
	[tilespmem:$0x1F400] =	vst v63  }
0x5d: {  	s21 =	sadd.s32 $0x1000, s21;
	_ =	sdelay $0x1  }
0x5e: {  	_ =	swait.ge [sflag:s14], $0x400  }
.Ltmp3:
0x5f: {  	(pc) =	sbr.rel .LBB2_4-.Ltmp3, $4  }
0x60: {  	[sflag:s14] =	ssyncset.done $0x0  }
0x61: {  	[sflag:s14] =	ssyncadd.s32 $0xFFFFFC00  }
0x62: {  	[bflag:$0x0] =	sbarrier.arrive $0xFFFF  }
0x63: {  	s21 =	simm.s32 $0x0  }
.LBB2_7:
0x64: {  	[sflag:s14] =	ssyncset.done $0x0  }
0x65: {  	[sflag:s14] =	ssyncadd.s32 $0xFFFFC000  }
.LBB2_8:
0x66: {  	s21 =	sadd.s32 $0x1, s21  }
0x67: {  	p0 =	sne.s32 s21, s10  }
.Ltmp4:
0x68: {  	_ = 	snop;
	(pc) =	sbr.rel @!p0 .LBB2_9-.Ltmp4, $1  }
0x69: {  	_ =	sdelay $0x3  }
.LBB2_4:
0x6a: {  	s23 =	smul.u32 $0x30, s21;
	_ =	sdelay $0x1  }
0x6b: {  	s22 =	sadd.s32 s9, s23  }
0x6c: {  	s23 =	ssub.s32 s7, s23;
	s22 =	sshll.u32 s22, $0x4  }
0x6d: {  	p0 =	slt.s32 s23, $0x30;
	s24 =	sadd.s32 s5, s22  }
0x6e: {  	[tilespmem:s3], [sflag:$0x3] =	stream.linear.gather [hbm4b:s24+s3], $0x1800, $0x38;
	[tilespmem:$0x1F400] =	vst v63  }
0x6f: {  	s23 =	simm.s32 @!p0 $0x30;
	_ =	swait.ge [sflag:s14], $0x1800  }
0x70: {  	s31 =	sadd.s32 s6, s22;
	s24 =	sshra.s32 s23, $0x1;
	[sflag:s14] =	ssyncset.done $0x0  }
0x71: {  	s22 =	simm.s32 $0x1800;
	p0 =	slt.s32 s24, $0x1;
	[sflag:s14] =	ssyncadd.s32 $0xFFFFE800  }
0x72: {  	[tilespmem:s22], [sflag:$0x3] =	stream.linear.gather [hbm4b:s31+s3], $0x1800, $0x38;
	[tilespmem:$0x1F400] =	vst v63  }
.Ltmp5:
0x73: {  	_ = 	snop;
	(pc) =	sbr.rel @p0 .LBB2_8-.Ltmp5, $4  }
0x74: {  	_ =	swait.ge [sflag:s14], $0x1800  }
0x75: {  	[sflag:s14] =	ssyncset.done $0x0  }
0x76: {  	s25 =	simm.s32 $0x80;
	s26 =	simm.s32 $0x2;
	[sflag:s14] =	ssyncadd.s32 $0xFFFFE800  }
0x77: {  	[tilespmem:s15], [sflag:$0x1] =	stream.indirect.gather [hbm4b:s4+s25], $0x80, s3, s25, $0xb8;
	[tilespmem:$0x1F400] =	vst v63  }
0x78: {  	[tilespmem:s17], [sflag:$0x2] =	stream.indirect.gather [hbm4b:s4+s16], $0x80, s25, s16, $0xb8;
	[tilespmem:$0x1F400] =	vst v63  }
0x79: {  	_ =	swait.ge [sflag:s18], $0x4000  }
0x7a: {  	[sflag:s18] =	ssyncset.done $0x0  }
0x7b: {  	[sflag:s18] =	ssyncadd.s32 $0xFFFFC000  }
0x7c: {  	[spmem:s1] =	stream.indirect.scatter.add.f32 [tilespmem:s15], [sflag:$0x3], $0x80, s22, s16, $0xb8;
	[tilespmem:$0x1F400] =	vst v63  }
0x7d: {  	p0 =	sge.s32 s26, s23;
	_ =	swait.ge [sflag:s14], $0x4000  }
0x7e: {  	s24 =	sadd.s32 $0xFFFFFFFF, s24;
	s28 =	sadd.s32 @!p0 $0x80, s25;
	[sflag:s14] =	ssyncset.done $0x0  }
0x7f: {  	s29 =	simm.s32 @!p0 $0x80;
	s30 =	simm.s32 @!p0 $0x3000;
	[sflag:s14] =	ssyncadd.s32 $0xFFFFC000  }
0x80: {  	[tilespmem:s30], [sflag:$0x1] =	stream.indirect.gather @!p0 [hbm4b:s4+s29], $0x80, s28, s29, $0xb8;
	[tilespmem:$0x1F400] =	vst v63  }
0x81: {  	p0 =	sne.s32 s24, $0x0  }
.Ltmp6:
0x82: {  	_ =	swait.ge [sflag:s19], $0x4000;
	(pc) =	sbr.rel @!p0 .LBB2_7-.Ltmp6, $4  }
0x83: {  	[sflag:s19] =	ssyncset.done $0x0  }
0x84: {  	s31 =	sadd.s32 $0x80, s22;
	[sflag:s19] =	ssyncadd.s32 $0xFFFFC000  }
0x85: {  	[spmem:s1] =	stream.indirect.scatter.add.f32 [tilespmem:s17], [sflag:$0x3], $0x80, s31, s16, $0xb8;
	[tilespmem:$0x1F400] =	vst v63  }
0x86: {  	s26 =	sadd.s32 $0x2, s26;
	s25 =	sadd.s32 $0x100, s25;
	_ =	swait.ge [sflag:s14], $0x4000  }
.LBB2_6:
0x87: {  	s24 =	sadd.s32 $0xFFFFFFFF, s24;
	[sflag:s14] =	ssyncset.done $0x0;
	s22 =	sadd.s32 $0x100, s22  }
0x88: {  	p0 =	sne.s32 s24, $0x0;
	[sflag:s14] =	ssyncadd.s32 $0xFFFFC000  }
0x89: {  	[tilespmem:s17], [sflag:$0x2] =	stream.indirect.gather [hbm4b:s4+s16], $0x80, s25, s16, $0xb8;
	[tilespmem:$0x1F400] =	vst v63  }
0x8a: {  	_ =	swait.ge [sflag:s18], $0x4000  }
0x8b: {  	[sflag:s18] =	ssyncset.done $0x0  }
0x8c: {  	[sflag:s18] =	ssyncadd.s32 $0xFFFFC000  }
0x8d: {  	[spmem:s1] =	stream.indirect.scatter.add.f32 [tilespmem:s15], [sflag:$0x3], $0x80, s22, s16, $0xb8;
	[tilespmem:$0x1F400] =	vst v63  }
0x8e: {  	p1 =	sge.s32 s26, s23;
	_ =	swait.ge [sflag:s14], $0x4000  }
0x8f: {  	s28 =	sadd.s32 @!p1 $0x80, s25;
	s29 =	simm.s32 @!p1 $0x80;
	[sflag:s14] =	ssyncset.done $0x0  }
0x90: {  	s30 =	simm.s32 @!p1 $0x3000;
	[sflag:s14] =	ssyncadd.s32 $0xFFFFC000  }
0x91: {  	[tilespmem:s30], [sflag:$0x1] =	stream.indirect.gather @!p1 [hbm4b:s4+s29], $0x80, s28, s29, $0xb8;
	[tilespmem:$0x1F400] =	vst v63  }
.Ltmp7:
0x92: {  	_ =	swait.ge [sflag:s19], $0x4000;
	(pc) =	sbr.rel @p0 .LBB2_6-.Ltmp7, $4  }
0x93: {  	s28 =	sadd.s32 $0x80, s22;
	[sflag:s19] =	ssyncset.done $0x0  }
0x94: {  	[sflag:s19] =	ssyncadd.s32 $0xFFFFC000  }
0x95: {  	[spmem:s1] =	stream.indirect.scatter.add.f32 [tilespmem:s17], [sflag:$0x3], $0x80, s28, s16, $0xb8;
	[tilespmem:$0x1F400] =	vst v63  }
0x96: {  	s26 =	sadd.s32 $0x2, s26;
	s25 =	sadd.s32 $0x100, s25;
	_ =	swait.ge [sflag:s14], $0x4000  }
.Ltmp8:
0x97: {  	_ = 	snop;
	(pc) =	sbr.rel .LBB2_7-.Ltmp8, $1  }
0x98: {  	_ =	sdelay $0x3  }
.LBB2_10:
0x99: {  	_ =	sfence.sel $0x180000  }
0x9a: {  	[bflag:$0x0] =	sbarrier.arrive $0xFFFF  }
0x9b: {  	p0 =	sne.s32 s2, $0x0;
	_ =	strace $0x9000004D  }
0x9c: {  	s0 =	sadd.s32 @!p0 $0x100000, s0;
	[bflag:$0x2] =	sbarrier.arrive $0xFFFF  }
0x9d: {  	[sflag:s0] =	ssyncadd.tile.s32 @!p0 $0x1;
	_ =	shalt  }
.Lfunc_end2:
_tile_overlayer_lowered:
.L_overlay_start_2:
0x9e: {  	(tag) =	ssettag $0x2  }
0x9f: {  	s0 =	rddreg [dreg:$0x0];
	s2 =	stileid.u32  }
0xa0: {  	s1 =	rddreg [dreg:$0x1];
	p0 =	sne.s32 s2, $0x0  }
0xa1: {  	s3 =	rddreg [dreg:$0x2];
	[bflag:$0x3] =	sbarrier.arrive $0xFFFF;
	s2 =	simm.s32 @!p0 $0x1C03  }
0xa2: {  	[timem:s3], [sflag:s2] =	dma.local @!p0 [hbm:s0], s1  }
0xa3: {  	s0 =	simm.s32 @!p0 $0x3  }
0xa4: {  	_ =	swait.ge @!p0 [sflag:s0], s1  }
0xa5: {  	s1 =	ssub.s32 @!p0 $0x0, s1;
	[sflag:s0] =	ssyncset.done @!p0 $0x0  }
0xa6: {  	[sflag:s0] =	ssyncadd.s32 @!p0 s1  }
0xa7: {  	[bflag:$0x3] =	sbarrier.arrive $0xFFFF  }
0xa8: {  	_ =	shalt  }

// kernel: kernel.8.cloned.1.call-start
scs
__scs_entry_jumppad:
0x0: {  	(pc) =	sbr.rel $0x88, $3  }
0x1: {  	(tag) =	ssettag $0x0;
	lr =	simm.s32 $0x1  }
0x2: {  	[smem:$0x3F95] =	sst lr;
	_ =	strace $0xD0000000  }
0x3: {  	_ = 	snop  }
0x4: {  	_ = 	snop  }
0x5: {  	_ = 	snop  }
0x6: {  	_ = 	snop  }
0x7: {  	_ = 	snop  }
__scs_overlays_trampoline_lowered:
0x8: {  	[smem:$0x3FA4] =	sst s0  }
0x9: {  	[smem:$0x3FA5] =	sst s1  }
0xa: {  	[smem:$0x3FA6] =	sst s2  }
0xb: {  	[smem:$0x3FA7] =	sst s3  }
0xc: {  	[smem:$0x3FA8] =	sst s4  }
0xd: {  	[smem:$0x3FA9] =	sst s5  }
0xe: {  	[smem:$0x3FAA] =	sst s6  }
0xf: {  	[smem:$0x3FAB] =	sst s7  }
0x10: {  	[smem:$0x3FAC] =	sst s8  }
0x11: {  	[smem:$0x3FAD] =	sst s9;
	s0 =	simm.s32 @!p0 $0x0  }
0x12: {  	s1 =	sld [smem:$0x3F93];
	s0 =	simm.s32 @p0 $0x1  }
0x13: {  	[smem:$0x3FAE] =	sst s0;
	s0 =	simm.s32 @!p1 $0x0  }
0x14: {  	s2 =	sld [smem:$0x3F92];
	s0 =	simm.s32 @p1 $0x1  }
0x15: {  	[smem:$0x3FAF] =	sst s0;
	s0 =	simm.s32 @!p2 $0x0  }
0x16: {  	s3 =	sld [smem:$0x3FDB];
	s0 =	simm.s32 @p2 $0x1  }
0x17: {  	s4 =	simm.s32 $0x1BF5;
	[smem:$0x3FB1] =	sst s0  }
0x18: {  	s0 =	sld [smem:$0x3F94];
	_ =	swait.ge [sflag:s4], $0x0  }
0x19: {  	s7 =	sld [smem:$0x3F95]  }
0x1a: {  	s8 =	sadd.s32 $0xFFFFE003, lr  }
0x1b: {  	s9 =	sadd.s32 $0xFFFFFEF7, lr;
	s5 =	simm.s32 $0xFFFFFFFF;
	p2 =	slt.u32 s8, $0xFFFFF086  }
0x1c: {  	p1 =	slt.u32 s9, $0xF7A;
	s5 =	simm.s32 @!p2 $0x0  }
0x1d: {  	s5 =	simm.s32 @p1 $0x1;
	p0 =	seq.s32 s7, s2  }
0x1e: {  	s7 =	smul.u32 @!p0 $0xF7A, s2;
	p2 =	seq.s32 @!p0 s5, $0x0  }
0x1f: {  	s9 =	smul.u32 $0xF7A, s1;
	s8 =	simm.s32 @!p0 $0x1BF5;
	p2 =	por !p2, p0  }
0x20: {  	[sflag:s8] =	ssyncset.s32 @!p0 $0xFFFFF086;
	s6 =	sadd.s32 @!p0 s3, s7;
	s7 =	simm.s32 @!p0 $0x108  }
0x21: {  	s3 =	sadd.s32 s3, s9;
	s6 =	sadd.s32 @!p0 $0x88, s6;
	s7 =	simm.s32 @p2 $0x1082  }
0x22: {  	[simem:s7], [sflag:s8] =	dma.local @!p0 [hbm:s6], $0xF7A  }
0x23: {  	s9 =	sor.u32 $0xD0000000, s2;
	s6 =	simm.s32 $0x108;
	_ =	swait.ge @!p0 [sflag:s8], $0x0  }
0x24: {  	s3 =	sadd.s32 $0x88, s3;
	s6 =	simm.s32 @!p1 $0x1082;
	[sflag:s4] =	ssyncset.s32 $0xFFFFF086  }
0x25: {  	[simem:s6], [sflag:s4] =	dma.local [hbm:s3], $0xF7A  }
0x26: {  	[smem:$0x3F95] =	sst s1;
	(tag) =	ssettag s2;
	_ =	strace s9  }
0x27: {  	s1 =	sld [smem:$0x3FA5]  }
0x28: {  	s2 =	sld [smem:$0x3FA6]  }
0x29: {  	s4 =	sld [smem:$0x3FA8]  }
0x2a: {  	p0 =	seq.s32 s5, $0x0;
	s5 =	sld [smem:$0x3FA9]  }
0x2b: {  	s6 =	sld [smem:$0x3FAA]  }
0x2c: {  	s7 =	sld [smem:$0x3FAB]  }
0x2d: {  	s3 =	simm.s32 $0x108;
	s8 =	sld [smem:$0x3FAC]  }
0x2e: {  	s3 =	simm.s32 @!p0 $0x1082;
	s9 =	sld [smem:$0x3FAD]  }
0x2f: {  	lr =	sadd.s32 s0, s3;
	s0 =	sld [smem:$0x3FA4]  }
0x30: {  	s3 =	sld [smem:$0x3FA7]  }
0x31: {  	[smem:$0x3FB0] =	sst s10  }
0x32: {  	s10 =	sld [smem:$0x3FAE];
	_ =	sdelay $0x3  }
0x33: {  	p0 =	seq.s32 s10, $0x1;
	s10 =	sld [smem:$0x3FB0];
	_ =	sdelay $0x3  }
0x34: {  	[smem:$0x3FB0] =	sst s10  }
0x35: {  	s10 =	sld [smem:$0x3FAF];
	_ =	sdelay $0x3  }
0x36: {  	p1 =	seq.s32 s10, $0x1;
	s10 =	sld [smem:$0x3FB0];
	_ =	sdelay $0x3  }
0x37: {  	[smem:$0x3FB0] =	sst s10  }
0x38: {  	s10 =	sld [smem:$0x3FB1]  }
0x39: {  	_ = 	snop;
	(pc) =	sbr.ind lr, $3  }
0x3a: {  	_ = 	snop  }
0x3b: {  	_ = 	snop  }
0x3c: {  	p2 =	seq.s32 s10, $0x1;
	s10 =	sld [smem:$0x3FB0]  }
0x3d: {  	_ =	shalt  }
0x3e: {  	_ =	shalt  }
0x3f: {  	_ =	shalt  }
0x40: {  	_ =	shalt  }
0x41: {  	_ =	shalt  }
0x42: {  	_ =	shalt  }
0x43: {  	_ =	shalt  }
0x44: {  	_ =	shalt  }
0x45: {  	_ =	shalt  }
0x46: {  	_ =	shalt  }
0x47: {  	_ =	shalt  }
0x48: {  	_ =	shalt  }
0x49: {  	_ =	shalt  }
0x4a: {  	_ =	shalt  }
0x4b: {  	_ =	shalt  }
0x4c: {  	_ =	shalt  }
0x4d: {  	_ =	shalt  }
0x4e: {  	_ =	shalt  }
0x4f: {  	_ =	shalt  }
0x50: {  	_ =	shalt  }
0x51: {  	_ =	shalt  }
0x52: {  	_ =	shalt  }
0x53: {  	_ =	shalt  }
0x54: {  	_ =	shalt  }
0x55: {  	_ =	shalt  }
0x56: {  	_ =	shalt  }
0x57: {  	_ =	shalt  }
0x58: {  	_ =	shalt  }
0x59: {  	_ =	shalt  }
0x5a: {  	_ =	shalt  }
0x5b: {  	_ =	shalt  }
0x5c: {  	_ =	shalt  }
0x5d: {  	_ =	shalt  }
0x5e: {  	_ =	shalt  }
0x5f: {  	_ =	shalt  }
0x60: {  	_ =	shalt  }
0x61: {  	_ =	shalt  }
0x62: {  	_ =	shalt  }
0x63: {  	_ =	shalt  }
0x64: {  	_ =	shalt  }
0x65: {  	_ =	shalt  }
0x66: {  	_ =	shalt  }
0x67: {  	_ =	shalt  }
0x68: {  	_ =	shalt  }
0x69: {  	_ =	shalt  }
0x6a: {  	_ =	shalt  }
0x6b: {  	_ =	shalt  }
0x6c: {  	_ =	shalt  }
0x6d: {  	_ =	shalt  }
0x6e: {  	_ =	shalt  }
0x6f: {  	_ =	shalt  }
0x70: {  	_ =	shalt  }
0x71: {  	_ =	shalt  }
0x72: {  	_ =	shalt  }
0x73: {  	_ =	shalt  }
0x74: {  	_ =	shalt  }
0x75: {  	_ =	shalt  }
0x76: {  	_ =	shalt  }
0x77: {  	_ =	shalt  }
0x78: {  	_ =	shalt  }
0x79: {  	_ =	shalt  }
0x7a: {  	_ =	shalt  }
0x7b: {  	_ =	shalt  }
0x7c: {  	_ =	shalt  }
0x7d: {  	_ =	shalt  }
0x7e: {  	_ =	shalt  }
0x7f: {  	_ =	shalt  }
0x80: {  	_ =	shalt  }
0x81: {  	_ =	shalt  }
0x82: {  	_ =	shalt  }
0x83: {  	_ =	shalt  }
0x84: {  	_ =	shalt  }
0x85: {  	_ =	shalt  }
0x86: {  	_ =	shalt  }
0x87: {  	_ =	shalt  }
.Lfunc_end0:
.L_simem_size_0:
called_computation_lowered:
.L_overlay_start_0:
0x88: {  	s2 =	sld [smem:$0x3FD9]  }
0x89: {  	s3 =	sld [smem:$0x3FFE];
	_ =	sdelay $0x1  }
0x8a: {  	s1 =	srdreg.scid  }
0x8b: {  	s0 =	sand.u32 $0x1, s1  }
0x8c: {  	s16 =	sshll.u32 s0, $0xA;
	s2 =	sadd.s32 s3, s2  }
0x8d: {  	s2 =	sadd.s32 s2, s16  }
0x8e: {  	[smem:$0x3FBC] =	sst s2  }
0x8f: {  	_ = 	snop  }
0x90: {  	(tm) =	ssettm $0x1  }
0x91: {  	s17 =	sld [smem:$0x3FFB];
	_ =	sdelay $0x3  }
0x92: {  	_ =	strace s17  }
0x93: {  	s2 =	sld [smem:$0x3FFC];
	_ =	sdelay $0x3  }
0x94: {  	_ =	strace s2  }
0x95: {  	s2 =	sld [smem:$0x3FFD];
	_ =	sdelay $0x3  }
0x96: {  	_ =	strace s2  }
0x97: {  	_ =	strace $0x8FFFFFFF  }
0x98: {  	s18 =	sld [smem:$0x3FDB];
	_ =	sdelay $0x1  }
0x99: {  	s19 =	simm.s32 $_scs_section_size  }
0x9a: {  	s4 =	simm.s32 $_size__tile_overlayer_lowered;
	s5 =	simm.s32 $_tile_overlayer_lowered  }
0x9b: {  	s22 =	simm.s32 $0x1BFF;
	s21 =	sshll.u32 s5, $0x1;
	s2 =	sadd.s32 s19, s18  }
0x9c: {  	s6 =	simm.s32 $0x0;
	s20 =	sshll.u32 s4, $0x1;
	s4 =	sadd.s32 s21, s2  }
0x9d: {  	[timem:s6], [sflag:s22] =	dma.local [hbm:s4], s20  }
0x9e: {  	_ =	swait.ge [sflag:s22], s20  }
0x9f: {  	s3 =	ssub.s32 $0x0, s20;
	[sflag:s22] =	ssyncset.done $0x0  }
0xa0: {  	[sflag:s22] =	ssyncadd.s32 s3;
	_ =	sdelay $0x1  }
0xa1: {  	s23 =	simm.s32 $0x1B8B  }
0xa2: {  	_ =	swait.ge [sflag:s23], $0x1  }
0xa3: {  	[sflag:s23] =	ssyncset.done $0x0  }
0xa4: {  	s25 =	simm.s32 $0x1B8E;
	s24 =	sld [smem:$0x3FFE];
	[sflag:s23] =	ssyncadd.s32 $0xFFFFFFFF  }
0xa5: {  	s26 =	simm.s32 $execute0_lowered;
	[smem:$0x3FD2] =	sst s25  }
0xa6: {  	s4 =	sshll.u32 s26, $0x1;
	_ =	strace $0x80000046;
	[dreg:$0x1] =	wrdreg $0xFFFFFFFF  }
0xa7: {  	s28 =	simm.s32 $_size_execute0_lowered;
	s2 =	sadd.s32 s2, s4;
	[dreg:$0x0] =	wrdreg $0x0  }
0xa8: {  	s4 =	sshll.u32 s28, $0x1;
	[dreg:$0x2] =	wrdreg s2  }
0xa9: {  	[dreg:$0x3] =	wrdreg s4  }
0xaa: {  	[dreg:$0x4] =	wrdreg $0xC0  }
0xab: {  	_ =	task [dreg:s6], $0x5FFFF  }
0xac: {  	[dreg:$0x1] =	wrdreg $0xFFFFFFFF  }
0xad: {  	[dreg:$0x0] =	wrdreg $0x60  }
0xae: {  	[dreg:$0x2] =	wrdreg s24  }
0xaf: {  	[dreg:$0x3] =	wrdreg $0x70000  }
0xb0: {  	[dreg:$0x4] =	wrdreg $0x9  }
0xb1: {  	_ =	task.clear_ibuf [dreg:s6], $0x5FFFF;
	_ =	strace $0x90000046  }
0xb2: {  	s29 =	simm.s32 $0x9;
	_ =	strace $0x80000048  }
0xb3: {  	_ =	swait.ge [sflag:s29], $0x1  }
0xb4: {  	[sflag:s29] =	ssyncadd.s32 $0xFFFFFFFF  }
0xb5: {  	_ =	strace $0x90000048  }
0xb6: {  	_ =	sfence  }
0xb7: {  	s30 =	sld [smem:$0x0];
	_ =	sdelay $0x2  }
0xb8: {  	s31 =	sshll.u32 s1, $0xD;
	s1 =	sshrl.u32 s1, $0x2  }
0xb9: {  	s3 =	sand.u32 $0x4000, s31;
	s1 =	sadd.s32 s1, s30  }
0xba: {  	s0 =	sor.u32 s3, s0;
	s1 =	sshll.u32 s1, $0x11  }
0xbb: {  	s0 =	sor.u32 s1, s0  }
0xbc: {  	s0 =	sadd.s32 $0x8F2B, s0  }
0xbd: {  	[sflag:s0] =	ssyncadd.remote.s32 $0x1  }
0xbe: {  	_ =	sfence.sel $0xFFFF  }
0xbf: {  	[dreg:$0x0] =	wrdreg $0xFFFFFFFF;
	(pc) =	sbr.abs _section_cstart, $3  }
0xc0: {  	[dreg:$0x1] =	wrdreg $0xFFFFFFFF  }
0xc1: {  	_ =	task.clear_ibuf [dreg:s6], $0x2FFFF;
	_ =	strace $0x9FFFFFFF  }
0xc2: {  	(tm) =	ssettm $0x7FFFFFFF  }
0xc3: {  	_ =	shalt  }
tec
execute0_lowered:
.L_overlay_start_1:
0x0: {  	(tag) =	ssettag $0x1  }
0x1: {  	s5 =	rddreg [dreg:$0x0]  }
0x2: {  	s0 =	srdreg.scid;
	s2 =	rddreg [dreg:$0x1]  }
0x3: {  	s3 =	simm.s32 $0x0;
	s10 =	simm.s32 $0x80;
	s4 =	sand.u32 $0x1, s0  }
0x4: {  	s11 =	simm.s32 $0x2800;
	s0 =	stileid.u32;
	s7 =	smul.u32 $0x28000, s4  }
0x5: {  	[smem:$0x7FF] =	sst s3;
	s1 =	sshll.u32 s4, $0x4;
	s8 =	smul.u32 $0x2800, s0  }
0x6: {  	s9 =	smul.u32 $0x50000, s0;
	s4 =	ssub.s32 $0x2, s4;
	s12 =	sshll.u32 s0, $0x6  }
0x7: {  	s1 =	sor.u32 s0, s1;
	s29 =	sshrl.u32 s4, $0x1;
	s12 =	sor.u32 $0x1C01, s12  }
0x8: {  	s6 =	smul.u32 $0x500, s1;
	s1 =	rddreg [dreg:$0x2];
	_ =	strace $0x80000047  }
0x9: {  	s7 =	sadd.s32 s8, s7;
	s30 =	sshrl.u32 s9, $0x2;
	s31 =	ssub.s32 s4, s29  }
0xa: {  	s8 =	simm.s32 $0x6800;
	s9 =	simm.s32 $0x1;
	s4 =	sadd.s32 s30, s2  }
0xb: {  	s7 =	sadd.s32 s7, s5;
	s6 =	sadd.s32 s6, s5;
	s13 =	sshrl.u32 s4, $0x3  }
0xc: {  	v0 =	vimm.f32 $0.0e+00;
	v1 =	vimm.f32 $1.000000000e+00;
	s5 =	sadd.s32 $0x3600, s6;
	s6 =	sadd.s32 $0x17E00, s7;
	s7 =	smax.u32 s31, $0x1  }
.LBB2_1:
0xd: {  	[tilespmem:$0x6800] =	vst v0  }
0xe: {  	[tilespmem:$0x6880] =	vst v0  }
0xf: {  	[tilespmem:$0x6900] =	vst v0  }
0x10: {  	[tilespmem:$0x6980] =	vst v0  }
0x11: {  	[tilespmem:$0x6A00] =	vst v0  }
0x12: {  	[tilespmem:$0x6A80] =	vst v0  }
0x13: {  	[tilespmem:$0x6B00] =	vst v0  }
0x14: {  	[tilespmem:$0x6B80] =	vst v0  }
0x15: {  	[tilespmem:$0x6C00] =	vst v0  }
0x16: {  	[tilespmem:$0x6C80] =	vst v0  }
0x17: {  	[tilespmem:$0x6D00] =	vst v0  }
0x18: {  	[tilespmem:$0x6D80] =	vst v0  }
0x19: {  	[tilespmem:$0x6E00] =	vst v0  }
0x1a: {  	[tilespmem:$0x6E80] =	vst v0  }
0x1b: {  	[tilespmem:$0x6F00] =	vst v0  }
0x1c: {  	[tilespmem:$0x6F80] =	vst v0  }
0x1d: {  	[tilespmem:$0x2800] =	vst v1  }
0x1e: {  	[tilespmem:$0x2880] =	vst v1  }
0x1f: {  	[tilespmem:$0x2900] =	vst v1  }
0x20: {  	[tilespmem:$0x2980] =	vst v1  }
0x21: {  	[tilespmem:$0x2A00] =	vst v1  }
0x22: {  	[tilespmem:$0x2A80] =	vst v1  }
0x23: {  	[tilespmem:$0x2B00] =	vst v1  }
0x24: {  	[tilespmem:$0x2B80] =	vst v1  }
0x25: {  	[tilespmem:$0x2C00] =	vst v1  }
0x26: {  	[tilespmem:$0x2C80] =	vst v1  }
0x27: {  	[tilespmem:$0x2D00] =	vst v1  }
0x28: {  	[tilespmem:$0x2D80] =	vst v1  }
0x29: {  	[tilespmem:$0x2E00] =	vst v1  }
0x2a: {  	[tilespmem:$0x2E80] =	vst v1  }
0x2b: {  	[tilespmem:$0x2F00] =	vst v1  }
0x2c: {  	[tilespmem:$0x2F80] =	vst v1  }
0x2d: {  	[tilespmem:$0x3000] =	vst v1  }
0x2e: {  	[tilespmem:$0x3080] =	vst v1  }
0x2f: {  	[tilespmem:$0x3100] =	vst v1  }
0x30: {  	[tilespmem:$0x3180] =	vst v1  }
0x31: {  	[tilespmem:$0x3200] =	vst v1  }
0x32: {  	[tilespmem:$0x3280] =	vst v1  }
0x33: {  	[tilespmem:$0x3300] =	vst v1  }
0x34: {  	[tilespmem:$0x3380] =	vst v1  }
0x35: {  	[tilespmem:$0x3400] =	vst v1  }
0x36: {  	[tilespmem:$0x3480] =	vst v1  }
0x37: {  	[tilespmem:$0x3500] =	vst v1  }
0x38: {  	[tilespmem:$0x3580] =	vst v1  }
0x39: {  	[tilespmem:$0x3600] =	vst v1  }
0x3a: {  	[tilespmem:$0x3680] =	vst v1  }
0x3b: {  	[tilespmem:$0x3700] =	vst v1  }
0x3c: {  	[tilespmem:$0x3780] =	vst v1  }
0x3d: {  	[tilespmem:$0x3800] =	vst v1  }
0x3e: {  	[tilespmem:$0x3880] =	vst v1  }
0x3f: {  	[tilespmem:$0x3900] =	vst v1  }
0x40: {  	[tilespmem:$0x3980] =	vst v1  }
0x41: {  	[tilespmem:$0x3A00] =	vst v1  }
0x42: {  	[tilespmem:$0x3A80] =	vst v1  }
0x43: {  	[tilespmem:$0x3B00] =	vst v1  }
0x44: {  	[tilespmem:$0x3B80] =	vst v1  }
0x45: {  	[tilespmem:$0x3C00] =	vst v1  }
0x46: {  	[tilespmem:$0x3C80] =	vst v1  }
0x47: {  	[tilespmem:$0x3D00] =	vst v1  }
0x48: {  	[tilespmem:$0x3D80] =	vst v1  }
0x49: {  	[tilespmem:$0x3E00] =	vst v1  }
0x4a: {  	[tilespmem:$0x3E80] =	vst v1  }
0x4b: {  	[tilespmem:$0x3F00] =	vst v1  }
0x4c: {  	[tilespmem:$0x3F80] =	vst v1  }
0x4d: {  	[tilespmem:$0x4000] =	vst v1  }
0x4e: {  	[tilespmem:$0x4080] =	vst v1  }
0x4f: {  	[tilespmem:$0x4100] =	vst v1  }
0x50: {  	[tilespmem:$0x4180] =	vst v1  }
0x51: {  	[tilespmem:$0x4200] =	vst v1  }
0x52: {  	[tilespmem:$0x4280] =	vst v1  }
0x53: {  	[tilespmem:$0x4300] =	vst v1  }
0x54: {  	[tilespmem:$0x4380] =	vst v1  }
0x55: {  	[tilespmem:$0x4400] =	vst v1  }
0x56: {  	[tilespmem:$0x4480] =	vst v1  }
0x57: {  	[tilespmem:$0x4500] =	vst v1  }
0x58: {  	[tilespmem:$0x4580] =	vst v1  }
0x59: {  	[tilespmem:$0x4600] =	vst v1  }
0x5a: {  	[tilespmem:$0x4680] =	vst v1  }
0x5b: {  	[tilespmem:$0x4700] =	vst v1  }
0x5c: {  	[tilespmem:$0x4780] =	vst v1  }
0x5d: {  	[tilespmem:$0x4800] =	vst v1  }
0x5e: {  	[tilespmem:$0x4880] =	vst v1  }
0x5f: {  	[tilespmem:$0x4900] =	vst v1  }
0x60: {  	[tilespmem:$0x4980] =	vst v1  }
0x61: {  	[tilespmem:$0x4A00] =	vst v1  }
0x62: {  	[tilespmem:$0x4A80] =	vst v1  }
0x63: {  	[tilespmem:$0x4B00] =	vst v1  }
0x64: {  	[tilespmem:$0x4B80] =	vst v1  }
0x65: {  	[tilespmem:$0x4C00] =	vst v1  }
0x66: {  	[tilespmem:$0x4C80] =	vst v1  }
0x67: {  	[tilespmem:$0x4D00] =	vst v1  }
0x68: {  	[tilespmem:$0x4D80] =	vst v1  }
0x69: {  	[tilespmem:$0x4E00] =	vst v1  }
0x6a: {  	[tilespmem:$0x4E80] =	vst v1  }
0x6b: {  	[tilespmem:$0x4F00] =	vst v1  }
0x6c: {  	[tilespmem:$0x4F80] =	vst v1  }
0x6d: {  	[tilespmem:$0x5000] =	vst v1  }
0x6e: {  	[tilespmem:$0x5080] =	vst v1  }
0x6f: {  	[tilespmem:$0x5100] =	vst v1  }
0x70: {  	[tilespmem:$0x5180] =	vst v1  }
0x71: {  	[tilespmem:$0x5200] =	vst v1  }
0x72: {  	[tilespmem:$0x5280] =	vst v1  }
0x73: {  	[tilespmem:$0x5300] =	vst v1  }
0x74: {  	[tilespmem:$0x5380] =	vst v1  }
0x75: {  	[tilespmem:$0x5400] =	vst v1  }
0x76: {  	[tilespmem:$0x5480] =	vst v1  }
0x77: {  	[tilespmem:$0x5500] =	vst v1  }
0x78: {  	[tilespmem:$0x5580] =	vst v1  }
0x79: {  	[tilespmem:$0x5600] =	vst v1  }
0x7a: {  	[tilespmem:$0x5680] =	vst v1  }
0x7b: {  	[tilespmem:$0x5700] =	vst v1  }
0x7c: {  	[tilespmem:$0x5780] =	vst v1  }
0x7d: {  	[tilespmem:$0x5800] =	vst v1  }
0x7e: {  	[tilespmem:$0x5880] =	vst v1  }
0x7f: {  	[tilespmem:$0x5900] =	vst v1  }
0x80: {  	[tilespmem:$0x5980] =	vst v1  }
0x81: {  	[tilespmem:$0x5A00] =	vst v1  }
0x82: {  	[tilespmem:$0x5A80] =	vst v1  }
0x83: {  	[tilespmem:$0x5B00] =	vst v1  }
0x84: {  	[tilespmem:$0x5B80] =	vst v1  }
0x85: {  	[tilespmem:$0x5C00] =	vst v1  }
0x86: {  	[tilespmem:$0x5C80] =	vst v1  }
0x87: {  	[tilespmem:$0x5D00] =	vst v1  }
0x88: {  	[tilespmem:$0x5D80] =	vst v1  }
0x89: {  	[tilespmem:$0x5E00] =	vst v1  }
0x8a: {  	[tilespmem:$0x5E80] =	vst v1  }
0x8b: {  	[tilespmem:$0x5F00] =	vst v1  }
0x8c: {  	[tilespmem:$0x5F80] =	vst v1  }
0x8d: {  	[tilespmem:$0x6000] =	vst v1  }
0x8e: {  	[tilespmem:$0x6080] =	vst v1  }
0x8f: {  	[tilespmem:$0x6100] =	vst v1  }
0x90: {  	[tilespmem:$0x6180] =	vst v1  }
0x91: {  	[tilespmem:$0x6200] =	vst v1  }
0x92: {  	[tilespmem:$0x6280] =	vst v1  }
0x93: {  	[tilespmem:$0x6300] =	vst v1  }
0x94: {  	[tilespmem:$0x6380] =	vst v1  }
0x95: {  	[tilespmem:$0x6400] =	vst v1  }
0x96: {  	[tilespmem:$0x6480] =	vst v1  }
0x97: {  	[tilespmem:$0x6500] =	vst v1  }
0x98: {  	[tilespmem:$0x6580] =	vst v1  }
0x99: {  	[tilespmem:$0x6600] =	vst v1  }
0x9a: {  	[tilespmem:$0x6680] =	vst v1  }
0x9b: {  	[tilespmem:$0x6700] =	vst v1  }
0x9c: {  	[tilespmem:$0x6780] =	vst v1;
	s14 =	sadd.s32 $0x0, s4  }
0x9d: {  	[spmem:s14] =	stream.linear.scatter [tilespmem:s8], [sflag:$0x1], $0x800, $0x38;
	[tilespmem:$0x9800] =	vst v63  }
0x9e: {  	s14 =	simm.s32 $0x2000;
	_ =	swait.ge [sflag:s9], $0x800  }
.LBB2_2:
0x9f: {  	s15 =	sshra.s32 s14, $0x2;
	[sflag:s9] =	ssyncset.done $0x0;
	p0 =	sne.s32 s14, $0x4E000  }
.Ltmp0:
0xa0: {  	s15 =	sadd.s32 s15, s4;
	[sflag:s9] =	ssyncadd.s32 $0xFFFFF800;
	(pc) =	sbr.rel @p0 .LBB2_2-.Ltmp0, $3  }
0xa1: {  	[spmem:s15] =	stream.linear.scatter [tilespmem:s8], [sflag:$0x1], $0x800, $0x38;
	[tilespmem:$0x9800] =	vst v63  }
0xa2: {  	s14 =	sadd.s32 $0x2000, s14;
	_ =	sdelay $0x1  }
0xa3: {  	_ =	swait.ge [sflag:s9], $0x800  }
0xa4: {  	[sflag:s9] =	ssyncset.done $0x0  }
0xa5: {  	s14 =	simm.s32 $0x0;
	[sflag:s9] =	ssyncadd.s32 $0xFFFFF800  }
0xa6: {  	[tilespmem:s14], [sflag:$0x1] =	stream.linear.gather [hbm4b:s5+s14], $0x2800, $0x38;
	[tilespmem:$0x9800] =	vst v63  }
0xa7: {  	_ =	swait.ge [sflag:s9], $0x2800  }
0xa8: {  	[sflag:s9] =	ssyncset.done $0x0  }
0xa9: {  	[sflag:s9] =	ssyncadd.s32 $0xFFFFD800  }
0xaa: {  	s31 =	simm.s32 $0x0;
	[bflag:$0x0] =	sbarrier.arrive $0xFFFF  }
0xab: {  	[spmem:s2] =	stream.indirect.scatter.add.f32 [tilespmem:s11], [sflag:$0x1], $0x10, s31, s10, $0xb8;
	[tilespmem:$0x9800] =	vst v63  }
0xac: {  	_ =	swait.ge [sflag:s9], $0x800  }
0xad: {  	s14 =	simm.s32 $0x200;
	[sflag:s9] =	ssyncset.done $0x0  }
.LBB2_4:
0xae: {  	s15 =	sshra.s32 s14, $0x2;
	[sflag:s9] =	ssyncadd.s32 $0xFFFFF800;
	p0 =	sne.s32 s14, $0x9E00  }
0xaf: {  	[spmem:s2] =	stream.indirect.scatter.add.f32 [tilespmem:s11], [sflag:$0x1], $0x10, s15, s10, $0xb8;
	[tilespmem:$0x9800] =	vst v63  }
.Ltmp1:
0xb0: {  	_ = 	snop;
	(pc) =	sbr.rel @p0 .LBB2_4-.Ltmp1, $4  }
0xb1: {  	_ = 	snop  }
0xb2: {  	s14 =	sadd.s32 $0x200, s14  }
0xb3: {  	_ =	swait.ge [sflag:s9], $0x800  }
0xb4: {  	[sflag:s9] =	ssyncset.done $0x0  }
0xb5: {  	s3 =	sadd.s32 $0x1, s3  }
0xb6: {  	[sflag:s9] =	ssyncadd.s32 $0xFFFFF800;
	p0 =	sne.s32 s3, s7  }
.Ltmp2:
0xb7: {  	[bflag:$0x0] =	sbarrier.arrive $0xFFFF;
	(pc) =	sbr.rel @p0 .LBB2_1-.Ltmp2, $4  }
0xb8: {  	[hbm:s6], [sflag:s12] =	dma.local [spmem:s13], $0x2800  }
0xb9: {  	_ =	swait.ge [sflag:s9], $0x2800  }
0xba: {  	[sflag:s9] =	ssyncset.done $0x0  }
0xbb: {  	[sflag:s9] =	ssyncadd.s32 $0xFFFFD800  }
0xbc: {  	_ =	sfence.sel $0x180000  }
0xbd: {  	[bflag:$0x0] =	sbarrier.arrive $0xFFFF  }
0xbe: {  	p0 =	sne.s32 s0, $0x0;
	_ =	strace $0x90000047  }
0xbf: {  	s0 =	sadd.s32 @!p0 $0x100000, s1;
	[bflag:$0x2] =	sbarrier.arrive $0xFFFF  }
0xc0: {  	[sflag:s0] =	ssyncadd.tile.s32 @!p0 $0x1;
	_ =	shalt  }
.Lfunc_end2:
_tile_overlayer_lowered:
.L_overlay_start_2:
0xc1: {  	(tag) =	ssettag $0x2  }
0xc2: {  	s0 =	rddreg [dreg:$0x0];
	s2 =	stileid.u32  }
0xc3: {  	s1 =	rddreg [dreg:$0x1];
	p0 =	sne.s32 s2, $0x0  }
0xc4: {  	s3 =	rddreg [dreg:$0x2];
	[bflag:$0x3] =	sbarrier.arrive $0xFFFF;
	s2 =	simm.s32 @!p0 $0x1C01  }
0xc5: {  	[timem:s3], [sflag:s2] =	dma.local @!p0 [hbm:s0], s1  }
0xc6: {  	s0 =	simm.s32 @!p0 $0x1  }
0xc7: {  	_ =	swait.ge @!p0 [sflag:s0], s1  }
0xc8: {  	s1 =	ssub.s32 @!p0 $0x0, s1;
	[sflag:s0] =	ssyncset.done @!p0 $0x0  }
0xc9: {  	[sflag:s0] =	ssyncadd.s32 @!p0 s1  }
0xca: {  	[bflag:$0x3] =	sbarrier.arrive $0xFFFF  }
0xcb: {  	_ =	shalt  }

</sc_bundles>
